<compile_context>
chip_gen: v7x
topology: tpu7x:2x2x1
jax: 0.10.2.dev20260603
libtpu: 0.0.44.dev20260713+nightly
codegen_flags: <defaults>
</compile_context>

<pallas_src>
import functools

import jax
import jax.numpy as jnp
import numpy as np
from jax import lax
from jax.experimental import pallas as pl
from jax.experimental.pallas import tpu as pltpu
from jax.experimental.pallas import tpu_sc as plsc

N = 10000
NP = 10240
D = 128
E = 160000
EP = 163840
HS = (5, 2, 38)
OFF = (0, 5, 7, 45)
ENCS = ('op', 'pidx', 'pspell')

NC = 2
NS = 16
CH = 128
EPT = EP // NS
NCHUNK = EPT // CH
ROWS_PT = NP // NS
NNOTE = 5000
NOTE_CH = 128
NOTE_CHUNKS = (NNOTE + NOTE_CH - 1) // NOTE_CH
NB = 8

BR = 2048


def _pad2(v, r0, rtot, c0, ctot):
    rows, cols = v.shape
    return lax.pad(v, jnp.float32(0),
                   ((r0, rtot - r0 - rows, 0), (c0, ctot - c0 - cols, 0)))


_WLOFF = (0, 5, 7, 45, 50, 52, 90)


def _tca_body(x_ref, wp_refs, bp_refs, wlr_ref, t0_ref, t1_ref,
              xwr_ref, wp_s, bp_s, w2_s, wr_s):

    @pl.when(pl.program_id(0) == 0)
    def _():
        wp_s[...] = jnp.concatenate([r[...] for r in wp_refs], axis=1)
        bp_s[...] = jnp.concatenate([r[...] for r in bp_refs], axis=1)
        w2_s[...] = sum(
            _pad2(wlr_ref[:, _WLOFF[et * 3 + k]:_WLOFF[et * 3 + k + 1]],
                  (et * 3 + k) * 128, 768, et * 48 + OFF[k], 96)
            for et in range(2) for k in range(3))
        wr_s[...] = wlr_ref[:, 90:180]

    x = x_ref[...]
    h = jnp.maximum(
        lax.dot_general(x, wp_s[...], (((1,), (0,)), ((), ())),
                        preferred_element_type=jnp.float32) + bp_s[...], 0.0)
    t = lax.dot_general(h, w2_s[...], (((1,), (0,)), ((), ())),
                        preferred_element_type=jnp.float32)
    ones45 = (lax.broadcasted_iota(jnp.int32, (BR, 48), 1) == 45).astype(jnp.float32)
    t0_ref[...] = t[:, :48] + ones45
    t1_ref[...] = t[:, 48:] + ones45
    xwr_ref[...] = lax.dot_general(x, wr_s[...], (((1,), (0,)), ((), ())),
                                   preferred_element_type=jnp.float32)


def _full(shape):
    return pl.BlockSpec(shape, lambda i: tuple(0 for _ in shape))


def _tca(x, wps, bps, wlr):
    return pl.pallas_call(
        _tca_body,
        grid=(NP // BR,),
        in_specs=[
            pl.BlockSpec((BR, D), lambda i: (i, 0)),
            [_full((D, D)) for _ in wps],
            [_full((1, D)) for _ in bps],
            _full((D, 180)),
        ],
        out_specs=[
            pl.BlockSpec((BR, 48), lambda i: (i, 0)),
            pl.BlockSpec((BR, 48), lambda i: (i, 0)),
            pl.BlockSpec((BR, 90), lambda i: (i, 0)),
        ],
        out_shape=[
            jax.ShapeDtypeStruct((NP, 48), jnp.float32),
            jax.ShapeDtypeStruct((NP, 48), jnp.float32),
            jax.ShapeDtypeStruct((NP, 90), jnp.float32),
        ],
        scratch_shapes=[
            pltpu.VMEM((D, 768), jnp.float32),
            pltpu.VMEM((1, 768), jnp.float32),
            pltpu.VMEM((768, 96), jnp.float32),
            pltpu.VMEM((D, 90), jnp.float32),
        ],
    )(x, wps, bps, wlr)


_SC_MESH = plsc.VectorSubcoreMesh(core_axis_name="c", subcore_axis_name="s")


@functools.partial(
    pl.kernel,
    out_type=jax.ShapeDtypeStruct((NC, NP, 48), jnp.float32),
    mesh=_SC_MESH,
    scratch_types=[
        pltpu.VMEM((NCHUNK, CH), jnp.int32),
        pltpu.VMEM((NCHUNK, CH), jnp.int32),
        [pltpu.VMEM((CH, 48), jnp.float32) for _ in range(NB)],
        pltpu.VMEM((NOTE_CHUNKS, NOTE_CH), jnp.int32),
        pltpu.VMEM((NOTE_CH, 48), jnp.float32),
        pltpu.VMEM_SHARED((NP, 48), jnp.float32),
        [pltpu.SemaphoreType.DMA for _ in range(NB)],
        [pltpu.SemaphoreType.DMA for _ in range(NB)],
    ],
    compiler_params=pltpu.CompilerParams(use_tc_tiling_on_sc=False),
)
def _sc_segsum(t0_hbm, t1_hbm, src0_hbm, dst0_hbm, src1_hbm, dst1_hbm,
               notes_hbm, zrows_hbm, mrows_hbm, out_hbm,
               src_v, dst_v, rows_bufs, nidx_v, mrow_v, acc, gsems, ssems):
    c = lax.axis_index("c")
    s = lax.axis_index("s")

    pltpu.sync_copy(zrows_hbm, acc.at[pl.ds(s * ROWS_PT, ROWS_PT)])
    plsc.subcore_barrier()

    def run(tab, src, dst):
        pltpu.sync_copy(src.at[s], src_v)
        pltpu.sync_copy(dst.at[s], dst_v)

        for b in range(NB):
            pltpu.async_copy(tab.at[src_v.at[b]], rows_bufs[b], gsems[b])

        def body(o, tok):
            for b in range(NB):
                i = o * NB + b
                pltpu.make_async_copy(tab.at[src_v.at[i]], rows_bufs[b],
                                      gsems[b]).wait()
                pltpu.sync_copy(rows_bufs[b], acc.at[dst_v.at[i]], add=True)
                nxt = i + NB

                @pl.when(nxt < NCHUNK)
                def _():
                    pltpu.async_copy(tab.at[src_v.at[nxt]], rows_bufs[b],
                                     gsems[b])
            return tok
        lax.fori_loop(0, NCHUNK // NB, body, 0)

    @pl.when(c == 0)
    def _():
        run(t0_hbm, src0_hbm, dst0_hbm)

    @pl.when(c == 1)
    def _():
        run(t1_hbm, src1_hbm, dst1_hbm)

    w = c * NS + s
    pltpu.sync_copy(mrows_hbm, mrow_v)
    pltpu.sync_copy(notes_hbm, nidx_v)

    def note_chunk(ci):
        pltpu.sync_copy(mrow_v, acc.at[nidx_v.at[ci]], add=True)

    note_chunk(w)

    @pl.when(w + NC * NS < NOTE_CHUNKS)
    def _():
        note_chunk(w + NC * NS)

    plsc.subcore_barrier()
    pltpu.sync_copy(acc.at[pl.ds(s * ROWS_PT, ROWS_PT)],
                    out_hbm.at[c].at[pl.ds(s * ROWS_PT, ROWS_PT)])


def _tcb_body(s0_ref, xwr_ref, bl_refs, g_refs, b_refs, smat_ref, smatt_ref,
              winv_ref, out_ref):
    smat = smat_ref[...]
    smatt = smatt_ref[...]

    def seg_bcast(v3):
        return lax.dot_general(v3, smatt, (((1,), (0,)), ((), ())),
                               preferred_element_type=jnp.float32)

    def seg_sum(v45):
        return lax.dot_general(v45, smat, (((1,), (0,)), ((), ())),
                               preferred_element_type=jnp.float32)

    def half(sx, xwr_half, bl_row):
        cnt = jnp.maximum(sx[:, 45:46], 1.0)
        o = sx[:, :45] / cnt + xwr_half + bl_row
        den = seg_bcast(jnp.maximum(jnp.sqrt(seg_sum(o * o)), 1e-12))
        return o / den

    xwr = xwr_ref[...]
    bl0 = jnp.concatenate([r[...] for r in bl_refs[0:3]], axis=1)
    bl1 = jnp.concatenate([r[...] for r in bl_refs[3:6]], axis=1)
    o0 = half(s0_ref[0], xwr[:, :45], bl0)
    o1 = half(s0_ref[1], xwr[:, 45:], bl1)
    h = jnp.maximum((o0 + o1) * 0.5, 0.0)
    winv = winv_ref[...]
    mu = seg_sum(h) * winv
    ex2 = seg_sum(h * h) * winv
    var = ex2 - mu * mu
    g = jnp.concatenate([r[...] for r in g_refs], axis=1)
    b = jnp.concatenate([r[...] for r in b_refs], axis=1)
    ln = (h - seg_bcast(mu)) * jax.lax.rsqrt(seg_bcast(var) + 1e-5) * g + b
    pad = (lax.broadcasted_iota(jnp.int32, (BR, 3), 1) == 0).astype(jnp.float32)
    out_ref[...] = jnp.concatenate([ln, pad], axis=1)


def _tcb(s0, xwr, bls, gs, bs, smat, smatt, winv):
    return pl.pallas_call(
        _tcb_body,
        grid=(NP // BR,),
        in_specs=[
            pl.BlockSpec((NC, BR, 48), lambda i: (0, i, 0)),
            pl.BlockSpec((BR, 90), lambda i: (i, 0)),
            [_full(a.shape) for a in bls],
            [_full(a.shape) for a in gs],
            [_full(a.shape) for a in bs],
            _full((45, 3)),
            _full((3, 45)),
            _full((1, 3)),
        ],
        out_specs=pl.BlockSpec((BR, 48), lambda i: (i, 0)),
        out_shape=jax.ShapeDtypeStruct((NP, 48), jnp.float32),
    )(s0, xwr, bls, gs, bs, smat, smatt, winv)


def _tcc_body(s1_ref, s0_ref, h1_ref, wl1_refs, wr1_refs, bl1_refs, out_ref,
              bdl0_s, bdl1_s, bdr_s):
    @pl.when(pl.program_id(0) == 0)
    def _():
        bdl0_s[...] = sum(_pad2(wl1_refs[k][...], OFF[k], 45, OFF[k], 45)
                          for k in range(3))
        bdl1_s[...] = sum(_pad2(wl1_refs[3 + k][...], OFF[k], 45, OFF[k], 45)
                          for k in range(3))
        bdr_s[...] = sum(
            _pad2(0.5 * (wr1_refs[k][...] + wr1_refs[3 + k][...]),
                  OFF[k], 45, OFF[k], 45) for k in range(3))

    s0a, s0b = s0_ref[0], s0_ref[1]
    cnt0 = jnp.maximum(s0a[:, 45:46], 1.0)
    cnt1 = jnp.maximum(s0b[:, 45:46], 1.0)
    m0 = s1_ref[0][:, :45] / cnt0
    m1 = s1_ref[1][:, :45] / cnt1

    def mm(a, b_ref):
        return lax.dot_general(a, b_ref[...], (((1,), (0,)), ((), ())),
                               preferred_element_type=jnp.float32)

    bl1 = 0.5 * (jnp.concatenate([r[...] for r in bl1_refs[0:3]], axis=1)
                 + jnp.concatenate([r[...] for r in bl1_refs[3:6]], axis=1))
    out = (0.5 * (mm(m0, bdl0_s) + mm(m1, bdl1_s))
           + mm(h1_ref[:, :45], bdr_s) + bl1)
    mask = (s0a[:, 46:47] + s0b[:, 46:47]) > 0.0
    out_ref[...] = jnp.where(mask, out, 0.0)


def _tcc(s1, s0, h1t, wl1s, wr1s, bl1s):
    return pl.pallas_call(
        _tcc_body,
        grid=(NP // BR,),
        in_specs=[
            pl.BlockSpec((NC, BR, 48), lambda i: (0, i, 0)),
            pl.BlockSpec((NC, BR, 48), lambda i: (0, i, 0)),
            pl.BlockSpec((BR, 48), lambda i: (i, 0)),
            [_full(a.shape) for a in wl1s],
            [_full(a.shape) for a in wr1s],
            [_full(a.shape) for a in bl1s],
        ],
        out_specs=pl.BlockSpec((BR, 45), lambda i: (i, 0)),
        out_shape=jax.ShapeDtypeStruct((N, 45), jnp.float32),
        scratch_shapes=[
            pltpu.VMEM((45, 45), jnp.float32),
            pltpu.VMEM((45, 45), jnp.float32),
            pltpu.VMEM((45, 45), jnp.float32),
        ],
    )(s1, s0, h1t, wl1s, wr1s, bl1s)


_SMAT = np.zeros((45, 3), np.float32)
for _k in range(3):
    _SMAT[OFF[_k]:OFF[_k + 1], _k] = 1.0
_WINV = (1.0 / np.array(HS, np.float32))[None, :]
_MROWS = np.zeros((NOTE_CH, 48), np.float32)
_MROWS[:, 46] = 1.0
_EPAD = np.broadcast_to(N + np.arange(EP - E, dtype=np.int32) % (NP - N),
                        (2, EP - E))


def kernel(x, edge_index_onset, edge_index_consecutive, ts_beats, divs_pq,
           onset_div, duration_div, not_removed_notes, computation_notes,
           target, params):
    l0 = [params[e]['l0'][et] for et in range(2) for e in ENCS]
    l1 = [params[e]['l1'][et] for et in range(2) for e in ENCS]
    wps = [p['Wp'] for p in l0]
    bps = [p['bp'][None, :] for p in l0]
    wls = [p['Wl'] for p in l0]
    wrs = [p['Wr'] for p in l0]
    bls = [p['bl'][None, :] for p in l0]
    gs = [params[e]['ln0_g'][None, :] for e in ENCS]
    bs = [params[e]['ln0_b'][None, :] for e in ENCS]
    wl1s = [p['Wl'] for p in l1]
    wr1s = [p['Wr'] for p in l1]
    bl1s = [p['bl'][None, :] for p in l1]
    smat = jnp.asarray(_SMAT)
    smatt = jnp.asarray(np.ascontiguousarray(_SMAT.T))
    winv = jnp.asarray(_WINV)
    mrows = jnp.asarray(_MROWS)
    zrows = jnp.zeros((ROWS_PT, 48), jnp.float32)

    epad = jnp.asarray(_EPAD)
    eip0 = jnp.concatenate([edge_index_onset, epad], axis=1)
    eip1 = jnp.concatenate([edge_index_consecutive, epad], axis=1)
    src0 = eip0[0].reshape(NS, NCHUNK, CH)
    dst0 = eip0[1].reshape(NS, NCHUNK, CH)
    src1 = eip1[0].reshape(NS, NCHUNK, CH)
    dst1 = eip1[1].reshape(NS, NCHUNK, CH)
    notes = jnp.pad(computation_notes.astype(jnp.int32),
                    (0, NOTE_CH * NOTE_CHUNKS - NNOTE),
                    mode='edge').reshape(NOTE_CHUNKS, NOTE_CH)

    wlr = jnp.concatenate(wls + wrs, axis=1)
    t0, t1, xwr = _tca(x, wps, bps, wlr)
    s0 = _sc_segsum(t0, t1, src0, dst0, src1, dst1, notes, zrows, mrows)
    h1t = _tcb(s0, xwr, bls, gs, bs, smat, smatt, winv)
    s1 = _sc_segsum(h1t, h1t, src0, dst0, src1, dst1, notes, zrows, mrows)
    return _tcc(s1, s0, h1t, wl1s, wr1s, bl1s)

# --- scband reference (transcript-rebuilt; emitter-appended) ---
"""Pipeline reference for scband-mnmodel-42683384988259 (READ-ONLY COPY).

The authoritative reference and input builder live on the scoring server;
editing this copy changes nothing except your own understanding.
"""

import jax, jax.numpy as jnp
import numpy as np

N = 10000
D = 128
E = 160000

def _mk_sage(key, din, dout, project):
    ks = jax.random.split(key, 3)
    def g(k, shp, fan):
        return (jax.random.normal(k, shp) / np.sqrt(fan)).astype(jnp.float32)
    p = {'Wl': g(ks[0], (din, dout), din), 'bl': jnp.zeros((dout,), jnp.float32), 'Wr': g(ks[1], (din, dout), din)}
    if project:
        p['Wp'] = g(ks[2], (din, din), din)
        p['bp'] = jnp.zeros((din,), jnp.float32)
    return p

def _mk_encoder(key, din, h):
    ks = jax.random.split(key, 4)
    return {'l0': [_mk_sage(ks[0], din, h, True), _mk_sage(ks[1], din, h, True)],
            'ln0_g': jnp.ones((h,), jnp.float32), 'ln0_b': jnp.zeros((h,), jnp.float32),
            'l1': [_mk_sage(ks[2], h, h, False), _mk_sage(ks[3], h, h, False)]}

def setup_inputs(seed: int = 0):
    key = jax.random.key(seed)
    ks = jax.random.split(key, 12)
    x = jax.random.normal(ks[0], (N, D), dtype=jnp.float32)
    edge_index_onset = jax.random.randint(ks[1], (2, E), 0, N)
    edge_index_consecutive = jax.random.randint(ks[2], (2, E), 0, N)
    ts_beats = jax.random.uniform(ks[3], (N,), dtype=jnp.float32)
    divs_pq = jax.random.randint(ks[4], (N,), 0, 16)
    onset_div = jnp.sort(jax.random.randint(ks[5], (N,), 0, 40000))
    duration_div = jax.random.randint(ks[6], (N,), 0, 64)
    not_removed_notes = jnp.sort(jax.random.randint(ks[7], (9000,), 0, N))
    computation_notes = jnp.sort(jax.random.randint(ks[8], (5000,), 0, N))
    params = {'op': _mk_encoder(ks[9], D, 5),
              'pidx': _mk_encoder(ks[10], D, 2),
              'pspell': _mk_encoder(ks[11], D, 38)}
    return {'x': x,
            'edge_index_onset': edge_index_onset,
            'edge_index_consecutive': edge_index_consecutive,
            'ts_beats': ts_beats,
            'divs_pq': divs_pq,
            'onset_div': onset_div,
            'duration_div': duration_div,
            'not_removed_notes': not_removed_notes,
            'computation_notes': computation_notes,
            'target': 17,
            'params': params}

def _sage(x, ei, p, normalize):
    src = ei[0]
    dst = ei[1]
    h = x
    if 'Wp' in p:
        h = jax.nn.relu(x @ p['Wp'] + p['bp'])
    msg = jnp.take(h, src, axis=0)
    s = jax.ops.segment_sum(msg, dst, num_segments=x.shape[0])
    cnt = jax.ops.segment_sum(jnp.ones((msg.shape[0],), msg.dtype), dst, num_segments=x.shape[0])
    m = s / jnp.maximum(cnt, 1.0)[:, None]
    out = m @ p['Wl'] + p['bl'] + x @ p['Wr']
    if normalize:
        out = out / jnp.maximum(jnp.linalg.norm(out, axis=-1, keepdims=True), 1e-12)
    return out

def _layernorm(x, g, b):
    mu = jnp.mean(x, axis=-1, keepdims=True)
    var = jnp.var(x, axis=-1, keepdims=True)
    return (x - mu) / jnp.sqrt(var + 1e-5) * g + b

def _encoder(x, eis, p):
    outs = [_sage(x, ei, sp, True) for ei, sp in zip(eis, p['l0'])]
    h = sum(outs) / float(len(outs))
    h = jax.nn.relu(h)
    h = _layernorm(h, p['ln0_g'], p['ln0_b'])
    outs = [_sage(h, ei, sp, False) for ei, sp in zip(eis, p['l1'])]
    return sum(outs) / float(len(outs))

def reference(x, edge_index_onset, edge_index_consecutive, ts_beats, divs_pq, onset_div, duration_div, not_removed_notes, computation_notes, target, params):
    eis = [edge_index_onset, edge_index_consecutive]
    emb_op = _encoder(x, eis, params['op'])
    op_idx = jnp.argmax(emb_op[target])
    mask = jnp.zeros((x.shape[0],), dtype=bool).at[computation_notes].set(True)
    idx_emb = _encoder(x, eis, params['pidx'])
    sp_emb = _encoder(x, eis, params['pspell'])
    out = jnp.concatenate([emb_op, idx_emb, sp_emb], axis=1)
    return out * mask[:, None].astype(out.dtype)

if __name__ == "__main__":
    import jax
    _d = setup_inputs()
    print(jax.jit(kernel)(*tuple(_d.values())))

</pallas_src>

<mosaic_0001>
#map = affine_map<(d0, d1) -> (0, 0)>
#map1 = affine_map<(d0, d1) -> (0, 0, 0)>
module attributes {stable_mosaic.version = 14 : i64} {
  func.func @_sc_segsum(%arg0: i32, %arg1: i32, %arg2: memref<10240x48xf32, #tpu.memory_space<hbm>>, %arg3: memref<10240x48xf32, #tpu.memory_space<hbm>>, %arg4: memref<16x80x128xi32, #tpu.memory_space<hbm>>, %arg5: memref<16x80x128xi32, #tpu.memory_space<hbm>>, %arg6: memref<16x80x128xi32, #tpu.memory_space<hbm>>, %arg7: memref<16x80x128xi32, #tpu.memory_space<hbm>>, %arg8: memref<40x128xi32, #tpu.memory_space<hbm>>, %arg9: memref<640x48xf32, #tpu.memory_space<hbm>>, %arg10: memref<128x48xf32, #tpu.memory_space<hbm>>, %arg11: memref<2x10240x48xf32, #tpu.memory_space<hbm>>, %arg12: memref<80x128xi32, #tpu.memory_space<vmem>>, %arg13: memref<80x128xi32, #tpu.memory_space<vmem>>, %arg14: memref<128x48xf32, #tpu.memory_space<vmem>>, %arg15: memref<128x48xf32, #tpu.memory_space<vmem>>, %arg16: memref<128x48xf32, #tpu.memory_space<vmem>>, %arg17: memref<128x48xf32, #tpu.memory_space<vmem>>, %arg18: memref<128x48xf32, #tpu.memory_space<vmem>>, %arg19: memref<128x48xf32, #tpu.memory_space<vmem>>, %arg20: memref<128x48xf32, #tpu.memory_space<vmem>>, %arg21: memref<128x48xf32, #tpu.memory_space<vmem>>, %arg22: memref<40x128xi32, #tpu.memory_space<vmem>>, %arg23: memref<128x48xf32, #tpu.memory_space<vmem>>, %arg24: memref<10240x48xf32, #tpu.memory_space<vmem_shared>>, %arg25: memref<!tpu.dma_semaphore, #tpu.memory_space<semaphore_mem>>, %arg26: memref<!tpu.dma_semaphore, #tpu.memory_space<semaphore_mem>>, %arg27: memref<!tpu.dma_semaphore, #tpu.memory_space<semaphore_mem>>, %arg28: memref<!tpu.dma_semaphore, #tpu.memory_space<semaphore_mem>>, %arg29: memref<!tpu.dma_semaphore, #tpu.memory_space<semaphore_mem>>, %arg30: memref<!tpu.dma_semaphore, #tpu.memory_space<semaphore_mem>>, %arg31: memref<!tpu.dma_semaphore, #tpu.memory_space<semaphore_mem>>, %arg32: memref<!tpu.dma_semaphore, #tpu.memory_space<semaphore_mem>>, %arg33: memref<!tpu.dma_semaphore, #tpu.memory_space<semaphore_mem>>, %arg34: memref<!tpu.dma_semaphore, #tpu.memory_space<semaphore_mem>>, %arg35: memref<!tpu.dma_semaphore, #tpu.memory_space<semaphore_mem>>, %arg36: memref<!tpu.dma_semaphore, #tpu.memory_space<semaphore_mem>>, %arg37: memref<!tpu.dma_semaphore, #tpu.memory_space<semaphore_mem>>, %arg38: memref<!tpu.dma_semaphore, #tpu.memory_space<semaphore_mem>>, %arg39: memref<!tpu.dma_semaphore, #tpu.memory_space<semaphore_mem>>, %arg40: memref<!tpu.dma_semaphore, #tpu.memory_space<semaphore_mem>>) attributes {dimension_semantics = [#tpu.dimension_semantics<core_parallel>, #tpu.dimension_semantics<subcore_parallel>], iteration_bounds = array<i64: 2, 16>, scalar_prefetch = 0 : i64, scratch_operands = 29 : i64, tpu.core_type = #tpu.core_type<sc_vector_subcore>, window_params = [{transform_indices = #map}, {transform_indices = #map}, {transform_indices = #map1}, {transform_indices = #map1}, {transform_indices = #map1}, {transform_indices = #map1}, {transform_indices = #map}, {transform_indices = #map}, {transform_indices = #map}, {transform_indices = #map1}]} {
    %mul3A = arith.constant 640 : i32
    %mul3A_0 = arith.muli %arg1, %mul3A : i32
    "tpu.region"() ({
      %run_scoped3A = tpu.sem_alloc : memref<!tpu.dma_semaphore, #tpu.memory_space<semaphore_mem>>
      %dma_start3A = arith.constant 0 : i32
      %dma_start3A_21 = tpu.memref_slice %arg24[%mul3A_0, %dma_start3A] : memref<10240x48xf32, #tpu.memory_space<vmem_shared>> -> memref<640x48xf32, #tpu.memory_space<vmem_shared>>
      tpu.enqueue_dma source(%arg9 : memref<640x48xf32, #tpu.memory_space<hbm>>) target(%dma_start3A_21 : memref<640x48xf32, #tpu.memory_space<vmem_shared>>) target_semaphore(%run_scoped3A : memref<!tpu.dma_semaphore, #tpu.memory_space<semaphore_mem>>)
      %dma_wait3A = arith.constant 0 : i32
      %dma_wait3A_22 = tpu.memref_slice %arg24[%mul3A_0, %dma_wait3A] : memref<10240x48xf32, #tpu.memory_space<vmem_shared>> -> memref<640x48xf32, #tpu.memory_space<vmem_shared>>
      tpu.wait_dma2 semaphore(%run_scoped3A : memref<!tpu.dma_semaphore, #tpu.memory_space<semaphore_mem>>) src(%arg9 : memref<640x48xf32, #tpu.memory_space<hbm>>) dst(%dma_wait3A_22 : memref<640x48xf32, #tpu.memory_space<vmem_shared>>)
      tpu.yield
    }) : () -> ()
    %barrier3A = arith.constant 0 : index
    tpu.barrier barrier_id(%barrier3A)
    %eq3A = arith.constant 0 : i32
    %eq3A_1 = arith.cmpi eq, %arg0, %eq3A : i32
    %convert_element_type3A = arith.extui %eq3A_1 : i1 to i32
    %cond3A = arith.constant 0 : i32
    %cond3A_2 = arith.cmpi ne, %convert_element_type3A, %cond3A : i32
    scf.if %cond3A_2 {
      "tpu.region"() ({
        %run_scoped3A = tpu.sem_alloc : memref<!tpu.dma_semaphore, #tpu.memory_space<semaphore_mem>>
        %dma_start3A_81 = arith.constant 0 : i32
        %dma_start3A_82 = arith.constant 0 : i32
        %dma_start3A_83 = tpu.memref_slice %arg4[%arg1, %dma_start3A_81, %dma_start3A_82] : memref<16x80x128xi32, #tpu.memory_space<hbm>> -> memref<1x80x128xi32, #tpu.memory_space<hbm>>
        %dma_start3A_84 = tpu.memref_squeeze %dma_start3A_83 : memref<1x80x128xi32, #tpu.memory_space<hbm>> -> memref<80x128xi32, #tpu.memory_space<hbm>>
        %dma_start3A_85 = arith.constant 0 : i32
        %dma_start3A_86 = arith.constant 0 : i32
        %dma_start3A_87 = tpu.memref_slice %arg4[%arg1, %dma_start3A_85, %dma_start3A_86] : memref<16x80x128xi32, #tpu.memory_space<hbm>> -> memref<1x80x128xi32, #tpu.memory_space<hbm>>
        %dma_start3A_88 = tpu.memref_squeeze %dma_start3A_87 : memref<1x80x128xi32, #tpu.memory_space<hbm>> -> memref<80x128xi32, #tpu.memory_space<hbm>>
        tpu.enqueue_dma source(%dma_start3A_88 : memref<80x128xi32, #tpu.memory_space<hbm>>) target(%arg12 : memref<80x128xi32, #tpu.memory_space<vmem>>) target_semaphore(%run_scoped3A : memref<!tpu.dma_semaphore, #tpu.memory_space<semaphore_mem>>)
        %dma_wait3A = arith.constant 0 : i32
        %dma_wait3A_89 = arith.constant 0 : i32
        %dma_wait3A_90 = tpu.memref_slice %arg4[%arg1, %dma_wait3A, %dma_wait3A_89] : memref<16x80x128xi32, #tpu.memory_space<hbm>> -> memref<1x80x128xi32, #tpu.memory_space<hbm>>
        %dma_wait3A_91 = tpu.memref_squeeze %dma_wait3A_90 : memref<1x80x128xi32, #tpu.memory_space<hbm>> -> memref<80x128xi32, #tpu.memory_space<hbm>>
        %dma_wait3A_92 = arith.constant 0 : i32
        %dma_wait3A_93 = arith.constant 0 : i32
        %dma_wait3A_94 = tpu.memref_slice %arg4[%arg1, %dma_wait3A_92, %dma_wait3A_93] : memref<16x80x128xi32, #tpu.memory_space<hbm>> -> memref<1x80x128xi32, #tpu.memory_space<hbm>>
        %dma_wait3A_95 = tpu.memref_squeeze %dma_wait3A_94 : memref<1x80x128xi32, #tpu.memory_space<hbm>> -> memref<80x128xi32, #tpu.memory_space<hbm>>
        tpu.wait_dma2 semaphore(%run_scoped3A : memref<!tpu.dma_semaphore, #tpu.memory_space<semaphore_mem>>) src(%dma_wait3A_95 : memref<80x128xi32, #tpu.memory_space<hbm>>) dst(%arg12 : memref<80x128xi32, #tpu.memory_space<vmem>>)
        tpu.yield
      }) : () -> ()
      "tpu.region"() ({
        %run_scoped3A = tpu.sem_alloc : memref<!tpu.dma_semaphore, #tpu.memory_space<semaphore_mem>>
        %dma_start3A_81 = arith.constant 0 : i32
        %dma_start3A_82 = arith.constant 0 : i32
        %dma_start3A_83 = tpu.memref_slice %arg5[%arg1, %dma_start3A_81, %dma_start3A_82] : memref<16x80x128xi32, #tpu.memory_space<hbm>> -> memref<1x80x128xi32, #tpu.memory_space<hbm>>
        %dma_start3A_84 = tpu.memref_squeeze %dma_start3A_83 : memref<1x80x128xi32, #tpu.memory_space<hbm>> -> memref<80x128xi32, #tpu.memory_space<hbm>>
        %dma_start3A_85 = arith.constant 0 : i32
        %dma_start3A_86 = arith.constant 0 : i32
        %dma_start3A_87 = tpu.memref_slice %arg5[%arg1, %dma_start3A_85, %dma_start3A_86] : memref<16x80x128xi32, #tpu.memory_space<hbm>> -> memref<1x80x128xi32, #tpu.memory_space<hbm>>
        %dma_start3A_88 = tpu.memref_squeeze %dma_start3A_87 : memref<1x80x128xi32, #tpu.memory_space<hbm>> -> memref<80x128xi32, #tpu.memory_space<hbm>>
        tpu.enqueue_dma source(%dma_start3A_88 : memref<80x128xi32, #tpu.memory_space<hbm>>) target(%arg13 : memref<80x128xi32, #tpu.memory_space<vmem>>) target_semaphore(%run_scoped3A : memref<!tpu.dma_semaphore, #tpu.memory_space<semaphore_mem>>)
        %dma_wait3A = arith.constant 0 : i32
        %dma_wait3A_89 = arith.constant 0 : i32
        %dma_wait3A_90 = tpu.memref_slice %arg5[%arg1, %dma_wait3A, %dma_wait3A_89] : memref<16x80x128xi32, #tpu.memory_space<hbm>> -> memref<1x80x128xi32, #tpu.memory_space<hbm>>
        %dma_wait3A_91 = tpu.memref_squeeze %dma_wait3A_90 : memref<1x80x128xi32, #tpu.memory_space<hbm>> -> memref<80x128xi32, #tpu.memory_space<hbm>>
        %dma_wait3A_92 = arith.constant 0 : i32
        %dma_wait3A_93 = arith.constant 0 : i32
        %dma_wait3A_94 = tpu.memref_slice %arg5[%arg1, %dma_wait3A_92, %dma_wait3A_93] : memref<16x80x128xi32, #tpu.memory_space<hbm>> -> memref<1x80x128xi32, #tpu.memory_space<hbm>>
        %dma_wait3A_95 = tpu.memref_squeeze %dma_wait3A_94 : memref<1x80x128xi32, #tpu.memory_space<hbm>> -> memref<80x128xi32, #tpu.memory_space<hbm>>
        tpu.wait_dma2 semaphore(%run_scoped3A : memref<!tpu.dma_semaphore, #tpu.memory_space<semaphore_mem>>) src(%dma_wait3A_95 : memref<80x128xi32, #tpu.memory_space<hbm>>) dst(%arg13 : memref<80x128xi32, #tpu.memory_space<vmem>>)
        tpu.yield
      }) : () -> ()
      %dma_start3A = arith.constant 0 : i32
      %dma_start3A_21 = arith.constant 0 : i32
      %dma_start3A_22 = tpu.memref_slice %arg12[%dma_start3A, %dma_start3A_21] : memref<80x128xi32, #tpu.memory_space<vmem>> -> memref<1x128xi32, #tpu.memory_space<vmem>>
      %dma_start3A_23 = tpu.memref_squeeze %dma_start3A_22 : memref<1x128xi32, #tpu.memory_space<vmem>> -> memref<128xi32, #tpu.memory_space<vmem>>
      %dma_start3A_24 = arith.constant 0 : i32
      %dma_start3A_25 = arith.constant 0 : i32
      %dma_start3A_26 = tpu.memref_slice %arg2[%dma_start3A_24, %dma_start3A_25] : memref<10240x48xf32, #tpu.memory_space<hbm>> -> memref<10240x48xf32, #tpu.memory_space<hbm>>
      tpu.enqueue_indirect_dma source(%dma_start3A_26 : memref<10240x48xf32, #tpu.memory_space<hbm>>) target(%arg14 : memref<128x48xf32, #tpu.memory_space<vmem>>) offsets(%dma_start3A_23 : memref<128xi32, #tpu.memory_space<vmem>>) semaphore(%arg25 : memref<!tpu.dma_semaphore, #tpu.memory_space<semaphore_mem>>)
      %dma_start3A_27 = arith.constant 1 : i32
      %dma_start3A_28 = arith.constant 0 : i32
      %dma_start3A_29 = tpu.memref_slice %arg12[%dma_start3A_27, %dma_start3A_28] : memref<80x128xi32, #tpu.memory_space<vmem>> -> memref<1x128xi32, #tpu.memory_space<vmem>>
      %dma_start3A_30 = tpu.memref_squeeze %dma_start3A_29 : memref<1x128xi32, #tpu.memory_space<vmem>> -> memref<128xi32, #tpu.memory_space<vmem>>
      %dma_start3A_31 = arith.constant 0 : i32
      %dma_start3A_32 = arith.constant 0 : i32
      %dma_start3A_33 = tpu.memref_slice %arg2[%dma_start3A_31, %dma_start3A_32] : memref<10240x48xf32, #tpu.memory_space<hbm>> -> memref<10240x48xf32, #tpu.memory_space<hbm>>
      tpu.enqueue_indirect_dma source(%dma_start3A_33 : memref<10240x48xf32, #tpu.memory_space<hbm>>) target(%arg15 : memref<128x48xf32, #tpu.memory_space<vmem>>) offsets(%dma_start3A_30 : memref<128xi32, #tpu.memory_space<vmem>>) semaphore(%arg26 : memref<!tpu.dma_semaphore, #tpu.memory_space<semaphore_mem>>)
      %dma_start3A_34 = arith.constant 2 : i32
      %dma_start3A_35 = arith.constant 0 : i32
      %dma_start3A_36 = tpu.memref_slice %arg12[%dma_start3A_34, %dma_start3A_35] : memref<80x128xi32, #tpu.memory_space<vmem>> -> memref<1x128xi32, #tpu.memory_space<vmem>>
      %dma_start3A_37 = tpu.memref_squeeze %dma_start3A_36 : memref<1x128xi32, #tpu.memory_space<vmem>> -> memref<128xi32, #tpu.memory_space<vmem>>
      %dma_start3A_38 = arith.constant 0 : i32
      %dma_start3A_39 = arith.constant 0 : i32
      %dma_start3A_40 = tpu.memref_slice %arg2[%dma_start3A_38, %dma_start3A_39] : memref<10240x48xf32, #tpu.memory_space<hbm>> -> memref<10240x48xf32, #tpu.memory_space<hbm>>
      tpu.enqueue_indirect_dma source(%dma_start3A_40 : memref<10240x48xf32, #tpu.memory_space<hbm>>) target(%arg16 : memref<128x48xf32, #tpu.memory_space<vmem>>) offsets(%dma_start3A_37 : memref<128xi32, #tpu.memory_space<vmem>>) semaphore(%arg27 : memref<!tpu.dma_semaphore, #tpu.memory_space<semaphore_mem>>)
      %dma_start3A_41 = arith.constant 3 : i32
      %dma_start3A_42 = arith.constant 0 : i32
      %dma_start3A_43 = tpu.memref_slice %arg12[%dma_start3A_41, %dma_start3A_42] : memref<80x128xi32, #tpu.memory_space<vmem>> -> memref<1x128xi32, #tpu.memory_space<vmem>>
      %dma_start3A_44 = tpu.memref_squeeze %dma_start3A_43 : memref<1x128xi32, #tpu.memory_space<vmem>> -> memref<128xi32, #tpu.memory_space<vmem>>
      %dma_start3A_45 = arith.constant 0 : i32
      %dma_start3A_46 = arith.constant 0 : i32
      %dma_start3A_47 = tpu.memref_slice %arg2[%dma_start3A_45, %dma_start3A_46] : memref<10240x48xf32, #tpu.memory_space<hbm>> -> memref<10240x48xf32, #tpu.memory_space<hbm>>
      tpu.enqueue_indirect_dma source(%dma_start3A_47 : memref<10240x48xf32, #tpu.memory_space<hbm>>) target(%arg17 : memref<128x48xf32, #tpu.memory_space<vmem>>) offsets(%dma_start3A_44 : memref<128xi32, #tpu.memory_space<vmem>>) semaphore(%arg28 : memref<!tpu.dma_semaphore, #tpu.memory_space<semaphore_mem>>)
      %dma_start3A_48 = arith.constant 4 : i32
      %dma_start3A_49 = arith.constant 0 : i32
      %dma_start3A_50 = tpu.memref_slice %arg12[%dma_start3A_48, %dma_start3A_49] : memref<80x128xi32, #tpu.memory_space<vmem>> -> memref<1x128xi32, #tpu.memory_space<vmem>>
      %dma_start3A_51 = tpu.memref_squeeze %dma_start3A_50 : memref<1x128xi32, #tpu.memory_space<vmem>> -> memref<128xi32, #tpu.memory_space<vmem>>
      %dma_start3A_52 = arith.constant 0 : i32
      %dma_start3A_53 = arith.constant 0 : i32
      %dma_start3A_54 = tpu.memref_slice %arg2[%dma_start3A_52, %dma_start3A_53] : memref<10240x48xf32, #tpu.memory_space<hbm>> -> memref<10240x48xf32, #tpu.memory_space<hbm>>
      tpu.enqueue_indirect_dma source(%dma_start3A_54 : memref<10240x48xf32, #tpu.memory_space<hbm>>) target(%arg18 : memref<128x48xf32, #tpu.memory_space<vmem>>) offsets(%dma_start3A_51 : memref<128xi32, #tpu.memory_space<vmem>>) semaphore(%arg29 : memref<!tpu.dma_semaphore, #tpu.memory_space<semaphore_mem>>)
      %dma_start3A_55 = arith.constant 5 : i32
      %dma_start3A_56 = arith.constant 0 : i32
      %dma_start3A_57 = tpu.memref_slice %arg12[%dma_start3A_55, %dma_start3A_56] : memref<80x128xi32, #tpu.memory_space<vmem>> -> memref<1x128xi32, #tpu.memory_space<vmem>>
      %dma_start3A_58 = tpu.memref_squeeze %dma_start3A_57 : memref<1x128xi32, #tpu.memory_space<vmem>> -> memref<128xi32, #tpu.memory_space<vmem>>
      %dma_start3A_59 = arith.constant 0 : i32
      %dma_start3A_60 = arith.constant 0 : i32
      %dma_start3A_61 = tpu.memref_slice %arg2[%dma_start3A_59, %dma_start3A_60] : memref<10240x48xf32, #tpu.memory_space<hbm>> -> memref<10240x48xf32, #tpu.memory_space<hbm>>
      tpu.enqueue_indirect_dma source(%dma_start3A_61 : memref<10240x48xf32, #tpu.memory_space<hbm>>) target(%arg19 : memref<128x48xf32, #tpu.memory_space<vmem>>) offsets(%dma_start3A_58 : memref<128xi32, #tpu.memory_space<vmem>>) semaphore(%arg30 : memref<!tpu.dma_semaphore, #tpu.memory_space<semaphore_mem>>)
      %dma_start3A_62 = arith.constant 6 : i32
      %dma_start3A_63 = arith.constant 0 : i32
      %dma_start3A_64 = tpu.memref_slice %arg12[%dma_start3A_62, %dma_start3A_63] : memref<80x128xi32, #tpu.memory_space<vmem>> -> memref<1x128xi32, #tpu.memory_space<vmem>>
      %dma_start3A_65 = tpu.memref_squeeze %dma_start3A_64 : memref<1x128xi32, #tpu.memory_space<vmem>> -> memref<128xi32, #tpu.memory_space<vmem>>
      %dma_start3A_66 = arith.constant 0 : i32
      %dma_start3A_67 = arith.constant 0 : i32
      %dma_start3A_68 = tpu.memref_slice %arg2[%dma_start3A_66, %dma_start3A_67] : memref<10240x48xf32, #tpu.memory_space<hbm>> -> memref<10240x48xf32, #tpu.memory_space<hbm>>
      tpu.enqueue_indirect_dma source(%dma_start3A_68 : memref<10240x48xf32, #tpu.memory_space<hbm>>) target(%arg20 : memref<128x48xf32, #tpu.memory_space<vmem>>) offsets(%dma_start3A_65 : memref<128xi32, #tpu.memory_space<vmem>>) semaphore(%arg31 : memref<!tpu.dma_semaphore, #tpu.memory_space<semaphore_mem>>)
      %dma_start3A_69 = arith.constant 7 : i32
      %dma_start3A_70 = arith.constant 0 : i32
      %dma_start3A_71 = tpu.memref_slice %arg12[%dma_start3A_69, %dma_start3A_70] : memref<80x128xi32, #tpu.memory_space<vmem>> -> memref<1x128xi32, #tpu.memory_space<vmem>>
      %dma_start3A_72 = tpu.memref_squeeze %dma_start3A_71 : memref<1x128xi32, #tpu.memory_space<vmem>> -> memref<128xi32, #tpu.memory_space<vmem>>
      %dma_start3A_73 = arith.constant 0 : i32
      %dma_start3A_74 = arith.constant 0 : i32
      %dma_start3A_75 = tpu.memref_slice %arg2[%dma_start3A_73, %dma_start3A_74] : memref<10240x48xf32, #tpu.memory_space<hbm>> -> memref<10240x48xf32, #tpu.memory_space<hbm>>
      tpu.enqueue_indirect_dma source(%dma_start3A_75 : memref<10240x48xf32, #tpu.memory_space<hbm>>) target(%arg21 : memref<128x48xf32, #tpu.memory_space<vmem>>) offsets(%dma_start3A_72 : memref<128xi32, #tpu.memory_space<vmem>>) semaphore(%arg32 : memref<!tpu.dma_semaphore, #tpu.memory_space<semaphore_mem>>)
      %scan3A = arith.constant 0 : i32
      %scan3A_76 = arith.constant 0 : i32
      %scan3A_77 = arith.constant 10 : i32
      %scan3A_78 = arith.addi %scan3A_76, %scan3A_77 : i32
      %scan3A_79 = arith.constant 1 : i32
      scf.for %scan3A_81 = %scan3A_76 to %scan3A_78 step %scan3A_79  : i32 {
        %mul3A_82 = arith.constant 8 : i32
        %mul3A_83 = arith.muli %scan3A_81, %mul3A_82 : i32
        %add3A_84 = arith.constant 0 : i32
        %add3A_85 = arith.addi %mul3A_83, %add3A_84 : i32
        %dma_wait3A = arith.constant 0 : i32
        %dma_wait3A_86 = tpu.memref_slice %arg12[%add3A_85, %dma_wait3A] : memref<80x128xi32, #tpu.memory_space<vmem>> -> memref<1x128xi32, #tpu.memory_space<vmem>>
        %dma_wait3A_87 = tpu.memref_squeeze %dma_wait3A_86 : memref<1x128xi32, #tpu.memory_space<vmem>> -> memref<128xi32, #tpu.memory_space<vmem>>
        %dma_wait3A_88 = arith.constant 0 : i32
        %dma_wait3A_89 = arith.constant 0 : i32
        %dma_wait3A_90 = tpu.memref_slice %arg2[%dma_wait3A_88, %dma_wait3A_89] : memref<10240x48xf32, #tpu.memory_space<hbm>> -> memref<10240x48xf32, #tpu.memory_space<hbm>>
        tpu.wait_indirect_dma semaphore(%arg25 : memref<!tpu.dma_semaphore, #tpu.memory_space<semaphore_mem>>) src(%dma_wait3A_90 : memref<10240x48xf32, #tpu.memory_space<hbm>>) dst(%arg14 : memref<128x48xf32, #tpu.memory_space<vmem>>)
        "tpu.region"() ({
          %run_scoped3A = tpu.sem_alloc : memref<!tpu.dma_semaphore, #tpu.memory_space<semaphore_mem>>
          %dma_start3A_217 = arith.constant 0 : i32
          %dma_start3A_218 = tpu.memref_slice %arg13[%add3A_85, %dma_start3A_217] : memref<80x128xi32, #tpu.memory_space<vmem>> -> memref<1x128xi32, #tpu.memory_space<vmem>>
          %dma_start3A_219 = tpu.memref_squeeze %dma_start3A_218 : memref<1x128xi32, #tpu.memory_space<vmem>> -> memref<128xi32, #tpu.memory_space<vmem>>
          %dma_start3A_220 = arith.constant 0 : i32
          %dma_start3A_221 = arith.constant 0 : i32
          %dma_start3A_222 = tpu.memref_slice %arg24[%dma_start3A_220, %dma_start3A_221] : memref<10240x48xf32, #tpu.memory_space<vmem_shared>> -> memref<10240x48xf32, #tpu.memory_space<vmem_shared>>
          tpu.enqueue_indirect_dma source(%arg14 : memref<128x48xf32, #tpu.memory_space<vmem>>) target(%dma_start3A_222 : memref<10240x48xf32, #tpu.memory_space<vmem_shared>>) offsets(%dma_start3A_219 : memref<128xi32, #tpu.memory_space<vmem>>) semaphore(%run_scoped3A : memref<!tpu.dma_semaphore, #tpu.memory_space<semaphore_mem>>) {add = true}
          %dma_wait3A_223 = arith.constant 0 : i32
          %dma_wait3A_224 = tpu.memref_slice %arg13[%add3A_85, %dma_wait3A_223] : memref<80x128xi32, #tpu.memory_space<vmem>> -> memref<1x128xi32, #tpu.memory_space<vmem>>
          %dma_wait3A_225 = tpu.memref_squeeze %dma_wait3A_224 : memref<1x128xi32, #tpu.memory_space<vmem>> -> memref<128xi32, #tpu.memory_space<vmem>>
          %dma_wait3A_226 = arith.constant 0 : i32
          %dma_wait3A_227 = arith.constant 0 : i32
          %dma_wait3A_228 = tpu.memref_slice %arg24[%dma_wait3A_226, %dma_wait3A_227] : memref<10240x48xf32, #tpu.memory_space<vmem_shared>> -> memref<10240x48xf32, #tpu.memory_space<vmem_shared>>
          tpu.wait_indirect_dma semaphore(%run_scoped3A : memref<!tpu.dma_semaphore, #tpu.memory_space<semaphore_mem>>) src(%arg14 : memref<128x48xf32, #tpu.memory_space<vmem>>) dst(%dma_wait3A_228 : memref<10240x48xf32, #tpu.memory_space<vmem_shared>>)
          tpu.yield
        }) : () -> ()
        %add3A_91 = arith.constant 8 : i32
        %add3A_92 = arith.addi %add3A_85, %add3A_91 : i32
        %lt3A_93 = arith.constant 80 : i32
        %lt3A_94 = arith.cmpi slt, %add3A_92, %lt3A_93 : i32
        %convert_element_type3A_95 = arith.extui %lt3A_94 : i1 to i32
        %cond3A_96 = arith.constant 0 : i32
        %cond3A_97 = arith.cmpi ne, %convert_element_type3A_95, %cond3A_96 : i32
        scf.if %cond3A_97 {
          %dma_start3A_217 = arith.constant 0 : i32
          %dma_start3A_218 = tpu.memref_slice %arg12[%add3A_92, %dma_start3A_217] : memref<80x128xi32, #tpu.memory_space<vmem>> -> memref<1x128xi32, #tpu.memory_space<vmem>>
          %dma_start3A_219 = tpu.memref_squeeze %dma_start3A_218 : memref<1x128xi32, #tpu.memory_space<vmem>> -> memref<128xi32, #tpu.memory_space<vmem>>
          %dma_start3A_220 = arith.constant 0 : i32
          %dma_start3A_221 = arith.constant 0 : i32
          %dma_start3A_222 = tpu.memref_slice %arg2[%dma_start3A_220, %dma_start3A_221] : memref<10240x48xf32, #tpu.memory_space<hbm>> -> memref<10240x48xf32, #tpu.memory_space<hbm>>
          tpu.enqueue_indirect_dma source(%dma_start3A_222 : memref<10240x48xf32, #tpu.memory_space<hbm>>) target(%arg14 : memref<128x48xf32, #tpu.memory_space<vmem>>) offsets(%dma_start3A_219 : memref<128xi32, #tpu.memory_space<vmem>>) semaphore(%arg25 : memref<!tpu.dma_semaphore, #tpu.memory_space<semaphore_mem>>)
        } else {
        }
        %mul3A_98 = arith.constant 8 : i32
        %mul3A_99 = arith.muli %scan3A_81, %mul3A_98 : i32
        %add3A_100 = arith.constant 1 : i32
        %add3A_101 = arith.addi %mul3A_99, %add3A_100 : i32
        %dma_wait3A_102 = arith.constant 0 : i32
        %dma_wait3A_103 = tpu.memref_slice %arg12[%add3A_101, %dma_wait3A_102] : memref<80x128xi32, #tpu.memory_space<vmem>> -> memref<1x128xi32, #tpu.memory_space<vmem>>
        %dma_wait3A_104 = tpu.memref_squeeze %dma_wait3A_103 : memref<1x128xi32, #tpu.memory_space<vmem>> -> memref<128xi32, #tpu.memory_space<vmem>>
        %dma_wait3A_105 = arith.constant 0 : i32
        %dma_wait3A_106 = arith.constant 0 : i32
        %dma_wait3A_107 = tpu.memref_slice %arg2[%dma_wait3A_105, %dma_wait3A_106] : memref<10240x48xf32, #tpu.memory_space<hbm>> -> memref<10240x48xf32, #tpu.memory_space<hbm>>
        tpu.wait_indirect_dma semaphore(%arg26 : memref<!tpu.dma_semaphore, #tpu.memory_space<semaphore_mem>>) src(%dma_wait3A_107 : memref<10240x48xf32, #tpu.memory_space<hbm>>) dst(%arg15 : memref<128x48xf32, #tpu.memory_space<vmem>>)
        "tpu.region"() ({
          %run_scoped3A = tpu.sem_alloc : memref<!tpu.dma_semaphore, #tpu.memory_space<semaphore_mem>>
          %dma_start3A_217 = arith.constant 0 : i32
          %dma_start3A_218 = tpu.memref_slice %arg13[%add3A_101, %dma_start3A_217] : memref<80x128xi32, #tpu.memory_space<vmem>> -> memref<1x128xi32, #tpu.memory_space<vmem>>
          %dma_start3A_219 = tpu.memref_squeeze %dma_start3A_218 : memref<1x128xi32, #tpu.memory_space<vmem>> -> memref<128xi32, #tpu.memory_space<vmem>>
          %dma_start3A_220 = arith.constant 0 : i32
          %dma_start3A_221 = arith.constant 0 : i32
          %dma_start3A_222 = tpu.memref_slice %arg24[%dma_start3A_220, %dma_start3A_221] : memref<10240x48xf32, #tpu.memory_space<vmem_shared>> -> memref<10240x48xf32, #tpu.memory_space<vmem_shared>>
          tpu.enqueue_indirect_dma source(%arg15 : memref<128x48xf32, #tpu.memory_space<vmem>>) target(%dma_start3A_222 : memref<10240x48xf32, #tpu.memory_space<vmem_shared>>) offsets(%dma_start3A_219 : memref<128xi32, #tpu.memory_space<vmem>>) semaphore(%run_scoped3A : memref<!tpu.dma_semaphore, #tpu.memory_space<semaphore_mem>>) {add = true}
          %dma_wait3A_223 = arith.constant 0 : i32
          %dma_wait3A_224 = tpu.memref_slice %arg13[%add3A_101, %dma_wait3A_223] : memref<80x128xi32, #tpu.memory_space<vmem>> -> memref<1x128xi32, #tpu.memory_space<vmem>>
          %dma_wait3A_225 = tpu.memref_squeeze %dma_wait3A_224 : memref<1x128xi32, #tpu.memory_space<vmem>> -> memref<128xi32, #tpu.memory_space<vmem>>
          %dma_wait3A_226 = arith.constant 0 : i32
          %dma_wait3A_227 = arith.constant 0 : i32
          %dma_wait3A_228 = tpu.memref_slice %arg24[%dma_wait3A_226, %dma_wait3A_227] : memref<10240x48xf32, #tpu.memory_space<vmem_shared>> -> memref<10240x48xf32, #tpu.memory_space<vmem_shared>>
          tpu.wait_indirect_dma semaphore(%run_scoped3A : memref<!tpu.dma_semaphore, #tpu.memory_space<semaphore_mem>>) src(%arg15 : memref<128x48xf32, #tpu.memory_space<vmem>>) dst(%dma_wait3A_228 : memref<10240x48xf32, #tpu.memory_space<vmem_shared>>)
          tpu.yield
        }) : () -> ()
        %add3A_108 = arith.constant 8 : i32
        %add3A_109 = arith.addi %add3A_101, %add3A_108 : i32
        %lt3A_110 = arith.constant 80 : i32
        %lt3A_111 = arith.cmpi slt, %add3A_109, %lt3A_110 : i32
        %convert_element_type3A_112 = arith.extui %lt3A_111 : i1 to i32
        %cond3A_113 = arith.constant 0 : i32
        %cond3A_114 = arith.cmpi ne, %convert_element_type3A_112, %cond3A_113 : i32
        scf.if %cond3A_114 {
          %dma_start3A_217 = arith.constant 0 : i32
          %dma_start3A_218 = tpu.memref_slice %arg12[%add3A_109, %dma_start3A_217] : memref<80x128xi32, #tpu.memory_space<vmem>> -> memref<1x128xi32, #tpu.memory_space<vmem>>
          %dma_start3A_219 = tpu.memref_squeeze %dma_start3A_218 : memref<1x128xi32, #tpu.memory_space<vmem>> -> memref<128xi32, #tpu.memory_space<vmem>>
          %dma_start3A_220 = arith.constant 0 : i32
          %dma_start3A_221 = arith.constant 0 : i32
          %dma_start3A_222 = tpu.memref_slice %arg2[%dma_start3A_220, %dma_start3A_221] : memref<10240x48xf32, #tpu.memory_space<hbm>> -> memref<10240x48xf32, #tpu.memory_space<hbm>>
          tpu.enqueue_indirect_dma source(%dma_start3A_222 : memref<10240x48xf32, #tpu.memory_space<hbm>>) target(%arg15 : memref<128x48xf32, #tpu.memory_space<vmem>>) offsets(%dma_start3A_219 : memref<128xi32, #tpu.memory_space<vmem>>) semaphore(%arg26 : memref<!tpu.dma_semaphore, #tpu.memory_space<semaphore_mem>>)
        } else {
        }
        %mul3A_115 = arith.constant 8 : i32
        %mul3A_116 = arith.muli %scan3A_81, %mul3A_115 : i32
        %add3A_117 = arith.constant 2 : i32
        %add3A_118 = arith.addi %mul3A_116, %add3A_117 : i32
        %dma_wait3A_119 = arith.constant 0 : i32
        %dma_wait3A_120 = tpu.memref_slice %arg12[%add3A_118, %dma_wait3A_119] : memref<80x128xi32, #tpu.memory_space<vmem>> -> memref<1x128xi32, #tpu.memory_space<vmem>>
        %dma_wait3A_121 = tpu.memref_squeeze %dma_wait3A_120 : memref<1x128xi32, #tpu.memory_space<vmem>> -> memref<128xi32, #tpu.memory_space<vmem>>
        %dma_wait3A_122 = arith.constant 0 : i32
        %dma_wait3A_123 = arith.constant 0 : i32
        %dma_wait3A_124 = tpu.memref_slice %arg2[%dma_wait3A_122, %dma_wait3A_123] : memref<10240x48xf32, #tpu.memory_space<hbm>> -> memref<10240x48xf32, #tpu.memory_space<hbm>>
        tpu.wait_indirect_dma semaphore(%arg27 : memref<!tpu.dma_semaphore, #tpu.memory_space<semaphore_mem>>) src(%dma_wait3A_124 : memref<10240x48xf32, #tpu.memory_space<hbm>>) dst(%arg16 : memref<128x48xf32, #tpu.memory_space<vmem>>)
        "tpu.region"() ({
          %run_scoped3A = tpu.sem_alloc : memref<!tpu.dma_semaphore, #tpu.memory_space<semaphore_mem>>
          %dma_start3A_217 = arith.constant 0 : i32
          %dma_start3A_218 = tpu.memref_slice %arg13[%add3A_118, %dma_start3A_217] : memref<80x128xi32, #tpu.memory_space<vmem>> -> memref<1x128xi32, #tpu.memory_space<vmem>>
          %dma_start3A_219 = tpu.memref_squeeze %dma_start3A_218 : memref<1x128xi32, #tpu.memory_space<vmem>> -> memref<128xi32, #tpu.memory_space<vmem>>
          %dma_start3A_220 = arith.constant 0 : i32
          %dma_start3A_221 = arith.constant 0 : i32
          %dma_start3A_222 = tpu.memref_slice %arg24[%dma_start3A_220, %dma_start3A_221] : memref<10240x48xf32, #tpu.memory_space<vmem_shared>> -> memref<10240x48xf32, #tpu.memory_space<vmem_shared>>
          tpu.enqueue_indirect_dma source(%arg16 : memref<128x48xf32, #tpu.memory_space<vmem>>) target(%dma_start3A_222 : memref<10240x48xf32, #tpu.memory_space<vmem_shared>>) offsets(%dma_start3A_219 : memref<128xi32, #tpu.memory_space<vmem>>) semaphore(%run_scoped3A : memref<!tpu.dma_semaphore, #tpu.memory_space<semaphore_mem>>) {add = true}
          %dma_wait3A_223 = arith.constant 0 : i32
          %dma_wait3A_224 = tpu.memref_slice %arg13[%add3A_118, %dma_wait3A_223] : memref<80x128xi32, #tpu.memory_space<vmem>> -> memref<1x128xi32, #tpu.memory_space<vmem>>
          %dma_wait3A_225 = tpu.memref_squeeze %dma_wait3A_224 : memref<1x128xi32, #tpu.memory_space<vmem>> -> memref<128xi32, #tpu.memory_space<vmem>>
          %dma_wait3A_226 = arith.constant 0 : i32
          %dma_wait3A_227 = arith.constant 0 : i32
          %dma_wait3A_228 = tpu.memref_slice %arg24[%dma_wait3A_226, %dma_wait3A_227] : memref<10240x48xf32, #tpu.memory_space<vmem_shared>> -> memref<10240x48xf32, #tpu.memory_space<vmem_shared>>
          tpu.wait_indirect_dma semaphore(%run_scoped3A : memref<!tpu.dma_semaphore, #tpu.memory_space<semaphore_mem>>) src(%arg16 : memref<128x48xf32, #tpu.memory_space<vmem>>) dst(%dma_wait3A_228 : memref<10240x48xf32, #tpu.memory_space<vmem_shared>>)
          tpu.yield
        }) : () -> ()
        %add3A_125 = arith.constant 8 : i32
        %add3A_126 = arith.addi %add3A_118, %add3A_125 : i32
        %lt3A_127 = arith.constant 80 : i32
        %lt3A_128 = arith.cmpi slt, %add3A_126, %lt3A_127 : i32
        %convert_element_type3A_129 = arith.extui %lt3A_128 : i1 to i32
        %cond3A_130 = arith.constant 0 : i32
        %cond3A_131 = arith.cmpi ne, %convert_element_type3A_129, %cond3A_130 : i32
        scf.if %cond3A_131 {
          %dma_start3A_217 = arith.constant 0 : i32
          %dma_start3A_218 = tpu.memref_slice %arg12[%add3A_126, %dma_start3A_217] : memref<80x128xi32, #tpu.memory_space<vmem>> -> memref<1x128xi32, #tpu.memory_space<vmem>>
          %dma_start3A_219 = tpu.memref_squeeze %dma_start3A_218 : memref<1x128xi32, #tpu.memory_space<vmem>> -> memref<128xi32, #tpu.memory_space<vmem>>
          %dma_start3A_220 = arith.constant 0 : i32
          %dma_start3A_221 = arith.constant 0 : i32
          %dma_start3A_222 = tpu.memref_slice %arg2[%dma_start3A_220, %dma_start3A_221] : memref<10240x48xf32, #tpu.memory_space<hbm>> -> memref<10240x48xf32, #tpu.memory_space<hbm>>
          tpu.enqueue_indirect_dma source(%dma_start3A_222 : memref<10240x48xf32, #tpu.memory_space<hbm>>) target(%arg16 : memref<128x48xf32, #tpu.memory_space<vmem>>) offsets(%dma_start3A_219 : memref<128xi32, #tpu.memory_space<vmem>>) semaphore(%arg27 : memref<!tpu.dma_semaphore, #tpu.memory_space<semaphore_mem>>)
        } else {
        }
        %mul3A_132 = arith.constant 8 : i32
        %mul3A_133 = arith.muli %scan3A_81, %mul3A_132 : i32
        %add3A_134 = arith.constant 3 : i32
        %add3A_135 = arith.addi %mul3A_133, %add3A_134 : i32
        %dma_wait3A_136 = arith.constant 0 : i32
        %dma_wait3A_137 = tpu.memref_slice %arg12[%add3A_135, %dma_wait3A_136] : memref<80x128xi32, #tpu.memory_space<vmem>> -> memref<1x128xi32, #tpu.memory_space<vmem>>
        %dma_wait3A_138 = tpu.memref_squeeze %dma_wait3A_137 : memref<1x128xi32, #tpu.memory_space<vmem>> -> memref<128xi32, #tpu.memory_space<vmem>>
        %dma_wait3A_139 = arith.constant 0 : i32
        %dma_wait3A_140 = arith.constant 0 : i32
        %dma_wait3A_141 = tpu.memref_slice %arg2[%dma_wait3A_139, %dma_wait3A_140] : memref<10240x48xf32, #tpu.memory_space<hbm>> -> memref<10240x48xf32, #tpu.memory_space<hbm>>
        tpu.wait_indirect_dma semaphore(%arg28 : memref<!tpu.dma_semaphore, #tpu.memory_space<semaphore_mem>>) src(%dma_wait3A_141 : memref<10240x48xf32, #tpu.memory_space<hbm>>) dst(%arg17 : memref<128x48xf32, #tpu.memory_space<vmem>>)
        "tpu.region"() ({
          %run_scoped3A = tpu.sem_alloc : memref<!tpu.dma_semaphore, #tpu.memory_space<semaphore_mem>>
          %dma_start3A_217 = arith.constant 0 : i32
          %dma_start3A_218 = tpu.memref_slice %arg13[%add3A_135, %dma_start3A_217] : memref<80x128xi32, #tpu.memory_space<vmem>> -> memref<1x128xi32, #tpu.memory_space<vmem>>
          %dma_start3A_219 = tpu.memref_squeeze %dma_start3A_218 : memref<1x128xi32, #tpu.memory_space<vmem>> -> memref<128xi32, #tpu.memory_space<vmem>>
          %dma_start3A_220 = arith.constant 0 : i32
          %dma_start3A_221 = arith.constant 0 : i32
          %dma_start3A_222 = tpu.memref_slice %arg24[%dma_start3A_220, %dma_start3A_221] : memref<10240x48xf32, #tpu.memory_space<vmem_shared>> -> memref<10240x48xf32, #tpu.memory_space<vmem_shared>>
          tpu.enqueue_indirect_dma source(%arg17 : memref<128x48xf32, #tpu.memory_space<vmem>>) target(%dma_start3A_222 : memref<10240x48xf32, #tpu.memory_space<vmem_shared>>) offsets(%dma_start3A_219 : memref<128xi32, #tpu.memory_space<vmem>>) semaphore(%run_scoped3A : memref<!tpu.dma_semaphore, #tpu.memory_space<semaphore_mem>>) {add = true}
          %dma_wait3A_223 = arith.constant 0 : i32
          %dma_wait3A_224 = tpu.memref_slice %arg13[%add3A_135, %dma_wait3A_223] : memref<80x128xi32, #tpu.memory_space<vmem>> -> memref<1x128xi32, #tpu.memory_space<vmem>>
          %dma_wait3A_225 = tpu.memref_squeeze %dma_wait3A_224 : memref<1x128xi32, #tpu.memory_space<vmem>> -> memref<128xi32, #tpu.memory_space<vmem>>
          %dma_wait3A_226 = arith.constant 0 : i32
          %dma_wait3A_227 = arith.constant 0 : i32
          %dma_wait3A_228 = tpu.memref_slice %arg24[%dma_wait3A_226, %dma_wait3A_227] : memref<10240x48xf32, #tpu.memory_space<vmem_shared>> -> memref<10240x48xf32, #tpu.memory_space<vmem_shared>>
          tpu.wait_indirect_dma semaphore(%run_scoped3A : memref<!tpu.dma_semaphore, #tpu.memory_space<semaphore_mem>>) src(%arg17 : memref<128x48xf32, #tpu.memory_space<vmem>>) dst(%dma_wait3A_228 : memref<10240x48xf32, #tpu.memory_space<vmem_shared>>)
          tpu.yield
        }) : () -> ()
        %add3A_142 = arith.constant 8 : i32
        %add3A_143 = arith.addi %add3A_135, %add3A_142 : i32
        %lt3A_144 = arith.constant 80 : i32
        %lt3A_145 = arith.cmpi slt, %add3A_143, %lt3A_144 : i32
        %convert_element_type3A_146 = arith.extui %lt3A_145 : i1 to i32
        %cond3A_147 = arith.constant 0 : i32
        %cond3A_148 = arith.cmpi ne, %convert_element_type3A_146, %cond3A_147 : i32
        scf.if %cond3A_148 {
          %dma_start3A_217 = arith.constant 0 : i32
          %dma_start3A_218 = tpu.memref_slice %arg12[%add3A_143, %dma_start3A_217] : memref<80x128xi32, #tpu.memory_space<vmem>> -> memref<1x128xi32, #tpu.memory_space<vmem>>
          %dma_start3A_219 = tpu.memref_squeeze %dma_start3A_218 : memref<1x128xi32, #tpu.memory_space<vmem>> -> memref<128xi32, #tpu.memory_space<vmem>>
          %dma_start3A_220 = arith.constant 0 : i32
          %dma_start3A_221 = arith.constant 0 : i32
          %dma_start3A_222 = tpu.memref_slice %arg2[%dma_start3A_220, %dma_start3A_221] : memref<10240x48xf32, #tpu.memory_space<hbm>> -> memref<10240x48xf32, #tpu.memory_space<hbm>>
          tpu.enqueue_indirect_dma source(%dma_start3A_222 : memref<10240x48xf32, #tpu.memory_space<hbm>>) target(%arg17 : memref<128x48xf32, #tpu.memory_space<vmem>>) offsets(%dma_start3A_219 : memref<128xi32, #tpu.memory_space<vmem>>) semaphore(%arg28 : memref<!tpu.dma_semaphore, #tpu.memory_space<semaphore_mem>>)
        } else {
        }
        %mul3A_149 = arith.constant 8 : i32
        %mul3A_150 = arith.muli %scan3A_81, %mul3A_149 : i32
        %add3A_151 = arith.constant 4 : i32
        %add3A_152 = arith.addi %mul3A_150, %add3A_151 : i32
        %dma_wait3A_153 = arith.constant 0 : i32
        %dma_wait3A_154 = tpu.memref_slice %arg12[%add3A_152, %dma_wait3A_153] : memref<80x128xi32, #tpu.memory_space<vmem>> -> memref<1x128xi32, #tpu.memory_space<vmem>>
        %dma_wait3A_155 = tpu.memref_squeeze %dma_wait3A_154 : memref<1x128xi32, #tpu.memory_space<vmem>> -> memref<128xi32, #tpu.memory_space<vmem>>
        %dma_wait3A_156 = arith.constant 0 : i32
        %dma_wait3A_157 = arith.constant 0 : i32
        %dma_wait3A_158 = tpu.memref_slice %arg2[%dma_wait3A_156, %dma_wait3A_157] : memref<10240x48xf32, #tpu.memory_space<hbm>> -> memref<10240x48xf32, #tpu.memory_space<hbm>>
        tpu.wait_indirect_dma semaphore(%arg29 : memref<!tpu.dma_semaphore, #tpu.memory_space<semaphore_mem>>) src(%dma_wait3A_158 : memref<10240x48xf32, #tpu.memory_space<hbm>>) dst(%arg18 : memref<128x48xf32, #tpu.memory_space<vmem>>)
        "tpu.region"() ({
          %run_scoped3A = tpu.sem_alloc : memref<!tpu.dma_semaphore, #tpu.memory_space<semaphore_mem>>
          %dma_start3A_217 = arith.constant 0 : i32
          %dma_start3A_218 = tpu.memref_slice %arg13[%add3A_152, %dma_start3A_217] : memref<80x128xi32, #tpu.memory_space<vmem>> -> memref<1x128xi32, #tpu.memory_space<vmem>>
          %dma_start3A_219 = tpu.memref_squeeze %dma_start3A_218 : memref<1x128xi32, #tpu.memory_space<vmem>> -> memref<128xi32, #tpu.memory_space<vmem>>
          %dma_start3A_220 = arith.constant 0 : i32
          %dma_start3A_221 = arith.constant 0 : i32
          %dma_start3A_222 = tpu.memref_slice %arg24[%dma_start3A_220, %dma_start3A_221] : memref<10240x48xf32, #tpu.memory_space<vmem_shared>> -> memref<10240x48xf32, #tpu.memory_space<vmem_shared>>
          tpu.enqueue_indirect_dma source(%arg18 : memref<128x48xf32, #tpu.memory_space<vmem>>) target(%dma_start3A_222 : memref<10240x48xf32, #tpu.memory_space<vmem_shared>>) offsets(%dma_start3A_219 : memref<128xi32, #tpu.memory_space<vmem>>) semaphore(%run_scoped3A : memref<!tpu.dma_semaphore, #tpu.memory_space<semaphore_mem>>) {add = true}
          %dma_wait3A_223 = arith.constant 0 : i32
          %dma_wait3A_224 = tpu.memref_slice %arg13[%add3A_152, %dma_wait3A_223] : memref<80x128xi32, #tpu.memory_space<vmem>> -> memref<1x128xi32, #tpu.memory_space<vmem>>
          %dma_wait3A_225 = tpu.memref_squeeze %dma_wait3A_224 : memref<1x128xi32, #tpu.memory_space<vmem>> -> memref<128xi32, #tpu.memory_space<vmem>>
          %dma_wait3A_226 = arith.constant 0 : i32
          %dma_wait3A_227 = arith.constant 0 : i32
          %dma_wait3A_228 = tpu.memref_slice %arg24[%dma_wait3A_226, %dma_wait3A_227] : memref<10240x48xf32, #tpu.memory_space<vmem_shared>> -> memref<10240x48xf32, #tpu.memory_space<vmem_shared>>
          tpu.wait_indirect_dma semaphore(%run_scoped3A : memref<!tpu.dma_semaphore, #tpu.memory_space<semaphore_mem>>) src(%arg18 : memref<128x48xf32, #tpu.memory_space<vmem>>) dst(%dma_wait3A_228 : memref<10240x48xf32, #tpu.memory_space<vmem_shared>>)
          tpu.yield
        }) : () -> ()
        %add3A_159 = arith.constant 8 : i32
        %add3A_160 = arith.addi %add3A_152, %add3A_159 : i32
        %lt3A_161 = arith.constant 80 : i32
        %lt3A_162 = arith.cmpi slt, %add3A_160, %lt3A_161 : i32
        %convert_element_type3A_163 = arith.extui %lt3A_162 : i1 to i32
        %cond3A_164 = arith.constant 0 : i32
        %cond3A_165 = arith.cmpi ne, %convert_element_type3A_163, %cond3A_164 : i32
        scf.if %cond3A_165 {
          %dma_start3A_217 = arith.constant 0 : i32
          %dma_start3A_218 = tpu.memref_slice %arg12[%add3A_160, %dma_start3A_217] : memref<80x128xi32, #tpu.memory_space<vmem>> -> memref<1x128xi32, #tpu.memory_space<vmem>>
          %dma_start3A_219 = tpu.memref_squeeze %dma_start3A_218 : memref<1x128xi32, #tpu.memory_space<vmem>> -> memref<128xi32, #tpu.memory_space<vmem>>
          %dma_start3A_220 = arith.constant 0 : i32
          %dma_start3A_221 = arith.constant 0 : i32
          %dma_start3A_222 = tpu.memref_slice %arg2[%dma_start3A_220, %dma_start3A_221] : memref<10240x48xf32, #tpu.memory_space<hbm>> -> memref<10240x48xf32, #tpu.memory_space<hbm>>
          tpu.enqueue_indirect_dma source(%dma_start3A_222 : memref<10240x48xf32, #tpu.memory_space<hbm>>) target(%arg18 : memref<128x48xf32, #tpu.memory_space<vmem>>) offsets(%dma_start3A_219 : memref<128xi32, #tpu.memory_space<vmem>>) semaphore(%arg29 : memref<!tpu.dma_semaphore, #tpu.memory_space<semaphore_mem>>)
        } else {
        }
        %mul3A_166 = arith.constant 8 : i32
        %mul3A_167 = arith.muli %scan3A_81, %mul3A_166 : i32
        %add3A_168 = arith.constant 5 : i32
        %add3A_169 = arith.addi %mul3A_167, %add3A_168 : i32
        %dma_wait3A_170 = arith.constant 0 : i32
        %dma_wait3A_171 = tpu.memref_slice %arg12[%add3A_169, %dma_wait3A_170] : memref<80x128xi32, #tpu.memory_space<vmem>> -> memref<1x128xi32, #tpu.memory_space<vmem>>
        %dma_wait3A_172 = tpu.memref_squeeze %dma_wait3A_171 : memref<1x128xi32, #tpu.memory_space<vmem>> -> memref<128xi32, #tpu.memory_space<vmem>>
        %dma_wait3A_173 = arith.constant 0 : i32
        %dma_wait3A_174 = arith.constant 0 : i32
        %dma_wait3A_175 = tpu.memref_slice %arg2[%dma_wait3A_173, %dma_wait3A_174] : memref<10240x48xf32, #tpu.memory_space<hbm>> -> memref<10240x48xf32, #tpu.memory_space<hbm>>
        tpu.wait_indirect_dma semaphore(%arg30 : memref<!tpu.dma_semaphore, #tpu.memory_space<semaphore_mem>>) src(%dma_wait3A_175 : memref<10240x48xf32, #tpu.memory_space<hbm>>) dst(%arg19 : memref<128x48xf32, #tpu.memory_space<vmem>>)
        "tpu.region"() ({
          %run_scoped3A = tpu.sem_alloc : memref<!tpu.dma_semaphore, #tpu.memory_space<semaphore_mem>>
          %dma_start3A_217 = arith.constant 0 : i32
          %dma_start3A_218 = tpu.memref_slice %arg13[%add3A_169, %dma_start3A_217] : memref<80x128xi32, #tpu.memory_space<vmem>> -> memref<1x128xi32, #tpu.memory_space<vmem>>
          %dma_start3A_219 = tpu.memref_squeeze %dma_start3A_218 : memref<1x128xi32, #tpu.memory_space<vmem>> -> memref<128xi32, #tpu.memory_space<vmem>>
          %dma_start3A_220 = arith.constant 0 : i32
          %dma_start3A_221 = arith.constant 0 : i32
          %dma_start3A_222 = tpu.memref_slice %arg24[%dma_start3A_220, %dma_start3A_221] : memref<10240x48xf32, #tpu.memory_space<vmem_shared>> -> memref<10240x48xf32, #tpu.memory_space<vmem_shared>>
          tpu.enqueue_indirect_dma source(%arg19 : memref<128x48xf32, #tpu.memory_space<vmem>>) target(%dma_start3A_222 : memref<10240x48xf32, #tpu.memory_space<vmem_shared>>) offsets(%dma_start3A_219 : memref<128xi32, #tpu.memory_space<vmem>>) semaphore(%run_scoped3A : memref<!tpu.dma_semaphore, #tpu.memory_space<semaphore_mem>>) {add = true}
          %dma_wait3A_223 = arith.constant 0 : i32
          %dma_wait3A_224 = tpu.memref_slice %arg13[%add3A_169, %dma_wait3A_223] : memref<80x128xi32, #tpu.memory_space<vmem>> -> memref<1x128xi32, #tpu.memory_space<vmem>>
          %dma_wait3A_225 = tpu.memref_squeeze %dma_wait3A_224 : memref<1x128xi32, #tpu.memory_space<vmem>> -> memref<128xi32, #tpu.memory_space<vmem>>
          %dma_wait3A_226 = arith.constant 0 : i32
          %dma_wait3A_227 = arith.constant 0 : i32
          %dma_wait3A_228 = tpu.memref_slice %arg24[%dma_wait3A_226, %dma_wait3A_227] : memref<10240x48xf32, #tpu.memory_space<vmem_shared>> -> memref<10240x48xf32, #tpu.memory_space<vmem_shared>>
          tpu.wait_indirect_dma semaphore(%run_scoped3A : memref<!tpu.dma_semaphore, #tpu.memory_space<semaphore_mem>>) src(%arg19 : memref<128x48xf32, #tpu.memory_space<vmem>>) dst(%dma_wait3A_228 : memref<10240x48xf32, #tpu.memory_space<vmem_shared>>)
          tpu.yield
        }) : () -> ()
        %add3A_176 = arith.constant 8 : i32
        %add3A_177 = arith.addi %add3A_169, %add3A_176 : i32
        %lt3A_178 = arith.constant 80 : i32
        %lt3A_179 = arith.cmpi slt, %add3A_177, %lt3A_178 : i32
        %convert_element_type3A_180 = arith.extui %lt3A_179 : i1 to i32
        %cond3A_181 = arith.constant 0 : i32
        %cond3A_182 = arith.cmpi ne, %convert_element_type3A_180, %cond3A_181 : i32
        scf.if %cond3A_182 {
          %dma_start3A_217 = arith.constant 0 : i32
          %dma_start3A_218 = tpu.memref_slice %arg12[%add3A_177, %dma_start3A_217] : memref<80x128xi32, #tpu.memory_space<vmem>> -> memref<1x128xi32, #tpu.memory_space<vmem>>
          %dma_start3A_219 = tpu.memref_squeeze %dma_start3A_218 : memref<1x128xi32, #tpu.memory_space<vmem>> -> memref<128xi32, #tpu.memory_space<vmem>>
          %dma_start3A_220 = arith.constant 0 : i32
          %dma_start3A_221 = arith.constant 0 : i32
          %dma_start3A_222 = tpu.memref_slice %arg2[%dma_start3A_220, %dma_start3A_221] : memref<10240x48xf32, #tpu.memory_space<hbm>> -> memref<10240x48xf32, #tpu.memory_space<hbm>>
          tpu.enqueue_indirect_dma source(%dma_start3A_222 : memref<10240x48xf32, #tpu.memory_space<hbm>>) target(%arg19 : memref<128x48xf32, #tpu.memory_space<vmem>>) offsets(%dma_start3A_219 : memref<128xi32, #tpu.memory_space<vmem>>) semaphore(%arg30 : memref<!tpu.dma_semaphore, #tpu.memory_space<semaphore_mem>>)
        } else {
        }
        %mul3A_183 = arith.constant 8 : i32
        %mul3A_184 = arith.muli %scan3A_81, %mul3A_183 : i32
        %add3A_185 = arith.constant 6 : i32
        %add3A_186 = arith.addi %mul3A_184, %add3A_185 : i32
        %dma_wait3A_187 = arith.constant 0 : i32
        %dma_wait3A_188 = tpu.memref_slice %arg12[%add3A_186, %dma_wait3A_187] : memref<80x128xi32, #tpu.memory_space<vmem>> -> memref<1x128xi32, #tpu.memory_space<vmem>>
        %dma_wait3A_189 = tpu.memref_squeeze %dma_wait3A_188 : memref<1x128xi32, #tpu.memory_space<vmem>> -> memref<128xi32, #tpu.memory_space<vmem>>
        %dma_wait3A_190 = arith.constant 0 : i32
        %dma_wait3A_191 = arith.constant 0 : i32
        %dma_wait3A_192 = tpu.memref_slice %arg2[%dma_wait3A_190, %dma_wait3A_191] : memref<10240x48xf32, #tpu.memory_space<hbm>> -> memref<10240x48xf32, #tpu.memory_space<hbm>>
        tpu.wait_indirect_dma semaphore(%arg31 : memref<!tpu.dma_semaphore, #tpu.memory_space<semaphore_mem>>) src(%dma_wait3A_192 : memref<10240x48xf32, #tpu.memory_space<hbm>>) dst(%arg20 : memref<128x48xf32, #tpu.memory_space<vmem>>)
        "tpu.region"() ({
          %run_scoped3A = tpu.sem_alloc : memref<!tpu.dma_semaphore, #tpu.memory_space<semaphore_mem>>
          %dma_start3A_217 = arith.constant 0 : i32
          %dma_start3A_218 = tpu.memref_slice %arg13[%add3A_186, %dma_start3A_217] : memref<80x128xi32, #tpu.memory_space<vmem>> -> memref<1x128xi32, #tpu.memory_space<vmem>>
          %dma_start3A_219 = tpu.memref_squeeze %dma_start3A_218 : memref<1x128xi32, #tpu.memory_space<vmem>> -> memref<128xi32, #tpu.memory_space<vmem>>
          %dma_start3A_220 = arith.constant 0 : i32
          %dma_start3A_221 = arith.constant 0 : i32
          %dma_start3A_222 = tpu.memref_slice %arg24[%dma_start3A_220, %dma_start3A_221] : memref<10240x48xf32, #tpu.memory_space<vmem_shared>> -> memref<10240x48xf32, #tpu.memory_space<vmem_shared>>
          tpu.enqueue_indirect_dma source(%arg20 : memref<128x48xf32, #tpu.memory_space<vmem>>) target(%dma_start3A_222 : memref<10240x48xf32, #tpu.memory_space<vmem_shared>>) offsets(%dma_start3A_219 : memref<128xi32, #tpu.memory_space<vmem>>) semaphore(%run_scoped3A : memref<!tpu.dma_semaphore, #tpu.memory_space<semaphore_mem>>) {add = true}
          %dma_wait3A_223 = arith.constant 0 : i32
          %dma_wait3A_224 = tpu.memref_slice %arg13[%add3A_186, %dma_wait3A_223] : memref<80x128xi32, #tpu.memory_space<vmem>> -> memref<1x128xi32, #tpu.memory_space<vmem>>
          %dma_wait3A_225 = tpu.memref_squeeze %dma_wait3A_224 : memref<1x128xi32, #tpu.memory_space<vmem>> -> memref<128xi32, #tpu.memory_space<vmem>>
          %dma_wait3A_226 = arith.constant 0 : i32
          %dma_wait3A_227 = arith.constant 0 : i32
          %dma_wait3A_228 = tpu.memref_slice %arg24[%dma_wait3A_226, %dma_wait3A_227] : memref<10240x48xf32, #tpu.memory_space<vmem_shared>> -> memref<10240x48xf32, #tpu.memory_space<vmem_shared>>
          tpu.wait_indirect_dma semaphore(%run_scoped3A : memref<!tpu.dma_semaphore, #tpu.memory_space<semaphore_mem>>) src(%arg20 : memref<128x48xf32, #tpu.memory_space<vmem>>) dst(%dma_wait3A_228 : memref<10240x48xf32, #tpu.memory_space<vmem_shared>>)
          tpu.yield
        }) : () -> ()
        %add3A_193 = arith.constant 8 : i32
        %add3A_194 = arith.addi %add3A_186, %add3A_193 : i32
        %lt3A_195 = arith.constant 80 : i32
        %lt3A_196 = arith.cmpi slt, %add3A_194, %lt3A_195 : i32
        %convert_element_type3A_197 = arith.extui %lt3A_196 : i1 to i32
        %cond3A_198 = arith.constant 0 : i32
        %cond3A_199 = arith.cmpi ne, %convert_element_type3A_197, %cond3A_198 : i32
        scf.if %cond3A_199 {
          %dma_start3A_217 = arith.constant 0 : i32
          %dma_start3A_218 = tpu.memref_slice %arg12[%add3A_194, %dma_start3A_217] : memref<80x128xi32, #tpu.memory_space<vmem>> -> memref<1x128xi32, #tpu.memory_space<vmem>>
          %dma_start3A_219 = tpu.memref_squeeze %dma_start3A_218 : memref<1x128xi32, #tpu.memory_space<vmem>> -> memref<128xi32, #tpu.memory_space<vmem>>
          %dma_start3A_220 = arith.constant 0 : i32
          %dma_start3A_221 = arith.constant 0 : i32
          %dma_start3A_222 = tpu.memref_slice %arg2[%dma_start3A_220, %dma_start3A_221] : memref<10240x48xf32, #tpu.memory_space<hbm>> -> memref<10240x48xf32, #tpu.memory_space<hbm>>
          tpu.enqueue_indirect_dma source(%dma_start3A_222 : memref<10240x48xf32, #tpu.memory_space<hbm>>) target(%arg20 : memref<128x48xf32, #tpu.memory_space<vmem>>) offsets(%dma_start3A_219 : memref<128xi32, #tpu.memory_space<vmem>>) semaphore(%arg31 : memref<!tpu.dma_semaphore, #tpu.memory_space<semaphore_mem>>)
        } else {
        }
        %mul3A_200 = arith.constant 8 : i32
        %mul3A_201 = arith.muli %scan3A_81, %mul3A_200 : i32
        %add3A_202 = arith.constant 7 : i32
        %add3A_203 = arith.addi %mul3A_201, %add3A_202 : i32
        %dma_wait3A_204 = arith.constant 0 : i32
        %dma_wait3A_205 = tpu.memref_slice %arg12[%add3A_203, %dma_wait3A_204] : memref<80x128xi32, #tpu.memory_space<vmem>> -> memref<1x128xi32, #tpu.memory_space<vmem>>
        %dma_wait3A_206 = tpu.memref_squeeze %dma_wait3A_205 : memref<1x128xi32, #tpu.memory_space<vmem>> -> memref<128xi32, #tpu.memory_space<vmem>>
        %dma_wait3A_207 = arith.constant 0 : i32
        %dma_wait3A_208 = arith.constant 0 : i32
        %dma_wait3A_209 = tpu.memref_slice %arg2[%dma_wait3A_207, %dma_wait3A_208] : memref<10240x48xf32, #tpu.memory_space<hbm>> -> memref<10240x48xf32, #tpu.memory_space<hbm>>
        tpu.wait_indirect_dma semaphore(%arg32 : memref<!tpu.dma_semaphore, #tpu.memory_space<semaphore_mem>>) src(%dma_wait3A_209 : memref<10240x48xf32, #tpu.memory_space<hbm>>) dst(%arg21 : memref<128x48xf32, #tpu.memory_space<vmem>>)
        "tpu.region"() ({
          %run_scoped3A = tpu.sem_alloc : memref<!tpu.dma_semaphore, #tpu.memory_space<semaphore_mem>>
          %dma_start3A_217 = arith.constant 0 : i32
          %dma_start3A_218 = tpu.memref_slice %arg13[%add3A_203, %dma_start3A_217] : memref<80x128xi32, #tpu.memory_space<vmem>> -> memref<1x128xi32, #tpu.memory_space<vmem>>
          %dma_start3A_219 = tpu.memref_squeeze %dma_start3A_218 : memref<1x128xi32, #tpu.memory_space<vmem>> -> memref<128xi32, #tpu.memory_space<vmem>>
          %dma_start3A_220 = arith.constant 0 : i32
          %dma_start3A_221 = arith.constant 0 : i32
          %dma_start3A_222 = tpu.memref_slice %arg24[%dma_start3A_220, %dma_start3A_221] : memref<10240x48xf32, #tpu.memory_space<vmem_shared>> -> memref<10240x48xf32, #tpu.memory_space<vmem_shared>>
          tpu.enqueue_indirect_dma source(%arg21 : memref<128x48xf32, #tpu.memory_space<vmem>>) target(%dma_start3A_222 : memref<10240x48xf32, #tpu.memory_space<vmem_shared>>) offsets(%dma_start3A_219 : memref<128xi32, #tpu.memory_space<vmem>>) semaphore(%run_scoped3A : memref<!tpu.dma_semaphore, #tpu.memory_space<semaphore_mem>>) {add = true}
          %dma_wait3A_223 = arith.constant 0 : i32
          %dma_wait3A_224 = tpu.memref_slice %arg13[%add3A_203, %dma_wait3A_223] : memref<80x128xi32, #tpu.memory_space<vmem>> -> memref<1x128xi32, #tpu.memory_space<vmem>>
          %dma_wait3A_225 = tpu.memref_squeeze %dma_wait3A_224 : memref<1x128xi32, #tpu.memory_space<vmem>> -> memref<128xi32, #tpu.memory_space<vmem>>
          %dma_wait3A_226 = arith.constant 0 : i32
          %dma_wait3A_227 = arith.constant 0 : i32
          %dma_wait3A_228 = tpu.memref_slice %arg24[%dma_wait3A_226, %dma_wait3A_227] : memref<10240x48xf32, #tpu.memory_space<vmem_shared>> -> memref<10240x48xf32, #tpu.memory_space<vmem_shared>>
          tpu.wait_indirect_dma semaphore(%run_scoped3A : memref<!tpu.dma_semaphore, #tpu.memory_space<semaphore_mem>>) src(%arg21 : memref<128x48xf32, #tpu.memory_space<vmem>>) dst(%dma_wait3A_228 : memref<10240x48xf32, #tpu.memory_space<vmem_shared>>)
          tpu.yield
        }) : () -> ()
        %add3A_210 = arith.constant 8 : i32
        %add3A_211 = arith.addi %add3A_203, %add3A_210 : i32
        %lt3A_212 = arith.constant 80 : i32
        %lt3A_213 = arith.cmpi slt, %add3A_211, %lt3A_212 : i32
        %convert_element_type3A_214 = arith.extui %lt3A_213 : i1 to i32
        %cond3A_215 = arith.constant 0 : i32
        %cond3A_216 = arith.cmpi ne, %convert_element_type3A_214, %cond3A_215 : i32
        scf.if %cond3A_216 {
          %dma_start3A_217 = arith.constant 0 : i32
          %dma_start3A_218 = tpu.memref_slice %arg12[%add3A_211, %dma_start3A_217] : memref<80x128xi32, #tpu.memory_space<vmem>> -> memref<1x128xi32, #tpu.memory_space<vmem>>
          %dma_start3A_219 = tpu.memref_squeeze %dma_start3A_218 : memref<1x128xi32, #tpu.memory_space<vmem>> -> memref<128xi32, #tpu.memory_space<vmem>>
          %dma_start3A_220 = arith.constant 0 : i32
          %dma_start3A_221 = arith.constant 0 : i32
          %dma_start3A_222 = tpu.memref_slice %arg2[%dma_start3A_220, %dma_start3A_221] : memref<10240x48xf32, #tpu.memory_space<hbm>> -> memref<10240x48xf32, #tpu.memory_space<hbm>>
          tpu.enqueue_indirect_dma source(%dma_start3A_222 : memref<10240x48xf32, #tpu.memory_space<hbm>>) target(%arg21 : memref<128x48xf32, #tpu.memory_space<vmem>>) offsets(%dma_start3A_219 : memref<128xi32, #tpu.memory_space<vmem>>) semaphore(%arg32 : memref<!tpu.dma_semaphore, #tpu.memory_space<semaphore_mem>>)
        } else {
        }
      }
      %scan3A_80 = arith.constant 10 : i32
    } else {
    }
    %eq3A_3 = arith.constant 1 : i32
    %eq3A_4 = arith.cmpi eq, %arg0, %eq3A_3 : i32
    %convert_element_type3A_5 = arith.extui %eq3A_4 : i1 to i32
    %cond3A_6 = arith.constant 0 : i32
    %cond3A_7 = arith.cmpi ne, %convert_element_type3A_5, %cond3A_6 : i32
    scf.if %cond3A_7 {
      "tpu.region"() ({
        %run_scoped3A = tpu.sem_alloc : memref<!tpu.dma_semaphore, #tpu.memory_space<semaphore_mem>>
        %dma_start3A_81 = arith.constant 0 : i32
        %dma_start3A_82 = arith.constant 0 : i32
        %dma_start3A_83 = tpu.memref_slice %arg6[%arg1, %dma_start3A_81, %dma_start3A_82] : memref<16x80x128xi32, #tpu.memory_space<hbm>> -> memref<1x80x128xi32, #tpu.memory_space<hbm>>
        %dma_start3A_84 = tpu.memref_squeeze %dma_start3A_83 : memref<1x80x128xi32, #tpu.memory_space<hbm>> -> memref<80x128xi32, #tpu.memory_space<hbm>>
        %dma_start3A_85 = arith.constant 0 : i32
        %dma_start3A_86 = arith.constant 0 : i32
        %dma_start3A_87 = tpu.memref_slice %arg6[%arg1, %dma_start3A_85, %dma_start3A_86] : memref<16x80x128xi32, #tpu.memory_space<hbm>> -> memref<1x80x128xi32, #tpu.memory_space<hbm>>
        %dma_start3A_88 = tpu.memref_squeeze %dma_start3A_87 : memref<1x80x128xi32, #tpu.memory_space<hbm>> -> memref<80x128xi32, #tpu.memory_space<hbm>>
        tpu.enqueue_dma source(%dma_start3A_88 : memref<80x128xi32, #tpu.memory_space<hbm>>) target(%arg12 : memref<80x128xi32, #tpu.memory_space<vmem>>) target_semaphore(%run_scoped3A : memref<!tpu.dma_semaphore, #tpu.memory_space<semaphore_mem>>)
        %dma_wait3A = arith.constant 0 : i32
        %dma_wait3A_89 = arith.constant 0 : i32
        %dma_wait3A_90 = tpu.memref_slice %arg6[%arg1, %dma_wait3A, %dma_wait3A_89] : memref<16x80x128xi32, #tpu.memory_space<hbm>> -> memref<1x80x128xi32, #tpu.memory_space<hbm>>
        %dma_wait3A_91 = tpu.memref_squeeze %dma_wait3A_90 : memref<1x80x128xi32, #tpu.memory_space<hbm>> -> memref<80x128xi32, #tpu.memory_space<hbm>>
        %dma_wait3A_92 = arith.constant 0 : i32
        %dma_wait3A_93 = arith.constant 0 : i32
        %dma_wait3A_94 = tpu.memref_slice %arg6[%arg1, %dma_wait3A_92, %dma_wait3A_93] : memref<16x80x128xi32, #tpu.memory_space<hbm>> -> memref<1x80x128xi32, #tpu.memory_space<hbm>>
        %dma_wait3A_95 = tpu.memref_squeeze %dma_wait3A_94 : memref<1x80x128xi32, #tpu.memory_space<hbm>> -> memref<80x128xi32, #tpu.memory_space<hbm>>
        tpu.wait_dma2 semaphore(%run_scoped3A : memref<!tpu.dma_semaphore, #tpu.memory_space<semaphore_mem>>) src(%dma_wait3A_95 : memref<80x128xi32, #tpu.memory_space<hbm>>) dst(%arg12 : memref<80x128xi32, #tpu.memory_space<vmem>>)
        tpu.yield
      }) : () -> ()
      "tpu.region"() ({
        %run_scoped3A = tpu.sem_alloc : memref<!tpu.dma_semaphore, #tpu.memory_space<semaphore_mem>>
        %dma_start3A_81 = arith.constant 0 : i32
        %dma_start3A_82 = arith.constant 0 : i32
        %dma_start3A_83 = tpu.memref_slice %arg7[%arg1, %dma_start3A_81, %dma_start3A_82] : memref<16x80x128xi32, #tpu.memory_space<hbm>> -> memref<1x80x128xi32, #tpu.memory_space<hbm>>
        %dma_start3A_84 = tpu.memref_squeeze %dma_start3A_83 : memref<1x80x128xi32, #tpu.memory_space<hbm>> -> memref<80x128xi32, #tpu.memory_space<hbm>>
        %dma_start3A_85 = arith.constant 0 : i32
        %dma_start3A_86 = arith.constant 0 : i32
        %dma_start3A_87 = tpu.memref_slice %arg7[%arg1, %dma_start3A_85, %dma_start3A_86] : memref<16x80x128xi32, #tpu.memory_space<hbm>> -> memref<1x80x128xi32, #tpu.memory_space<hbm>>
        %dma_start3A_88 = tpu.memref_squeeze %dma_start3A_87 : memref<1x80x128xi32, #tpu.memory_space<hbm>> -> memref<80x128xi32, #tpu.memory_space<hbm>>
        tpu.enqueue_dma source(%dma_start3A_88 : memref<80x128xi32, #tpu.memory_space<hbm>>) target(%arg13 : memref<80x128xi32, #tpu.memory_space<vmem>>) target_semaphore(%run_scoped3A : memref<!tpu.dma_semaphore, #tpu.memory_space<semaphore_mem>>)
        %dma_wait3A = arith.constant 0 : i32
        %dma_wait3A_89 = arith.constant 0 : i32
        %dma_wait3A_90 = tpu.memref_slice %arg7[%arg1, %dma_wait3A, %dma_wait3A_89] : memref<16x80x128xi32, #tpu.memory_space<hbm>> -> memref<1x80x128xi32, #tpu.memory_space<hbm>>
        %dma_wait3A_91 = tpu.memref_squeeze %dma_wait3A_90 : memref<1x80x128xi32, #tpu.memory_space<hbm>> -> memref<80x128xi32, #tpu.memory_space<hbm>>
        %dma_wait3A_92 = arith.constant 0 : i32
        %dma_wait3A_93 = arith.constant 0 : i32
        %dma_wait3A_94 = tpu.memref_slice %arg7[%arg1, %dma_wait3A_92, %dma_wait3A_93] : memref<16x80x128xi32, #tpu.memory_space<hbm>> -> memref<1x80x128xi32, #tpu.memory_space<hbm>>
        %dma_wait3A_95 = tpu.memref_squeeze %dma_wait3A_94 : memref<1x80x128xi32, #tpu.memory_space<hbm>> -> memref<80x128xi32, #tpu.memory_space<hbm>>
        tpu.wait_dma2 semaphore(%run_scoped3A : memref<!tpu.dma_semaphore, #tpu.memory_space<semaphore_mem>>) src(%dma_wait3A_95 : memref<80x128xi32, #tpu.memory_space<hbm>>) dst(%arg13 : memref<80x128xi32, #tpu.memory_space<vmem>>)
        tpu.yield
      }) : () -> ()
      %dma_start3A = arith.constant 0 : i32
      %dma_start3A_21 = arith.constant 0 : i32
      %dma_start3A_22 = tpu.memref_slice %arg12[%dma_start3A, %dma_start3A_21] : memref<80x128xi32, #tpu.memory_space<vmem>> -> memref<1x128xi32, #tpu.memory_space<vmem>>
      %dma_start3A_23 = tpu.memref_squeeze %dma_start3A_22 : memref<1x128xi32, #tpu.memory_space<vmem>> -> memref<128xi32, #tpu.memory_space<vmem>>
      %dma_start3A_24 = arith.constant 0 : i32
      %dma_start3A_25 = arith.constant 0 : i32
      %dma_start3A_26 = tpu.memref_slice %arg3[%dma_start3A_24, %dma_start3A_25] : memref<10240x48xf32, #tpu.memory_space<hbm>> -> memref<10240x48xf32, #tpu.memory_space<hbm>>
      tpu.enqueue_indirect_dma source(%dma_start3A_26 : memref<10240x48xf32, #tpu.memory_space<hbm>>) target(%arg14 : memref<128x48xf32, #tpu.memory_space<vmem>>) offsets(%dma_start3A_23 : memref<128xi32, #tpu.memory_space<vmem>>) semaphore(%arg25 : memref<!tpu.dma_semaphore, #tpu.memory_space<semaphore_mem>>)
      %dma_start3A_27 = arith.constant 1 : i32
      %dma_start3A_28 = arith.constant 0 : i32
      %dma_start3A_29 = tpu.memref_slice %arg12[%dma_start3A_27, %dma_start3A_28] : memref<80x128xi32, #tpu.memory_space<vmem>> -> memref<1x128xi32, #tpu.memory_space<vmem>>
      %dma_start3A_30 = tpu.memref_squeeze %dma_start3A_29 : memref<1x128xi32, #tpu.memory_space<vmem>> -> memref<128xi32, #tpu.memory_space<vmem>>
      %dma_start3A_31 = arith.constant 0 : i32
      %dma_start3A_32 = arith.constant 0 : i32
      %dma_start3A_33 = tpu.memref_slice %arg3[%dma_start3A_31, %dma_start3A_32] : memref<10240x48xf32, #tpu.memory_space<hbm>> -> memref<10240x48xf32, #tpu.memory_space<hbm>>
      tpu.enqueue_indirect_dma source(%dma_start3A_33 : memref<10240x48xf32, #tpu.memory_space<hbm>>) target(%arg15 : memref<128x48xf32, #tpu.memory_space<vmem>>) offsets(%dma_start3A_30 : memref<128xi32, #tpu.memory_space<vmem>>) semaphore(%arg26 : memref<!tpu.dma_semaphore, #tpu.memory_space<semaphore_mem>>)
      %dma_start3A_34 = arith.constant 2 : i32
      %dma_start3A_35 = arith.constant 0 : i32
      %dma_start3A_36 = tpu.memref_slice %arg12[%dma_start3A_34, %dma_start3A_35] : memref<80x128xi32, #tpu.memory_space<vmem>> -> memref<1x128xi32, #tpu.memory_space<vmem>>
      %dma_start3A_37 = tpu.memref_squeeze %dma_start3A_36 : memref<1x128xi32, #tpu.memory_space<vmem>> -> memref<128xi32, #tpu.memory_space<vmem>>
      %dma_start3A_38 = arith.constant 0 : i32
      %dma_start3A_39 = arith.constant 0 : i32
      %dma_start3A_40 = tpu.memref_slice %arg3[%dma_start3A_38, %dma_start3A_39] : memref<10240x48xf32, #tpu.memory_space<hbm>> -> memref<10240x48xf32, #tpu.memory_space<hbm>>
      tpu.enqueue_indirect_dma source(%dma_start3A_40 : memref<10240x48xf32, #tpu.memory_space<hbm>>) target(%arg16 : memref<128x48xf32, #tpu.memory_space<vmem>>) offsets(%dma_start3A_37 : memref<128xi32, #tpu.memory_space<vmem>>) semaphore(%arg27 : memref<!tpu.dma_semaphore, #tpu.memory_space<semaphore_mem>>)
      %dma_start3A_41 = arith.constant 3 : i32
      %dma_start3A_42 = arith.constant 0 : i32
      %dma_start3A_43 = tpu.memref_slice %arg12[%dma_start3A_41, %dma_start3A_42] : memref<80x128xi32, #tpu.memory_space<vmem>> -> memref<1x128xi32, #tpu.memory_space<vmem>>
      %dma_start3A_44 = tpu.memref_squeeze %dma_start3A_43 : memref<1x128xi32, #tpu.memory_space<vmem>> -> memref<128xi32, #tpu.memory_space<vmem>>
      %dma_start3A_45 = arith.constant 0 : i32
      %dma_start3A_46 = arith.constant 0 : i32
      %dma_start3A_47 = tpu.memref_slice %arg3[%dma_start3A_45, %dma_start3A_46] : memref<10240x48xf32, #tpu.memory_space<hbm>> -> memref<10240x48xf32, #tpu.memory_space<hbm>>
      tpu.enqueue_indirect_dma source(%dma_start3A_47 : memref<10240x48xf32, #tpu.memory_space<hbm>>) target(%arg17 : memref<128x48xf32, #tpu.memory_space<vmem>>) offsets(%dma_start3A_44 : memref<128xi32, #tpu.memory_space<vmem>>) semaphore(%arg28 : memref<!tpu.dma_semaphore, #tpu.memory_space<semaphore_mem>>)
      %dma_start3A_48 = arith.constant 4 : i32
      %dma_start3A_49 = arith.constant 0 : i32
      %dma_start3A_50 = tpu.memref_slice %arg12[%dma_start3A_48, %dma_start3A_49] : memref<80x128xi32, #tpu.memory_space<vmem>> -> memref<1x128xi32, #tpu.memory_space<vmem>>
      %dma_start3A_51 = tpu.memref_squeeze %dma_start3A_50 : memref<1x128xi32, #tpu.memory_space<vmem>> -> memref<128xi32, #tpu.memory_space<vmem>>
      %dma_start3A_52 = arith.constant 0 : i32
      %dma_start3A_53 = arith.constant 0 : i32
      %dma_start3A_54 = tpu.memref_slice %arg3[%dma_start3A_52, %dma_start3A_53] : memref<10240x48xf32, #tpu.memory_space<hbm>> -> memref<10240x48xf32, #tpu.memory_space<hbm>>
      tpu.enqueue_indirect_dma source(%dma_start3A_54 : memref<10240x48xf32, #tpu.memory_space<hbm>>) target(%arg18 : memref<128x48xf32, #tpu.memory_space<vmem>>) offsets(%dma_start3A_51 : memref<128xi32, #tpu.memory_space<vmem>>) semaphore(%arg29 : memref<!tpu.dma_semaphore, #tpu.memory_space<semaphore_mem>>)
      %dma_start3A_55 = arith.constant 5 : i32
      %dma_start3A_56 = arith.constant 0 : i32
      %dma_start3A_57 = tpu.memref_slice %arg12[%dma_start3A_55, %dma_start3A_56] : memref<80x128xi32, #tpu.memory_space<vmem>> -> memref<1x128xi32, #tpu.memory_space<vmem>>
      %dma_start3A_58 = tpu.memref_squeeze %dma_start3A_57 : memref<1x128xi32, #tpu.memory_space<vmem>> -> memref<128xi32, #tpu.memory_space<vmem>>
      %dma_start3A_59 = arith.constant 0 : i32
      %dma_start3A_60 = arith.constant 0 : i32
      %dma_start3A_61 = tpu.memref_slice %arg3[%dma_start3A_59, %dma_start3A_60] : memref<10240x48xf32, #tpu.memory_space<hbm>> -> memref<10240x48xf32, #tpu.memory_space<hbm>>
      tpu.enqueue_indirect_dma source(%dma_start3A_61 : memref<10240x48xf32, #tpu.memory_space<hbm>>) target(%arg19 : memref<128x48xf32, #tpu.memory_space<vmem>>) offsets(%dma_start3A_58 : memref<128xi32, #tpu.memory_space<vmem>>) semaphore(%arg30 : memref<!tpu.dma_semaphore, #tpu.memory_space<semaphore_mem>>)
      %dma_start3A_62 = arith.constant 6 : i32
      %dma_start3A_63 = arith.constant 0 : i32
      %dma_start3A_64 = tpu.memref_slice %arg12[%dma_start3A_62, %dma_start3A_63] : memref<80x128xi32, #tpu.memory_space<vmem>> -> memref<1x128xi32, #tpu.memory_space<vmem>>
      %dma_start3A_65 = tpu.memref_squeeze %dma_start3A_64 : memref<1x128xi32, #tpu.memory_space<vmem>> -> memref<128xi32, #tpu.memory_space<vmem>>
      %dma_start3A_66 = arith.constant 0 : i32
      %dma_start3A_67 = arith.constant 0 : i32
      %dma_start3A_68 = tpu.memref_slice %arg3[%dma_start3A_66, %dma_start3A_67] : memref<10240x48xf32, #tpu.memory_space<hbm>> -> memref<10240x48xf32, #tpu.memory_space<hbm>>
      tpu.enqueue_indirect_dma source(%dma_start3A_68 : memref<10240x48xf32, #tpu.memory_space<hbm>>) target(%arg20 : memref<128x48xf32, #tpu.memory_space<vmem>>) offsets(%dma_start3A_65 : memref<128xi32, #tpu.memory_space<vmem>>) semaphore(%arg31 : memref<!tpu.dma_semaphore, #tpu.memory_space<semaphore_mem>>)
      %dma_start3A_69 = arith.constant 7 : i32
      %dma_start3A_70 = arith.constant 0 : i32
      %dma_start3A_71 = tpu.memref_slice %arg12[%dma_start3A_69, %dma_start3A_70] : memref<80x128xi32, #tpu.memory_space<vmem>> -> memref<1x128xi32, #tpu.memory_space<vmem>>
      %dma_start3A_72 = tpu.memref_squeeze %dma_start3A_71 : memref<1x128xi32, #tpu.memory_space<vmem>> -> memref<128xi32, #tpu.memory_space<vmem>>
      %dma_start3A_73 = arith.constant 0 : i32
      %dma_start3A_74 = arith.constant 0 : i32
      %dma_start3A_75 = tpu.memref_slice %arg3[%dma_start3A_73, %dma_start3A_74] : memref<10240x48xf32, #tpu.memory_space<hbm>> -> memref<10240x48xf32, #tpu.memory_space<hbm>>
      tpu.enqueue_indirect_dma source(%dma_start3A_75 : memref<10240x48xf32, #tpu.memory_space<hbm>>) target(%arg21 : memref<128x48xf32, #tpu.memory_space<vmem>>) offsets(%dma_start3A_72 : memref<128xi32, #tpu.memory_space<vmem>>) semaphore(%arg32 : memref<!tpu.dma_semaphore, #tpu.memory_space<semaphore_mem>>)
      %scan3A = arith.constant 0 : i32
      %scan3A_76 = arith.constant 0 : i32
      %scan3A_77 = arith.constant 10 : i32
      %scan3A_78 = arith.addi %scan3A_76, %scan3A_77 : i32
      %scan3A_79 = arith.constant 1 : i32
      scf.for %scan3A_81 = %scan3A_76 to %scan3A_78 step %scan3A_79  : i32 {
        %mul3A_82 = arith.constant 8 : i32
        %mul3A_83 = arith.muli %scan3A_81, %mul3A_82 : i32
        %add3A_84 = arith.constant 0 : i32
        %add3A_85 = arith.addi %mul3A_83, %add3A_84 : i32
        %dma_wait3A = arith.constant 0 : i32
        %dma_wait3A_86 = tpu.memref_slice %arg12[%add3A_85, %dma_wait3A] : memref<80x128xi32, #tpu.memory_space<vmem>> -> memref<1x128xi32, #tpu.memory_space<vmem>>
        %dma_wait3A_87 = tpu.memref_squeeze %dma_wait3A_86 : memref<1x128xi32, #tpu.memory_space<vmem>> -> memref<128xi32, #tpu.memory_space<vmem>>
        %dma_wait3A_88 = arith.constant 0 : i32
        %dma_wait3A_89 = arith.constant 0 : i32
        %dma_wait3A_90 = tpu.memref_slice %arg3[%dma_wait3A_88, %dma_wait3A_89] : memref<10240x48xf32, #tpu.memory_space<hbm>> -> memref<10240x48xf32, #tpu.memory_space<hbm>>
        tpu.wait_indirect_dma semaphore(%arg25 : memref<!tpu.dma_semaphore, #tpu.memory_space<semaphore_mem>>) src(%dma_wait3A_90 : memref<10240x48xf32, #tpu.memory_space<hbm>>) dst(%arg14 : memref<128x48xf32, #tpu.memory_space<vmem>>)
        "tpu.region"() ({
          %run_scoped3A = tpu.sem_alloc : memref<!tpu.dma_semaphore, #tpu.memory_space<semaphore_mem>>
          %dma_start3A_217 = arith.constant 0 : i32
          %dma_start3A_218 = tpu.memref_slice %arg13[%add3A_85, %dma_start3A_217] : memref<80x128xi32, #tpu.memory_space<vmem>> -> memref<1x128xi32, #tpu.memory_space<vmem>>
          %dma_start3A_219 = tpu.memref_squeeze %dma_start3A_218 : memref<1x128xi32, #tpu.memory_space<vmem>> -> memref<128xi32, #tpu.memory_space<vmem>>
          %dma_start3A_220 = arith.constant 0 : i32
          %dma_start3A_221 = arith.constant 0 : i32
          %dma_start3A_222 = tpu.memref_slice %arg24[%dma_start3A_220, %dma_start3A_221] : memref<10240x48xf32, #tpu.memory_space<vmem_shared>> -> memref<10240x48xf32, #tpu.memory_space<vmem_shared>>
          tpu.enqueue_indirect_dma source(%arg14 : memref<128x48xf32, #tpu.memory_space<vmem>>) target(%dma_start3A_222 : memref<10240x48xf32, #tpu.memory_space<vmem_shared>>) offsets(%dma_start3A_219 : memref<128xi32, #tpu.memory_space<vmem>>) semaphore(%run_scoped3A : memref<!tpu.dma_semaphore, #tpu.memory_space<semaphore_mem>>) {add = true}
          %dma_wait3A_223 = arith.constant 0 : i32
          %dma_wait3A_224 = tpu.memref_slice %arg13[%add3A_85, %dma_wait3A_223] : memref<80x128xi32, #tpu.memory_space<vmem>> -> memref<1x128xi32, #tpu.memory_space<vmem>>
          %dma_wait3A_225 = tpu.memref_squeeze %dma_wait3A_224 : memref<1x128xi32, #tpu.memory_space<vmem>> -> memref<128xi32, #tpu.memory_space<vmem>>
          %dma_wait3A_226 = arith.constant 0 : i32
          %dma_wait3A_227 = arith.constant 0 : i32
          %dma_wait3A_228 = tpu.memref_slice %arg24[%dma_wait3A_226, %dma_wait3A_227] : memref<10240x48xf32, #tpu.memory_space<vmem_shared>> -> memref<10240x48xf32, #tpu.memory_space<vmem_shared>>
          tpu.wait_indirect_dma semaphore(%run_scoped3A : memref<!tpu.dma_semaphore, #tpu.memory_space<semaphore_mem>>) src(%arg14 : memref<128x48xf32, #tpu.memory_space<vmem>>) dst(%dma_wait3A_228 : memref<10240x48xf32, #tpu.memory_space<vmem_shared>>)
          tpu.yield
        }) : () -> ()
        %add3A_91 = arith.constant 8 : i32
        %add3A_92 = arith.addi %add3A_85, %add3A_91 : i32
        %lt3A_93 = arith.constant 80 : i32
        %lt3A_94 = arith.cmpi slt, %add3A_92, %lt3A_93 : i32
        %convert_element_type3A_95 = arith.extui %lt3A_94 : i1 to i32
        %cond3A_96 = arith.constant 0 : i32
        %cond3A_97 = arith.cmpi ne, %convert_element_type3A_95, %cond3A_96 : i32
        scf.if %cond3A_97 {
          %dma_start3A_217 = arith.constant 0 : i32
          %dma_start3A_218 = tpu.memref_slice %arg12[%add3A_92, %dma_start3A_217] : memref<80x128xi32, #tpu.memory_space<vmem>> -> memref<1x128xi32, #tpu.memory_space<vmem>>
          %dma_start3A_219 = tpu.memref_squeeze %dma_start3A_218 : memref<1x128xi32, #tpu.memory_space<vmem>> -> memref<128xi32, #tpu.memory_space<vmem>>
          %dma_start3A_220 = arith.constant 0 : i32
          %dma_start3A_221 = arith.constant 0 : i32
          %dma_start3A_222 = tpu.memref_slice %arg3[%dma_start3A_220, %dma_start3A_221] : memref<10240x48xf32, #tpu.memory_space<hbm>> -> memref<10240x48xf32, #tpu.memory_space<hbm>>
          tpu.enqueue_indirect_dma source(%dma_start3A_222 : memref<10240x48xf32, #tpu.memory_space<hbm>>) target(%arg14 : memref<128x48xf32, #tpu.memory_space<vmem>>) offsets(%dma_start3A_219 : memref<128xi32, #tpu.memory_space<vmem>>) semaphore(%arg25 : memref<!tpu.dma_semaphore, #tpu.memory_space<semaphore_mem>>)
        } else {
        }
        %mul3A_98 = arith.constant 8 : i32
        %mul3A_99 = arith.muli %scan3A_81, %mul3A_98 : i32
        %add3A_100 = arith.constant 1 : i32
        %add3A_101 = arith.addi %mul3A_99, %add3A_100 : i32
        %dma_wait3A_102 = arith.constant 0 : i32
        %dma_wait3A_103 = tpu.memref_slice %arg12[%add3A_101, %dma_wait3A_102] : memref<80x128xi32, #tpu.memory_space<vmem>> -> memref<1x128xi32, #tpu.memory_space<vmem>>
        %dma_wait3A_104 = tpu.memref_squeeze %dma_wait3A_103 : memref<1x128xi32, #tpu.memory_space<vmem>> -> memref<128xi32, #tpu.memory_space<vmem>>
        %dma_wait3A_105 = arith.constant 0 : i32
        %dma_wait3A_106 = arith.constant 0 : i32
        %dma_wait3A_107 = tpu.memref_slice %arg3[%dma_wait3A_105, %dma_wait3A_106] : memref<10240x48xf32, #tpu.memory_space<hbm>> -> memref<10240x48xf32, #tpu.memory_space<hbm>>
        tpu.wait_indirect_dma semaphore(%arg26 : memref<!tpu.dma_semaphore, #tpu.memory_space<semaphore_mem>>) src(%dma_wait3A_107 : memref<10240x48xf32, #tpu.memory_space<hbm>>) dst(%arg15 : memref<128x48xf32, #tpu.memory_space<vmem>>)
        "tpu.region"() ({
          %run_scoped3A = tpu.sem_alloc : memref<!tpu.dma_semaphore, #tpu.memory_space<semaphore_mem>>
          %dma_start3A_217 = arith.constant 0 : i32
          %dma_start3A_218 = tpu.memref_slice %arg13[%add3A_101, %dma_start3A_217] : memref<80x128xi32, #tpu.memory_space<vmem>> -> memref<1x128xi32, #tpu.memory_space<vmem>>
          %dma_start3A_219 = tpu.memref_squeeze %dma_start3A_218 : memref<1x128xi32, #tpu.memory_space<vmem>> -> memref<128xi32, #tpu.memory_space<vmem>>
          %dma_start3A_220 = arith.constant 0 : i32
          %dma_start3A_221 = arith.constant 0 : i32
          %dma_start3A_222 = tpu.memref_slice %arg24[%dma_start3A_220, %dma_start3A_221] : memref<10240x48xf32, #tpu.memory_space<vmem_shared>> -> memref<10240x48xf32, #tpu.memory_space<vmem_shared>>
          tpu.enqueue_indirect_dma source(%arg15 : memref<128x48xf32, #tpu.memory_space<vmem>>) target(%dma_start3A_222 : memref<10240x48xf32, #tpu.memory_space<vmem_shared>>) offsets(%dma_start3A_219 : memref<128xi32, #tpu.memory_space<vmem>>) semaphore(%run_scoped3A : memref<!tpu.dma_semaphore, #tpu.memory_space<semaphore_mem>>) {add = true}
          %dma_wait3A_223 = arith.constant 0 : i32
          %dma_wait3A_224 = tpu.memref_slice %arg13[%add3A_101, %dma_wait3A_223] : memref<80x128xi32, #tpu.memory_space<vmem>> -> memref<1x128xi32, #tpu.memory_space<vmem>>
          %dma_wait3A_225 = tpu.memref_squeeze %dma_wait3A_224 : memref<1x128xi32, #tpu.memory_space<vmem>> -> memref<128xi32, #tpu.memory_space<vmem>>
          %dma_wait3A_226 = arith.constant 0 : i32
          %dma_wait3A_227 = arith.constant 0 : i32
          %dma_wait3A_228 = tpu.memref_slice %arg24[%dma_wait3A_226, %dma_wait3A_227] : memref<10240x48xf32, #tpu.memory_space<vmem_shared>> -> memref<10240x48xf32, #tpu.memory_space<vmem_shared>>
          tpu.wait_indirect_dma semaphore(%run_scoped3A : memref<!tpu.dma_semaphore, #tpu.memory_space<semaphore_mem>>) src(%arg15 : memref<128x48xf32, #tpu.memory_space<vmem>>) dst(%dma_wait3A_228 : memref<10240x48xf32, #tpu.memory_space<vmem_shared>>)
          tpu.yield
        }) : () -> ()
        %add3A_108 = arith.constant 8 : i32
        %add3A_109 = arith.addi %add3A_101, %add3A_108 : i32
        %lt3A_110 = arith.constant 80 : i32
        %lt3A_111 = arith.cmpi slt, %add3A_109, %lt3A_110 : i32
        %convert_element_type3A_112 = arith.extui %lt3A_111 : i1 to i32
        %cond3A_113 = arith.constant 0 : i32
        %cond3A_114 = arith.cmpi ne, %convert_element_type3A_112, %cond3A_113 : i32
        scf.if %cond3A_114 {
          %dma_start3A_217 = arith.constant 0 : i32
          %dma_start3A_218 = tpu.memref_slice %arg12[%add3A_109, %dma_start3A_217] : memref<80x128xi32, #tpu.memory_space<vmem>> -> memref<1x128xi32, #tpu.memory_space<vmem>>
          %dma_start3A_219 = tpu.memref_squeeze %dma_start3A_218 : memref<1x128xi32, #tpu.memory_space<vmem>> -> memref<128xi32, #tpu.memory_space<vmem>>
          %dma_start3A_220 = arith.constant 0 : i32
          %dma_start3A_221 = arith.constant 0 : i32
          %dma_start3A_222 = tpu.memref_slice %arg3[%dma_start3A_220, %dma_start3A_221] : memref<10240x48xf32, #tpu.memory_space<hbm>> -> memref<10240x48xf32, #tpu.memory_space<hbm>>
          tpu.enqueue_indirect_dma source(%dma_start3A_222 : memref<10240x48xf32, #tpu.memory_space<hbm>>) target(%arg15 : memref<128x48xf32, #tpu.memory_space<vmem>>) offsets(%dma_start3A_219 : memref<128xi32, #tpu.memory_space<vmem>>) semaphore(%arg26 : memref<!tpu.dma_semaphore, #tpu.memory_space<semaphore_mem>>)
        } else {
        }
        %mul3A_115 = arith.constant 8 : i32
        %mul3A_116 = arith.muli %scan3A_81, %mul3A_115 : i32
        %add3A_117 = arith.constant 2 : i32
        %add3A_118 = arith.addi %mul3A_116, %add3A_117 : i32
        %dma_wait3A_119 = arith.constant 0 : i32
        %dma_wait3A_120 = tpu.memref_slice %arg12[%add3A_118, %dma_wait3A_119] : memref<80x128xi32, #tpu.memory_space<vmem>> -> memref<1x128xi32, #tpu.memory_space<vmem>>
        %dma_wait3A_121 = tpu.memref_squeeze %dma_wait3A_120 : memref<1x128xi32, #tpu.memory_space<vmem>> -> memref<128xi32, #tpu.memory_space<vmem>>
        %dma_wait3A_122 = arith.constant 0 : i32
        %dma_wait3A_123 = arith.constant 0 : i32
        %dma_wait3A_124 = tpu.memref_slice %arg3[%dma_wait3A_122, %dma_wait3A_123] : memref<10240x48xf32, #tpu.memory_space<hbm>> -> memref<10240x48xf32, #tpu.memory_space<hbm>>
        tpu.wait_indirect_dma semaphore(%arg27 : memref<!tpu.dma_semaphore, #tpu.memory_space<semaphore_mem>>) src(%dma_wait3A_124 : memref<10240x48xf32, #tpu.memory_space<hbm>>) dst(%arg16 : memref<128x48xf32, #tpu.memory_space<vmem>>)
        "tpu.region"() ({
          %run_scoped3A = tpu.sem_alloc : memref<!tpu.dma_semaphore, #tpu.memory_space<semaphore_mem>>
          %dma_start3A_217 = arith.constant 0 : i32
          %dma_start3A_218 = tpu.memref_slice %arg13[%add3A_118, %dma_start3A_217] : memref<80x128xi32, #tpu.memory_space<vmem>> -> memref<1x128xi32, #tpu.memory_space<vmem>>
          %dma_start3A_219 = tpu.memref_squeeze %dma_start3A_218 : memref<1x128xi32, #tpu.memory_space<vmem>> -> memref<128xi32, #tpu.memory_space<vmem>>
          %dma_start3A_220 = arith.constant 0 : i32
          %dma_start3A_221 = arith.constant 0 : i32
          %dma_start3A_222 = tpu.memref_slice %arg24[%dma_start3A_220, %dma_start3A_221] : memref<10240x48xf32, #tpu.memory_space<vmem_shared>> -> memref<10240x48xf32, #tpu.memory_space<vmem_shared>>
          tpu.enqueue_indirect_dma source(%arg16 : memref<128x48xf32, #tpu.memory_space<vmem>>) target(%dma_start3A_222 : memref<10240x48xf32, #tpu.memory_space<vmem_shared>>) offsets(%dma_start3A_219 : memref<128xi32, #tpu.memory_space<vmem>>) semaphore(%run_scoped3A : memref<!tpu.dma_semaphore, #tpu.memory_space<semaphore_mem>>) {add = true}
          %dma_wait3A_223 = arith.constant 0 : i32
          %dma_wait3A_224 = tpu.memref_slice %arg13[%add3A_118, %dma_wait3A_223] : memref<80x128xi32, #tpu.memory_space<vmem>> -> memref<1x128xi32, #tpu.memory_space<vmem>>
          %dma_wait3A_225 = tpu.memref_squeeze %dma_wait3A_224 : memref<1x128xi32, #tpu.memory_space<vmem>> -> memref<128xi32, #tpu.memory_space<vmem>>
          %dma_wait3A_226 = arith.constant 0 : i32
          %dma_wait3A_227 = arith.constant 0 : i32
          %dma_wait3A_228 = tpu.memref_slice %arg24[%dma_wait3A_226, %dma_wait3A_227] : memref<10240x48xf32, #tpu.memory_space<vmem_shared>> -> memref<10240x48xf32, #tpu.memory_space<vmem_shared>>
          tpu.wait_indirect_dma semaphore(%run_scoped3A : memref<!tpu.dma_semaphore, #tpu.memory_space<semaphore_mem>>) src(%arg16 : memref<128x48xf32, #tpu.memory_space<vmem>>) dst(%dma_wait3A_228 : memref<10240x48xf32, #tpu.memory_space<vmem_shared>>)
          tpu.yield
        }) : () -> ()
        %add3A_125 = arith.constant 8 : i32
        %add3A_126 = arith.addi %add3A_118, %add3A_125 : i32
        %lt3A_127 = arith.constant 80 : i32
        %lt3A_128 = arith.cmpi slt, %add3A_126, %lt3A_127 : i32
        %convert_element_type3A_129 = arith.extui %lt3A_128 : i1 to i32
        %cond3A_130 = arith.constant 0 : i32
        %cond3A_131 = arith.cmpi ne, %convert_element_type3A_129, %cond3A_130 : i32
        scf.if %cond3A_131 {
          %dma_start3A_217 = arith.constant 0 : i32
          %dma_start3A_218 = tpu.memref_slice %arg12[%add3A_126, %dma_start3A_217] : memref<80x128xi32, #tpu.memory_space<vmem>> -> memref<1x128xi32, #tpu.memory_space<vmem>>
          %dma_start3A_219 = tpu.memref_squeeze %dma_start3A_218 : memref<1x128xi32, #tpu.memory_space<vmem>> -> memref<128xi32, #tpu.memory_space<vmem>>
          %dma_start3A_220 = arith.constant 0 : i32
          %dma_start3A_221 = arith.constant 0 : i32
          %dma_start3A_222 = tpu.memref_slice %arg3[%dma_start3A_220, %dma_start3A_221] : memref<10240x48xf32, #tpu.memory_space<hbm>> -> memref<10240x48xf32, #tpu.memory_space<hbm>>
          tpu.enqueue_indirect_dma source(%dma_start3A_222 : memref<10240x48xf32, #tpu.memory_space<hbm>>) target(%arg16 : memref<128x48xf32, #tpu.memory_space<vmem>>) offsets(%dma_start3A_219 : memref<128xi32, #tpu.memory_space<vmem>>) semaphore(%arg27 : memref<!tpu.dma_semaphore, #tpu.memory_space<semaphore_mem>>)
        } else {
        }
        %mul3A_132 = arith.constant 8 : i32
        %mul3A_133 = arith.muli %scan3A_81, %mul3A_132 : i32
        %add3A_134 = arith.constant 3 : i32
        %add3A_135 = arith.addi %mul3A_133, %add3A_134 : i32
        %dma_wait3A_136 = arith.constant 0 : i32
        %dma_wait3A_137 = tpu.memref_slice %arg12[%add3A_135, %dma_wait3A_136] : memref<80x128xi32, #tpu.memory_space<vmem>> -> memref<1x128xi32, #tpu.memory_space<vmem>>
        %dma_wait3A_138 = tpu.memref_squeeze %dma_wait3A_137 : memref<1x128xi32, #tpu.memory_space<vmem>> -> memref<128xi32, #tpu.memory_space<vmem>>
        %dma_wait3A_139 = arith.constant 0 : i32
        %dma_wait3A_140 = arith.constant 0 : i32
        %dma_wait3A_141 = tpu.memref_slice %arg3[%dma_wait3A_139, %dma_wait3A_140] : memref<10240x48xf32, #tpu.memory_space<hbm>> -> memref<10240x48xf32, #tpu.memory_space<hbm>>
        tpu.wait_indirect_dma semaphore(%arg28 : memref<!tpu.dma_semaphore, #tpu.memory_space<semaphore_mem>>) src(%dma_wait3A_141 : memref<10240x48xf32, #tpu.memory_space<hbm>>) dst(%arg17 : memref<128x48xf32, #tpu.memory_space<vmem>>)
        "tpu.region"() ({
          %run_scoped3A = tpu.sem_alloc : memref<!tpu.dma_semaphore, #tpu.memory_space<semaphore_mem>>
          %dma_start3A_217 = arith.constant 0 : i32
          %dma_start3A_218 = tpu.memref_slice %arg13[%add3A_135, %dma_start3A_217] : memref<80x128xi32, #tpu.memory_space<vmem>> -> memref<1x128xi32, #tpu.memory_space<vmem>>
          %dma_start3A_219 = tpu.memref_squeeze %dma_start3A_218 : memref<1x128xi32, #tpu.memory_space<vmem>> -> memref<128xi32, #tpu.memory_space<vmem>>
          %dma_start3A_220 = arith.constant 0 : i32
          %dma_start3A_221 = arith.constant 0 : i32
          %dma_start3A_222 = tpu.memref_slice %arg24[%dma_start3A_220, %dma_start3A_221] : memref<10240x48xf32, #tpu.memory_space<vmem_shared>> -> memref<10240x48xf32, #tpu.memory_space<vmem_shared>>
          tpu.enqueue_indirect_dma source(%arg17 : memref<128x48xf32, #tpu.memory_space<vmem>>) target(%dma_start3A_222 : memref<10240x48xf32, #tpu.memory_space<vmem_shared>>) offsets(%dma_start3A_219 : memref<128xi32, #tpu.memory_space<vmem>>) semaphore(%run_scoped3A : memref<!tpu.dma_semaphore, #tpu.memory_space<semaphore_mem>>) {add = true}
          %dma_wait3A_223 = arith.constant 0 : i32
          %dma_wait3A_224 = tpu.memref_slice %arg13[%add3A_135, %dma_wait3A_223] : memref<80x128xi32, #tpu.memory_space<vmem>> -> memref<1x128xi32, #tpu.memory_space<vmem>>
          %dma_wait3A_225 = tpu.memref_squeeze %dma_wait3A_224 : memref<1x128xi32, #tpu.memory_space<vmem>> -> memref<128xi32, #tpu.memory_space<vmem>>
          %dma_wait3A_226 = arith.constant 0 : i32
          %dma_wait3A_227 = arith.constant 0 : i32
          %dma_wait3A_228 = tpu.memref_slice %arg24[%dma_wait3A_226, %dma_wait3A_227] : memref<10240x48xf32, #tpu.memory_space<vmem_shared>> -> memref<10240x48xf32, #tpu.memory_space<vmem_shared>>
          tpu.wait_indirect_dma semaphore(%run_scoped3A : memref<!tpu.dma_semaphore, #tpu.memory_space<semaphore_mem>>) src(%arg17 : memref<128x48xf32, #tpu.memory_space<vmem>>) dst(%dma_wait3A_228 : memref<10240x48xf32, #tpu.memory_space<vmem_shared>>)
          tpu.yield
        }) : () -> ()
        %add3A_142 = arith.constant 8 : i32
        %add3A_143 = arith.addi %add3A_135, %add3A_142 : i32
        %lt3A_144 = arith.constant 80 : i32
        %lt3A_145 = arith.cmpi slt, %add3A_143, %lt3A_144 : i32
        %convert_element_type3A_146 = arith.extui %lt3A_145 : i1 to i32
        %cond3A_147 = arith.constant 0 : i32
        %cond3A_148 = arith.cmpi ne, %convert_element_type3A_146, %cond3A_147 : i32
        scf.if %cond3A_148 {
          %dma_start3A_217 = arith.constant 0 : i32
          %dma_start3A_218 = tpu.memref_slice %arg12[%add3A_143, %dma_start3A_217] : memref<80x128xi32, #tpu.memory_space<vmem>> -> memref<1x128xi32, #tpu.memory_space<vmem>>
          %dma_start3A_219 = tpu.memref_squeeze %dma_start3A_218 : memref<1x128xi32, #tpu.memory_space<vmem>> -> memref<128xi32, #tpu.memory_space<vmem>>
          %dma_start3A_220 = arith.constant 0 : i32
          %dma_start3A_221 = arith.constant 0 : i32
          %dma_start3A_222 = tpu.memref_slice %arg3[%dma_start3A_220, %dma_start3A_221] : memref<10240x48xf32, #tpu.memory_space<hbm>> -> memref<10240x48xf32, #tpu.memory_space<hbm>>
          tpu.enqueue_indirect_dma source(%dma_start3A_222 : memref<10240x48xf32, #tpu.memory_space<hbm>>) target(%arg17 : memref<128x48xf32, #tpu.memory_space<vmem>>) offsets(%dma_start3A_219 : memref<128xi32, #tpu.memory_space<vmem>>) semaphore(%arg28 : memref<!tpu.dma_semaphore, #tpu.memory_space<semaphore_mem>>)
        } else {
        }
        %mul3A_149 = arith.constant 8 : i32
        %mul3A_150 = arith.muli %scan3A_81, %mul3A_149 : i32
        %add3A_151 = arith.constant 4 : i32
        %add3A_152 = arith.addi %mul3A_150, %add3A_151 : i32
        %dma_wait3A_153 = arith.constant 0 : i32
        %dma_wait3A_154 = tpu.memref_slice %arg12[%add3A_152, %dma_wait3A_153] : memref<80x128xi32, #tpu.memory_space<vmem>> -> memref<1x128xi32, #tpu.memory_space<vmem>>
        %dma_wait3A_155 = tpu.memref_squeeze %dma_wait3A_154 : memref<1x128xi32, #tpu.memory_space<vmem>> -> memref<128xi32, #tpu.memory_space<vmem>>
        %dma_wait3A_156 = arith.constant 0 : i32
        %dma_wait3A_157 = arith.constant 0 : i32
        %dma_wait3A_158 = tpu.memref_slice %arg3[%dma_wait3A_156, %dma_wait3A_157] : memref<10240x48xf32, #tpu.memory_space<hbm>> -> memref<10240x48xf32, #tpu.memory_space<hbm>>
        tpu.wait_indirect_dma semaphore(%arg29 : memref<!tpu.dma_semaphore, #tpu.memory_space<semaphore_mem>>) src(%dma_wait3A_158 : memref<10240x48xf32, #tpu.memory_space<hbm>>) dst(%arg18 : memref<128x48xf32, #tpu.memory_space<vmem>>)
        "tpu.region"() ({
          %run_scoped3A = tpu.sem_alloc : memref<!tpu.dma_semaphore, #tpu.memory_space<semaphore_mem>>
          %dma_start3A_217 = arith.constant 0 : i32
          %dma_start3A_218 = tpu.memref_slice %arg13[%add3A_152, %dma_start3A_217] : memref<80x128xi32, #tpu.memory_space<vmem>> -> memref<1x128xi32, #tpu.memory_space<vmem>>
          %dma_start3A_219 = tpu.memref_squeeze %dma_start3A_218 : memref<1x128xi32, #tpu.memory_space<vmem>> -> memref<128xi32, #tpu.memory_space<vmem>>
          %dma_start3A_220 = arith.constant 0 : i32
          %dma_start3A_221 = arith.constant 0 : i32
          %dma_start3A_222 = tpu.memref_slice %arg24[%dma_start3A_220, %dma_start3A_221] : memref<10240x48xf32, #tpu.memory_space<vmem_shared>> -> memref<10240x48xf32, #tpu.memory_space<vmem_shared>>
          tpu.enqueue_indirect_dma source(%arg18 : memref<128x48xf32, #tpu.memory_space<vmem>>) target(%dma_start3A_222 : memref<10240x48xf32, #tpu.memory_space<vmem_shared>>) offsets(%dma_start3A_219 : memref<128xi32, #tpu.memory_space<vmem>>) semaphore(%run_scoped3A : memref<!tpu.dma_semaphore, #tpu.memory_space<semaphore_mem>>) {add = true}
          %dma_wait3A_223 = arith.constant 0 : i32
          %dma_wait3A_224 = tpu.memref_slice %arg13[%add3A_152, %dma_wait3A_223] : memref<80x128xi32, #tpu.memory_space<vmem>> -> memref<1x128xi32, #tpu.memory_space<vmem>>
          %dma_wait3A_225 = tpu.memref_squeeze %dma_wait3A_224 : memref<1x128xi32, #tpu.memory_space<vmem>> -> memref<128xi32, #tpu.memory_space<vmem>>
          %dma_wait3A_226 = arith.constant 0 : i32
          %dma_wait3A_227 = arith.constant 0 : i32
          %dma_wait3A_228 = tpu.memref_slice %arg24[%dma_wait3A_226, %dma_wait3A_227] : memref<10240x48xf32, #tpu.memory_space<vmem_shared>> -> memref<10240x48xf32, #tpu.memory_space<vmem_shared>>
          tpu.wait_indirect_dma semaphore(%run_scoped3A : memref<!tpu.dma_semaphore, #tpu.memory_space<semaphore_mem>>) src(%arg18 : memref<128x48xf32, #tpu.memory_space<vmem>>) dst(%dma_wait3A_228 : memref<10240x48xf32, #tpu.memory_space<vmem_shared>>)
          tpu.yield
        }) : () -> ()
        %add3A_159 = arith.constant 8 : i32
        %add3A_160 = arith.addi %add3A_152, %add3A_159 : i32
        %lt3A_161 = arith.constant 80 : i32
        %lt3A_162 = arith.cmpi slt, %add3A_160, %lt3A_161 : i32
        %convert_element_type3A_163 = arith.extui %lt3A_162 : i1 to i32
        %cond3A_164 = arith.constant 0 : i32
        %cond3A_165 = arith.cmpi ne, %convert_element_type3A_163, %cond3A_164 : i32
        scf.if %cond3A_165 {
          %dma_start3A_217 = arith.constant 0 : i32
          %dma_start3A_218 = tpu.memref_slice %arg12[%add3A_160, %dma_start3A_217] : memref<80x128xi32, #tpu.memory_space<vmem>> -> memref<1x128xi32, #tpu.memory_space<vmem>>
          %dma_start3A_219 = tpu.memref_squeeze %dma_start3A_218 : memref<1x128xi32, #tpu.memory_space<vmem>> -> memref<128xi32, #tpu.memory_space<vmem>>
          %dma_start3A_220 = arith.constant 0 : i32
          %dma_start3A_221 = arith.constant 0 : i32
          %dma_start3A_222 = tpu.memref_slice %arg3[%dma_start3A_220, %dma_start3A_221] : memref<10240x48xf32, #tpu.memory_space<hbm>> -> memref<10240x48xf32, #tpu.memory_space<hbm>>
          tpu.enqueue_indirect_dma source(%dma_start3A_222 : memref<10240x48xf32, #tpu.memory_space<hbm>>) target(%arg18 : memref<128x48xf32, #tpu.memory_space<vmem>>) offsets(%dma_start3A_219 : memref<128xi32, #tpu.memory_space<vmem>>) semaphore(%arg29 : memref<!tpu.dma_semaphore, #tpu.memory_space<semaphore_mem>>)
        } else {
        }
        %mul3A_166 = arith.constant 8 : i32
        %mul3A_167 = arith.muli %scan3A_81, %mul3A_166 : i32
        %add3A_168 = arith.constant 5 : i32
        %add3A_169 = arith.addi %mul3A_167, %add3A_168 : i32
        %dma_wait3A_170 = arith.constant 0 : i32
        %dma_wait3A_171 = tpu.memref_slice %arg12[%add3A_169, %dma_wait3A_170] : memref<80x128xi32, #tpu.memory_space<vmem>> -> memref<1x128xi32, #tpu.memory_space<vmem>>
        %dma_wait3A_172 = tpu.memref_squeeze %dma_wait3A_171 : memref<1x128xi32, #tpu.memory_space<vmem>> -> memref<128xi32, #tpu.memory_space<vmem>>
        %dma_wait3A_173 = arith.constant 0 : i32
        %dma_wait3A_174 = arith.constant 0 : i32
        %dma_wait3A_175 = tpu.memref_slice %arg3[%dma_wait3A_173, %dma_wait3A_174] : memref<10240x48xf32, #tpu.memory_space<hbm>> -> memref<10240x48xf32, #tpu.memory_space<hbm>>
        tpu.wait_indirect_dma semaphore(%arg30 : memref<!tpu.dma_semaphore, #tpu.memory_space<semaphore_mem>>) src(%dma_wait3A_175 : memref<10240x48xf32, #tpu.memory_space<hbm>>) dst(%arg19 : memref<128x48xf32, #tpu.memory_space<vmem>>)
        "tpu.region"() ({
          %run_scoped3A = tpu.sem_alloc : memref<!tpu.dma_semaphore, #tpu.memory_space<semaphore_mem>>
          %dma_start3A_217 = arith.constant 0 : i32
          %dma_start3A_218 = tpu.memref_slice %arg13[%add3A_169, %dma_start3A_217] : memref<80x128xi32, #tpu.memory_space<vmem>> -> memref<1x128xi32, #tpu.memory_space<vmem>>
          %dma_start3A_219 = tpu.memref_squeeze %dma_start3A_218 : memref<1x128xi32, #tpu.memory_space<vmem>> -> memref<128xi32, #tpu.memory_space<vmem>>
          %dma_start3A_220 = arith.constant 0 : i32
          %dma_start3A_221 = arith.constant 0 : i32
          %dma_start3A_222 = tpu.memref_slice %arg24[%dma_start3A_220, %dma_start3A_221] : memref<10240x48xf32, #tpu.memory_space<vmem_shared>> -> memref<10240x48xf32, #tpu.memory_space<vmem_shared>>
          tpu.enqueue_indirect_dma source(%arg19 : memref<128x48xf32, #tpu.memory_space<vmem>>) target(%dma_start3A_222 : memref<10240x48xf32, #tpu.memory_space<vmem_shared>>) offsets(%dma_start3A_219 : memref<128xi32, #tpu.memory_space<vmem>>) semaphore(%run_scoped3A : memref<!tpu.dma_semaphore, #tpu.memory_space<semaphore_mem>>) {add = true}
          %dma_wait3A_223 = arith.constant 0 : i32
          %dma_wait3A_224 = tpu.memref_slice %arg13[%add3A_169, %dma_wait3A_223] : memref<80x128xi32, #tpu.memory_space<vmem>> -> memref<1x128xi32, #tpu.memory_space<vmem>>
          %dma_wait3A_225 = tpu.memref_squeeze %dma_wait3A_224 : memref<1x128xi32, #tpu.memory_space<vmem>> -> memref<128xi32, #tpu.memory_space<vmem>>
          %dma_wait3A_226 = arith.constant 0 : i32
          %dma_wait3A_227 = arith.constant 0 : i32
          %dma_wait3A_228 = tpu.memref_slice %arg24[%dma_wait3A_226, %dma_wait3A_227] : memref<10240x48xf32, #tpu.memory_space<vmem_shared>> -> memref<10240x48xf32, #tpu.memory_space<vmem_shared>>
          tpu.wait_indirect_dma semaphore(%run_scoped3A : memref<!tpu.dma_semaphore, #tpu.memory_space<semaphore_mem>>) src(%arg19 : memref<128x48xf32, #tpu.memory_space<vmem>>) dst(%dma_wait3A_228 : memref<10240x48xf32, #tpu.memory_space<vmem_shared>>)
          tpu.yield
        }) : () -> ()
        %add3A_176 = arith.constant 8 : i32
        %add3A_177 = arith.addi %add3A_169, %add3A_176 : i32
        %lt3A_178 = arith.constant 80 : i32
        %lt3A_179 = arith.cmpi slt, %add3A_177, %lt3A_178 : i32
        %convert_element_type3A_180 = arith.extui %lt3A_179 : i1 to i32
        %cond3A_181 = arith.constant 0 : i32
        %cond3A_182 = arith.cmpi ne, %convert_element_type3A_180, %cond3A_181 : i32
        scf.if %cond3A_182 {
          %dma_start3A_217 = arith.constant 0 : i32
          %dma_start3A_218 = tpu.memref_slice %arg12[%add3A_177, %dma_start3A_217] : memref<80x128xi32, #tpu.memory_space<vmem>> -> memref<1x128xi32, #tpu.memory_space<vmem>>
          %dma_start3A_219 = tpu.memref_squeeze %dma_start3A_218 : memref<1x128xi32, #tpu.memory_space<vmem>> -> memref<128xi32, #tpu.memory_space<vmem>>
          %dma_start3A_220 = arith.constant 0 : i32
          %dma_start3A_221 = arith.constant 0 : i32
          %dma_start3A_222 = tpu.memref_slice %arg3[%dma_start3A_220, %dma_start3A_221] : memref<10240x48xf32, #tpu.memory_space<hbm>> -> memref<10240x48xf32, #tpu.memory_space<hbm>>
          tpu.enqueue_indirect_dma source(%dma_start3A_222 : memref<10240x48xf32, #tpu.memory_space<hbm>>) target(%arg19 : memref<128x48xf32, #tpu.memory_space<vmem>>) offsets(%dma_start3A_219 : memref<128xi32, #tpu.memory_space<vmem>>) semaphore(%arg30 : memref<!tpu.dma_semaphore, #tpu.memory_space<semaphore_mem>>)
        } else {
        }
        %mul3A_183 = arith.constant 8 : i32
        %mul3A_184 = arith.muli %scan3A_81, %mul3A_183 : i32
        %add3A_185 = arith.constant 6 : i32
        %add3A_186 = arith.addi %mul3A_184, %add3A_185 : i32
        %dma_wait3A_187 = arith.constant 0 : i32
        %dma_wait3A_188 = tpu.memref_slice %arg12[%add3A_186, %dma_wait3A_187] : memref<80x128xi32, #tpu.memory_space<vmem>> -> memref<1x128xi32, #tpu.memory_space<vmem>>
        %dma_wait3A_189 = tpu.memref_squeeze %dma_wait3A_188 : memref<1x128xi32, #tpu.memory_space<vmem>> -> memref<128xi32, #tpu.memory_space<vmem>>
        %dma_wait3A_190 = arith.constant 0 : i32
        %dma_wait3A_191 = arith.constant 0 : i32
        %dma_wait3A_192 = tpu.memref_slice %arg3[%dma_wait3A_190, %dma_wait3A_191] : memref<10240x48xf32, #tpu.memory_space<hbm>> -> memref<10240x48xf32, #tpu.memory_space<hbm>>
        tpu.wait_indirect_dma semaphore(%arg31 : memref<!tpu.dma_semaphore, #tpu.memory_space<semaphore_mem>>) src(%dma_wait3A_192 : memref<10240x48xf32, #tpu.memory_space<hbm>>) dst(%arg20 : memref<128x48xf32, #tpu.memory_space<vmem>>)
        "tpu.region"() ({
          %run_scoped3A = tpu.sem_alloc : memref<!tpu.dma_semaphore, #tpu.memory_space<semaphore_mem>>
          %dma_start3A_217 = arith.constant 0 : i32
          %dma_start3A_218 = tpu.memref_slice %arg13[%add3A_186, %dma_start3A_217] : memref<80x128xi32, #tpu.memory_space<vmem>> -> memref<1x128xi32, #tpu.memory_space<vmem>>
          %dma_start3A_219 = tpu.memref_squeeze %dma_start3A_218 : memref<1x128xi32, #tpu.memory_space<vmem>> -> memref<128xi32, #tpu.memory_space<vmem>>
          %dma_start3A_220 = arith.constant 0 : i32
          %dma_start3A_221 = arith.constant 0 : i32
          %dma_start3A_222 = tpu.memref_slice %arg24[%dma_start3A_220, %dma_start3A_221] : memref<10240x48xf32, #tpu.memory_space<vmem_shared>> -> memref<10240x48xf32, #tpu.memory_space<vmem_shared>>
          tpu.enqueue_indirect_dma source(%arg20 : memref<128x48xf32, #tpu.memory_space<vmem>>) target(%dma_start3A_222 : memref<10240x48xf32, #tpu.memory_space<vmem_shared>>) offsets(%dma_start3A_219 : memref<128xi32, #tpu.memory_space<vmem>>) semaphore(%run_scoped3A : memref<!tpu.dma_semaphore, #tpu.memory_space<semaphore_mem>>) {add = true}
          %dma_wait3A_223 = arith.constant 0 : i32
          %dma_wait3A_224 = tpu.memref_slice %arg13[%add3A_186, %dma_wait3A_223] : memref<80x128xi32, #tpu.memory_space<vmem>> -> memref<1x128xi32, #tpu.memory_space<vmem>>
          %dma_wait3A_225 = tpu.memref_squeeze %dma_wait3A_224 : memref<1x128xi32, #tpu.memory_space<vmem>> -> memref<128xi32, #tpu.memory_space<vmem>>
          %dma_wait3A_226 = arith.constant 0 : i32
          %dma_wait3A_227 = arith.constant 0 : i32
          %dma_wait3A_228 = tpu.memref_slice %arg24[%dma_wait3A_226, %dma_wait3A_227] : memref<10240x48xf32, #tpu.memory_space<vmem_shared>> -> memref<10240x48xf32, #tpu.memory_space<vmem_shared>>
          tpu.wait_indirect_dma semaphore(%run_scoped3A : memref<!tpu.dma_semaphore, #tpu.memory_space<semaphore_mem>>) src(%arg20 : memref<128x48xf32, #tpu.memory_space<vmem>>) dst(%dma_wait3A_228 : memref<10240x48xf32, #tpu.memory_space<vmem_shared>>)
          tpu.yield
        }) : () -> ()
        %add3A_193 = arith.constant 8 : i32
        %add3A_194 = arith.addi %add3A_186, %add3A_193 : i32
        %lt3A_195 = arith.constant 80 : i32
        %lt3A_196 = arith.cmpi slt, %add3A_194, %lt3A_195 : i32
        %convert_element_type3A_197 = arith.extui %lt3A_196 : i1 to i32
        %cond3A_198 = arith.constant 0 : i32
        %cond3A_199 = arith.cmpi ne, %convert_element_type3A_197, %cond3A_198 : i32
        scf.if %cond3A_199 {
          %dma_start3A_217 = arith.constant 0 : i32
          %dma_start3A_218 = tpu.memref_slice %arg12[%add3A_194, %dma_start3A_217] : memref<80x128xi32, #tpu.memory_space<vmem>> -> memref<1x128xi32, #tpu.memory_space<vmem>>
          %dma_start3A_219 = tpu.memref_squeeze %dma_start3A_218 : memref<1x128xi32, #tpu.memory_space<vmem>> -> memref<128xi32, #tpu.memory_space<vmem>>
          %dma_start3A_220 = arith.constant 0 : i32
          %dma_start3A_221 = arith.constant 0 : i32
          %dma_start3A_222 = tpu.memref_slice %arg3[%dma_start3A_220, %dma_start3A_221] : memref<10240x48xf32, #tpu.memory_space<hbm>> -> memref<10240x48xf32, #tpu.memory_space<hbm>>
          tpu.enqueue_indirect_dma source(%dma_start3A_222 : memref<10240x48xf32, #tpu.memory_space<hbm>>) target(%arg20 : memref<128x48xf32, #tpu.memory_space<vmem>>) offsets(%dma_start3A_219 : memref<128xi32, #tpu.memory_space<vmem>>) semaphore(%arg31 : memref<!tpu.dma_semaphore, #tpu.memory_space<semaphore_mem>>)
        } else {
        }
        %mul3A_200 = arith.constant 8 : i32
        %mul3A_201 = arith.muli %scan3A_81, %mul3A_200 : i32
        %add3A_202 = arith.constant 7 : i32
        %add3A_203 = arith.addi %mul3A_201, %add3A_202 : i32
        %dma_wait3A_204 = arith.constant 0 : i32
        %dma_wait3A_205 = tpu.memref_slice %arg12[%add3A_203, %dma_wait3A_204] : memref<80x128xi32, #tpu.memory_space<vmem>> -> memref<1x128xi32, #tpu.memory_space<vmem>>
        %dma_wait3A_206 = tpu.memref_squeeze %dma_wait3A_205 : memref<1x128xi32, #tpu.memory_space<vmem>> -> memref<128xi32, #tpu.memory_space<vmem>>
        %dma_wait3A_207 = arith.constant 0 : i32
        %dma_wait3A_208 = arith.constant 0 : i32
        %dma_wait3A_209 = tpu.memref_slice %arg3[%dma_wait3A_207, %dma_wait3A_208] : memref<10240x48xf32, #tpu.memory_space<hbm>> -> memref<10240x48xf32, #tpu.memory_space<hbm>>
        tpu.wait_indirect_dma semaphore(%arg32 : memref<!tpu.dma_semaphore, #tpu.memory_space<semaphore_mem>>) src(%dma_wait3A_209 : memref<10240x48xf32, #tpu.memory_space<hbm>>) dst(%arg21 : memref<128x48xf32, #tpu.memory_space<vmem>>)
        "tpu.region"() ({
          %run_scoped3A = tpu.sem_alloc : memref<!tpu.dma_semaphore, #tpu.memory_space<semaphore_mem>>
          %dma_start3A_217 = arith.constant 0 : i32
          %dma_start3A_218 = tpu.memref_slice %arg13[%add3A_203, %dma_start3A_217] : memref<80x128xi32, #tpu.memory_space<vmem>> -> memref<1x128xi32, #tpu.memory_space<vmem>>
          %dma_start3A_219 = tpu.memref_squeeze %dma_start3A_218 : memref<1x128xi32, #tpu.memory_space<vmem>> -> memref<128xi32, #tpu.memory_space<vmem>>
          %dma_start3A_220 = arith.constant 0 : i32
          %dma_start3A_221 = arith.constant 0 : i32
          %dma_start3A_222 = tpu.memref_slice %arg24[%dma_start3A_220, %dma_start3A_221] : memref<10240x48xf32, #tpu.memory_space<vmem_shared>> -> memref<10240x48xf32, #tpu.memory_space<vmem_shared>>
          tpu.enqueue_indirect_dma source(%arg21 : memref<128x48xf32, #tpu.memory_space<vmem>>) target(%dma_start3A_222 : memref<10240x48xf32, #tpu.memory_space<vmem_shared>>) offsets(%dma_start3A_219 : memref<128xi32, #tpu.memory_space<vmem>>) semaphore(%run_scoped3A : memref<!tpu.dma_semaphore, #tpu.memory_space<semaphore_mem>>) {add = true}
          %dma_wait3A_223 = arith.constant 0 : i32
          %dma_wait3A_224 = tpu.memref_slice %arg13[%add3A_203, %dma_wait3A_223] : memref<80x128xi32, #tpu.memory_space<vmem>> -> memref<1x128xi32, #tpu.memory_space<vmem>>
          %dma_wait3A_225 = tpu.memref_squeeze %dma_wait3A_224 : memref<1x128xi32, #tpu.memory_space<vmem>> -> memref<128xi32, #tpu.memory_space<vmem>>
          %dma_wait3A_226 = arith.constant 0 : i32
          %dma_wait3A_227 = arith.constant 0 : i32
          %dma_wait3A_228 = tpu.memref_slice %arg24[%dma_wait3A_226, %dma_wait3A_227] : memref<10240x48xf32, #tpu.memory_space<vmem_shared>> -> memref<10240x48xf32, #tpu.memory_space<vmem_shared>>
          tpu.wait_indirect_dma semaphore(%run_scoped3A : memref<!tpu.dma_semaphore, #tpu.memory_space<semaphore_mem>>) src(%arg21 : memref<128x48xf32, #tpu.memory_space<vmem>>) dst(%dma_wait3A_228 : memref<10240x48xf32, #tpu.memory_space<vmem_shared>>)
          tpu.yield
        }) : () -> ()
        %add3A_210 = arith.constant 8 : i32
        %add3A_211 = arith.addi %add3A_203, %add3A_210 : i32
        %lt3A_212 = arith.constant 80 : i32
        %lt3A_213 = arith.cmpi slt, %add3A_211, %lt3A_212 : i32
        %convert_element_type3A_214 = arith.extui %lt3A_213 : i1 to i32
        %cond3A_215 = arith.constant 0 : i32
        %cond3A_216 = arith.cmpi ne, %convert_element_type3A_214, %cond3A_215 : i32
        scf.if %cond3A_216 {
          %dma_start3A_217 = arith.constant 0 : i32
          %dma_start3A_218 = tpu.memref_slice %arg12[%add3A_211, %dma_start3A_217] : memref<80x128xi32, #tpu.memory_space<vmem>> -> memref<1x128xi32, #tpu.memory_space<vmem>>
          %dma_start3A_219 = tpu.memref_squeeze %dma_start3A_218 : memref<1x128xi32, #tpu.memory_space<vmem>> -> memref<128xi32, #tpu.memory_space<vmem>>
          %dma_start3A_220 = arith.constant 0 : i32
          %dma_start3A_221 = arith.constant 0 : i32
          %dma_start3A_222 = tpu.memref_slice %arg3[%dma_start3A_220, %dma_start3A_221] : memref<10240x48xf32, #tpu.memory_space<hbm>> -> memref<10240x48xf32, #tpu.memory_space<hbm>>
          tpu.enqueue_indirect_dma source(%dma_start3A_222 : memref<10240x48xf32, #tpu.memory_space<hbm>>) target(%arg21 : memref<128x48xf32, #tpu.memory_space<vmem>>) offsets(%dma_start3A_219 : memref<128xi32, #tpu.memory_space<vmem>>) semaphore(%arg32 : memref<!tpu.dma_semaphore, #tpu.memory_space<semaphore_mem>>)
        } else {
        }
      }
      %scan3A_80 = arith.constant 10 : i32
    } else {
    }
    %mul3A_8 = arith.constant 16 : i32
    %mul3A_9 = arith.muli %arg0, %mul3A_8 : i32
    %add3A = arith.addi %mul3A_9, %arg1 : i32
    "tpu.region"() ({
      %run_scoped3A = tpu.sem_alloc : memref<!tpu.dma_semaphore, #tpu.memory_space<semaphore_mem>>
      tpu.enqueue_dma source(%arg10 : memref<128x48xf32, #tpu.memory_space<hbm>>) target(%arg23 : memref<128x48xf32, #tpu.memory_space<vmem>>) target_semaphore(%run_scoped3A : memref<!tpu.dma_semaphore, #tpu.memory_space<semaphore_mem>>)
      tpu.wait_dma2 semaphore(%run_scoped3A : memref<!tpu.dma_semaphore, #tpu.memory_space<semaphore_mem>>) src(%arg10 : memref<128x48xf32, #tpu.memory_space<hbm>>) dst(%arg23 : memref<128x48xf32, #tpu.memory_space<vmem>>)
      tpu.yield
    }) : () -> ()
    "tpu.region"() ({
      %run_scoped3A = tpu.sem_alloc : memref<!tpu.dma_semaphore, #tpu.memory_space<semaphore_mem>>
      tpu.enqueue_dma source(%arg8 : memref<40x128xi32, #tpu.memory_space<hbm>>) target(%arg22 : memref<40x128xi32, #tpu.memory_space<vmem>>) target_semaphore(%run_scoped3A : memref<!tpu.dma_semaphore, #tpu.memory_space<semaphore_mem>>)
      tpu.wait_dma2 semaphore(%run_scoped3A : memref<!tpu.dma_semaphore, #tpu.memory_space<semaphore_mem>>) src(%arg8 : memref<40x128xi32, #tpu.memory_space<hbm>>) dst(%arg22 : memref<40x128xi32, #tpu.memory_space<vmem>>)
      tpu.yield
    }) : () -> ()
    "tpu.region"() ({
      %run_scoped3A = tpu.sem_alloc : memref<!tpu.dma_semaphore, #tpu.memory_space<semaphore_mem>>
      %dma_start3A = arith.constant 0 : i32
      %dma_start3A_21 = tpu.memref_slice %arg22[%add3A, %dma_start3A] : memref<40x128xi32, #tpu.memory_space<vmem>> -> memref<1x128xi32, #tpu.memory_space<vmem>>
      %dma_start3A_22 = tpu.memref_squeeze %dma_start3A_21 : memref<1x128xi32, #tpu.memory_space<vmem>> -> memref<128xi32, #tpu.memory_space<vmem>>
      %dma_start3A_23 = arith.constant 0 : i32
      %dma_start3A_24 = arith.constant 0 : i32
      %dma_start3A_25 = tpu.memref_slice %arg24[%dma_start3A_23, %dma_start3A_24] : memref<10240x48xf32, #tpu.memory_space<vmem_shared>> -> memref<10240x48xf32, #tpu.memory_space<vmem_shared>>
      tpu.enqueue_indirect_dma source(%arg23 : memref<128x48xf32, #tpu.memory_space<vmem>>) target(%dma_start3A_25 : memref<10240x48xf32, #tpu.memory_space<vmem_shared>>) offsets(%dma_start3A_22 : memref<128xi32, #tpu.memory_space<vmem>>) semaphore(%run_scoped3A : memref<!tpu.dma_semaphore, #tpu.memory_space<semaphore_mem>>) {add = true}
      %dma_wait3A = arith.constant 0 : i32
      %dma_wait3A_26 = tpu.memref_slice %arg22[%add3A, %dma_wait3A] : memref<40x128xi32, #tpu.memory_space<vmem>> -> memref<1x128xi32, #tpu.memory_space<vmem>>
      %dma_wait3A_27 = tpu.memref_squeeze %dma_wait3A_26 : memref<1x128xi32, #tpu.memory_space<vmem>> -> memref<128xi32, #tpu.memory_space<vmem>>
      %dma_wait3A_28 = arith.constant 0 : i32
      %dma_wait3A_29 = arith.constant 0 : i32
      %dma_wait3A_30 = tpu.memref_slice %arg24[%dma_wait3A_28, %dma_wait3A_29] : memref<10240x48xf32, #tpu.memory_space<vmem_shared>> -> memref<10240x48xf32, #tpu.memory_space<vmem_shared>>
      tpu.wait_indirect_dma semaphore(%run_scoped3A : memref<!tpu.dma_semaphore, #tpu.memory_space<semaphore_mem>>) src(%arg23 : memref<128x48xf32, #tpu.memory_space<vmem>>) dst(%dma_wait3A_30 : memref<10240x48xf32, #tpu.memory_space<vmem_shared>>)
      tpu.yield
    }) : () -> ()
    %add3A_10 = arith.constant 32 : i32
    %add3A_11 = arith.addi %add3A, %add3A_10 : i32
    %lt3A = arith.constant 40 : i32
    %lt3A_12 = arith.cmpi slt, %add3A_11, %lt3A : i32
    %convert_element_type3A_13 = arith.extui %lt3A_12 : i1 to i32
    %cond3A_14 = arith.constant 0 : i32
    %cond3A_15 = arith.cmpi ne, %convert_element_type3A_13, %cond3A_14 : i32
    scf.if %cond3A_15 {
      %add3A_21 = arith.constant 32 : i32
      %add3A_22 = arith.addi %add3A, %add3A_21 : i32
      "tpu.region"() ({
        %run_scoped3A = tpu.sem_alloc : memref<!tpu.dma_semaphore, #tpu.memory_space<semaphore_mem>>
        %dma_start3A = arith.constant 0 : i32
        %dma_start3A_23 = tpu.memref_slice %arg22[%add3A_22, %dma_start3A] : memref<40x128xi32, #tpu.memory_space<vmem>> -> memref<1x128xi32, #tpu.memory_space<vmem>>
        %dma_start3A_24 = tpu.memref_squeeze %dma_start3A_23 : memref<1x128xi32, #tpu.memory_space<vmem>> -> memref<128xi32, #tpu.memory_space<vmem>>
        %dma_start3A_25 = arith.constant 0 : i32
        %dma_start3A_26 = arith.constant 0 : i32
        %dma_start3A_27 = tpu.memref_slice %arg24[%dma_start3A_25, %dma_start3A_26] : memref<10240x48xf32, #tpu.memory_space<vmem_shared>> -> memref<10240x48xf32, #tpu.memory_space<vmem_shared>>
        tpu.enqueue_indirect_dma source(%arg23 : memref<128x48xf32, #tpu.memory_space<vmem>>) target(%dma_start3A_27 : memref<10240x48xf32, #tpu.memory_space<vmem_shared>>) offsets(%dma_start3A_24 : memref<128xi32, #tpu.memory_space<vmem>>) semaphore(%run_scoped3A : memref<!tpu.dma_semaphore, #tpu.memory_space<semaphore_mem>>) {add = true}
        %dma_wait3A = arith.constant 0 : i32
        %dma_wait3A_28 = tpu.memref_slice %arg22[%add3A_22, %dma_wait3A] : memref<40x128xi32, #tpu.memory_space<vmem>> -> memref<1x128xi32, #tpu.memory_space<vmem>>
        %dma_wait3A_29 = tpu.memref_squeeze %dma_wait3A_28 : memref<1x128xi32, #tpu.memory_space<vmem>> -> memref<128xi32, #tpu.memory_space<vmem>>
        %dma_wait3A_30 = arith.constant 0 : i32
        %dma_wait3A_31 = arith.constant 0 : i32
        %dma_wait3A_32 = tpu.memref_slice %arg24[%dma_wait3A_30, %dma_wait3A_31] : memref<10240x48xf32, #tpu.memory_space<vmem_shared>> -> memref<10240x48xf32, #tpu.memory_space<vmem_shared>>
        tpu.wait_indirect_dma semaphore(%run_scoped3A : memref<!tpu.dma_semaphore, #tpu.memory_space<semaphore_mem>>) src(%arg23 : memref<128x48xf32, #tpu.memory_space<vmem>>) dst(%dma_wait3A_32 : memref<10240x48xf32, #tpu.memory_space<vmem_shared>>)
        tpu.yield
      }) : () -> ()
    } else {
    }
    %barrier3A_16 = arith.constant 0 : index
    tpu.barrier barrier_id(%barrier3A_16)
    %mul3A_17 = arith.constant 640 : i32
    %mul3A_18 = arith.muli %arg1, %mul3A_17 : i32
    %mul3A_19 = arith.constant 640 : i32
    %mul3A_20 = arith.muli %arg1, %mul3A_19 : i32
    "tpu.region"() ({
      %run_scoped3A = tpu.sem_alloc : memref<!tpu.dma_semaphore, #tpu.memory_space<semaphore_mem>>
      %dma_start3A = arith.constant 0 : i32
      %dma_start3A_21 = arith.constant 0 : i32
      %dma_start3A_22 = tpu.memref_slice %arg11[%arg0, %dma_start3A, %dma_start3A_21] : memref<2x10240x48xf32, #tpu.memory_space<hbm>> -> memref<1x10240x48xf32, #tpu.memory_space<hbm>>
      %dma_start3A_23 = tpu.memref_squeeze %dma_start3A_22 : memref<1x10240x48xf32, #tpu.memory_space<hbm>> -> memref<10240x48xf32, #tpu.memory_space<hbm>>
      %dma_start3A_24 = arith.constant 0 : i32
      %dma_start3A_25 = tpu.memref_slice %dma_start3A_23[%mul3A_20, %dma_start3A_24] : memref<10240x48xf32, #tpu.memory_space<hbm>> -> memref<640x48xf32, #tpu.memory_space<hbm>>
      %dma_start3A_26 = arith.constant 0 : i32
      %dma_start3A_27 = tpu.memref_slice %arg24[%mul3A_18, %dma_start3A_26] : memref<10240x48xf32, #tpu.memory_space<vmem_shared>> -> memref<640x48xf32, #tpu.memory_space<vmem_shared>>
      tpu.enqueue_dma source(%dma_start3A_27 : memref<640x48xf32, #tpu.memory_space<vmem_shared>>) target(%dma_start3A_25 : memref<640x48xf32, #tpu.memory_space<hbm>>) target_semaphore(%run_scoped3A : memref<!tpu.dma_semaphore, #tpu.memory_space<semaphore_mem>>)
      %dma_wait3A = arith.constant 0 : i32
      %dma_wait3A_28 = arith.constant 0 : i32
      %dma_wait3A_29 = tpu.memref_slice %arg11[%arg0, %dma_wait3A, %dma_wait3A_28] : memref<2x10240x48xf32, #tpu.memory_space<hbm>> -> memref<1x10240x48xf32, #tpu.memory_space<hbm>>
      %dma_wait3A_30 = tpu.memref_squeeze %dma_wait3A_29 : memref<1x10240x48xf32, #tpu.memory_space<hbm>> -> memref<10240x48xf32, #tpu.memory_space<hbm>>
      %dma_wait3A_31 = arith.constant 0 : i32
      %dma_wait3A_32 = tpu.memref_slice %dma_wait3A_30[%mul3A_20, %dma_wait3A_31] : memref<10240x48xf32, #tpu.memory_space<hbm>> -> memref<640x48xf32, #tpu.memory_space<hbm>>
      %dma_wait3A_33 = arith.constant 0 : i32
      %dma_wait3A_34 = tpu.memref_slice %arg24[%mul3A_18, %dma_wait3A_33] : memref<10240x48xf32, #tpu.memory_space<vmem_shared>> -> memref<640x48xf32, #tpu.memory_space<vmem_shared>>
      tpu.wait_dma2 semaphore(%run_scoped3A : memref<!tpu.dma_semaphore, #tpu.memory_space<semaphore_mem>>) src(%dma_wait3A_34 : memref<640x48xf32, #tpu.memory_space<vmem_shared>>) dst(%dma_wait3A_32 : memref<640x48xf32, #tpu.memory_space<hbm>>)
      tpu.yield
    }) : () -> ()
    return
  }
}

#map = affine_map<(d0, d1) -> (0, 0)>
#map1 = affine_map<(d0, d1) -> (0, 0, 0)>
module attributes {stable_mosaic.version = 14 : i64} {
  func.func @_sc_segsum(%arg0: i32, %arg1: i32, %arg2: memref<10240x48xf32, #tpu.memory_space<hbm>>, %arg3: memref<10240x48xf32, #tpu.memory_space<hbm>>, %arg4: memref<16x80x128xi32, #tpu.memory_space<hbm>>, %arg5: memref<16x80x128xi32, #tpu.memory_space<hbm>>, %arg6: memref<16x80x128xi32, #tpu.memory_space<hbm>>, %arg7: memref<16x80x128xi32, #tpu.memory_space<hbm>>, %arg8: memref<40x128xi32, #tpu.memory_space<hbm>>, %arg9: memref<640x48xf32, #tpu.memory_space<hbm>>, %arg10: memref<128x48xf32, #tpu.memory_space<hbm>>, %arg11: memref<2x10240x48xf32, #tpu.memory_space<hbm>>, %arg12: memref<80x128xi32, #tpu.memory_space<vmem>>, %arg13: memref<80x128xi32, #tpu.memory_space<vmem>>, %arg14: memref<128x48xf32, #tpu.memory_space<vmem>>, %arg15: memref<128x48xf32, #tpu.memory_space<vmem>>, %arg16: memref<128x48xf32, #tpu.memory_space<vmem>>, %arg17: memref<128x48xf32, #tpu.memory_space<vmem>>, %arg18: memref<128x48xf32, #tpu.memory_space<vmem>>, %arg19: memref<128x48xf32, #tpu.memory_space<vmem>>, %arg20: memref<128x48xf32, #tpu.memory_space<vmem>>, %arg21: memref<128x48xf32, #tpu.memory_space<vmem>>, %arg22: memref<40x128xi32, #tpu.memory_space<vmem>>, %arg23: memref<128x48xf32, #tpu.memory_space<vmem>>, %arg24: memref<10240x48xf32, #tpu.memory_space<vmem_shared>>, %arg25: memref<!tpu.dma_semaphore, #tpu.memory_space<semaphore_mem>>, %arg26: memref<!tpu.dma_semaphore, #tpu.memory_space<semaphore_mem>>, %arg27: memref<!tpu.dma_semaphore, #tpu.memory_space<semaphore_mem>>, %arg28: memref<!tpu.dma_semaphore, #tpu.memory_space<semaphore_mem>>, %arg29: memref<!tpu.dma_semaphore, #tpu.memory_space<semaphore_mem>>, %arg30: memref<!tpu.dma_semaphore, #tpu.memory_space<semaphore_mem>>, %arg31: memref<!tpu.dma_semaphore, #tpu.memory_space<semaphore_mem>>, %arg32: memref<!tpu.dma_semaphore, #tpu.memory_space<semaphore_mem>>, %arg33: memref<!tpu.dma_semaphore, #tpu.memory_space<semaphore_mem>>, %arg34: memref<!tpu.dma_semaphore, #tpu.memory_space<semaphore_mem>>, %arg35: memref<!tpu.dma_semaphore, #tpu.memory_space<semaphore_mem>>, %arg36: memref<!tpu.dma_semaphore, #tpu.memory_space<semaphore_mem>>, %arg37: memref<!tpu.dma_semaphore, #tpu.memory_space<semaphore_mem>>, %arg38: memref<!tpu.dma_semaphore, #tpu.memory_space<semaphore_mem>>, %arg39: memref<!tpu.dma_semaphore, #tpu.memory_space<semaphore_mem>>, %arg40: memref<!tpu.dma_semaphore, #tpu.memory_space<semaphore_mem>>) attributes {dimension_semantics = [#tpu.dimension_semantics<core_parallel>, #tpu.dimension_semantics<subcore_parallel>], iteration_bounds = array<i64: 2, 16>, scalar_prefetch = 0 : i64, scratch_operands = 29 : i64, tpu.core_type = #tpu.core_type<sc_vector_subcore>, window_params = [{transform_indices = #map}, {transform_indices = #map}, {transform_indices = #map1}, {transform_indices = #map1}, {transform_indices = #map1}, {transform_indices = #map1}, {transform_indices = #map}, {transform_indices = #map}, {transform_indices = #map}, {transform_indices = #map1}]} {
    %mul3A = arith.constant 640 : i32
    %mul3A_0 = arith.muli %arg1, %mul3A : i32
    "tpu.region"() ({
      %run_scoped3A = tpu.sem_alloc : memref<!tpu.dma_semaphore, #tpu.memory_space<semaphore_mem>>
      %dma_start3A = arith.constant 0 : i32
      %dma_start3A_21 = tpu.memref_slice %arg24[%mul3A_0, %dma_start3A] : memref<10240x48xf32, #tpu.memory_space<vmem_shared>> -> memref<640x48xf32, #tpu.memory_space<vmem_shared>>
      tpu.enqueue_dma source(%arg9 : memref<640x48xf32, #tpu.memory_space<hbm>>) target(%dma_start3A_21 : memref<640x48xf32, #tpu.memory_space<vmem_shared>>) target_semaphore(%run_scoped3A : memref<!tpu.dma_semaphore, #tpu.memory_space<semaphore_mem>>)
      %dma_wait3A = arith.constant 0 : i32
      %dma_wait3A_22 = tpu.memref_slice %arg24[%mul3A_0, %dma_wait3A] : memref<10240x48xf32, #tpu.memory_space<vmem_shared>> -> memref<640x48xf32, #tpu.memory_space<vmem_shared>>
      tpu.wait_dma2 semaphore(%run_scoped3A : memref<!tpu.dma_semaphore, #tpu.memory_space<semaphore_mem>>) src(%arg9 : memref<640x48xf32, #tpu.memory_space<hbm>>) dst(%dma_wait3A_22 : memref<640x48xf32, #tpu.memory_space<vmem_shared>>)
      tpu.yield
    }) : () -> ()
    %barrier3A = arith.constant 0 : index
    tpu.barrier barrier_id(%barrier3A)
    %eq3A = arith.constant 0 : i32
    %eq3A_1 = arith.cmpi eq, %arg0, %eq3A : i32
    %convert_element_type3A = arith.extui %eq3A_1 : i1 to i32
    %cond3A = arith.constant 0 : i32
    %cond3A_2 = arith.cmpi ne, %convert_element_type3A, %cond3A : i32
    scf.if %cond3A_2 {
      "tpu.region"() ({
        %run_scoped3A = tpu.sem_alloc : memref<!tpu.dma_semaphore, #tpu.memory_space<semaphore_mem>>
        %dma_start3A_81 = arith.constant 0 : i32
        %dma_start3A_82 = arith.constant 0 : i32
        %dma_start3A_83 = tpu.memref_slice %arg4[%arg1, %dma_start3A_81, %dma_start3A_82] : memref<16x80x128xi32, #tpu.memory_space<hbm>> -> memref<1x80x128xi32, #tpu.memory_space<hbm>>
        %dma_start3A_84 = tpu.memref_squeeze %dma_start3A_83 : memref<1x80x128xi32, #tpu.memory_space<hbm>> -> memref<80x128xi32, #tpu.memory_space<hbm>>
        %dma_start3A_85 = arith.constant 0 : i32
        %dma_start3A_86 = arith.constant 0 : i32
        %dma_start3A_87 = tpu.memref_slice %arg4[%arg1, %dma_start3A_85, %dma_start3A_86] : memref<16x80x128xi32, #tpu.memory_space<hbm>> -> memref<1x80x128xi32, #tpu.memory_space<hbm>>
        %dma_start3A_88 = tpu.memref_squeeze %dma_start3A_87 : memref<1x80x128xi32, #tpu.memory_space<hbm>> -> memref<80x128xi32, #tpu.memory_space<hbm>>
        tpu.enqueue_dma source(%dma_start3A_88 : memref<80x128xi32, #tpu.memory_space<hbm>>) target(%arg12 : memref<80x128xi32, #tpu.memory_space<vmem>>) target_semaphore(%run_scoped3A : memref<!tpu.dma_semaphore, #tpu.memory_space<semaphore_mem>>)
        %dma_wait3A = arith.constant 0 : i32
        %dma_wait3A_89 = arith.constant 0 : i32
        %dma_wait3A_90 = tpu.memref_slice %arg4[%arg1, %dma_wait3A, %dma_wait3A_89] : memref<16x80x128xi32, #tpu.memory_space<hbm>> -> memref<1x80x128xi32, #tpu.memory_space<hbm>>
        %dma_wait3A_91 = tpu.memref_squeeze %dma_wait3A_90 : memref<1x80x128xi32, #tpu.memory_space<hbm>> -> memref<80x128xi32, #tpu.memory_space<hbm>>
        %dma_wait3A_92 = arith.constant 0 : i32
        %dma_wait3A_93 = arith.constant 0 : i32
        %dma_wait3A_94 = tpu.memref_slice %arg4[%arg1, %dma_wait3A_92, %dma_wait3A_93] : memref<16x80x128xi32, #tpu.memory_space<hbm>> -> memref<1x80x128xi32, #tpu.memory_space<hbm>>
        %dma_wait3A_95 = tpu.memref_squeeze %dma_wait3A_94 : memref<1x80x128xi32, #tpu.memory_space<hbm>> -> memref<80x128xi32, #tpu.memory_space<hbm>>
        tpu.wait_dma2 semaphore(%run_scoped3A : memref<!tpu.dma_semaphore, #tpu.memory_space<semaphore_mem>>) src(%dma_wait3A_95 : memref<80x128xi32, #tpu.memory_space<hbm>>) dst(%arg12 : memref<80x128xi32, #tpu.memory_space<vmem>>)
        tpu.yield
      }) : () -> ()
      "tpu.region"() ({
        %run_scoped3A = tpu.sem_alloc : memref<!tpu.dma_semaphore, #tpu.memory_space<semaphore_mem>>
        %dma_start3A_81 = arith.constant 0 : i32
        %dma_start3A_82 = arith.constant 0 : i32
        %dma_start3A_83 = tpu.memref_slice %arg5[%arg1, %dma_start3A_81, %dma_start3A_82] : memref<16x80x128xi32, #tpu.memory_space<hbm>> -> memref<1x80x128xi32, #tpu.memory_space<hbm>>
        %dma_start3A_84 = tpu.memref_squeeze %dma_start3A_83 : memref<1x80x128xi32, #tpu.memory_space<hbm>> -> memref<80x128xi32, #tpu.memory_space<hbm>>
        %dma_start3A_85 = arith.constant 0 : i32
        %dma_start3A_86 = arith.constant 0 : i32
        %dma_start3A_87 = tpu.memref_slice %arg5[%arg1, %dma_start3A_85, %dma_start3A_86] : memref<16x80x128xi32, #tpu.memory_space<hbm>> -> memref<1x80x128xi32, #tpu.memory_space<hbm>>
        %dma_start3A_88 = tpu.memref_squeeze %dma_start3A_87 : memref<1x80x128xi32, #tpu.memory_space<hbm>> -> memref<80x128xi32, #tpu.memory_space<hbm>>
        tpu.enqueue_dma source(%dma_start3A_88 : memref<80x128xi32, #tpu.memory_space<hbm>>) target(%arg13 : memref<80x128xi32, #tpu.memory_space<vmem>>) target_semaphore(%run_scoped3A : memref<!tpu.dma_semaphore, #tpu.memory_space<semaphore_mem>>)
        %dma_wait3A = arith.constant 0 : i32
        %dma_wait3A_89 = arith.constant 0 : i32
        %dma_wait3A_90 = tpu.memref_slice %arg5[%arg1, %dma_wait3A, %dma_wait3A_89] : memref<16x80x128xi32, #tpu.memory_space<hbm>> -> memref<1x80x128xi32, #tpu.memory_space<hbm>>
        %dma_wait3A_91 = tpu.memref_squeeze %dma_wait3A_90 : memref<1x80x128xi32, #tpu.memory_space<hbm>> -> memref<80x128xi32, #tpu.memory_space<hbm>>
        %dma_wait3A_92 = arith.constant 0 : i32
        %dma_wait3A_93 = arith.constant 0 : i32
        %dma_wait3A_94 = tpu.memref_slice %arg5[%arg1, %dma_wait3A_92, %dma_wait3A_93] : memref<16x80x128xi32, #tpu.memory_space<hbm>> -> memref<1x80x128xi32, #tpu.memory_space<hbm>>
        %dma_wait3A_95 = tpu.memref_squeeze %dma_wait3A_94 : memref<1x80x128xi32, #tpu.memory_space<hbm>> -> memref<80x128xi32, #tpu.memory_space<hbm>>
        tpu.wait_dma2 semaphore(%run_scoped3A : memref<!tpu.dma_semaphore, #tpu.memory_space<semaphore_mem>>) src(%dma_wait3A_95 : memref<80x128xi32, #tpu.memory_space<hbm>>) dst(%arg13 : memref<80x128xi32, #tpu.memory_space<vmem>>)
        tpu.yield
      }) : () -> ()
      %dma_start3A = arith.constant 0 : i32
      %dma_start3A_21 = arith.constant 0 : i32
      %dma_start3A_22 = tpu.memref_slice %arg12[%dma_start3A, %dma_start3A_21] : memref<80x128xi32, #tpu.memory_space<vmem>> -> memref<1x128xi32, #tpu.memory_space<vmem>>
      %dma_start3A_23 = tpu.memref_squeeze %dma_start3A_22 : memref<1x128xi32, #tpu.memory_space<vmem>> -> memref<128xi32, #tpu.memory_space<vmem>>
      %dma_start3A_24 = arith.constant 0 : i32
      %dma_start3A_25 = arith.constant 0 : i32
      %dma_start3A_26 = tpu.memref_slice %arg2[%dma_start3A_24, %dma_start3A_25] : memref<10240x48xf32, #tpu.memory_space<hbm>> -> memref<10240x48xf32, #tpu.memory_space<hbm>>
      tpu.enqueue_indirect_dma source(%dma_start3A_26 : memref<10240x48xf32, #tpu.memory_space<hbm>>) target(%arg14 : memref<128x48xf32, #tpu.memory_space<vmem>>) offsets(%dma_start3A_23 : memref<128xi32, #tpu.memory_space<vmem>>) semaphore(%arg25 : memref<!tpu.dma_semaphore, #tpu.memory_space<semaphore_mem>>)
      %dma_start3A_27 = arith.constant 1 : i32
      %dma_start3A_28 = arith.constant 0 : i32
      %dma_start3A_29 = tpu.memref_slice %arg12[%dma_start3A_27, %dma_start3A_28] : memref<80x128xi32, #tpu.memory_space<vmem>> -> memref<1x128xi32, #tpu.memory_space<vmem>>
      %dma_start3A_30 = tpu.memref_squeeze %dma_start3A_29 : memref<1x128xi32, #tpu.memory_space<vmem>> -> memref<128xi32, #tpu.memory_space<vmem>>
      %dma_start3A_31 = arith.constant 0 : i32
      %dma_start3A_32 = arith.constant 0 : i32
      %dma_start3A_33 = tpu.memref_slice %arg2[%dma_start3A_31, %dma_start3A_32] : memref<10240x48xf32, #tpu.memory_space<hbm>> -> memref<10240x48xf32, #tpu.memory_space<hbm>>
      tpu.enqueue_indirect_dma source(%dma_start3A_33 : memref<10240x48xf32, #tpu.memory_space<hbm>>) target(%arg15 : memref<128x48xf32, #tpu.memory_space<vmem>>) offsets(%dma_start3A_30 : memref<128xi32, #tpu.memory_space<vmem>>) semaphore(%arg26 : memref<!tpu.dma_semaphore, #tpu.memory_space<semaphore_mem>>)
      %dma_start3A_34 = arith.constant 2 : i32
      %dma_start3A_35 = arith.constant 0 : i32
      %dma_start3A_36 = tpu.memref_slice %arg12[%dma_start3A_34, %dma_start3A_35] : memref<80x128xi32, #tpu.memory_space<vmem>> -> memref<1x128xi32, #tpu.memory_space<vmem>>
      %dma_start3A_37 = tpu.memref_squeeze %dma_start3A_36 : memref<1x128xi32, #tpu.memory_space<vmem>> -> memref<128xi32, #tpu.memory_space<vmem>>
      %dma_start3A_38 = arith.constant 0 : i32
      %dma_start3A_39 = arith.constant 0 : i32
      %dma_start3A_40 = tpu.memref_slice %arg2[%dma_start3A_38, %dma_start3A_39] : memref<10240x48xf32, #tpu.memory_space<hbm>> -> memref<10240x48xf32, #tpu.memory_space<hbm>>
      tpu.enqueue_indirect_dma source(%dma_start3A_40 : memref<10240x48xf32, #tpu.memory_space<hbm>>) target(%arg16 : memref<128x48xf32, #tpu.memory_space<vmem>>) offsets(%dma_start3A_37 : memref<128xi32, #tpu.memory_space<vmem>>) semaphore(%arg27 : memref<!tpu.dma_semaphore, #tpu.memory_space<semaphore_mem>>)
      %dma_start3A_41 = arith.constant 3 : i32
      %dma_start3A_42 = arith.constant 0 : i32
      %dma_start3A_43 = tpu.memref_slice %arg12[%dma_start3A_41, %dma_start3A_42] : memref<80x128xi32, #tpu.memory_space<vmem>> -> memref<1x128xi32, #tpu.memory_space<vmem>>
      %dma_start3A_44 = tpu.memref_squeeze %dma_start3A_43 : memref<1x128xi32, #tpu.memory_space<vmem>> -> memref<128xi32, #tpu.memory_space<vmem>>
      %dma_start3A_45 = arith.constant 0 : i32
      %dma_start3A_46 = arith.constant 0 : i32
      %dma_start3A_47 = tpu.memref_slice %arg2[%dma_start3A_45, %dma_start3A_46] : memref<10240x48xf32, #tpu.memory_space<hbm>> -> memref<10240x48xf32, #tpu.memory_space<hbm>>
      tpu.enqueue_indirect_dma source(%dma_start3A_47 : memref<10240x48xf32, #tpu.memory_space<hbm>>) target(%arg17 : memref<128x48xf32, #tpu.memory_space<vmem>>) offsets(%dma_start3A_44 : memref<128xi32, #tpu.memory_space<vmem>>) semaphore(%arg28 : memref<!tpu.dma_semaphore, #tpu.memory_space<semaphore_mem>>)
      %dma_start3A_48 = arith.constant 4 : i32
      %dma_start3A_49 = arith.constant 0 : i32
      %dma_start3A_50 = tpu.memref_slice %arg12[%dma_start3A_48, %dma_start3A_49] : memref<80x128xi32, #tpu.memory_space<vmem>> -> memref<1x128xi32, #tpu.memory_space<vmem>>
      %dma_start3A_51 = tpu.memref_squeeze %dma_start3A_50 : memref<1x128xi32, #tpu.memory_space<vmem>> -> memref<128xi32, #tpu.memory_space<vmem>>
      %dma_start3A_52 = arith.constant 0 : i32
      %dma_start3A_53 = arith.constant 0 : i32
      %dma_start3A_54 = tpu.memref_slice %arg2[%dma_start3A_52, %dma_start3A_53] : memref<10240x48xf32, #tpu.memory_space<hbm>> -> memref<10240x48xf32, #tpu.memory_space<hbm>>
      tpu.enqueue_indirect_dma source(%dma_start3A_54 : memref<10240x48xf32, #tpu.memory_space<hbm>>) target(%arg18 : memref<128x48xf32, #tpu.memory_space<vmem>>) offsets(%dma_start3A_51 : memref<128xi32, #tpu.memory_space<vmem>>) semaphore(%arg29 : memref<!tpu.dma_semaphore, #tpu.memory_space<semaphore_mem>>)
      %dma_start3A_55 = arith.constant 5 : i32
      %dma_start3A_56 = arith.constant 0 : i32
      %dma_start3A_57 = tpu.memref_slice %arg12[%dma_start3A_55, %dma_start3A_56] : memref<80x128xi32, #tpu.memory_space<vmem>> -> memref<1x128xi32, #tpu.memory_space<vmem>>
      %dma_start3A_58 = tpu.memref_squeeze %dma_start3A_57 : memref<1x128xi32, #tpu.memory_space<vmem>> -> memref<128xi32, #tpu.memory_space<vmem>>
      %dma_start3A_59 = arith.constant 0 : i32
      %dma_start3A_60 = arith.constant 0 : i32
      %dma_start3A_61 = tpu.memref_slice %arg2[%dma_start3A_59, %dma_start3A_60] : memref<10240x48xf32, #tpu.memory_space<hbm>> -> memref<10240x48xf32, #tpu.memory_space<hbm>>
      tpu.enqueue_indirect_dma source(%dma_start3A_61 : memref<10240x48xf32, #tpu.memory_space<hbm>>) target(%arg19 : memref<128x48xf32, #tpu.memory_space<vmem>>) offsets(%dma_start3A_58 : memref<128xi32, #tpu.memory_space<vmem>>) semaphore(%arg30 : memref<!tpu.dma_semaphore, #tpu.memory_space<semaphore_mem>>)
      %dma_start3A_62 = arith.constant 6 : i32
      %dma_start3A_63 = arith.constant 0 : i32
      %dma_start3A_64 = tpu.memref_slice %arg12[%dma_start3A_62, %dma_start3A_63] : memref<80x128xi32, #tpu.memory_space<vmem>> -> memref<1x128xi32, #tpu.memory_space<vmem>>
      %dma_start3A_65 = tpu.memref_squeeze %dma_start3A_64 : memref<1x128xi32, #tpu.memory_space<vmem>> -> memref<128xi32, #tpu.memory_space<vmem>>
      %dma_start3A_66 = arith.constant 0 : i32
      %dma_start3A_67 = arith.constant 0 : i32
      %dma_start3A_68 = tpu.memref_slice %arg2[%dma_start3A_66, %dma_start3A_67] : memref<10240x48xf32, #tpu.memory_space<hbm>> -> memref<10240x48xf32, #tpu.memory_space<hbm>>
      tpu.enqueue_indirect_dma source(%dma_start3A_68 : memref<10240x48xf32, #tpu.memory_space<hbm>>) target(%arg20 : memref<128x48xf32, #tpu.memory_space<vmem>>) offsets(%dma_start3A_65 : memref<128xi32, #tpu.memory_space<vmem>>) semaphore(%arg31 : memref<!tpu.dma_semaphore, #tpu.memory_space<semaphore_mem>>)
      %dma_start3A_69 = arith.constant 7 : i32
      %dma_start3A_70 = arith.constant 0 : i32
      %dma_start3A_71 = tpu.memref_slice %arg12[%dma_start3A_69, %dma_start3A_70] : memref<80x128xi32, #tpu.memory_space<vmem>> -> memref<1x128xi32, #tpu.memory_space<vmem>>
      %dma_start3A_72 = tpu.memref_squeeze %dma_start3A_71 : memref<1x128xi32, #tpu.memory_space<vmem>> -> memref<128xi32, #tpu.memory_space<vmem>>
      %dma_start3A_73 = arith.constant 0 : i32
      %dma_start3A_74 = arith.constant 0 : i32
      %dma_start3A_75 = tpu.memref_slice %arg2[%dma_start3A_73, %dma_start3A_74] : memref<10240x48xf32, #tpu.memory_space<hbm>> -> memref<10240x48xf32, #tpu.memory_space<hbm>>
      tpu.enqueue_indirect_dma source(%dma_start3A_75 : memref<10240x48xf32, #tpu.memory_space<hbm>>) target(%arg21 : memref<128x48xf32, #tpu.memory_space<vmem>>) offsets(%dma_start3A_72 : memref<128xi32, #tpu.memory_space<vmem>>) semaphore(%arg32 : memref<!tpu.dma_semaphore, #tpu.memory_space<semaphore_mem>>)
      %scan3A = arith.constant 0 : i32
      %scan3A_76 = arith.constant 0 : i32
      %scan3A_77 = arith.constant 10 : i32
      %scan3A_78 = arith.addi %scan3A_76, %scan3A_77 : i32
      %scan3A_79 = arith.constant 1 : i32
      scf.for %scan3A_81 = %scan3A_76 to %scan3A_78 step %scan3A_79  : i32 {
        %mul3A_82 = arith.constant 8 : i32
        %mul3A_83 = arith.muli %scan3A_81, %mul3A_82 : i32
        %add3A_84 = arith.constant 0 : i32
        %add3A_85 = arith.addi %mul3A_83, %add3A_84 : i32
        %dma_wait3A = arith.constant 0 : i32
        %dma_wait3A_86 = tpu.memref_slice %arg12[%add3A_85, %dma_wait3A] : memref<80x128xi32, #tpu.memory_space<vmem>> -> memref<1x128xi32, #tpu.memory_space<vmem>>
        %dma_wait3A_87 = tpu.memref_squeeze %dma_wait3A_86 : memref<1x128xi32, #tpu.memory_space<vmem>> -> memref<128xi32, #tpu.memory_space<vmem>>
        %dma_wait3A_88 = arith.constant 0 : i32
        %dma_wait3A_89 = arith.constant 0 : i32
        %dma_wait3A_90 = tpu.memref_slice %arg2[%dma_wait3A_88, %dma_wait3A_89] : memref<10240x48xf32, #tpu.memory_space<hbm>> -> memref<10240x48xf32, #tpu.memory_space<hbm>>
        tpu.wait_indirect_dma semaphore(%arg25 : memref<!tpu.dma_semaphore, #tpu.memory_space<semaphore_mem>>) src(%dma_wait3A_90 : memref<10240x48xf32, #tpu.memory_space<hbm>>) dst(%arg14 : memref<128x48xf32, #tpu.memory_space<vmem>>)
        "tpu.region"() ({
          %run_scoped3A = tpu.sem_alloc : memref<!tpu.dma_semaphore, #tpu.memory_space<semaphore_mem>>
          %dma_start3A_217 = arith.constant 0 : i32
          %dma_start3A_218 = tpu.memref_slice %arg13[%add3A_85, %dma_start3A_217] : memref<80x128xi32, #tpu.memory_space<vmem>> -> memref<1x128xi32, #tpu.memory_space<vmem>>
          %dma_start3A_219 = tpu.memref_squeeze %dma_start3A_218 : memref<1x128xi32, #tpu.memory_space<vmem>> -> memref<128xi32, #tpu.memory_space<vmem>>
          %dma_start3A_220 = arith.constant 0 : i32
          %dma_start3A_221 = arith.constant 0 : i32
          %dma_start3A_222 = tpu.memref_slice %arg24[%dma_start3A_220, %dma_start3A_221] : memref<10240x48xf32, #tpu.memory_space<vmem_shared>> -> memref<10240x48xf32, #tpu.memory_space<vmem_shared>>
          tpu.enqueue_indirect_dma source(%arg14 : memref<128x48xf32, #tpu.memory_space<vmem>>) target(%dma_start3A_222 : memref<10240x48xf32, #tpu.memory_space<vmem_shared>>) offsets(%dma_start3A_219 : memref<128xi32, #tpu.memory_space<vmem>>) semaphore(%run_scoped3A : memref<!tpu.dma_semaphore, #tpu.memory_space<semaphore_mem>>) {add = true}
          %dma_wait3A_223 = arith.constant 0 : i32
          %dma_wait3A_224 = tpu.memref_slice %arg13[%add3A_85, %dma_wait3A_223] : memref<80x128xi32, #tpu.memory_space<vmem>> -> memref<1x128xi32, #tpu.memory_space<vmem>>
          %dma_wait3A_225 = tpu.memref_squeeze %dma_wait3A_224 : memref<1x128xi32, #tpu.memory_space<vmem>> -> memref<128xi32, #tpu.memory_space<vmem>>
          %dma_wait3A_226 = arith.constant 0 : i32
          %dma_wait3A_227 = arith.constant 0 : i32
          %dma_wait3A_228 = tpu.memref_slice %arg24[%dma_wait3A_226, %dma_wait3A_227] : memref<10240x48xf32, #tpu.memory_space<vmem_shared>> -> memref<10240x48xf32, #tpu.memory_space<vmem_shared>>
          tpu.wait_indirect_dma semaphore(%run_scoped3A : memref<!tpu.dma_semaphore, #tpu.memory_space<semaphore_mem>>) src(%arg14 : memref<128x48xf32, #tpu.memory_space<vmem>>) dst(%dma_wait3A_228 : memref<10240x48xf32, #tpu.memory_space<vmem_shared>>)
          tpu.yield
        }) : () -> ()
        %add3A_91 = arith.constant 8 : i32
        %add3A_92 = arith.addi %add3A_85, %add3A_91 : i32
        %lt3A_93 = arith.constant 80 : i32
        %lt3A_94 = arith.cmpi slt, %add3A_92, %lt3A_93 : i32
        %convert_element_type3A_95 = arith.extui %lt3A_94 : i1 to i32
        %cond3A_96 = arith.constant 0 : i32
        %cond3A_97 = arith.cmpi ne, %convert_element_type3A_95, %cond3A_96 : i32
        scf.if %cond3A_97 {
          %dma_start3A_217 = arith.constant 0 : i32
          %dma_start3A_218 = tpu.memref_slice %arg12[%add3A_92, %dma_start3A_217] : memref<80x128xi32, #tpu.memory_space<vmem>> -> memref<1x128xi32, #tpu.memory_space<vmem>>
          %dma_start3A_219 = tpu.memref_squeeze %dma_start3A_218 : memref<1x128xi32, #tpu.memory_space<vmem>> -> memref<128xi32, #tpu.memory_space<vmem>>
          %dma_start3A_220 = arith.constant 0 : i32
          %dma_start3A_221 = arith.constant 0 : i32
          %dma_start3A_222 = tpu.memref_slice %arg2[%dma_start3A_220, %dma_start3A_221] : memref<10240x48xf32, #tpu.memory_space<hbm>> -> memref<10240x48xf32, #tpu.memory_space<hbm>>
          tpu.enqueue_indirect_dma source(%dma_start3A_222 : memref<10240x48xf32, #tpu.memory_space<hbm>>) target(%arg14 : memref<128x48xf32, #tpu.memory_space<vmem>>) offsets(%dma_start3A_219 : memref<128xi32, #tpu.memory_space<vmem>>) semaphore(%arg25 : memref<!tpu.dma_semaphore, #tpu.memory_space<semaphore_mem>>)
        } else {
        }
        %mul3A_98 = arith.constant 8 : i32
        %mul3A_99 = arith.muli %scan3A_81, %mul3A_98 : i32
        %add3A_100 = arith.constant 1 : i32
        %add3A_101 = arith.addi %mul3A_99, %add3A_100 : i32
        %dma_wait3A_102 = arith.constant 0 : i32
        %dma_wait3A_103 = tpu.memref_slice %arg12[%add3A_101, %dma_wait3A_102] : memref<80x128xi32, #tpu.memory_space<vmem>> -> memref<1x128xi32, #tpu.memory_space<vmem>>
        %dma_wait3A_104 = tpu.memref_squeeze %dma_wait3A_103 : memref<1x128xi32, #tpu.memory_space<vmem>> -> memref<128xi32, #tpu.memory_space<vmem>>
        %dma_wait3A_105 = arith.constant 0 : i32
        %dma_wait3A_106 = arith.constant 0 : i32
        %dma_wait3A_107 = tpu.memref_slice %arg2[%dma_wait3A_105, %dma_wait3A_106] : memref<10240x48xf32, #tpu.memory_space<hbm>> -> memref<10240x48xf32, #tpu.memory_space<hbm>>
        tpu.wait_indirect_dma semaphore(%arg26 : memref<!tpu.dma_semaphore, #tpu.memory_space<semaphore_mem>>) src(%dma_wait3A_107 : memref<10240x48xf32, #tpu.memory_space<hbm>>) dst(%arg15 : memref<128x48xf32, #tpu.memory_space<vmem>>)
        "tpu.region"() ({
          %run_scoped3A = tpu.sem_alloc : memref<!tpu.dma_semaphore, #tpu.memory_space<semaphore_mem>>
          %dma_start3A_217 = arith.constant 0 : i32
          %dma_start3A_218 = tpu.memref_slice %arg13[%add3A_101, %dma_start3A_217] : memref<80x128xi32, #tpu.memory_space<vmem>> -> memref<1x128xi32, #tpu.memory_space<vmem>>
          %dma_start3A_219 = tpu.memref_squeeze %dma_start3A_218 : memref<1x128xi32, #tpu.memory_space<vmem>> -> memref<128xi32, #tpu.memory_space<vmem>>
          %dma_start3A_220 = arith.constant 0 : i32
          %dma_start3A_221 = arith.constant 0 : i32
          %dma_start3A_222 = tpu.memref_slice %arg24[%dma_start3A_220, %dma_start3A_221] : memref<10240x48xf32, #tpu.memory_space<vmem_shared>> -> memref<10240x48xf32, #tpu.memory_space<vmem_shared>>
          tpu.enqueue_indirect_dma source(%arg15 : memref<128x48xf32, #tpu.memory_space<vmem>>) target(%dma_start3A_222 : memref<10240x48xf32, #tpu.memory_space<vmem_shared>>) offsets(%dma_start3A_219 : memref<128xi32, #tpu.memory_space<vmem>>) semaphore(%run_scoped3A : memref<!tpu.dma_semaphore, #tpu.memory_space<semaphore_mem>>) {add = true}
          %dma_wait3A_223 = arith.constant 0 : i32
          %dma_wait3A_224 = tpu.memref_slice %arg13[%add3A_101, %dma_wait3A_223] : memref<80x128xi32, #tpu.memory_space<vmem>> -> memref<1x128xi32, #tpu.memory_space<vmem>>
          %dma_wait3A_225 = tpu.memref_squeeze %dma_wait3A_224 : memref<1x128xi32, #tpu.memory_space<vmem>> -> memref<128xi32, #tpu.memory_space<vmem>>
          %dma_wait3A_226 = arith.constant 0 : i32
          %dma_wait3A_227 = arith.constant 0 : i32
          %dma_wait3A_228 = tpu.memref_slice %arg24[%dma_wait3A_226, %dma_wait3A_227] : memref<10240x48xf32, #tpu.memory_space<vmem_shared>> -> memref<10240x48xf32, #tpu.memory_space<vmem_shared>>
          tpu.wait_indirect_dma semaphore(%run_scoped3A : memref<!tpu.dma_semaphore, #tpu.memory_space<semaphore_mem>>) src(%arg15 : memref<128x48xf32, #tpu.memory_space<vmem>>) dst(%dma_wait3A_228 : memref<10240x48xf32, #tpu.memory_space<vmem_shared>>)
          tpu.yield
        }) : () -> ()
        %add3A_108 = arith.constant 8 : i32
        %add3A_109 = arith.addi %add3A_101, %add3A_108 : i32
        %lt3A_110 = arith.constant 80 : i32
        %lt3A_111 = arith.cmpi slt, %add3A_109, %lt3A_110 : i32
        %convert_element_type3A_112 = arith.extui %lt3A_111 : i1 to i32
        %cond3A_113 = arith.constant 0 : i32
        %cond3A_114 = arith.cmpi ne, %convert_element_type3A_112, %cond3A_113 : i32
        scf.if %cond3A_114 {
          %dma_start3A_217 = arith.constant 0 : i32
          %dma_start3A_218 = tpu.memref_slice %arg12[%add3A_109, %dma_start3A_217] : memref<80x128xi32, #tpu.memory_space<vmem>> -> memref<1x128xi32, #tpu.memory_space<vmem>>
          %dma_start3A_219 = tpu.memref_squeeze %dma_start3A_218 : memref<1x128xi32, #tpu.memory_space<vmem>> -> memref<128xi32, #tpu.memory_space<vmem>>
          %dma_start3A_220 = arith.constant 0 : i32
          %dma_start3A_221 = arith.constant 0 : i32
          %dma_start3A_222 = tpu.memref_slice %arg2[%dma_start3A_220, %dma_start3A_221] : memref<10240x48xf32, #tpu.memory_space<hbm>> -> memref<10240x48xf32, #tpu.memory_space<hbm>>
          tpu.enqueue_indirect_dma source(%dma_start3A_222 : memref<10240x48xf32, #tpu.memory_space<hbm>>) target(%arg15 : memref<128x48xf32, #tpu.memory_space<vmem>>) offsets(%dma_start3A_219 : memref<128xi32, #tpu.memory_space<vmem>>) semaphore(%arg26 : memref<!tpu.dma_semaphore, #tpu.memory_space<semaphore_mem>>)
        } else {
        }
        %mul3A_115 = arith.constant 8 : i32
        %mul3A_116 = arith.muli %scan3A_81, %mul3A_115 : i32
        %add3A_117 = arith.constant 2 : i32
        %add3A_118 = arith.addi %mul3A_116, %add3A_117 : i32
        %dma_wait3A_119 = arith.constant 0 : i32
        %dma_wait3A_120 = tpu.memref_slice %arg12[%add3A_118, %dma_wait3A_119] : memref<80x128xi32, #tpu.memory_space<vmem>> -> memref<1x128xi32, #tpu.memory_space<vmem>>
        %dma_wait3A_121 = tpu.memref_squeeze %dma_wait3A_120 : memref<1x128xi32, #tpu.memory_space<vmem>> -> memref<128xi32, #tpu.memory_space<vmem>>
        %dma_wait3A_122 = arith.constant 0 : i32
        %dma_wait3A_123 = arith.constant 0 : i32
        %dma_wait3A_124 = tpu.memref_slice %arg2[%dma_wait3A_122, %dma_wait3A_123] : memref<10240x48xf32, #tpu.memory_space<hbm>> -> memref<10240x48xf32, #tpu.memory_space<hbm>>
        tpu.wait_indirect_dma semaphore(%arg27 : memref<!tpu.dma_semaphore, #tpu.memory_space<semaphore_mem>>) src(%dma_wait3A_124 : memref<10240x48xf32, #tpu.memory_space<hbm>>) dst(%arg16 : memref<128x48xf32, #tpu.memory_space<vmem>>)
        "tpu.region"() ({
          %run_scoped3A = tpu.sem_alloc : memref<!tpu.dma_semaphore, #tpu.memory_space<semaphore_mem>>
          %dma_start3A_217 = arith.constant 0 : i32
          %dma_start3A_218 = tpu.memref_slice %arg13[%add3A_118, %dma_start3A_217] : memref<80x128xi32, #tpu.memory_space<vmem>> -> memref<1x128xi32, #tpu.memory_space<vmem>>
          %dma_start3A_219 = tpu.memref_squeeze %dma_start3A_218 : memref<1x128xi32, #tpu.memory_space<vmem>> -> memref<128xi32, #tpu.memory_space<vmem>>
          %dma_start3A_220 = arith.constant 0 : i32
          %dma_start3A_221 = arith.constant 0 : i32
          %dma_start3A_222 = tpu.memref_slice %arg24[%dma_start3A_220, %dma_start3A_221] : memref<10240x48xf32, #tpu.memory_space<vmem_shared>> -> memref<10240x48xf32, #tpu.memory_space<vmem_shared>>
          tpu.enqueue_indirect_dma source(%arg16 : memref<128x48xf32, #tpu.memory_space<vmem>>) target(%dma_start3A_222 : memref<10240x48xf32, #tpu.memory_space<vmem_shared>>) offsets(%dma_start3A_219 : memref<128xi32, #tpu.memory_space<vmem>>) semaphore(%run_scoped3A : memref<!tpu.dma_semaphore, #tpu.memory_space<semaphore_mem>>) {add = true}
          %dma_wait3A_223 = arith.constant 0 : i32
          %dma_wait3A_224 = tpu.memref_slice %arg13[%add3A_118, %dma_wait3A_223] : memref<80x128xi32, #tpu.memory_space<vmem>> -> memref<1x128xi32, #tpu.memory_space<vmem>>
          %dma_wait3A_225 = tpu.memref_squeeze %dma_wait3A_224 : memref<1x128xi32, #tpu.memory_space<vmem>> -> memref<128xi32, #tpu.memory_space<vmem>>
          %dma_wait3A_226 = arith.constant 0 : i32
          %dma_wait3A_227 = arith.constant 0 : i32
          %dma_wait3A_228 = tpu.memref_slice %arg24[%dma_wait3A_226, %dma_wait3A_227] : memref<10240x48xf32, #tpu.memory_space<vmem_shared>> -> memref<10240x48xf32, #tpu.memory_space<vmem_shared>>
          tpu.wait_indirect_dma semaphore(%run_scoped3A : memref<!tpu.dma_semaphore, #tpu.memory_space<semaphore_mem>>) src(%arg16 : memref<128x48xf32, #tpu.memory_space<vmem>>) dst(%dma_wait3A_228 : memref<10240x48xf32, #tpu.memory_space<vmem_shared>>)
          tpu.yield
        }) : () -> ()
        %add3A_125 = arith.constant 8 : i32
        %add3A_126 = arith.addi %add3A_118, %add3A_125 : i32
        %lt3A_127 = arith.constant 80 : i32
        %lt3A_128 = arith.cmpi slt, %add3A_126, %lt3A_127 : i32
        %convert_element_type3A_129 = arith.extui %lt3A_128 : i1 to i32
        %cond3A_130 = arith.constant 0 : i32
        %cond3A_131 = arith.cmpi ne, %convert_element_type3A_129, %cond3A_130 : i32
        scf.if %cond3A_131 {
          %dma_start3A_217 = arith.constant 0 : i32
          %dma_start3A_218 = tpu.memref_slice %arg12[%add3A_126, %dma_start3A_217] : memref<80x128xi32, #tpu.memory_space<vmem>> -> memref<1x128xi32, #tpu.memory_space<vmem>>
          %dma_start3A_219 = tpu.memref_squeeze %dma_start3A_218 : memref<1x128xi32, #tpu.memory_space<vmem>> -> memref<128xi32, #tpu.memory_space<vmem>>
          %dma_start3A_220 = arith.constant 0 : i32
          %dma_start3A_221 = arith.constant 0 : i32
          %dma_start3A_222 = tpu.memref_slice %arg2[%dma_start3A_220, %dma_start3A_221] : memref<10240x48xf32, #tpu.memory_space<hbm>> -> memref<10240x48xf32, #tpu.memory_space<hbm>>
          tpu.enqueue_indirect_dma source(%dma_start3A_222 : memref<10240x48xf32, #tpu.memory_space<hbm>>) target(%arg16 : memref<128x48xf32, #tpu.memory_space<vmem>>) offsets(%dma_start3A_219 : memref<128xi32, #tpu.memory_space<vmem>>) semaphore(%arg27 : memref<!tpu.dma_semaphore, #tpu.memory_space<semaphore_mem>>)
        } else {
        }
        %mul3A_132 = arith.constant 8 : i32
        %mul3A_133 = arith.muli %scan3A_81, %mul3A_132 : i32
        %add3A_134 = arith.constant 3 : i32
        %add3A_135 = arith.addi %mul3A_133, %add3A_134 : i32
        %dma_wait3A_136 = arith.constant 0 : i32
        %dma_wait3A_137 = tpu.memref_slice %arg12[%add3A_135, %dma_wait3A_136] : memref<80x128xi32, #tpu.memory_space<vmem>> -> memref<1x128xi32, #tpu.memory_space<vmem>>
        %dma_wait3A_138 = tpu.memref_squeeze %dma_wait3A_137 : memref<1x128xi32, #tpu.memory_space<vmem>> -> memref<128xi32, #tpu.memory_space<vmem>>
        %dma_wait3A_139 = arith.constant 0 : i32
        %dma_wait3A_140 = arith.constant 0 : i32
        %dma_wait3A_141 = tpu.memref_slice %arg2[%dma_wait3A_139, %dma_wait3A_140] : memref<10240x48xf32, #tpu.memory_space<hbm>> -> memref<10240x48xf32, #tpu.memory_space<hbm>>
        tpu.wait_indirect_dma semaphore(%arg28 : memref<!tpu.dma_semaphore, #tpu.memory_space<semaphore_mem>>) src(%dma_wait3A_141 : memref<10240x48xf32, #tpu.memory_space<hbm>>) dst(%arg17 : memref<128x48xf32, #tpu.memory_space<vmem>>)
        "tpu.region"() ({
          %run_scoped3A = tpu.sem_alloc : memref<!tpu.dma_semaphore, #tpu.memory_space<semaphore_mem>>
          %dma_start3A_217 = arith.constant 0 : i32
          %dma_start3A_218 = tpu.memref_slice %arg13[%add3A_135, %dma_start3A_217] : memref<80x128xi32, #tpu.memory_space<vmem>> -> memref<1x128xi32, #tpu.memory_space<vmem>>
          %dma_start3A_219 = tpu.memref_squeeze %dma_start3A_218 : memref<1x128xi32, #tpu.memory_space<vmem>> -> memref<128xi32, #tpu.memory_space<vmem>>
          %dma_start3A_220 = arith.constant 0 : i32
          %dma_start3A_221 = arith.constant 0 : i32
          %dma_start3A_222 = tpu.memref_slice %arg24[%dma_start3A_220, %dma_start3A_221] : memref<10240x48xf32, #tpu.memory_space<vmem_shared>> -> memref<10240x48xf32, #tpu.memory_space<vmem_shared>>
          tpu.enqueue_indirect_dma source(%arg17 : memref<128x48xf32, #tpu.memory_space<vmem>>) target(%dma_start3A_222 : memref<10240x48xf32, #tpu.memory_space<vmem_shared>>) offsets(%dma_start3A_219 : memref<128xi32, #tpu.memory_space<vmem>>) semaphore(%run_scoped3A : memref<!tpu.dma_semaphore, #tpu.memory_space<semaphore_mem>>) {add = true}
          %dma_wait3A_223 = arith.constant 0 : i32
          %dma_wait3A_224 = tpu.memref_slice %arg13[%add3A_135, %dma_wait3A_223] : memref<80x128xi32, #tpu.memory_space<vmem>> -> memref<1x128xi32, #tpu.memory_space<vmem>>
          %dma_wait3A_225 = tpu.memref_squeeze %dma_wait3A_224 : memref<1x128xi32, #tpu.memory_space<vmem>> -> memref<128xi32, #tpu.memory_space<vmem>>
          %dma_wait3A_226 = arith.constant 0 : i32
          %dma_wait3A_227 = arith.constant 0 : i32
          %dma_wait3A_228 = tpu.memref_slice %arg24[%dma_wait3A_226, %dma_wait3A_227] : memref<10240x48xf32, #tpu.memory_space<vmem_shared>> -> memref<10240x48xf32, #tpu.memory_space<vmem_shared>>
          tpu.wait_indirect_dma semaphore(%run_scoped3A : memref<!tpu.dma_semaphore, #tpu.memory_space<semaphore_mem>>) src(%arg17 : memref<128x48xf32, #tpu.memory_space<vmem>>) dst(%dma_wait3A_228 : memref<10240x48xf32, #tpu.memory_space<vmem_shared>>)
          tpu.yield
        }) : () -> ()
        %add3A_142 = arith.constant 8 : i32
        %add3A_143 = arith.addi %add3A_135, %add3A_142 : i32
        %lt3A_144 = arith.constant 80 : i32
        %lt3A_145 = arith.cmpi slt, %add3A_143, %lt3A_144 : i32
        %convert_element_type3A_146 = arith.extui %lt3A_145 : i1 to i32
        %cond3A_147 = arith.constant 0 : i32
        %cond3A_148 = arith.cmpi ne, %convert_element_type3A_146, %cond3A_147 : i32
        scf.if %cond3A_148 {
          %dma_start3A_217 = arith.constant 0 : i32
          %dma_start3A_218 = tpu.memref_slice %arg12[%add3A_143, %dma_start3A_217] : memref<80x128xi32, #tpu.memory_space<vmem>> -> memref<1x128xi32, #tpu.memory_space<vmem>>
          %dma_start3A_219 = tpu.memref_squeeze %dma_start3A_218 : memref<1x128xi32, #tpu.memory_space<vmem>> -> memref<128xi32, #tpu.memory_space<vmem>>
          %dma_start3A_220 = arith.constant 0 : i32
          %dma_start3A_221 = arith.constant 0 : i32
          %dma_start3A_222 = tpu.memref_slice %arg2[%dma_start3A_220, %dma_start3A_221] : memref<10240x48xf32, #tpu.memory_space<hbm>> -> memref<10240x48xf32, #tpu.memory_space<hbm>>
          tpu.enqueue_indirect_dma source(%dma_start3A_222 : memref<10240x48xf32, #tpu.memory_space<hbm>>) target(%arg17 : memref<128x48xf32, #tpu.memory_space<vmem>>) offsets(%dma_start3A_219 : memref<128xi32, #tpu.memory_space<vmem>>) semaphore(%arg28 : memref<!tpu.dma_semaphore, #tpu.memory_space<semaphore_mem>>)
        } else {
        }
        %mul3A_149 = arith.constant 8 : i32
        %mul3A_150 = arith.muli %scan3A_81, %mul3A_149 : i32
        %add3A_151 = arith.constant 4 : i32
        %add3A_152 = arith.addi %mul3A_150, %add3A_151 : i32
        %dma_wait3A_153 = arith.constant 0 : i32
        %dma_wait3A_154 = tpu.memref_slice %arg12[%add3A_152, %dma_wait3A_153] : memref<80x128xi32, #tpu.memory_space<vmem>> -> memref<1x128xi32, #tpu.memory_space<vmem>>
        %dma_wait3A_155 = tpu.memref_squeeze %dma_wait3A_154 : memref<1x128xi32, #tpu.memory_space<vmem>> -> memref<128xi32, #tpu.memory_space<vmem>>
        %dma_wait3A_156 = arith.constant 0 : i32
        %dma_wait3A_157 = arith.constant 0 : i32
        %dma_wait3A_158 = tpu.memref_slice %arg2[%dma_wait3A_156, %dma_wait3A_157] : memref<10240x48xf32, #tpu.memory_space<hbm>> -> memref<10240x48xf32, #tpu.memory_space<hbm>>
        tpu.wait_indirect_dma semaphore(%arg29 : memref<!tpu.dma_semaphore, #tpu.memory_space<semaphore_mem>>) src(%dma_wait3A_158 : memref<10240x48xf32, #tpu.memory_space<hbm>>) dst(%arg18 : memref<128x48xf32, #tpu.memory_space<vmem>>)
        "tpu.region"() ({
          %run_scoped3A = tpu.sem_alloc : memref<!tpu.dma_semaphore, #tpu.memory_space<semaphore_mem>>
          %dma_start3A_217 = arith.constant 0 : i32
          %dma_start3A_218 = tpu.memref_slice %arg13[%add3A_152, %dma_start3A_217] : memref<80x128xi32, #tpu.memory_space<vmem>> -> memref<1x128xi32, #tpu.memory_space<vmem>>
          %dma_start3A_219 = tpu.memref_squeeze %dma_start3A_218 : memref<1x128xi32, #tpu.memory_space<vmem>> -> memref<128xi32, #tpu.memory_space<vmem>>
          %dma_start3A_220 = arith.constant 0 : i32
          %dma_start3A_221 = arith.constant 0 : i32
          %dma_start3A_222 = tpu.memref_slice %arg24[%dma_start3A_220, %dma_start3A_221] : memref<10240x48xf32, #tpu.memory_space<vmem_shared>> -> memref<10240x48xf32, #tpu.memory_space<vmem_shared>>
          tpu.enqueue_indirect_dma source(%arg18 : memref<128x48xf32, #tpu.memory_space<vmem>>) target(%dma_start3A_222 : memref<10240x48xf32, #tpu.memory_space<vmem_shared>>) offsets(%dma_start3A_219 : memref<128xi32, #tpu.memory_space<vmem>>) semaphore(%run_scoped3A : memref<!tpu.dma_semaphore, #tpu.memory_space<semaphore_mem>>) {add = true}
          %dma_wait3A_223 = arith.constant 0 : i32
          %dma_wait3A_224 = tpu.memref_slice %arg13[%add3A_152, %dma_wait3A_223] : memref<80x128xi32, #tpu.memory_space<vmem>> -> memref<1x128xi32, #tpu.memory_space<vmem>>
          %dma_wait3A_225 = tpu.memref_squeeze %dma_wait3A_224 : memref<1x128xi32, #tpu.memory_space<vmem>> -> memref<128xi32, #tpu.memory_space<vmem>>
          %dma_wait3A_226 = arith.constant 0 : i32
          %dma_wait3A_227 = arith.constant 0 : i32
          %dma_wait3A_228 = tpu.memref_slice %arg24[%dma_wait3A_226, %dma_wait3A_227] : memref<10240x48xf32, #tpu.memory_space<vmem_shared>> -> memref<10240x48xf32, #tpu.memory_space<vmem_shared>>
          tpu.wait_indirect_dma semaphore(%run_scoped3A : memref<!tpu.dma_semaphore, #tpu.memory_space<semaphore_mem>>) src(%arg18 : memref<128x48xf32, #tpu.memory_space<vmem>>) dst(%dma_wait3A_228 : memref<10240x48xf32, #tpu.memory_space<vmem_shared>>)
          tpu.yield
        }) : () -> ()
        %add3A_159 = arith.constant 8 : i32
        %add3A_160 = arith.addi %add3A_152, %add3A_159 : i32
        %lt3A_161 = arith.constant 80 : i32
        %lt3A_162 = arith.cmpi slt, %add3A_160, %lt3A_161 : i32
        %convert_element_type3A_163 = arith.extui %lt3A_162 : i1 to i32
        %cond3A_164 = arith.constant 0 : i32
        %cond3A_165 = arith.cmpi ne, %convert_element_type3A_163, %cond3A_164 : i32
        scf.if %cond3A_165 {
          %dma_start3A_217 = arith.constant 0 : i32
          %dma_start3A_218 = tpu.memref_slice %arg12[%add3A_160, %dma_start3A_217] : memref<80x128xi32, #tpu.memory_space<vmem>> -> memref<1x128xi32, #tpu.memory_space<vmem>>
          %dma_start3A_219 = tpu.memref_squeeze %dma_start3A_218 : memref<1x128xi32, #tpu.memory_space<vmem>> -> memref<128xi32, #tpu.memory_space<vmem>>
          %dma_start3A_220 = arith.constant 0 : i32
          %dma_start3A_221 = arith.constant 0 : i32
          %dma_start3A_222 = tpu.memref_slice %arg2[%dma_start3A_220, %dma_start3A_221] : memref<10240x48xf32, #tpu.memory_space<hbm>> -> memref<10240x48xf32, #tpu.memory_space<hbm>>
          tpu.enqueue_indirect_dma source(%dma_start3A_222 : memref<10240x48xf32, #tpu.memory_space<hbm>>) target(%arg18 : memref<128x48xf32, #tpu.memory_space<vmem>>) offsets(%dma_start3A_219 : memref<128xi32, #tpu.memory_space<vmem>>) semaphore(%arg29 : memref<!tpu.dma_semaphore, #tpu.memory_space<semaphore_mem>>)
        } else {
        }
        %mul3A_166 = arith.constant 8 : i32
        %mul3A_167 = arith.muli %scan3A_81, %mul3A_166 : i32
        %add3A_168 = arith.constant 5 : i32
        %add3A_169 = arith.addi %mul3A_167, %add3A_168 : i32
        %dma_wait3A_170 = arith.constant 0 : i32
        %dma_wait3A_171 = tpu.memref_slice %arg12[%add3A_169, %dma_wait3A_170] : memref<80x128xi32, #tpu.memory_space<vmem>> -> memref<1x128xi32, #tpu.memory_space<vmem>>
        %dma_wait3A_172 = tpu.memref_squeeze %dma_wait3A_171 : memref<1x128xi32, #tpu.memory_space<vmem>> -> memref<128xi32, #tpu.memory_space<vmem>>
        %dma_wait3A_173 = arith.constant 0 : i32
        %dma_wait3A_174 = arith.constant 0 : i32
        %dma_wait3A_175 = tpu.memref_slice %arg2[%dma_wait3A_173, %dma_wait3A_174] : memref<10240x48xf32, #tpu.memory_space<hbm>> -> memref<10240x48xf32, #tpu.memory_space<hbm>>
        tpu.wait_indirect_dma semaphore(%arg30 : memref<!tpu.dma_semaphore, #tpu.memory_space<semaphore_mem>>) src(%dma_wait3A_175 : memref<10240x48xf32, #tpu.memory_space<hbm>>) dst(%arg19 : memref<128x48xf32, #tpu.memory_space<vmem>>)
        "tpu.region"() ({
          %run_scoped3A = tpu.sem_alloc : memref<!tpu.dma_semaphore, #tpu.memory_space<semaphore_mem>>
          %dma_start3A_217 = arith.constant 0 : i32
          %dma_start3A_218 = tpu.memref_slice %arg13[%add3A_169, %dma_start3A_217] : memref<80x128xi32, #tpu.memory_space<vmem>> -> memref<1x128xi32, #tpu.memory_space<vmem>>
          %dma_start3A_219 = tpu.memref_squeeze %dma_start3A_218 : memref<1x128xi32, #tpu.memory_space<vmem>> -> memref<128xi32, #tpu.memory_space<vmem>>
          %dma_start3A_220 = arith.constant 0 : i32
          %dma_start3A_221 = arith.constant 0 : i32
          %dma_start3A_222 = tpu.memref_slice %arg24[%dma_start3A_220, %dma_start3A_221] : memref<10240x48xf32, #tpu.memory_space<vmem_shared>> -> memref<10240x48xf32, #tpu.memory_space<vmem_shared>>
          tpu.enqueue_indirect_dma source(%arg19 : memref<128x48xf32, #tpu.memory_space<vmem>>) target(%dma_start3A_222 : memref<10240x48xf32, #tpu.memory_space<vmem_shared>>) offsets(%dma_start3A_219 : memref<128xi32, #tpu.memory_space<vmem>>) semaphore(%run_scoped3A : memref<!tpu.dma_semaphore, #tpu.memory_space<semaphore_mem>>) {add = true}
          %dma_wait3A_223 = arith.constant 0 : i32
          %dma_wait3A_224 = tpu.memref_slice %arg13[%add3A_169, %dma_wait3A_223] : memref<80x128xi32, #tpu.memory_space<vmem>> -> memref<1x128xi32, #tpu.memory_space<vmem>>
          %dma_wait3A_225 = tpu.memref_squeeze %dma_wait3A_224 : memref<1x128xi32, #tpu.memory_space<vmem>> -> memref<128xi32, #tpu.memory_space<vmem>>
          %dma_wait3A_226 = arith.constant 0 : i32
          %dma_wait3A_227 = arith.constant 0 : i32
          %dma_wait3A_228 = tpu.memref_slice %arg24[%dma_wait3A_226, %dma_wait3A_227] : memref<10240x48xf32, #tpu.memory_space<vmem_shared>> -> memref<10240x48xf32, #tpu.memory_space<vmem_shared>>
          tpu.wait_indirect_dma semaphore(%run_scoped3A : memref<!tpu.dma_semaphore, #tpu.memory_space<semaphore_mem>>) src(%arg19 : memref<128x48xf32, #tpu.memory_space<vmem>>) dst(%dma_wait3A_228 : memref<10240x48xf32, #tpu.memory_space<vmem_shared>>)
          tpu.yield
        }) : () -> ()
        %add3A_176 = arith.constant 8 : i32
        %add3A_177 = arith.addi %add3A_169, %add3A_176 : i32
        %lt3A_178 = arith.constant 80 : i32
        %lt3A_179 = arith.cmpi slt, %add3A_177, %lt3A_178 : i32
        %convert_element_type3A_180 = arith.extui %lt3A_179 : i1 to i32
        %cond3A_181 = arith.constant 0 : i32
        %cond3A_182 = arith.cmpi ne, %convert_element_type3A_180, %cond3A_181 : i32
        scf.if %cond3A_182 {
          %dma_start3A_217 = arith.constant 0 : i32
          %dma_start3A_218 = tpu.memref_slice %arg12[%add3A_177, %dma_start3A_217] : memref<80x128xi32, #tpu.memory_space<vmem>> -> memref<1x128xi32, #tpu.memory_space<vmem>>
          %dma_start3A_219 = tpu.memref_squeeze %dma_start3A_218 : memref<1x128xi32, #tpu.memory_space<vmem>> -> memref<128xi32, #tpu.memory_space<vmem>>
          %dma_start3A_220 = arith.constant 0 : i32
          %dma_start3A_221 = arith.constant 0 : i32
          %dma_start3A_222 = tpu.memref_slice %arg2[%dma_start3A_220, %dma_start3A_221] : memref<10240x48xf32, #tpu.memory_space<hbm>> -> memref<10240x48xf32, #tpu.memory_space<hbm>>
          tpu.enqueue_indirect_dma source(%dma_start3A_222 : memref<10240x48xf32, #tpu.memory_space<hbm>>) target(%arg19 : memref<128x48xf32, #tpu.memory_space<vmem>>) offsets(%dma_start3A_219 : memref<128xi32, #tpu.memory_space<vmem>>) semaphore(%arg30 : memref<!tpu.dma_semaphore, #tpu.memory_space<semaphore_mem>>)
        } else {
        }
        %mul3A_183 = arith.constant 8 : i32
        %mul3A_184 = arith.muli %scan3A_81, %mul3A_183 : i32
        %add3A_185 = arith.constant 6 : i32
        %add3A_186 = arith.addi %mul3A_184, %add3A_185 : i32
        %dma_wait3A_187 = arith.constant 0 : i32
        %dma_wait3A_188 = tpu.memref_slice %arg12[%add3A_186, %dma_wait3A_187] : memref<80x128xi32, #tpu.memory_space<vmem>> -> memref<1x128xi32, #tpu.memory_space<vmem>>
        %dma_wait3A_189 = tpu.memref_squeeze %dma_wait3A_188 : memref<1x128xi32, #tpu.memory_space<vmem>> -> memref<128xi32, #tpu.memory_space<vmem>>
        %dma_wait3A_190 = arith.constant 0 : i32
        %dma_wait3A_191 = arith.constant 0 : i32
        %dma_wait3A_192 = tpu.memref_slice %arg2[%dma_wait3A_190, %dma_wait3A_191] : memref<10240x48xf32, #tpu.memory_space<hbm>> -> memref<10240x48xf32, #tpu.memory_space<hbm>>
        tpu.wait_indirect_dma semaphore(%arg31 : memref<!tpu.dma_semaphore, #tpu.memory_space<semaphore_mem>>) src(%dma_wait3A_192 : memref<10240x48xf32, #tpu.memory_space<hbm>>) dst(%arg20 : memref<128x48xf32, #tpu.memory_space<vmem>>)
        "tpu.region"() ({
          %run_scoped3A = tpu.sem_alloc : memref<!tpu.dma_semaphore, #tpu.memory_space<semaphore_mem>>
          %dma_start3A_217 = arith.constant 0 : i32
          %dma_start3A_218 = tpu.memref_slice %arg13[%add3A_186, %dma_start3A_217] : memref<80x128xi32, #tpu.memory_space<vmem>> -> memref<1x128xi32, #tpu.memory_space<vmem>>
          %dma_start3A_219 = tpu.memref_squeeze %dma_start3A_218 : memref<1x128xi32, #tpu.memory_space<vmem>> -> memref<128xi32, #tpu.memory_space<vmem>>
          %dma_start3A_220 = arith.constant 0 : i32
          %dma_start3A_221 = arith.constant 0 : i32
          %dma_start3A_222 = tpu.memref_slice %arg24[%dma_start3A_220, %dma_start3A_221] : memref<10240x48xf32, #tpu.memory_space<vmem_shared>> -> memref<10240x48xf32, #tpu.memory_space<vmem_shared>>
          tpu.enqueue_indirect_dma source(%arg20 : memref<128x48xf32, #tpu.memory_space<vmem>>) target(%dma_start3A_222 : memref<10240x48xf32, #tpu.memory_space<vmem_shared>>) offsets(%dma_start3A_219 : memref<128xi32, #tpu.memory_space<vmem>>) semaphore(%run_scoped3A : memref<!tpu.dma_semaphore, #tpu.memory_space<semaphore_mem>>) {add = true}
          %dma_wait3A_223 = arith.constant 0 : i32
          %dma_wait3A_224 = tpu.memref_slice %arg13[%add3A_186, %dma_wait3A_223] : memref<80x128xi32, #tpu.memory_space<vmem>> -> memref<1x128xi32, #tpu.memory_space<vmem>>
          %dma_wait3A_225 = tpu.memref_squeeze %dma_wait3A_224 : memref<1x128xi32, #tpu.memory_space<vmem>> -> memref<128xi32, #tpu.memory_space<vmem>>
          %dma_wait3A_226 = arith.constant 0 : i32
          %dma_wait3A_227 = arith.constant 0 : i32
          %dma_wait3A_228 = tpu.memref_slice %arg24[%dma_wait3A_226, %dma_wait3A_227] : memref<10240x48xf32, #tpu.memory_space<vmem_shared>> -> memref<10240x48xf32, #tpu.memory_space<vmem_shared>>
          tpu.wait_indirect_dma semaphore(%run_scoped3A : memref<!tpu.dma_semaphore, #tpu.memory_space<semaphore_mem>>) src(%arg20 : memref<128x48xf32, #tpu.memory_space<vmem>>) dst(%dma_wait3A_228 : memref<10240x48xf32, #tpu.memory_space<vmem_shared>>)
          tpu.yield
        }) : () -> ()
        %add3A_193 = arith.constant 8 : i32
        %add3A_194 = arith.addi %add3A_186, %add3A_193 : i32
        %lt3A_195 = arith.constant 80 : i32
        %lt3A_196 = arith.cmpi slt, %add3A_194, %lt3A_195 : i32
        %convert_element_type3A_197 = arith.extui %lt3A_196 : i1 to i32
        %cond3A_198 = arith.constant 0 : i32
        %cond3A_199 = arith.cmpi ne, %convert_element_type3A_197, %cond3A_198 : i32
        scf.if %cond3A_199 {
          %dma_start3A_217 = arith.constant 0 : i32
          %dma_start3A_218 = tpu.memref_slice %arg12[%add3A_194, %dma_start3A_217] : memref<80x128xi32, #tpu.memory_space<vmem>> -> memref<1x128xi32, #tpu.memory_space<vmem>>
          %dma_start3A_219 = tpu.memref_squeeze %dma_start3A_218 : memref<1x128xi32, #tpu.memory_space<vmem>> -> memref<128xi32, #tpu.memory_space<vmem>>
          %dma_start3A_220 = arith.constant 0 : i32
          %dma_start3A_221 = arith.constant 0 : i32
          %dma_start3A_222 = tpu.memref_slice %arg2[%dma_start3A_220, %dma_start3A_221] : memref<10240x48xf32, #tpu.memory_space<hbm>> -> memref<10240x48xf32, #tpu.memory_space<hbm>>
          tpu.enqueue_indirect_dma source(%dma_start3A_222 : memref<10240x48xf32, #tpu.memory_space<hbm>>) target(%arg20 : memref<128x48xf32, #tpu.memory_space<vmem>>) offsets(%dma_start3A_219 : memref<128xi32, #tpu.memory_space<vmem>>) semaphore(%arg31 : memref<!tpu.dma_semaphore, #tpu.memory_space<semaphore_mem>>)
        } else {
        }
        %mul3A_200 = arith.constant 8 : i32
        %mul3A_201 = arith.muli %scan3A_81, %mul3A_200 : i32
        %add3A_202 = arith.constant 7 : i32
        %add3A_203 = arith.addi %mul3A_201, %add3A_202 : i32
        %dma_wait3A_204 = arith.constant 0 : i32
        %dma_wait3A_205 = tpu.memref_slice %arg12[%add3A_203, %dma_wait3A_204] : memref<80x128xi32, #tpu.memory_space<vmem>> -> memref<1x128xi32, #tpu.memory_space<vmem>>
        %dma_wait3A_206 = tpu.memref_squeeze %dma_wait3A_205 : memref<1x128xi32, #tpu.memory_space<vmem>> -> memref<128xi32, #tpu.memory_space<vmem>>
        %dma_wait3A_207 = arith.constant 0 : i32
        %dma_wait3A_208 = arith.constant 0 : i32
        %dma_wait3A_209 = tpu.memref_slice %arg2[%dma_wait3A_207, %dma_wait3A_208] : memref<10240x48xf32, #tpu.memory_space<hbm>> -> memref<10240x48xf32, #tpu.memory_space<hbm>>
        tpu.wait_indirect_dma semaphore(%arg32 : memref<!tpu.dma_semaphore, #tpu.memory_space<semaphore_mem>>) src(%dma_wait3A_209 : memref<10240x48xf32, #tpu.memory_space<hbm>>) dst(%arg21 : memref<128x48xf32, #tpu.memory_space<vmem>>)
        "tpu.region"() ({
          %run_scoped3A = tpu.sem_alloc : memref<!tpu.dma_semaphore, #tpu.memory_space<semaphore_mem>>
          %dma_start3A_217 = arith.constant 0 : i32
          %dma_start3A_218 = tpu.memref_slice %arg13[%add3A_203, %dma_start3A_217] : memref<80x128xi32, #tpu.memory_space<vmem>> -> memref<1x128xi32, #tpu.memory_space<vmem>>
          %dma_start3A_219 = tpu.memref_squeeze %dma_start3A_218 : memref<1x128xi32, #tpu.memory_space<vmem>> -> memref<128xi32, #tpu.memory_space<vmem>>
          %dma_start3A_220 = arith.constant 0 : i32
          %dma_start3A_221 = arith.constant 0 : i32
          %dma_start3A_222 = tpu.memref_slice %arg24[%dma_start3A_220, %dma_start3A_221] : memref<10240x48xf32, #tpu.memory_space<vmem_shared>> -> memref<10240x48xf32, #tpu.memory_space<vmem_shared>>
          tpu.enqueue_indirect_dma source(%arg21 : memref<128x48xf32, #tpu.memory_space<vmem>>) target(%dma_start3A_222 : memref<10240x48xf32, #tpu.memory_space<vmem_shared>>) offsets(%dma_start3A_219 : memref<128xi32, #tpu.memory_space<vmem>>) semaphore(%run_scoped3A : memref<!tpu.dma_semaphore, #tpu.memory_space<semaphore_mem>>) {add = true}
          %dma_wait3A_223 = arith.constant 0 : i32
          %dma_wait3A_224 = tpu.memref_slice %arg13[%add3A_203, %dma_wait3A_223] : memref<80x128xi32, #tpu.memory_space<vmem>> -> memref<1x128xi32, #tpu.memory_space<vmem>>
          %dma_wait3A_225 = tpu.memref_squeeze %dma_wait3A_224 : memref<1x128xi32, #tpu.memory_space<vmem>> -> memref<128xi32, #tpu.memory_space<vmem>>
          %dma_wait3A_226 = arith.constant 0 : i32
          %dma_wait3A_227 = arith.constant 0 : i32
          %dma_wait3A_228 = tpu.memref_slice %arg24[%dma_wait3A_226, %dma_wait3A_227] : memref<10240x48xf32, #tpu.memory_space<vmem_shared>> -> memref<10240x48xf32, #tpu.memory_space<vmem_shared>>
          tpu.wait_indirect_dma semaphore(%run_scoped3A : memref<!tpu.dma_semaphore, #tpu.memory_space<semaphore_mem>>) src(%arg21 : memref<128x48xf32, #tpu.memory_space<vmem>>) dst(%dma_wait3A_228 : memref<10240x48xf32, #tpu.memory_space<vmem_shared>>)
          tpu.yield
        }) : () -> ()
        %add3A_210 = arith.constant 8 : i32
        %add3A_211 = arith.addi %add3A_203, %add3A_210 : i32
        %lt3A_212 = arith.constant 80 : i32
        %lt3A_213 = arith.cmpi slt, %add3A_211, %lt3A_212 : i32
        %convert_element_type3A_214 = arith.extui %lt3A_213 : i1 to i32
        %cond3A_215 = arith.constant 0 : i32
        %cond3A_216 = arith.cmpi ne, %convert_element_type3A_214, %cond3A_215 : i32
        scf.if %cond3A_216 {
          %dma_start3A_217 = arith.constant 0 : i32
          %dma_start3A_218 = tpu.memref_slice %arg12[%add3A_211, %dma_start3A_217] : memref<80x128xi32, #tpu.memory_space<vmem>> -> memref<1x128xi32, #tpu.memory_space<vmem>>
          %dma_start3A_219 = tpu.memref_squeeze %dma_start3A_218 : memref<1x128xi32, #tpu.memory_space<vmem>> -> memref<128xi32, #tpu.memory_space<vmem>>
          %dma_start3A_220 = arith.constant 0 : i32
          %dma_start3A_221 = arith.constant 0 : i32
          %dma_start3A_222 = tpu.memref_slice %arg2[%dma_start3A_220, %dma_start3A_221] : memref<10240x48xf32, #tpu.memory_space<hbm>> -> memref<10240x48xf32, #tpu.memory_space<hbm>>
          tpu.enqueue_indirect_dma source(%dma_start3A_222 : memref<10240x48xf32, #tpu.memory_space<hbm>>) target(%arg21 : memref<128x48xf32, #tpu.memory_space<vmem>>) offsets(%dma_start3A_219 : memref<128xi32, #tpu.memory_space<vmem>>) semaphore(%arg32 : memref<!tpu.dma_semaphore, #tpu.memory_space<semaphore_mem>>)
        } else {
        }
      }
      %scan3A_80 = arith.constant 10 : i32
    } else {
    }
    %eq3A_3 = arith.constant 1 : i32
    %eq3A_4 = arith.cmpi eq, %arg0, %eq3A_3 : i32
    %convert_element_type3A_5 = arith.extui %eq3A_4 : i1 to i32
    %cond3A_6 = arith.constant 0 : i32
    %cond3A_7 = arith.cmpi ne, %convert_element_type3A_5, %cond3A_6 : i32
    scf.if %cond3A_7 {
      "tpu.region"() ({
        %run_scoped3A = tpu.sem_alloc : memref<!tpu.dma_semaphore, #tpu.memory_space<semaphore_mem>>
        %dma_start3A_81 = arith.constant 0 : i32
        %dma_start3A_82 = arith.constant 0 : i32
        %dma_start3A_83 = tpu.memref_slice %arg6[%arg1, %dma_start3A_81, %dma_start3A_82] : memref<16x80x128xi32, #tpu.memory_space<hbm>> -> memref<1x80x128xi32, #tpu.memory_space<hbm>>
        %dma_start3A_84 = tpu.memref_squeeze %dma_start3A_83 : memref<1x80x128xi32, #tpu.memory_space<hbm>> -> memref<80x128xi32, #tpu.memory_space<hbm>>
        %dma_start3A_85 = arith.constant 0 : i32
        %dma_start3A_86 = arith.constant 0 : i32
        %dma_start3A_87 = tpu.memref_slice %arg6[%arg1, %dma_start3A_85, %dma_start3A_86] : memref<16x80x128xi32, #tpu.memory_space<hbm>> -> memref<1x80x128xi32, #tpu.memory_space<hbm>>
        %dma_start3A_88 = tpu.memref_squeeze %dma_start3A_87 : memref<1x80x128xi32, #tpu.memory_space<hbm>> -> memref<80x128xi32, #tpu.memory_space<hbm>>
        tpu.enqueue_dma source(%dma_start3A_88 : memref<80x128xi32, #tpu.memory_space<hbm>>) target(%arg12 : memref<80x128xi32, #tpu.memory_space<vmem>>) target_semaphore(%run_scoped3A : memref<!tpu.dma_semaphore, #tpu.memory_space<semaphore_mem>>)
        %dma_wait3A = arith.constant 0 : i32
        %dma_wait3A_89 = arith.constant 0 : i32
        %dma_wait3A_90 = tpu.memref_slice %arg6[%arg1, %dma_wait3A, %dma_wait3A_89] : memref<16x80x128xi32, #tpu.memory_space<hbm>> -> memref<1x80x128xi32, #tpu.memory_space<hbm>>
        %dma_wait3A_91 = tpu.memref_squeeze %dma_wait3A_90 : memref<1x80x128xi32, #tpu.memory_space<hbm>> -> memref<80x128xi32, #tpu.memory_space<hbm>>
        %dma_wait3A_92 = arith.constant 0 : i32
        %dma_wait3A_93 = arith.constant 0 : i32
        %dma_wait3A_94 = tpu.memref_slice %arg6[%arg1, %dma_wait3A_92, %dma_wait3A_93] : memref<16x80x128xi32, #tpu.memory_space<hbm>> -> memref<1x80x128xi32, #tpu.memory_space<hbm>>
        %dma_wait3A_95 = tpu.memref_squeeze %dma_wait3A_94 : memref<1x80x128xi32, #tpu.memory_space<hbm>> -> memref<80x128xi32, #tpu.memory_space<hbm>>
        tpu.wait_dma2 semaphore(%run_scoped3A : memref<!tpu.dma_semaphore, #tpu.memory_space<semaphore_mem>>) src(%dma_wait3A_95 : memref<80x128xi32, #tpu.memory_space<hbm>>) dst(%arg12 : memref<80x128xi32, #tpu.memory_space<vmem>>)
        tpu.yield
      }) : () -> ()
      "tpu.region"() ({
        %run_scoped3A = tpu.sem_alloc : memref<!tpu.dma_semaphore, #tpu.memory_space<semaphore_mem>>
        %dma_start3A_81 = arith.constant 0 : i32
        %dma_start3A_82 = arith.constant 0 : i32
        %dma_start3A_83 = tpu.memref_slice %arg7[%arg1, %dma_start3A_81, %dma_start3A_82] : memref<16x80x128xi32, #tpu.memory_space<hbm>> -> memref<1x80x128xi32, #tpu.memory_space<hbm>>
        %dma_start3A_84 = tpu.memref_squeeze %dma_start3A_83 : memref<1x80x128xi32, #tpu.memory_space<hbm>> -> memref<80x128xi32, #tpu.memory_space<hbm>>
        %dma_start3A_85 = arith.constant 0 : i32
        %dma_start3A_86 = arith.constant 0 : i32
        %dma_start3A_87 = tpu.memref_slice %arg7[%arg1, %dma_start3A_85, %dma_start3A_86] : memref<16x80x128xi32, #tpu.memory_space<hbm>> -> memref<1x80x128xi32, #tpu.memory_space<hbm>>
        %dma_start3A_88 = tpu.memref_squeeze %dma_start3A_87 : memref<1x80x128xi32, #tpu.memory_space<hbm>> -> memref<80x128xi32, #tpu.memory_space<hbm>>
        tpu.enqueue_dma source(%dma_start3A_88 : memref<80x128xi32, #tpu.memory_space<hbm>>) target(%arg13 : memref<80x128xi32, #tpu.memory_space<vmem>>) target_semaphore(%run_scoped3A : memref<!tpu.dma_semaphore, #tpu.memory_space<semaphore_mem>>)
        %dma_wait3A = arith.constant 0 : i32
        %dma_wait3A_89 = arith.constant 0 : i32
        %dma_wait3A_90 = tpu.memref_slice %arg7[%arg1, %dma_wait3A, %dma_wait3A_89] : memref<16x80x128xi32, #tpu.memory_space<hbm>> -> memref<1x80x128xi32, #tpu.memory_space<hbm>>
        %dma_wait3A_91 = tpu.memref_squeeze %dma_wait3A_90 : memref<1x80x128xi32, #tpu.memory_space<hbm>> -> memref<80x128xi32, #tpu.memory_space<hbm>>
        %dma_wait3A_92 = arith.constant 0 : i32
        %dma_wait3A_93 = arith.constant 0 : i32
        %dma_wait3A_94 = tpu.memref_slice %arg7[%arg1, %dma_wait3A_92, %dma_wait3A_93] : memref<16x80x128xi32, #tpu.memory_space<hbm>> -> memref<1x80x128xi32, #tpu.memory_space<hbm>>
        %dma_wait3A_95 = tpu.memref_squeeze %dma_wait3A_94 : memref<1x80x128xi32, #tpu.memory_space<hbm>> -> memref<80x128xi32, #tpu.memory_space<hbm>>
        tpu.wait_dma2 semaphore(%run_scoped3A : memref<!tpu.dma_semaphore, #tpu.memory_space<semaphore_mem>>) src(%dma_wait3A_95 : memref<80x128xi32, #tpu.memory_space<hbm>>) dst(%arg13 : memref<80x128xi32, #tpu.memory_space<vmem>>)
        tpu.yield
      }) : () -> ()
      %dma_start3A = arith.constant 0 : i32
      %dma_start3A_21 = arith.constant 0 : i32
      %dma_start3A_22 = tpu.memref_slice %arg12[%dma_start3A, %dma_start3A_21] : memref<80x128xi32, #tpu.memory_space<vmem>> -> memref<1x128xi32, #tpu.memory_space<vmem>>
      %dma_start3A_23 = tpu.memref_squeeze %dma_start3A_22 : memref<1x128xi32, #tpu.memory_space<vmem>> -> memref<128xi32, #tpu.memory_space<vmem>>
      %dma_start3A_24 = arith.constant 0 : i32
      %dma_start3A_25 = arith.constant 0 : i32
      %dma_start3A_26 = tpu.memref_slice %arg3[%dma_start3A_24, %dma_start3A_25] : memref<10240x48xf32, #tpu.memory_space<hbm>> -> memref<10240x48xf32, #tpu.memory_space<hbm>>
      tpu.enqueue_indirect_dma source(%dma_start3A_26 : memref<10240x48xf32, #tpu.memory_space<hbm>>) target(%arg14 : memref<128x48xf32, #tpu.memory_space<vmem>>) offsets(%dma_start3A_23 : memref<128xi32, #tpu.memory_space<vmem>>) semaphore(%arg25 : memref<!tpu.dma_semaphore, #tpu.memory_space<semaphore_mem>>)
      %dma_start3A_27 = arith.constant 1 : i32
      %dma_start3A_28 = arith.constant 0 : i32
      %dma_start3A_29 = tpu.memref_slice %arg12[%dma_start3A_27, %dma_start3A_28] : memref<80x128xi32, #tpu.memory_space<vmem>> -> memref<1x128xi32, #tpu.memory_space<vmem>>
      %dma_start3A_30 = tpu.memref_squeeze %dma_start3A_29 : memref<1x128xi32, #tpu.memory_space<vmem>> -> memref<128xi32, #tpu.memory_space<vmem>>
      %dma_start3A_31 = arith.constant 0 : i32
      %dma_start3A_32 = arith.constant 0 : i32
      %dma_start3A_33 = tpu.memref_slice %arg3[%dma_start3A_31, %dma_start3A_32] : memref<10240x48xf32, #tpu.memory_space<hbm>> -> memref<10240x48xf32, #tpu.memory_space<hbm>>
      tpu.enqueue_indirect_dma source(%dma_start3A_33 : memref<10240x48xf32, #tpu.memory_space<hbm>>) target(%arg15 : memref<128x48xf32, #tpu.memory_space<vmem>>) offsets(%dma_start3A_30 : memref<128xi32, #tpu.memory_space<vmem>>) semaphore(%arg26 : memref<!tpu.dma_semaphore, #tpu.memory_space<semaphore_mem>>)
      %dma_start3A_34 = arith.constant 2 : i32
      %dma_start3A_35 = arith.constant 0 : i32
      %dma_start3A_36 = tpu.memref_slice %arg12[%dma_start3A_34, %dma_start3A_35] : memref<80x128xi32, #tpu.memory_space<vmem>> -> memref<1x128xi32, #tpu.memory_space<vmem>>
      %dma_start3A_37 = tpu.memref_squeeze %dma_start3A_36 : memref<1x128xi32, #tpu.memory_space<vmem>> -> memref<128xi32, #tpu.memory_space<vmem>>
      %dma_start3A_38 = arith.constant 0 : i32
      %dma_start3A_39 = arith.constant 0 : i32
      %dma_start3A_40 = tpu.memref_slice %arg3[%dma_start3A_38, %dma_start3A_39] : memref<10240x48xf32, #tpu.memory_space<hbm>> -> memref<10240x48xf32, #tpu.memory_space<hbm>>
      tpu.enqueue_indirect_dma source(%dma_start3A_40 : memref<10240x48xf32, #tpu.memory_space<hbm>>) target(%arg16 : memref<128x48xf32, #tpu.memory_space<vmem>>) offsets(%dma_start3A_37 : memref<128xi32, #tpu.memory_space<vmem>>) semaphore(%arg27 : memref<!tpu.dma_semaphore, #tpu.memory_space<semaphore_mem>>)
      %dma_start3A_41 = arith.constant 3 : i32
      %dma_start3A_42 = arith.constant 0 : i32
      %dma_start3A_43 = tpu.memref_slice %arg12[%dma_start3A_41, %dma_start3A_42] : memref<80x128xi32, #tpu.memory_space<vmem>> -> memref<1x128xi32, #tpu.memory_space<vmem>>
      %dma_start3A_44 = tpu.memref_squeeze %dma_start3A_43 : memref<1x128xi32, #tpu.memory_space<vmem>> -> memref<128xi32, #tpu.memory_space<vmem>>
      %dma_start3A_45 = arith.constant 0 : i32
      %dma_start3A_46 = arith.constant 0 : i32
      %dma_start3A_47 = tpu.memref_slice %arg3[%dma_start3A_45, %dma_start3A_46] : memref<10240x48xf32, #tpu.memory_space<hbm>> -> memref<10240x48xf32, #tpu.memory_space<hbm>>
      tpu.enqueue_indirect_dma source(%dma_start3A_47 : memref<10240x48xf32, #tpu.memory_space<hbm>>) target(%arg17 : memref<128x48xf32, #tpu.memory_space<vmem>>) offsets(%dma_start3A_44 : memref<128xi32, #tpu.memory_space<vmem>>) semaphore(%arg28 : memref<!tpu.dma_semaphore, #tpu.memory_space<semaphore_mem>>)
      %dma_start3A_48 = arith.constant 4 : i32
      %dma_start3A_49 = arith.constant 0 : i32
      %dma_start3A_50 = tpu.memref_slice %arg12[%dma_start3A_48, %dma_start3A_49] : memref<80x128xi32, #tpu.memory_space<vmem>> -> memref<1x128xi32, #tpu.memory_space<vmem>>
      %dma_start3A_51 = tpu.memref_squeeze %dma_start3A_50 : memref<1x128xi32, #tpu.memory_space<vmem>> -> memref<128xi32, #tpu.memory_space<vmem>>
      %dma_start3A_52 = arith.constant 0 : i32
      %dma_start3A_53 = arith.constant 0 : i32
      %dma_start3A_54 = tpu.memref_slice %arg3[%dma_start3A_52, %dma_start3A_53] : memref<10240x48xf32, #tpu.memory_space<hbm>> -> memref<10240x48xf32, #tpu.memory_space<hbm>>
      tpu.enqueue_indirect_dma source(%dma_start3A_54 : memref<10240x48xf32, #tpu.memory_space<hbm>>) target(%arg18 : memref<128x48xf32, #tpu.memory_space<vmem>>) offsets(%dma_start3A_51 : memref<128xi32, #tpu.memory_space<vmem>>) semaphore(%arg29 : memref<!tpu.dma_semaphore, #tpu.memory_space<semaphore_mem>>)
      %dma_start3A_55 = arith.constant 5 : i32
      %dma_start3A_56 = arith.constant 0 : i32
      %dma_start3A_57 = tpu.memref_slice %arg12[%dma_start3A_55, %dma_start3A_56] : memref<80x128xi32, #tpu.memory_space<vmem>> -> memref<1x128xi32, #tpu.memory_space<vmem>>
      %dma_start3A_58 = tpu.memref_squeeze %dma_start3A_57 : memref<1x128xi32, #tpu.memory_space<vmem>> -> memref<128xi32, #tpu.memory_space<vmem>>
      %dma_start3A_59 = arith.constant 0 : i32
      %dma_start3A_60 = arith.constant 0 : i32
      %dma_start3A_61 = tpu.memref_slice %arg3[%dma_start3A_59, %dma_start3A_60] : memref<10240x48xf32, #tpu.memory_space<hbm>> -> memref<10240x48xf32, #tpu.memory_space<hbm>>
      tpu.enqueue_indirect_dma source(%dma_start3A_61 : memref<10240x48xf32, #tpu.memory_space<hbm>>) target(%arg19 : memref<128x48xf32, #tpu.memory_space<vmem>>) offsets(%dma_start3A_58 : memref<128xi32, #tpu.memory_space<vmem>>) semaphore(%arg30 : memref<!tpu.dma_semaphore, #tpu.memory_space<semaphore_mem>>)
      %dma_start3A_62 = arith.constant 6 : i32
      %dma_start3A_63 = arith.constant 0 : i32
      %dma_start3A_64 = tpu.memref_slice %arg12[%dma_start3A_62, %dma_start3A_63] : memref<80x128xi32, #tpu.memory_space<vmem>> -> memref<1x128xi32, #tpu.memory_space<vmem>>
      %dma_start3A_65 = tpu.memref_squeeze %dma_start3A_64 : memref<1x128xi32, #tpu.memory_space<vmem>> -> memref<128xi32, #tpu.memory_space<vmem>>
      %dma_start3A_66 = arith.constant 0 : i32
      %dma_start3A_67 = arith.constant 0 : i32
      %dma_start3A_68 = tpu.memref_slice %arg3[%dma_start3A_66, %dma_start3A_67] : memref<10240x48xf32, #tpu.memory_space<hbm>> -> memref<10240x48xf32, #tpu.memory_space<hbm>>
      tpu.enqueue_indirect_dma source(%dma_start3A_68 : memref<10240x48xf32, #tpu.memory_space<hbm>>) target(%arg20 : memref<128x48xf32, #tpu.memory_space<vmem>>) offsets(%dma_start3A_65 : memref<128xi32, #tpu.memory_space<vmem>>) semaphore(%arg31 : memref<!tpu.dma_semaphore, #tpu.memory_space<semaphore_mem>>)
      %dma_start3A_69 = arith.constant 7 : i32
      %dma_start3A_70 = arith.constant 0 : i32
      %dma_start3A_71 = tpu.memref_slice %arg12[%dma_start3A_69, %dma_start3A_70] : memref<80x128xi32, #tpu.memory_space<vmem>> -> memref<1x128xi32, #tpu.memory_space<vmem>>
      %dma_start3A_72 = tpu.memref_squeeze %dma_start3A_71 : memref<1x128xi32, #tpu.memory_space<vmem>> -> memref<128xi32, #tpu.memory_space<vmem>>
      %dma_start3A_73 = arith.constant 0 : i32
      %dma_start3A_74 = arith.constant 0 : i32
      %dma_start3A_75 = tpu.memref_slice %arg3[%dma_start3A_73, %dma_start3A_74] : memref<10240x48xf32, #tpu.memory_space<hbm>> -> memref<10240x48xf32, #tpu.memory_space<hbm>>
      tpu.enqueue_indirect_dma source(%dma_start3A_75 : memref<10240x48xf32, #tpu.memory_space<hbm>>) target(%arg21 : memref<128x48xf32, #tpu.memory_space<vmem>>) offsets(%dma_start3A_72 : memref<128xi32, #tpu.memory_space<vmem>>) semaphore(%arg32 : memref<!tpu.dma_semaphore, #tpu.memory_space<semaphore_mem>>)
      %scan3A = arith.constant 0 : i32
      %scan3A_76 = arith.constant 0 : i32
      %scan3A_77 = arith.constant 10 : i32
      %scan3A_78 = arith.addi %scan3A_76, %scan3A_77 : i32
      %scan3A_79 = arith.constant 1 : i32
      scf.for %scan3A_81 = %scan3A_76 to %scan3A_78 step %scan3A_79  : i32 {
        %mul3A_82 = arith.constant 8 : i32
        %mul3A_83 = arith.muli %scan3A_81, %mul3A_82 : i32
        %add3A_84 = arith.constant 0 : i32
        %add3A_85 = arith.addi %mul3A_83, %add3A_84 : i32
        %dma_wait3A = arith.constant 0 : i32
        %dma_wait3A_86 = tpu.memref_slice %arg12[%add3A_85, %dma_wait3A] : memref<80x128xi32, #tpu.memory_space<vmem>> -> memref<1x128xi32, #tpu.memory_space<vmem>>
        %dma_wait3A_87 = tpu.memref_squeeze %dma_wait3A_86 : memref<1x128xi32, #tpu.memory_space<vmem>> -> memref<128xi32, #tpu.memory_space<vmem>>
        %dma_wait3A_88 = arith.constant 0 : i32
        %dma_wait3A_89 = arith.constant 0 : i32
        %dma_wait3A_90 = tpu.memref_slice %arg3[%dma_wait3A_88, %dma_wait3A_89] : memref<10240x48xf32, #tpu.memory_space<hbm>> -> memref<10240x48xf32, #tpu.memory_space<hbm>>
        tpu.wait_indirect_dma semaphore(%arg25 : memref<!tpu.dma_semaphore, #tpu.memory_space<semaphore_mem>>) src(%dma_wait3A_90 : memref<10240x48xf32, #tpu.memory_space<hbm>>) dst(%arg14 : memref<128x48xf32, #tpu.memory_space<vmem>>)
        "tpu.region"() ({
          %run_scoped3A = tpu.sem_alloc : memref<!tpu.dma_semaphore, #tpu.memory_space<semaphore_mem>>
          %dma_start3A_217 = arith.constant 0 : i32
          %dma_start3A_218 = tpu.memref_slice %arg13[%add3A_85, %dma_start3A_217] : memref<80x128xi32, #tpu.memory_space<vmem>> -> memref<1x128xi32, #tpu.memory_space<vmem>>
          %dma_start3A_219 = tpu.memref_squeeze %dma_start3A_218 : memref<1x128xi32, #tpu.memory_space<vmem>> -> memref<128xi32, #tpu.memory_space<vmem>>
          %dma_start3A_220 = arith.constant 0 : i32
          %dma_start3A_221 = arith.constant 0 : i32
          %dma_start3A_222 = tpu.memref_slice %arg24[%dma_start3A_220, %dma_start3A_221] : memref<10240x48xf32, #tpu.memory_space<vmem_shared>> -> memref<10240x48xf32, #tpu.memory_space<vmem_shared>>
          tpu.enqueue_indirect_dma source(%arg14 : memref<128x48xf32, #tpu.memory_space<vmem>>) target(%dma_start3A_222 : memref<10240x48xf32, #tpu.memory_space<vmem_shared>>) offsets(%dma_start3A_219 : memref<128xi32, #tpu.memory_space<vmem>>) semaphore(%run_scoped3A : memref<!tpu.dma_semaphore, #tpu.memory_space<semaphore_mem>>) {add = true}
          %dma_wait3A_223 = arith.constant 0 : i32
          %dma_wait3A_224 = tpu.memref_slice %arg13[%add3A_85, %dma_wait3A_223] : memref<80x128xi32, #tpu.memory_space<vmem>> -> memref<1x128xi32, #tpu.memory_space<vmem>>
          %dma_wait3A_225 = tpu.memref_squeeze %dma_wait3A_224 : memref<1x128xi32, #tpu.memory_space<vmem>> -> memref<128xi32, #tpu.memory_space<vmem>>
          %dma_wait3A_226 = arith.constant 0 : i32
          %dma_wait3A_227 = arith.constant 0 : i32
          %dma_wait3A_228 = tpu.memref_slice %arg24[%dma_wait3A_226, %dma_wait3A_227] : memref<10240x48xf32, #tpu.memory_space<vmem_shared>> -> memref<10240x48xf32, #tpu.memory_space<vmem_shared>>
          tpu.wait_indirect_dma semaphore(%run_scoped3A : memref<!tpu.dma_semaphore, #tpu.memory_space<semaphore_mem>>) src(%arg14 : memref<128x48xf32, #tpu.memory_space<vmem>>) dst(%dma_wait3A_228 : memref<10240x48xf32, #tpu.memory_space<vmem_shared>>)
          tpu.yield
        }) : () -> ()
        %add3A_91 = arith.constant 8 : i32
        %add3A_92 = arith.addi %add3A_85, %add3A_91 : i32
        %lt3A_93 = arith.constant 80 : i32
        %lt3A_94 = arith.cmpi slt, %add3A_92, %lt3A_93 : i32
        %convert_element_type3A_95 = arith.extui %lt3A_94 : i1 to i32
        %cond3A_96 = arith.constant 0 : i32
        %cond3A_97 = arith.cmpi ne, %convert_element_type3A_95, %cond3A_96 : i32
        scf.if %cond3A_97 {
          %dma_start3A_217 = arith.constant 0 : i32
          %dma_start3A_218 = tpu.memref_slice %arg12[%add3A_92, %dma_start3A_217] : memref<80x128xi32, #tpu.memory_space<vmem>> -> memref<1x128xi32, #tpu.memory_space<vmem>>
          %dma_start3A_219 = tpu.memref_squeeze %dma_start3A_218 : memref<1x128xi32, #tpu.memory_space<vmem>> -> memref<128xi32, #tpu.memory_space<vmem>>
          %dma_start3A_220 = arith.constant 0 : i32
          %dma_start3A_221 = arith.constant 0 : i32
          %dma_start3A_222 = tpu.memref_slice %arg3[%dma_start3A_220, %dma_start3A_221] : memref<10240x48xf32, #tpu.memory_space<hbm>> -> memref<10240x48xf32, #tpu.memory_space<hbm>>
          tpu.enqueue_indirect_dma source(%dma_start3A_222 : memref<10240x48xf32, #tpu.memory_space<hbm>>) target(%arg14 : memref<128x48xf32, #tpu.memory_space<vmem>>) offsets(%dma_start3A_219 : memref<128xi32, #tpu.memory_space<vmem>>) semaphore(%arg25 : memref<!tpu.dma_semaphore, #tpu.memory_space<semaphore_mem>>)
        } else {
        }
        %mul3A_98 = arith.constant 8 : i32
        %mul3A_99 = arith.muli %scan3A_81, %mul3A_98 : i32
        %add3A_100 = arith.constant 1 : i32
        %add3A_101 = arith.addi %mul3A_99, %add3A_100 : i32
        %dma_wait3A_102 = arith.constant 0 : i32
        %dma_wait3A_103 = tpu.memref_slice %arg12[%add3A_101, %dma_wait3A_102] : memref<80x128xi32, #tpu.memory_space<vmem>> -> memref<1x128xi32, #tpu.memory_space<vmem>>
        %dma_wait3A_104 = tpu.memref_squeeze %dma_wait3A_103 : memref<1x128xi32, #tpu.memory_space<vmem>> -> memref<128xi32, #tpu.memory_space<vmem>>
        %dma_wait3A_105 = arith.constant 0 : i32
        %dma_wait3A_106 = arith.constant 0 : i32
        %dma_wait3A_107 = tpu.memref_slice %arg3[%dma_wait3A_105, %dma_wait3A_106] : memref<10240x48xf32, #tpu.memory_space<hbm>> -> memref<10240x48xf32, #tpu.memory_space<hbm>>
        tpu.wait_indirect_dma semaphore(%arg26 : memref<!tpu.dma_semaphore, #tpu.memory_space<semaphore_mem>>) src(%dma_wait3A_107 : memref<10240x48xf32, #tpu.memory_space<hbm>>) dst(%arg15 : memref<128x48xf32, #tpu.memory_space<vmem>>)
        "tpu.region"() ({
          %run_scoped3A = tpu.sem_alloc : memref<!tpu.dma_semaphore, #tpu.memory_space<semaphore_mem>>
          %dma_start3A_217 = arith.constant 0 : i32
          %dma_start3A_218 = tpu.memref_slice %arg13[%add3A_101, %dma_start3A_217] : memref<80x128xi32, #tpu.memory_space<vmem>> -> memref<1x128xi32, #tpu.memory_space<vmem>>
          %dma_start3A_219 = tpu.memref_squeeze %dma_start3A_218 : memref<1x128xi32, #tpu.memory_space<vmem>> -> memref<128xi32, #tpu.memory_space<vmem>>
          %dma_start3A_220 = arith.constant 0 : i32
          %dma_start3A_221 = arith.constant 0 : i32
          %dma_start3A_222 = tpu.memref_slice %arg24[%dma_start3A_220, %dma_start3A_221] : memref<10240x48xf32, #tpu.memory_space<vmem_shared>> -> memref<10240x48xf32, #tpu.memory_space<vmem_shared>>
          tpu.enqueue_indirect_dma source(%arg15 : memref<128x48xf32, #tpu.memory_space<vmem>>) target(%dma_start3A_222 : memref<10240x48xf32, #tpu.memory_space<vmem_shared>>) offsets(%dma_start3A_219 : memref<128xi32, #tpu.memory_space<vmem>>) semaphore(%run_scoped3A : memref<!tpu.dma_semaphore, #tpu.memory_space<semaphore_mem>>) {add = true}
          %dma_wait3A_223 = arith.constant 0 : i32
          %dma_wait3A_224 = tpu.memref_slice %arg13[%add3A_101, %dma_wait3A_223] : memref<80x128xi32, #tpu.memory_space<vmem>> -> memref<1x128xi32, #tpu.memory_space<vmem>>
          %dma_wait3A_225 = tpu.memref_squeeze %dma_wait3A_224 : memref<1x128xi32, #tpu.memory_space<vmem>> -> memref<128xi32, #tpu.memory_space<vmem>>
          %dma_wait3A_226 = arith.constant 0 : i32
          %dma_wait3A_227 = arith.constant 0 : i32
          %dma_wait3A_228 = tpu.memref_slice %arg24[%dma_wait3A_226, %dma_wait3A_227] : memref<10240x48xf32, #tpu.memory_space<vmem_shared>> -> memref<10240x48xf32, #tpu.memory_space<vmem_shared>>
          tpu.wait_indirect_dma semaphore(%run_scoped3A : memref<!tpu.dma_semaphore, #tpu.memory_space<semaphore_mem>>) src(%arg15 : memref<128x48xf32, #tpu.memory_space<vmem>>) dst(%dma_wait3A_228 : memref<10240x48xf32, #tpu.memory_space<vmem_shared>>)
          tpu.yield
        }) : () -> ()
        %add3A_108 = arith.constant 8 : i32
        %add3A_109 = arith.addi %add3A_101, %add3A_108 : i32
        %lt3A_110 = arith.constant 80 : i32
        %lt3A_111 = arith.cmpi slt, %add3A_109, %lt3A_110 : i32
        %convert_element_type3A_112 = arith.extui %lt3A_111 : i1 to i32
        %cond3A_113 = arith.constant 0 : i32
        %cond3A_114 = arith.cmpi ne, %convert_element_type3A_112, %cond3A_113 : i32
        scf.if %cond3A_114 {
          %dma_start3A_217 = arith.constant 0 : i32
          %dma_start3A_218 = tpu.memref_slice %arg12[%add3A_109, %dma_start3A_217] : memref<80x128xi32, #tpu.memory_space<vmem>> -> memref<1x128xi32, #tpu.memory_space<vmem>>
          %dma_start3A_219 = tpu.memref_squeeze %dma_start3A_218 : memref<1x128xi32, #tpu.memory_space<vmem>> -> memref<128xi32, #tpu.memory_space<vmem>>
          %dma_start3A_220 = arith.constant 0 : i32
          %dma_start3A_221 = arith.constant 0 : i32
          %dma_start3A_222 = tpu.memref_slice %arg3[%dma_start3A_220, %dma_start3A_221] : memref<10240x48xf32, #tpu.memory_space<hbm>> -> memref<10240x48xf32, #tpu.memory_space<hbm>>
          tpu.enqueue_indirect_dma source(%dma_start3A_222 : memref<10240x48xf32, #tpu.memory_space<hbm>>) target(%arg15 : memref<128x48xf32, #tpu.memory_space<vmem>>) offsets(%dma_start3A_219 : memref<128xi32, #tpu.memory_space<vmem>>) semaphore(%arg26 : memref<!tpu.dma_semaphore, #tpu.memory_space<semaphore_mem>>)
        } else {
        }
        %mul3A_115 = arith.constant 8 : i32
        %mul3A_116 = arith.muli %scan3A_81, %mul3A_115 : i32
        %add3A_117 = arith.constant 2 : i32
        %add3A_118 = arith.addi %mul3A_116, %add3A_117 : i32
        %dma_wait3A_119 = arith.constant 0 : i32
        %dma_wait3A_120 = tpu.memref_slice %arg12[%add3A_118, %dma_wait3A_119] : memref<80x128xi32, #tpu.memory_space<vmem>> -> memref<1x128xi32, #tpu.memory_space<vmem>>
        %dma_wait3A_121 = tpu.memref_squeeze %dma_wait3A_120 : memref<1x128xi32, #tpu.memory_space<vmem>> -> memref<128xi32, #tpu.memory_space<vmem>>
        %dma_wait3A_122 = arith.constant 0 : i32
        %dma_wait3A_123 = arith.constant 0 : i32
        %dma_wait3A_124 = tpu.memref_slice %arg3[%dma_wait3A_122, %dma_wait3A_123] : memref<10240x48xf32, #tpu.memory_space<hbm>> -> memref<10240x48xf32, #tpu.memory_space<hbm>>
        tpu.wait_indirect_dma semaphore(%arg27 : memref<!tpu.dma_semaphore, #tpu.memory_space<semaphore_mem>>) src(%dma_wait3A_124 : memref<10240x48xf32, #tpu.memory_space<hbm>>) dst(%arg16 : memref<128x48xf32, #tpu.memory_space<vmem>>)
        "tpu.region"() ({
          %run_scoped3A = tpu.sem_alloc : memref<!tpu.dma_semaphore, #tpu.memory_space<semaphore_mem>>
          %dma_start3A_217 = arith.constant 0 : i32
          %dma_start3A_218 = tpu.memref_slice %arg13[%add3A_118, %dma_start3A_217] : memref<80x128xi32, #tpu.memory_space<vmem>> -> memref<1x128xi32, #tpu.memory_space<vmem>>
          %dma_start3A_219 = tpu.memref_squeeze %dma_start3A_218 : memref<1x128xi32, #tpu.memory_space<vmem>> -> memref<128xi32, #tpu.memory_space<vmem>>
          %dma_start3A_220 = arith.constant 0 : i32
          %dma_start3A_221 = arith.constant 0 : i32
          %dma_start3A_222 = tpu.memref_slice %arg24[%dma_start3A_220, %dma_start3A_221] : memref<10240x48xf32, #tpu.memory_space<vmem_shared>> -> memref<10240x48xf32, #tpu.memory_space<vmem_shared>>
          tpu.enqueue_indirect_dma source(%arg16 : memref<128x48xf32, #tpu.memory_space<vmem>>) target(%dma_start3A_222 : memref<10240x48xf32, #tpu.memory_space<vmem_shared>>) offsets(%dma_start3A_219 : memref<128xi32, #tpu.memory_space<vmem>>) semaphore(%run_scoped3A : memref<!tpu.dma_semaphore, #tpu.memory_space<semaphore_mem>>) {add = true}
          %dma_wait3A_223 = arith.constant 0 : i32
          %dma_wait3A_224 = tpu.memref_slice %arg13[%add3A_118, %dma_wait3A_223] : memref<80x128xi32, #tpu.memory_space<vmem>> -> memref<1x128xi32, #tpu.memory_space<vmem>>
          %dma_wait3A_225 = tpu.memref_squeeze %dma_wait3A_224 : memref<1x128xi32, #tpu.memory_space<vmem>> -> memref<128xi32, #tpu.memory_space<vmem>>
          %dma_wait3A_226 = arith.constant 0 : i32
          %dma_wait3A_227 = arith.constant 0 : i32
          %dma_wait3A_228 = tpu.memref_slice %arg24[%dma_wait3A_226, %dma_wait3A_227] : memref<10240x48xf32, #tpu.memory_space<vmem_shared>> -> memref<10240x48xf32, #tpu.memory_space<vmem_shared>>
          tpu.wait_indirect_dma semaphore(%run_scoped3A : memref<!tpu.dma_semaphore, #tpu.memory_space<semaphore_mem>>) src(%arg16 : memref<128x48xf32, #tpu.memory_space<vmem>>) dst(%dma_wait3A_228 : memref<10240x48xf32, #tpu.memory_space<vmem_shared>>)
          tpu.yield
        }) : () -> ()
        %add3A_125 = arith.constant 8 : i32
        %add3A_126 = arith.addi %add3A_118, %add3A_125 : i32
        %lt3A_127 = arith.constant 80 : i32
        %lt3A_128 = arith.cmpi slt, %add3A_126, %lt3A_127 : i32
        %convert_element_type3A_129 = arith.extui %lt3A_128 : i1 to i32
        %cond3A_130 = arith.constant 0 : i32
        %cond3A_131 = arith.cmpi ne, %convert_element_type3A_129, %cond3A_130 : i32
        scf.if %cond3A_131 {
          %dma_start3A_217 = arith.constant 0 : i32
          %dma_start3A_218 = tpu.memref_slice %arg12[%add3A_126, %dma_start3A_217] : memref<80x128xi32, #tpu.memory_space<vmem>> -> memref<1x128xi32, #tpu.memory_space<vmem>>
          %dma_start3A_219 = tpu.memref_squeeze %dma_start3A_218 : memref<1x128xi32, #tpu.memory_space<vmem>> -> memref<128xi32, #tpu.memory_space<vmem>>
          %dma_start3A_220 = arith.constant 0 : i32
          %dma_start3A_221 = arith.constant 0 : i32
          %dma_start3A_222 = tpu.memref_slice %arg3[%dma_start3A_220, %dma_start3A_221] : memref<10240x48xf32, #tpu.memory_space<hbm>> -> memref<10240x48xf32, #tpu.memory_space<hbm>>
          tpu.enqueue_indirect_dma source(%dma_start3A_222 : memref<10240x48xf32, #tpu.memory_space<hbm>>) target(%arg16 : memref<128x48xf32, #tpu.memory_space<vmem>>) offsets(%dma_start3A_219 : memref<128xi32, #tpu.memory_space<vmem>>) semaphore(%arg27 : memref<!tpu.dma_semaphore, #tpu.memory_space<semaphore_mem>>)
        } else {
        }
        %mul3A_132 = arith.constant 8 : i32
        %mul3A_133 = arith.muli %scan3A_81, %mul3A_132 : i32
        %add3A_134 = arith.constant 3 : i32
        %add3A_135 = arith.addi %mul3A_133, %add3A_134 : i32
        %dma_wait3A_136 = arith.constant 0 : i32
        %dma_wait3A_137 = tpu.memref_slice %arg12[%add3A_135, %dma_wait3A_136] : memref<80x128xi32, #tpu.memory_space<vmem>> -> memref<1x128xi32, #tpu.memory_space<vmem>>
        %dma_wait3A_138 = tpu.memref_squeeze %dma_wait3A_137 : memref<1x128xi32, #tpu.memory_space<vmem>> -> memref<128xi32, #tpu.memory_space<vmem>>
        %dma_wait3A_139 = arith.constant 0 : i32
        %dma_wait3A_140 = arith.constant 0 : i32
        %dma_wait3A_141 = tpu.memref_slice %arg3[%dma_wait3A_139, %dma_wait3A_140] : memref<10240x48xf32, #tpu.memory_space<hbm>> -> memref<10240x48xf32, #tpu.memory_space<hbm>>
        tpu.wait_indirect_dma semaphore(%arg28 : memref<!tpu.dma_semaphore, #tpu.memory_space<semaphore_mem>>) src(%dma_wait3A_141 : memref<10240x48xf32, #tpu.memory_space<hbm>>) dst(%arg17 : memref<128x48xf32, #tpu.memory_space<vmem>>)
        "tpu.region"() ({
          %run_scoped3A = tpu.sem_alloc : memref<!tpu.dma_semaphore, #tpu.memory_space<semaphore_mem>>
          %dma_start3A_217 = arith.constant 0 : i32
          %dma_start3A_218 = tpu.memref_slice %arg13[%add3A_135, %dma_start3A_217] : memref<80x128xi32, #tpu.memory_space<vmem>> -> memref<1x128xi32, #tpu.memory_space<vmem>>
          %dma_start3A_219 = tpu.memref_squeeze %dma_start3A_218 : memref<1x128xi32, #tpu.memory_space<vmem>> -> memref<128xi32, #tpu.memory_space<vmem>>
          %dma_start3A_220 = arith.constant 0 : i32
          %dma_start3A_221 = arith.constant 0 : i32
          %dma_start3A_222 = tpu.memref_slice %arg24[%dma_start3A_220, %dma_start3A_221] : memref<10240x48xf32, #tpu.memory_space<vmem_shared>> -> memref<10240x48xf32, #tpu.memory_space<vmem_shared>>
          tpu.enqueue_indirect_dma source(%arg17 : memref<128x48xf32, #tpu.memory_space<vmem>>) target(%dma_start3A_222 : memref<10240x48xf32, #tpu.memory_space<vmem_shared>>) offsets(%dma_start3A_219 : memref<128xi32, #tpu.memory_space<vmem>>) semaphore(%run_scoped3A : memref<!tpu.dma_semaphore, #tpu.memory_space<semaphore_mem>>) {add = true}
          %dma_wait3A_223 = arith.constant 0 : i32
          %dma_wait3A_224 = tpu.memref_slice %arg13[%add3A_135, %dma_wait3A_223] : memref<80x128xi32, #tpu.memory_space<vmem>> -> memref<1x128xi32, #tpu.memory_space<vmem>>
          %dma_wait3A_225 = tpu.memref_squeeze %dma_wait3A_224 : memref<1x128xi32, #tpu.memory_space<vmem>> -> memref<128xi32, #tpu.memory_space<vmem>>
          %dma_wait3A_226 = arith.constant 0 : i32
          %dma_wait3A_227 = arith.constant 0 : i32
          %dma_wait3A_228 = tpu.memref_slice %arg24[%dma_wait3A_226, %dma_wait3A_227] : memref<10240x48xf32, #tpu.memory_space<vmem_shared>> -> memref<10240x48xf32, #tpu.memory_space<vmem_shared>>
          tpu.wait_indirect_dma semaphore(%run_scoped3A : memref<!tpu.dma_semaphore, #tpu.memory_space<semaphore_mem>>) src(%arg17 : memref<128x48xf32, #tpu.memory_space<vmem>>) dst(%dma_wait3A_228 : memref<10240x48xf32, #tpu.memory_space<vmem_shared>>)
          tpu.yield
        }) : () -> ()
        %add3A_142 = arith.constant 8 : i32
        %add3A_143 = arith.addi %add3A_135, %add3A_142 : i32
        %lt3A_144 = arith.constant 80 : i32
        %lt3A_145 = arith.cmpi slt, %add3A_143, %lt3A_144 : i32
        %convert_element_type3A_146 = arith.extui %lt3A_145 : i1 to i32
        %cond3A_147 = arith.constant 0 : i32
        %cond3A_148 = arith.cmpi ne, %convert_element_type3A_146, %cond3A_147 : i32
        scf.if %cond3A_148 {
          %dma_start3A_217 = arith.constant 0 : i32
          %dma_start3A_218 = tpu.memref_slice %arg12[%add3A_143, %dma_start3A_217] : memref<80x128xi32, #tpu.memory_space<vmem>> -> memref<1x128xi32, #tpu.memory_space<vmem>>
          %dma_start3A_219 = tpu.memref_squeeze %dma_start3A_218 : memref<1x128xi32, #tpu.memory_space<vmem>> -> memref<128xi32, #tpu.memory_space<vmem>>
          %dma_start3A_220 = arith.constant 0 : i32
          %dma_start3A_221 = arith.constant 0 : i32
          %dma_start3A_222 = tpu.memref_slice %arg3[%dma_start3A_220, %dma_start3A_221] : memref<10240x48xf32, #tpu.memory_space<hbm>> -> memref<10240x48xf32, #tpu.memory_space<hbm>>
          tpu.enqueue_indirect_dma source(%dma_start3A_222 : memref<10240x48xf32, #tpu.memory_space<hbm>>) target(%arg17 : memref<128x48xf32, #tpu.memory_space<vmem>>) offsets(%dma_start3A_219 : memref<128xi32, #tpu.memory_space<vmem>>) semaphore(%arg28 : memref<!tpu.dma_semaphore, #tpu.memory_space<semaphore_mem>>)
        } else {
        }
        %mul3A_149 = arith.constant 8 : i32
        %mul3A_150 = arith.muli %scan3A_81, %mul3A_149 : i32
        %add3A_151 = arith.constant 4 : i32
        %add3A_152 = arith.addi %mul3A_150, %add3A_151 : i32
        %dma_wait3A_153 = arith.constant 0 : i32
        %dma_wait3A_154 = tpu.memref_slice %arg12[%add3A_152, %dma_wait3A_153] : memref<80x128xi32, #tpu.memory_space<vmem>> -> memref<1x128xi32, #tpu.memory_space<vmem>>
        %dma_wait3A_155 = tpu.memref_squeeze %dma_wait3A_154 : memref<1x128xi32, #tpu.memory_space<vmem>> -> memref<128xi32, #tpu.memory_space<vmem>>
        %dma_wait3A_156 = arith.constant 0 : i32
        %dma_wait3A_157 = arith.constant 0 : i32
        %dma_wait3A_158 = tpu.memref_slice %arg3[%dma_wait3A_156, %dma_wait3A_157] : memref<10240x48xf32, #tpu.memory_space<hbm>> -> memref<10240x48xf32, #tpu.memory_space<hbm>>
        tpu.wait_indirect_dma semaphore(%arg29 : memref<!tpu.dma_semaphore, #tpu.memory_space<semaphore_mem>>) src(%dma_wait3A_158 : memref<10240x48xf32, #tpu.memory_space<hbm>>) dst(%arg18 : memref<128x48xf32, #tpu.memory_space<vmem>>)
        "tpu.region"() ({
          %run_scoped3A = tpu.sem_alloc : memref<!tpu.dma_semaphore, #tpu.memory_space<semaphore_mem>>
          %dma_start3A_217 = arith.constant 0 : i32
          %dma_start3A_218 = tpu.memref_slice %arg13[%add3A_152, %dma_start3A_217] : memref<80x128xi32, #tpu.memory_space<vmem>> -> memref<1x128xi32, #tpu.memory_space<vmem>>
          %dma_start3A_219 = tpu.memref_squeeze %dma_start3A_218 : memref<1x128xi32, #tpu.memory_space<vmem>> -> memref<128xi32, #tpu.memory_space<vmem>>
          %dma_start3A_220 = arith.constant 0 : i32
          %dma_start3A_221 = arith.constant 0 : i32
          %dma_start3A_222 = tpu.memref_slice %arg24[%dma_start3A_220, %dma_start3A_221] : memref<10240x48xf32, #tpu.memory_space<vmem_shared>> -> memref<10240x48xf32, #tpu.memory_space<vmem_shared>>
          tpu.enqueue_indirect_dma source(%arg18 : memref<128x48xf32, #tpu.memory_space<vmem>>) target(%dma_start3A_222 : memref<10240x48xf32, #tpu.memory_space<vmem_shared>>) offsets(%dma_start3A_219 : memref<128xi32, #tpu.memory_space<vmem>>) semaphore(%run_scoped3A : memref<!tpu.dma_semaphore, #tpu.memory_space<semaphore_mem>>) {add = true}
          %dma_wait3A_223 = arith.constant 0 : i32
          %dma_wait3A_224 = tpu.memref_slice %arg13[%add3A_152, %dma_wait3A_223] : memref<80x128xi32, #tpu.memory_space<vmem>> -> memref<1x128xi32, #tpu.memory_space<vmem>>
          %dma_wait3A_225 = tpu.memref_squeeze %dma_wait3A_224 : memref<1x128xi32, #tpu.memory_space<vmem>> -> memref<128xi32, #tpu.memory_space<vmem>>
          %dma_wait3A_226 = arith.constant 0 : i32
          %dma_wait3A_227 = arith.constant 0 : i32
          %dma_wait3A_228 = tpu.memref_slice %arg24[%dma_wait3A_226, %dma_wait3A_227] : memref<10240x48xf32, #tpu.memory_space<vmem_shared>> -> memref<10240x48xf32, #tpu.memory_space<vmem_shared>>
          tpu.wait_indirect_dma semaphore(%run_scoped3A : memref<!tpu.dma_semaphore, #tpu.memory_space<semaphore_mem>>) src(%arg18 : memref<128x48xf32, #tpu.memory_space<vmem>>) dst(%dma_wait3A_228 : memref<10240x48xf32, #tpu.memory_space<vmem_shared>>)
          tpu.yield
        }) : () -> ()
        %add3A_159 = arith.constant 8 : i32
        %add3A_160 = arith.addi %add3A_152, %add3A_159 : i32
        %lt3A_161 = arith.constant 80 : i32
        %lt3A_162 = arith.cmpi slt, %add3A_160, %lt3A_161 : i32
        %convert_element_type3A_163 = arith.extui %lt3A_162 : i1 to i32
        %cond3A_164 = arith.constant 0 : i32
        %cond3A_165 = arith.cmpi ne, %convert_element_type3A_163, %cond3A_164 : i32
        scf.if %cond3A_165 {
          %dma_start3A_217 = arith.constant 0 : i32
          %dma_start3A_218 = tpu.memref_slice %arg12[%add3A_160, %dma_start3A_217] : memref<80x128xi32, #tpu.memory_space<vmem>> -> memref<1x128xi32, #tpu.memory_space<vmem>>
          %dma_start3A_219 = tpu.memref_squeeze %dma_start3A_218 : memref<1x128xi32, #tpu.memory_space<vmem>> -> memref<128xi32, #tpu.memory_space<vmem>>
          %dma_start3A_220 = arith.constant 0 : i32
          %dma_start3A_221 = arith.constant 0 : i32
          %dma_start3A_222 = tpu.memref_slice %arg3[%dma_start3A_220, %dma_start3A_221] : memref<10240x48xf32, #tpu.memory_space<hbm>> -> memref<10240x48xf32, #tpu.memory_space<hbm>>
          tpu.enqueue_indirect_dma source(%dma_start3A_222 : memref<10240x48xf32, #tpu.memory_space<hbm>>) target(%arg18 : memref<128x48xf32, #tpu.memory_space<vmem>>) offsets(%dma_start3A_219 : memref<128xi32, #tpu.memory_space<vmem>>) semaphore(%arg29 : memref<!tpu.dma_semaphore, #tpu.memory_space<semaphore_mem>>)
        } else {
        }
        %mul3A_166 = arith.constant 8 : i32
        %mul3A_167 = arith.muli %scan3A_81, %mul3A_166 : i32
        %add3A_168 = arith.constant 5 : i32
        %add3A_169 = arith.addi %mul3A_167, %add3A_168 : i32
        %dma_wait3A_170 = arith.constant 0 : i32
        %dma_wait3A_171 = tpu.memref_slice %arg12[%add3A_169, %dma_wait3A_170] : memref<80x128xi32, #tpu.memory_space<vmem>> -> memref<1x128xi32, #tpu.memory_space<vmem>>
        %dma_wait3A_172 = tpu.memref_squeeze %dma_wait3A_171 : memref<1x128xi32, #tpu.memory_space<vmem>> -> memref<128xi32, #tpu.memory_space<vmem>>
        %dma_wait3A_173 = arith.constant 0 : i32
        %dma_wait3A_174 = arith.constant 0 : i32
        %dma_wait3A_175 = tpu.memref_slice %arg3[%dma_wait3A_173, %dma_wait3A_174] : memref<10240x48xf32, #tpu.memory_space<hbm>> -> memref<10240x48xf32, #tpu.memory_space<hbm>>
        tpu.wait_indirect_dma semaphore(%arg30 : memref<!tpu.dma_semaphore, #tpu.memory_space<semaphore_mem>>) src(%dma_wait3A_175 : memref<10240x48xf32, #tpu.memory_space<hbm>>) dst(%arg19 : memref<128x48xf32, #tpu.memory_space<vmem>>)
        "tpu.region"() ({
          %run_scoped3A = tpu.sem_alloc : memref<!tpu.dma_semaphore, #tpu.memory_space<semaphore_mem>>
          %dma_start3A_217 = arith.constant 0 : i32
          %dma_start3A_218 = tpu.memref_slice %arg13[%add3A_169, %dma_start3A_217] : memref<80x128xi32, #tpu.memory_space<vmem>> -> memref<1x128xi32, #tpu.memory_space<vmem>>
          %dma_start3A_219 = tpu.memref_squeeze %dma_start3A_218 : memref<1x128xi32, #tpu.memory_space<vmem>> -> memref<128xi32, #tpu.memory_space<vmem>>
          %dma_start3A_220 = arith.constant 0 : i32
          %dma_start3A_221 = arith.constant 0 : i32
          %dma_start3A_222 = tpu.memref_slice %arg24[%dma_start3A_220, %dma_start3A_221] : memref<10240x48xf32, #tpu.memory_space<vmem_shared>> -> memref<10240x48xf32, #tpu.memory_space<vmem_shared>>
          tpu.enqueue_indirect_dma source(%arg19 : memref<128x48xf32, #tpu.memory_space<vmem>>) target(%dma_start3A_222 : memref<10240x48xf32, #tpu.memory_space<vmem_shared>>) offsets(%dma_start3A_219 : memref<128xi32, #tpu.memory_space<vmem>>) semaphore(%run_scoped3A : memref<!tpu.dma_semaphore, #tpu.memory_space<semaphore_mem>>) {add = true}
          %dma_wait3A_223 = arith.constant 0 : i32
          %dma_wait3A_224 = tpu.memref_slice %arg13[%add3A_169, %dma_wait3A_223] : memref<80x128xi32, #tpu.memory_space<vmem>> -> memref<1x128xi32, #tpu.memory_space<vmem>>
          %dma_wait3A_225 = tpu.memref_squeeze %dma_wait3A_224 : memref<1x128xi32, #tpu.memory_space<vmem>> -> memref<128xi32, #tpu.memory_space<vmem>>
          %dma_wait3A_226 = arith.constant 0 : i32
          %dma_wait3A_227 = arith.constant 0 : i32
          %dma_wait3A_228 = tpu.memref_slice %arg24[%dma_wait3A_226, %dma_wait3A_227] : memref<10240x48xf32, #tpu.memory_space<vmem_shared>> -> memref<10240x48xf32, #tpu.memory_space<vmem_shared>>
          tpu.wait_indirect_dma semaphore(%run_scoped3A : memref<!tpu.dma_semaphore, #tpu.memory_space<semaphore_mem>>) src(%arg19 : memref<128x48xf32, #tpu.memory_space<vmem>>) dst(%dma_wait3A_228 : memref<10240x48xf32, #tpu.memory_space<vmem_shared>>)
          tpu.yield
        }) : () -> ()
        %add3A_176 = arith.constant 8 : i32
        %add3A_177 = arith.addi %add3A_169, %add3A_176 : i32
        %lt3A_178 = arith.constant 80 : i32
        %lt3A_179 = arith.cmpi slt, %add3A_177, %lt3A_178 : i32
        %convert_element_type3A_180 = arith.extui %lt3A_179 : i1 to i32
        %cond3A_181 = arith.constant 0 : i32
        %cond3A_182 = arith.cmpi ne, %convert_element_type3A_180, %cond3A_181 : i32
        scf.if %cond3A_182 {
          %dma_start3A_217 = arith.constant 0 : i32
          %dma_start3A_218 = tpu.memref_slice %arg12[%add3A_177, %dma_start3A_217] : memref<80x128xi32, #tpu.memory_space<vmem>> -> memref<1x128xi32, #tpu.memory_space<vmem>>
          %dma_start3A_219 = tpu.memref_squeeze %dma_start3A_218 : memref<1x128xi32, #tpu.memory_space<vmem>> -> memref<128xi32, #tpu.memory_space<vmem>>
          %dma_start3A_220 = arith.constant 0 : i32
          %dma_start3A_221 = arith.constant 0 : i32
          %dma_start3A_222 = tpu.memref_slice %arg3[%dma_start3A_220, %dma_start3A_221] : memref<10240x48xf32, #tpu.memory_space<hbm>> -> memref<10240x48xf32, #tpu.memory_space<hbm>>
          tpu.enqueue_indirect_dma source(%dma_start3A_222 : memref<10240x48xf32, #tpu.memory_space<hbm>>) target(%arg19 : memref<128x48xf32, #tpu.memory_space<vmem>>) offsets(%dma_start3A_219 : memref<128xi32, #tpu.memory_space<vmem>>) semaphore(%arg30 : memref<!tpu.dma_semaphore, #tpu.memory_space<semaphore_mem>>)
        } else {
        }
        %mul3A_183 = arith.constant 8 : i32
        %mul3A_184 = arith.muli %scan3A_81, %mul3A_183 : i32
        %add3A_185 = arith.constant 6 : i32
        %add3A_186 = arith.addi %mul3A_184, %add3A_185 : i32
        %dma_wait3A_187 = arith.constant 0 : i32
        %dma_wait3A_188 = tpu.memref_slice %arg12[%add3A_186, %dma_wait3A_187] : memref<80x128xi32, #tpu.memory_space<vmem>> -> memref<1x128xi32, #tpu.memory_space<vmem>>
        %dma_wait3A_189 = tpu.memref_squeeze %dma_wait3A_188 : memref<1x128xi32, #tpu.memory_space<vmem>> -> memref<128xi32, #tpu.memory_space<vmem>>
        %dma_wait3A_190 = arith.constant 0 : i32
        %dma_wait3A_191 = arith.constant 0 : i32
        %dma_wait3A_192 = tpu.memref_slice %arg3[%dma_wait3A_190, %dma_wait3A_191] : memref<10240x48xf32, #tpu.memory_space<hbm>> -> memref<10240x48xf32, #tpu.memory_space<hbm>>
        tpu.wait_indirect_dma semaphore(%arg31 : memref<!tpu.dma_semaphore, #tpu.memory_space<semaphore_mem>>) src(%dma_wait3A_192 : memref<10240x48xf32, #tpu.memory_space<hbm>>) dst(%arg20 : memref<128x48xf32, #tpu.memory_space<vmem>>)
        "tpu.region"() ({
          %run_scoped3A = tpu.sem_alloc : memref<!tpu.dma_semaphore, #tpu.memory_space<semaphore_mem>>
          %dma_start3A_217 = arith.constant 0 : i32
          %dma_start3A_218 = tpu.memref_slice %arg13[%add3A_186, %dma_start3A_217] : memref<80x128xi32, #tpu.memory_space<vmem>> -> memref<1x128xi32, #tpu.memory_space<vmem>>
          %dma_start3A_219 = tpu.memref_squeeze %dma_start3A_218 : memref<1x128xi32, #tpu.memory_space<vmem>> -> memref<128xi32, #tpu.memory_space<vmem>>
          %dma_start3A_220 = arith.constant 0 : i32
          %dma_start3A_221 = arith.constant 0 : i32
          %dma_start3A_222 = tpu.memref_slice %arg24[%dma_start3A_220, %dma_start3A_221] : memref<10240x48xf32, #tpu.memory_space<vmem_shared>> -> memref<10240x48xf32, #tpu.memory_space<vmem_shared>>
          tpu.enqueue_indirect_dma source(%arg20 : memref<128x48xf32, #tpu.memory_space<vmem>>) target(%dma_start3A_222 : memref<10240x48xf32, #tpu.memory_space<vmem_shared>>) offsets(%dma_start3A_219 : memref<128xi32, #tpu.memory_space<vmem>>) semaphore(%run_scoped3A : memref<!tpu.dma_semaphore, #tpu.memory_space<semaphore_mem>>) {add = true}
          %dma_wait3A_223 = arith.constant 0 : i32
          %dma_wait3A_224 = tpu.memref_slice %arg13[%add3A_186, %dma_wait3A_223] : memref<80x128xi32, #tpu.memory_space<vmem>> -> memref<1x128xi32, #tpu.memory_space<vmem>>
          %dma_wait3A_225 = tpu.memref_squeeze %dma_wait3A_224 : memref<1x128xi32, #tpu.memory_space<vmem>> -> memref<128xi32, #tpu.memory_space<vmem>>
          %dma_wait3A_226 = arith.constant 0 : i32
          %dma_wait3A_227 = arith.constant 0 : i32
          %dma_wait3A_228 = tpu.memref_slice %arg24[%dma_wait3A_226, %dma_wait3A_227] : memref<10240x48xf32, #tpu.memory_space<vmem_shared>> -> memref<10240x48xf32, #tpu.memory_space<vmem_shared>>
          tpu.wait_indirect_dma semaphore(%run_scoped3A : memref<!tpu.dma_semaphore, #tpu.memory_space<semaphore_mem>>) src(%arg20 : memref<128x48xf32, #tpu.memory_space<vmem>>) dst(%dma_wait3A_228 : memref<10240x48xf32, #tpu.memory_space<vmem_shared>>)
          tpu.yield
        }) : () -> ()
        %add3A_193 = arith.constant 8 : i32
        %add3A_194 = arith.addi %add3A_186, %add3A_193 : i32
        %lt3A_195 = arith.constant 80 : i32
        %lt3A_196 = arith.cmpi slt, %add3A_194, %lt3A_195 : i32
        %convert_element_type3A_197 = arith.extui %lt3A_196 : i1 to i32
        %cond3A_198 = arith.constant 0 : i32
        %cond3A_199 = arith.cmpi ne, %convert_element_type3A_197, %cond3A_198 : i32
        scf.if %cond3A_199 {
          %dma_start3A_217 = arith.constant 0 : i32
          %dma_start3A_218 = tpu.memref_slice %arg12[%add3A_194, %dma_start3A_217] : memref<80x128xi32, #tpu.memory_space<vmem>> -> memref<1x128xi32, #tpu.memory_space<vmem>>
          %dma_start3A_219 = tpu.memref_squeeze %dma_start3A_218 : memref<1x128xi32, #tpu.memory_space<vmem>> -> memref<128xi32, #tpu.memory_space<vmem>>
          %dma_start3A_220 = arith.constant 0 : i32
          %dma_start3A_221 = arith.constant 0 : i32
          %dma_start3A_222 = tpu.memref_slice %arg3[%dma_start3A_220, %dma_start3A_221] : memref<10240x48xf32, #tpu.memory_space<hbm>> -> memref<10240x48xf32, #tpu.memory_space<hbm>>
          tpu.enqueue_indirect_dma source(%dma_start3A_222 : memref<10240x48xf32, #tpu.memory_space<hbm>>) target(%arg20 : memref<128x48xf32, #tpu.memory_space<vmem>>) offsets(%dma_start3A_219 : memref<128xi32, #tpu.memory_space<vmem>>) semaphore(%arg31 : memref<!tpu.dma_semaphore, #tpu.memory_space<semaphore_mem>>)
        } else {
        }
        %mul3A_200 = arith.constant 8 : i32
        %mul3A_201 = arith.muli %scan3A_81, %mul3A_200 : i32
        %add3A_202 = arith.constant 7 : i32
        %add3A_203 = arith.addi %mul3A_201, %add3A_202 : i32
        %dma_wait3A_204 = arith.constant 0 : i32
        %dma_wait3A_205 = tpu.memref_slice %arg12[%add3A_203, %dma_wait3A_204] : memref<80x128xi32, #tpu.memory_space<vmem>> -> memref<1x128xi32, #tpu.memory_space<vmem>>
        %dma_wait3A_206 = tpu.memref_squeeze %dma_wait3A_205 : memref<1x128xi32, #tpu.memory_space<vmem>> -> memref<128xi32, #tpu.memory_space<vmem>>
        %dma_wait3A_207 = arith.constant 0 : i32
        %dma_wait3A_208 = arith.constant 0 : i32
        %dma_wait3A_209 = tpu.memref_slice %arg3[%dma_wait3A_207, %dma_wait3A_208] : memref<10240x48xf32, #tpu.memory_space<hbm>> -> memref<10240x48xf32, #tpu.memory_space<hbm>>
        tpu.wait_indirect_dma semaphore(%arg32 : memref<!tpu.dma_semaphore, #tpu.memory_space<semaphore_mem>>) src(%dma_wait3A_209 : memref<10240x48xf32, #tpu.memory_space<hbm>>) dst(%arg21 : memref<128x48xf32, #tpu.memory_space<vmem>>)
        "tpu.region"() ({
          %run_scoped3A = tpu.sem_alloc : memref<!tpu.dma_semaphore, #tpu.memory_space<semaphore_mem>>
          %dma_start3A_217 = arith.constant 0 : i32
          %dma_start3A_218 = tpu.memref_slice %arg13[%add3A_203, %dma_start3A_217] : memref<80x128xi32, #tpu.memory_space<vmem>> -> memref<1x128xi32, #tpu.memory_space<vmem>>
          %dma_start3A_219 = tpu.memref_squeeze %dma_start3A_218 : memref<1x128xi32, #tpu.memory_space<vmem>> -> memref<128xi32, #tpu.memory_space<vmem>>
          %dma_start3A_220 = arith.constant 0 : i32
          %dma_start3A_221 = arith.constant 0 : i32
          %dma_start3A_222 = tpu.memref_slice %arg24[%dma_start3A_220, %dma_start3A_221] : memref<10240x48xf32, #tpu.memory_space<vmem_shared>> -> memref<10240x48xf32, #tpu.memory_space<vmem_shared>>
          tpu.enqueue_indirect_dma source(%arg21 : memref<128x48xf32, #tpu.memory_space<vmem>>) target(%dma_start3A_222 : memref<10240x48xf32, #tpu.memory_space<vmem_shared>>) offsets(%dma_start3A_219 : memref<128xi32, #tpu.memory_space<vmem>>) semaphore(%run_scoped3A : memref<!tpu.dma_semaphore, #tpu.memory_space<semaphore_mem>>) {add = true}
          %dma_wait3A_223 = arith.constant 0 : i32
          %dma_wait3A_224 = tpu.memref_slice %arg13[%add3A_203, %dma_wait3A_223] : memref<80x128xi32, #tpu.memory_space<vmem>> -> memref<1x128xi32, #tpu.memory_space<vmem>>
          %dma_wait3A_225 = tpu.memref_squeeze %dma_wait3A_224 : memref<1x128xi32, #tpu.memory_space<vmem>> -> memref<128xi32, #tpu.memory_space<vmem>>
          %dma_wait3A_226 = arith.constant 0 : i32
          %dma_wait3A_227 = arith.constant 0 : i32
          %dma_wait3A_228 = tpu.memref_slice %arg24[%dma_wait3A_226, %dma_wait3A_227] : memref<10240x48xf32, #tpu.memory_space<vmem_shared>> -> memref<10240x48xf32, #tpu.memory_space<vmem_shared>>
          tpu.wait_indirect_dma semaphore(%run_scoped3A : memref<!tpu.dma_semaphore, #tpu.memory_space<semaphore_mem>>) src(%arg21 : memref<128x48xf32, #tpu.memory_space<vmem>>) dst(%dma_wait3A_228 : memref<10240x48xf32, #tpu.memory_space<vmem_shared>>)
          tpu.yield
        }) : () -> ()
        %add3A_210 = arith.constant 8 : i32
        %add3A_211 = arith.addi %add3A_203, %add3A_210 : i32
        %lt3A_212 = arith.constant 80 : i32
        %lt3A_213 = arith.cmpi slt, %add3A_211, %lt3A_212 : i32
        %convert_element_type3A_214 = arith.extui %lt3A_213 : i1 to i32
        %cond3A_215 = arith.constant 0 : i32
        %cond3A_216 = arith.cmpi ne, %convert_element_type3A_214, %cond3A_215 : i32
        scf.if %cond3A_216 {
          %dma_start3A_217 = arith.constant 0 : i32
          %dma_start3A_218 = tpu.memref_slice %arg12[%add3A_211, %dma_start3A_217] : memref<80x128xi32, #tpu.memory_space<vmem>> -> memref<1x128xi32, #tpu.memory_space<vmem>>
          %dma_start3A_219 = tpu.memref_squeeze %dma_start3A_218 : memref<1x128xi32, #tpu.memory_space<vmem>> -> memref<128xi32, #tpu.memory_space<vmem>>
          %dma_start3A_220 = arith.constant 0 : i32
          %dma_start3A_221 = arith.constant 0 : i32
          %dma_start3A_222 = tpu.memref_slice %arg3[%dma_start3A_220, %dma_start3A_221] : memref<10240x48xf32, #tpu.memory_space<hbm>> -> memref<10240x48xf32, #tpu.memory_space<hbm>>
          tpu.enqueue_indirect_dma source(%dma_start3A_222 : memref<10240x48xf32, #tpu.memory_space<hbm>>) target(%arg21 : memref<128x48xf32, #tpu.memory_space<vmem>>) offsets(%dma_start3A_219 : memref<128xi32, #tpu.memory_space<vmem>>) semaphore(%arg32 : memref<!tpu.dma_semaphore, #tpu.memory_space<semaphore_mem>>)
        } else {
        }
      }
      %scan3A_80 = arith.constant 10 : i32
    } else {
    }
    %mul3A_8 = arith.constant 16 : i32
    %mul3A_9 = arith.muli %arg0, %mul3A_8 : i32
    %add3A = arith.addi %mul3A_9, %arg1 : i32
    "tpu.region"() ({
      %run_scoped3A = tpu.sem_alloc : memref<!tpu.dma_semaphore, #tpu.memory_space<semaphore_mem>>
      tpu.enqueue_dma source(%arg10 : memref<128x48xf32, #tpu.memory_space<hbm>>) target(%arg23 : memref<128x48xf32, #tpu.memory_space<vmem>>) target_semaphore(%run_scoped3A : memref<!tpu.dma_semaphore, #tpu.memory_space<semaphore_mem>>)
      tpu.wait_dma2 semaphore(%run_scoped3A : memref<!tpu.dma_semaphore, #tpu.memory_space<semaphore_mem>>) src(%arg10 : memref<128x48xf32, #tpu.memory_space<hbm>>) dst(%arg23 : memref<128x48xf32, #tpu.memory_space<vmem>>)
      tpu.yield
    }) : () -> ()
    "tpu.region"() ({
      %run_scoped3A = tpu.sem_alloc : memref<!tpu.dma_semaphore, #tpu.memory_space<semaphore_mem>>
      tpu.enqueue_dma source(%arg8 : memref<40x128xi32, #tpu.memory_space<hbm>>) target(%arg22 : memref<40x128xi32, #tpu.memory_space<vmem>>) target_semaphore(%run_scoped3A : memref<!tpu.dma_semaphore, #tpu.memory_space<semaphore_mem>>)
      tpu.wait_dma2 semaphore(%run_scoped3A : memref<!tpu.dma_semaphore, #tpu.memory_space<semaphore_mem>>) src(%arg8 : memref<40x128xi32, #tpu.memory_space<hbm>>) dst(%arg22 : memref<40x128xi32, #tpu.memory_space<vmem>>)
      tpu.yield
    }) : () -> ()
    "tpu.region"() ({
      %run_scoped3A = tpu.sem_alloc : memref<!tpu.dma_semaphore, #tpu.memory_space<semaphore_mem>>
      %dma_start3A = arith.constant 0 : i32
      %dma_start3A_21 = tpu.memref_slice %arg22[%add3A, %dma_start3A] : memref<40x128xi32, #tpu.memory_space<vmem>> -> memref<1x128xi32, #tpu.memory_space<vmem>>
      %dma_start3A_22 = tpu.memref_squeeze %dma_start3A_21 : memref<1x128xi32, #tpu.memory_space<vmem>> -> memref<128xi32, #tpu.memory_space<vmem>>
      %dma_start3A_23 = arith.constant 0 : i32
      %dma_start3A_24 = arith.constant 0 : i32
      %dma_start3A_25 = tpu.memref_slice %arg24[%dma_start3A_23, %dma_start3A_24] : memref<10240x48xf32, #tpu.memory_space<vmem_shared>> -> memref<10240x48xf32, #tpu.memory_space<vmem_shared>>
      tpu.enqueue_indirect_dma source(%arg23 : memref<128x48xf32, #tpu.memory_space<vmem>>) target(%dma_start3A_25 : memref<10240x48xf32, #tpu.memory_space<vmem_shared>>) offsets(%dma_start3A_22 : memref<128xi32, #tpu.memory_space<vmem>>) semaphore(%run_scoped3A : memref<!tpu.dma_semaphore, #tpu.memory_space<semaphore_mem>>) {add = true}
      %dma_wait3A = arith.constant 0 : i32
      %dma_wait3A_26 = tpu.memref_slice %arg22[%add3A, %dma_wait3A] : memref<40x128xi32, #tpu.memory_space<vmem>> -> memref<1x128xi32, #tpu.memory_space<vmem>>
      %dma_wait3A_27 = tpu.memref_squeeze %dma_wait3A_26 : memref<1x128xi32, #tpu.memory_space<vmem>> -> memref<128xi32, #tpu.memory_space<vmem>>
      %dma_wait3A_28 = arith.constant 0 : i32
      %dma_wait3A_29 = arith.constant 0 : i32
      %dma_wait3A_30 = tpu.memref_slice %arg24[%dma_wait3A_28, %dma_wait3A_29] : memref<10240x48xf32, #tpu.memory_space<vmem_shared>> -> memref<10240x48xf32, #tpu.memory_space<vmem_shared>>
      tpu.wait_indirect_dma semaphore(%run_scoped3A : memref<!tpu.dma_semaphore, #tpu.memory_space<semaphore_mem>>) src(%arg23 : memref<128x48xf32, #tpu.memory_space<vmem>>) dst(%dma_wait3A_30 : memref<10240x48xf32, #tpu.memory_space<vmem_shared>>)
      tpu.yield
    }) : () -> ()
    %add3A_10 = arith.constant 32 : i32
    %add3A_11 = arith.addi %add3A, %add3A_10 : i32
    %lt3A = arith.constant 40 : i32
    %lt3A_12 = arith.cmpi slt, %add3A_11, %lt3A : i32
    %convert_element_type3A_13 = arith.extui %lt3A_12 : i1 to i32
    %cond3A_14 = arith.constant 0 : i32
    %cond3A_15 = arith.cmpi ne, %convert_element_type3A_13, %cond3A_14 : i32
    scf.if %cond3A_15 {
      %add3A_21 = arith.constant 32 : i32
      %add3A_22 = arith.addi %add3A, %add3A_21 : i32
      "tpu.region"() ({
        %run_scoped3A = tpu.sem_alloc : memref<!tpu.dma_semaphore, #tpu.memory_space<semaphore_mem>>
        %dma_start3A = arith.constant 0 : i32
        %dma_start3A_23 = tpu.memref_slice %arg22[%add3A_22, %dma_start3A] : memref<40x128xi32, #tpu.memory_space<vmem>> -> memref<1x128xi32, #tpu.memory_space<vmem>>
        %dma_start3A_24 = tpu.memref_squeeze %dma_start3A_23 : memref<1x128xi32, #tpu.memory_space<vmem>> -> memref<128xi32, #tpu.memory_space<vmem>>
        %dma_start3A_25 = arith.constant 0 : i32
        %dma_start3A_26 = arith.constant 0 : i32
        %dma_start3A_27 = tpu.memref_slice %arg24[%dma_start3A_25, %dma_start3A_26] : memref<10240x48xf32, #tpu.memory_space<vmem_shared>> -> memref<10240x48xf32, #tpu.memory_space<vmem_shared>>
        tpu.enqueue_indirect_dma source(%arg23 : memref<128x48xf32, #tpu.memory_space<vmem>>) target(%dma_start3A_27 : memref<10240x48xf32, #tpu.memory_space<vmem_shared>>) offsets(%dma_start3A_24 : memref<128xi32, #tpu.memory_space<vmem>>) semaphore(%run_scoped3A : memref<!tpu.dma_semaphore, #tpu.memory_space<semaphore_mem>>) {add = true}
        %dma_wait3A = arith.constant 0 : i32
        %dma_wait3A_28 = tpu.memref_slice %arg22[%add3A_22, %dma_wait3A] : memref<40x128xi32, #tpu.memory_space<vmem>> -> memref<1x128xi32, #tpu.memory_space<vmem>>
        %dma_wait3A_29 = tpu.memref_squeeze %dma_wait3A_28 : memref<1x128xi32, #tpu.memory_space<vmem>> -> memref<128xi32, #tpu.memory_space<vmem>>
        %dma_wait3A_30 = arith.constant 0 : i32
        %dma_wait3A_31 = arith.constant 0 : i32
        %dma_wait3A_32 = tpu.memref_slice %arg24[%dma_wait3A_30, %dma_wait3A_31] : memref<10240x48xf32, #tpu.memory_space<vmem_shared>> -> memref<10240x48xf32, #tpu.memory_space<vmem_shared>>
        tpu.wait_indirect_dma semaphore(%run_scoped3A : memref<!tpu.dma_semaphore, #tpu.memory_space<semaphore_mem>>) src(%arg23 : memref<128x48xf32, #tpu.memory_space<vmem>>) dst(%dma_wait3A_32 : memref<10240x48xf32, #tpu.memory_space<vmem_shared>>)
        tpu.yield
      }) : () -> ()
    } else {
    }
    %barrier3A_16 = arith.constant 0 : index
    tpu.barrier barrier_id(%barrier3A_16)
    %mul3A_17 = arith.constant 640 : i32
    %mul3A_18 = arith.muli %arg1, %mul3A_17 : i32
    %mul3A_19 = arith.constant 640 : i32
    %mul3A_20 = arith.muli %arg1, %mul3A_19 : i32
    "tpu.region"() ({
      %run_scoped3A = tpu.sem_alloc : memref<!tpu.dma_semaphore, #tpu.memory_space<semaphore_mem>>
      %dma_start3A = arith.constant 0 : i32
      %dma_start3A_21 = arith.constant 0 : i32
      %dma_start3A_22 = tpu.memref_slice %arg11[%arg0, %dma_start3A, %dma_start3A_21] : memref<2x10240x48xf32, #tpu.memory_space<hbm>> -> memref<1x10240x48xf32, #tpu.memory_space<hbm>>
      %dma_start3A_23 = tpu.memref_squeeze %dma_start3A_22 : memref<1x10240x48xf32, #tpu.memory_space<hbm>> -> memref<10240x48xf32, #tpu.memory_space<hbm>>
      %dma_start3A_24 = arith.constant 0 : i32
      %dma_start3A_25 = tpu.memref_slice %dma_start3A_23[%mul3A_20, %dma_start3A_24] : memref<10240x48xf32, #tpu.memory_space<hbm>> -> memref<640x48xf32, #tpu.memory_space<hbm>>
      %dma_start3A_26 = arith.constant 0 : i32
      %dma_start3A_27 = tpu.memref_slice %arg24[%mul3A_18, %dma_start3A_26] : memref<10240x48xf32, #tpu.memory_space<vmem_shared>> -> memref<640x48xf32, #tpu.memory_space<vmem_shared>>
      tpu.enqueue_dma source(%dma_start3A_27 : memref<640x48xf32, #tpu.memory_space<vmem_shared>>) target(%dma_start3A_25 : memref<640x48xf32, #tpu.memory_space<hbm>>) target_semaphore(%run_scoped3A : memref<!tpu.dma_semaphore, #tpu.memory_space<semaphore_mem>>)
      %dma_wait3A = arith.constant 0 : i32
      %dma_wait3A_28 = arith.constant 0 : i32
      %dma_wait3A_29 = tpu.memref_slice %arg11[%arg0, %dma_wait3A, %dma_wait3A_28] : memref<2x10240x48xf32, #tpu.memory_space<hbm>> -> memref<1x10240x48xf32, #tpu.memory_space<hbm>>
      %dma_wait3A_30 = tpu.memref_squeeze %dma_wait3A_29 : memref<1x10240x48xf32, #tpu.memory_space<hbm>> -> memref<10240x48xf32, #tpu.memory_space<hbm>>
      %dma_wait3A_31 = arith.constant 0 : i32
      %dma_wait3A_32 = tpu.memref_slice %dma_wait3A_30[%mul3A_20, %dma_wait3A_31] : memref<10240x48xf32, #tpu.memory_space<hbm>> -> memref<640x48xf32, #tpu.memory_space<hbm>>
      %dma_wait3A_33 = arith.constant 0 : i32
      %dma_wait3A_34 = tpu.memref_slice %arg24[%mul3A_18, %dma_wait3A_33] : memref<10240x48xf32, #tpu.memory_space<vmem_shared>> -> memref<640x48xf32, #tpu.memory_space<vmem_shared>>
      tpu.wait_dma2 semaphore(%run_scoped3A : memref<!tpu.dma_semaphore, #tpu.memory_space<semaphore_mem>>) src(%dma_wait3A_34 : memref<640x48xf32, #tpu.memory_space<vmem_shared>>) dst(%dma_wait3A_32 : memref<640x48xf32, #tpu.memory_space<hbm>>)
      tpu.yield
    }) : () -> ()
    return
  }
}

module attributes {stable_mosaic.version = 14 : i64} {
  func.func @_tca_body(%arg0: i32, %arg1: memref<2048x128xf32, #tpu.memory_space<vmem>>, %arg2: memref<128x128xf32, #tpu.memory_space<vmem>>, %arg3: memref<128x128xf32, #tpu.memory_space<vmem>>, %arg4: memref<128x128xf32, #tpu.memory_space<vmem>>, %arg5: memref<128x128xf32, #tpu.memory_space<vmem>>, %arg6: memref<128x128xf32, #tpu.memory_space<vmem>>, %arg7: memref<128x128xf32, #tpu.memory_space<vmem>>, %arg8: memref<1x128xf32, #tpu.memory_space<vmem>>, %arg9: memref<1x128xf32, #tpu.memory_space<vmem>>, %arg10: memref<1x128xf32, #tpu.memory_space<vmem>>, %arg11: memref<1x128xf32, #tpu.memory_space<vmem>>, %arg12: memref<1x128xf32, #tpu.memory_space<vmem>>, %arg13: memref<1x128xf32, #tpu.memory_space<vmem>>, %arg14: memref<128x180xf32, #tpu.memory_space<vmem>>, %arg15: memref<2048x48xf32, #tpu.memory_space<vmem>>, %arg16: memref<2048x48xf32, #tpu.memory_space<vmem>>, %arg17: memref<2048x90xf32, #tpu.memory_space<vmem>>, %arg18: memref<128x768xf32, #tpu.memory_space<vmem>>, %arg19: memref<1x768xf32, #tpu.memory_space<vmem>>, %arg20: memref<768x96xf32, #tpu.memory_space<vmem>>, %arg21: memref<128x90xf32, #tpu.memory_space<vmem>>) attributes {dimension_semantics = [#tpu.dimension_semantics<arbitrary>], iteration_bounds = array<i64: 5>, scalar_prefetch = 0 : i64, scratch_operands = 4 : i64, tpu.core_type = #tpu.core_type<tc>, window_params = [{transform_indices = @transform_0, window_bounds = array<i64: 2048, 128>}, {pipeline_mode = #tpu.pipeline_mode<synchronous>, transform_indices = @transform_1, window_bounds = array<i64: 128, 128>}, {pipeline_mode = #tpu.pipeline_mode<synchronous>, transform_indices = @transform_2, window_bounds = array<i64: 128, 128>}, {pipeline_mode = #tpu.pipeline_mode<synchronous>, transform_indices = @transform_3, window_bounds = array<i64: 128, 128>}, {pipeline_mode = #tpu.pipeline_mode<synchronous>, transform_indices = @transform_4, window_bounds = array<i64: 128, 128>}, {pipeline_mode = #tpu.pipeline_mode<synchronous>, transform_indices = @transform_5, window_bounds = array<i64: 128, 128>}, {pipeline_mode = #tpu.pipeline_mode<synchronous>, transform_indices = @transform_6, window_bounds = array<i64: 128, 128>}, {pipeline_mode = #tpu.pipeline_mode<synchronous>, transform_indices = @transform_7, window_bounds = array<i64: 1, 128>}, {pipeline_mode = #tpu.pipeline_mode<synchronous>, transform_indices = @transform_8, window_bounds = array<i64: 1, 128>}, {pipeline_mode = #tpu.pipeline_mode<synchronous>, transform_indices = @transform_9, window_bounds = array<i64: 1, 128>}, {pipeline_mode = #tpu.pipeline_mode<synchronous>, transform_indices = @transform_10, window_bounds = array<i64: 1, 128>}, {pipeline_mode = #tpu.pipeline_mode<synchronous>, transform_indices = @transform_11, window_bounds = array<i64: 1, 128>}, {pipeline_mode = #tpu.pipeline_mode<synchronous>, transform_indices = @transform_12, window_bounds = array<i64: 1, 128>}, {pipeline_mode = #tpu.pipeline_mode<synchronous>, transform_indices = @transform_13, window_bounds = array<i64: 128, 180>}, {transform_indices = @transform_14, window_bounds = array<i64: 2048, 48>}, {transform_indices = @transform_15, window_bounds = array<i64: 2048, 48>}, {transform_indices = @transform_16, window_bounds = array<i64: 2048, 90>}]} {
    %eq3A = arith.constant 0 : i32
    %eq3A_0 = arith.cmpi eq, %arg0, %eq3A : i32
    %convert_element_type3A = arith.extui %eq3A_0 : i1 to i32
    %cond3A = arith.constant 0 : i32
    %cond3A_1 = arith.cmpi ne, %convert_element_type3A, %cond3A : i32
    scf.if %cond3A_1 {
      %get3A_40 = arith.constant 0 : index
      %get3A_41 = arith.constant 0 : index
      %get3A_42 = vector.load %arg2[%get3A_40, %get3A_41] : memref<128x128xf32, #tpu.memory_space<vmem>>, vector<128x128xf32>
      %get3A_43 = arith.constant 0 : index
      %get3A_44 = arith.constant 0 : index
      %get3A_45 = vector.load %arg3[%get3A_43, %get3A_44] : memref<128x128xf32, #tpu.memory_space<vmem>>, vector<128x128xf32>
      %get3A_46 = arith.constant 0 : index
      %get3A_47 = arith.constant 0 : index
      %get3A_48 = vector.load %arg4[%get3A_46, %get3A_47] : memref<128x128xf32, #tpu.memory_space<vmem>>, vector<128x128xf32>
      %get3A_49 = arith.constant 0 : index
      %get3A_50 = arith.constant 0 : index
      %get3A_51 = vector.load %arg5[%get3A_49, %get3A_50] : memref<128x128xf32, #tpu.memory_space<vmem>>, vector<128x128xf32>
      %get3A_52 = arith.constant 0 : index
      %get3A_53 = arith.constant 0 : index
      %get3A_54 = vector.load %arg6[%get3A_52, %get3A_53] : memref<128x128xf32, #tpu.memory_space<vmem>>, vector<128x128xf32>
      %get3A_55 = arith.constant 0 : index
      %get3A_56 = arith.constant 0 : index
      %get3A_57 = vector.load %arg7[%get3A_55, %get3A_56] : memref<128x128xf32, #tpu.memory_space<vmem>>, vector<128x128xf32>
      %concatenate3A = tpu.concatenate %get3A_42, %get3A_45, %get3A_48, %get3A_51, %get3A_54, %get3A_57 in 1 : vector<128x128xf32>, vector<128x128xf32>, vector<128x128xf32>, vector<128x128xf32>, vector<128x128xf32>, vector<128x128xf32> -> vector<128x768xf32>
      %swap3A_58 = arith.constant 0 : index
      %swap3A_59 = arith.constant 0 : index
      %swap3A_60 = vector.load %arg18[%swap3A_58, %swap3A_59] : memref<128x768xf32, #tpu.memory_space<vmem>>, vector<128x768xf32>
      tpu.vector_store %arg18[%swap3A_58, %swap3A_59], %concatenate3A {strides = array<i32>} : memref<128x768xf32, #tpu.memory_space<vmem>>, vector<128x768xf32>,
      %get3A_61 = arith.constant 0 : index
      %get3A_62 = arith.constant 0 : index
      %get3A_63 = vector.load %arg8[%get3A_61, %get3A_62] : memref<1x128xf32, #tpu.memory_space<vmem>>, vector<1x128xf32>
      %get3A_64 = arith.constant 0 : index
      %get3A_65 = arith.constant 0 : index
      %get3A_66 = vector.load %arg9[%get3A_64, %get3A_65] : memref<1x128xf32, #tpu.memory_space<vmem>>, vector<1x128xf32>
      %get3A_67 = arith.constant 0 : index
      %get3A_68 = arith.constant 0 : index
      %get3A_69 = vector.load %arg10[%get3A_67, %get3A_68] : memref<1x128xf32, #tpu.memory_space<vmem>>, vector<1x128xf32>
      %get3A_70 = arith.constant 0 : index
      %get3A_71 = arith.constant 0 : index
      %get3A_72 = vector.load %arg11[%get3A_70, %get3A_71] : memref<1x128xf32, #tpu.memory_space<vmem>>, vector<1x128xf32>
      %get3A_73 = arith.constant 0 : index
      %get3A_74 = arith.constant 0 : index
      %get3A_75 = vector.load %arg12[%get3A_73, %get3A_74] : memref<1x128xf32, #tpu.memory_space<vmem>>, vector<1x128xf32>
      %get3A_76 = arith.constant 0 : index
      %get3A_77 = arith.constant 0 : index
      %get3A_78 = vector.load %arg13[%get3A_76, %get3A_77] : memref<1x128xf32, #tpu.memory_space<vmem>>, vector<1x128xf32>
      %concatenate3A_79 = tpu.concatenate %get3A_63, %get3A_66, %get3A_69, %get3A_72, %get3A_75, %get3A_78 in 1 : vector<1x128xf32>, vector<1x128xf32>, vector<1x128xf32>, vector<1x128xf32>, vector<1x128xf32>, vector<1x128xf32> -> vector<1x768xf32>
      %swap3A_80 = arith.constant 0 : index
      %swap3A_81 = arith.constant 0 : index
      %swap3A_82 = vector.load %arg19[%swap3A_80, %swap3A_81] : memref<1x768xf32, #tpu.memory_space<vmem>>, vector<1x768xf32>
      tpu.vector_store %arg19[%swap3A_80, %swap3A_81], %concatenate3A_79 {strides = array<i32>} : memref<1x768xf32, #tpu.memory_space<vmem>>, vector<1x768xf32>,
      %get3A_83 = arith.constant 0 : index
      %get3A_84 = arith.constant 0 : index
      %get3A_85 = vector.load %arg14[%get3A_83, %get3A_84] : memref<128x180xf32, #tpu.memory_space<vmem>>, vector<128x5xf32>
      %pad3A = arith.constant 0.000000e+00 : f32
      %pad3A_86 = vector.broadcast %pad3A : f32 to vector<640x5xf32>
      %pad3A_87 = tpu.concatenate %get3A_85, %pad3A_86 in 0 : vector<128x5xf32>, vector<640x5xf32> -> vector<768x5xf32>
      %pad3A_88 = vector.broadcast %pad3A : f32 to vector<768x91xf32>
      %pad3A_89 = tpu.concatenate %pad3A_87, %pad3A_88 in 1 : vector<768x5xf32>, vector<768x91xf32> -> vector<768x96xf32>
      %add3A_90 = arith.constant 0.000000e+00 : f32
      %add3A_91 = vector.broadcast %add3A_90 : f32 to vector<768x96xf32>
      %add3A_92 = arith.addf %add3A_91, %pad3A_89 : vector<768x96xf32>
      %get3A_93 = arith.constant 0 : index
      %get3A_94 = arith.constant 5 : index
      %get3A_95 = vector.load %arg14[%get3A_93, %get3A_94] : memref<128x180xf32, #tpu.memory_space<vmem>>, vector<128x2xf32>
      %pad3A_96 = arith.constant 0.000000e+00 : f32
      %pad3A_97 = vector.broadcast %pad3A_96 : f32 to vector<128x2xf32>
      %pad3A_98 = tpu.concatenate %pad3A_97, %get3A_95 in 0 : vector<128x2xf32>, vector<128x2xf32> -> vector<256x2xf32>
      %pad3A_99 = vector.broadcast %pad3A_96 : f32 to vector<512x2xf32>
      %pad3A_100 = tpu.concatenate %pad3A_98, %pad3A_99 in 0 : vector<256x2xf32>, vector<512x2xf32> -> vector<768x2xf32>
      %pad3A_101 = vector.broadcast %pad3A_96 : f32 to vector<768x5xf32>
      %pad3A_102 = tpu.concatenate %pad3A_101, %pad3A_100 in 1 : vector<768x5xf32>, vector<768x2xf32> -> vector<768x7xf32>
      %pad3A_103 = vector.broadcast %pad3A_96 : f32 to vector<768x89xf32>
      %pad3A_104 = tpu.concatenate %pad3A_102, %pad3A_103 in 1 : vector<768x7xf32>, vector<768x89xf32> -> vector<768x96xf32>
      %add3A_105 = arith.addf %add3A_92, %pad3A_104 : vector<768x96xf32>
      %get3A_106 = arith.constant 0 : index
      %get3A_107 = arith.constant 7 : index
      %get3A_108 = vector.load %arg14[%get3A_106, %get3A_107] : memref<128x180xf32, #tpu.memory_space<vmem>>, vector<128x38xf32>
      %pad3A_109 = arith.constant 0.000000e+00 : f32
      %pad3A_110 = vector.broadcast %pad3A_109 : f32 to vector<256x38xf32>
      %pad3A_111 = tpu.concatenate %pad3A_110, %get3A_108 in 0 : vector<256x38xf32>, vector<128x38xf32> -> vector<384x38xf32>
      %pad3A_112 = vector.broadcast %pad3A_109 : f32 to vector<384x38xf32>
      %pad3A_113 = tpu.concatenate %pad3A_111, %pad3A_112 in 0 : vector<384x38xf32>, vector<384x38xf32> -> vector<768x38xf32>
      %pad3A_114 = vector.broadcast %pad3A_109 : f32 to vector<768x7xf32>
      %pad3A_115 = tpu.concatenate %pad3A_114, %pad3A_113 in 1 : vector<768x7xf32>, vector<768x38xf32> -> vector<768x45xf32>
      %pad3A_116 = vector.broadcast %pad3A_109 : f32 to vector<768x51xf32>
      %pad3A_117 = tpu.concatenate %pad3A_115, %pad3A_116 in 1 : vector<768x45xf32>, vector<768x51xf32> -> vector<768x96xf32>
      %add3A_118 = arith.addf %add3A_105, %pad3A_117 : vector<768x96xf32>
      %get3A_119 = arith.constant 0 : index
      %get3A_120 = arith.constant 45 : index
      %get3A_121 = vector.load %arg14[%get3A_119, %get3A_120] : memref<128x180xf32, #tpu.memory_space<vmem>>, vector<128x5xf32>
      %pad3A_122 = arith.constant 0.000000e+00 : f32
      %pad3A_123 = vector.broadcast %pad3A_122 : f32 to vector<384x5xf32>
      %pad3A_124 = tpu.concatenate %pad3A_123, %get3A_121 in 0 : vector<384x5xf32>, vector<128x5xf32> -> vector<512x5xf32>
      %pad3A_125 = vector.broadcast %pad3A_122 : f32 to vector<256x5xf32>
      %pad3A_126 = tpu.concatenate %pad3A_124, %pad3A_125 in 0 : vector<512x5xf32>, vector<256x5xf32> -> vector<768x5xf32>
      %pad3A_127 = vector.broadcast %pad3A_122 : f32 to vector<768x48xf32>
      %pad3A_128 = tpu.concatenate %pad3A_127, %pad3A_126 in 1 : vector<768x48xf32>, vector<768x5xf32> -> vector<768x53xf32>
      %pad3A_129 = vector.broadcast %pad3A_122 : f32 to vector<768x43xf32>
      %pad3A_130 = tpu.concatenate %pad3A_128, %pad3A_129 in 1 : vector<768x53xf32>, vector<768x43xf32> -> vector<768x96xf32>
      %add3A_131 = arith.addf %add3A_118, %pad3A_130 : vector<768x96xf32>
      %get3A_132 = arith.constant 0 : index
      %get3A_133 = arith.constant 50 : index
      %get3A_134 = vector.load %arg14[%get3A_132, %get3A_133] : memref<128x180xf32, #tpu.memory_space<vmem>>, vector<128x2xf32>
      %pad3A_135 = arith.constant 0.000000e+00 : f32
      %pad3A_136 = vector.broadcast %pad3A_135 : f32 to vector<512x2xf32>
      %pad3A_137 = tpu.concatenate %pad3A_136, %get3A_134 in 0 : vector<512x2xf32>, vector<128x2xf32> -> vector<640x2xf32>
      %pad3A_138 = vector.broadcast %pad3A_135 : f32 to vector<128x2xf32>
      %pad3A_139 = tpu.concatenate %pad3A_137, %pad3A_138 in 0 : vector<640x2xf32>, vector<128x2xf32> -> vector<768x2xf32>
      %pad3A_140 = vector.broadcast %pad3A_135 : f32 to vector<768x53xf32>
      %pad3A_141 = tpu.concatenate %pad3A_140, %pad3A_139 in 1 : vector<768x53xf32>, vector<768x2xf32> -> vector<768x55xf32>
      %pad3A_142 = vector.broadcast %pad3A_135 : f32 to vector<768x41xf32>
      %pad3A_143 = tpu.concatenate %pad3A_141, %pad3A_142 in 1 : vector<768x55xf32>, vector<768x41xf32> -> vector<768x96xf32>
      %add3A_144 = arith.addf %add3A_131, %pad3A_143 : vector<768x96xf32>
      %get3A_145 = arith.constant 0 : index
      %get3A_146 = arith.constant 52 : index
      %get3A_147 = vector.load %arg14[%get3A_145, %get3A_146] : memref<128x180xf32, #tpu.memory_space<vmem>>, vector<128x38xf32>
      %pad3A_148 = arith.constant 0.000000e+00 : f32
      %pad3A_149 = vector.broadcast %pad3A_148 : f32 to vector<640x38xf32>
      %pad3A_150 = tpu.concatenate %pad3A_149, %get3A_147 in 0 : vector<640x38xf32>, vector<128x38xf32> -> vector<768x38xf32>
      %pad3A_151 = vector.broadcast %pad3A_148 : f32 to vector<768x55xf32>
      %pad3A_152 = tpu.concatenate %pad3A_151, %pad3A_150 in 1 : vector<768x55xf32>, vector<768x38xf32> -> vector<768x93xf32>
      %pad3A_153 = vector.broadcast %pad3A_148 : f32 to vector<768x3xf32>
      %pad3A_154 = tpu.concatenate %pad3A_152, %pad3A_153 in 1 : vector<768x93xf32>, vector<768x3xf32> -> vector<768x96xf32>
      %add3A_155 = arith.addf %add3A_144, %pad3A_154 : vector<768x96xf32>
      %swap3A_156 = arith.constant 0 : index
      %swap3A_157 = arith.constant 0 : index
      %swap3A_158 = vector.load %arg20[%swap3A_156, %swap3A_157] : memref<768x96xf32, #tpu.memory_space<vmem>>, vector<768x96xf32>
      tpu.vector_store %arg20[%swap3A_156, %swap3A_157], %add3A_155 {strides = array<i32>} : memref<768x96xf32, #tpu.memory_space<vmem>>, vector<768x96xf32>,
      %get3A_159 = arith.constant 0 : index
      %get3A_160 = arith.constant 90 : index
      %get3A_161 = vector.load %arg14[%get3A_159, %get3A_160] : memref<128x180xf32, #tpu.memory_space<vmem>>, vector<128x90xf32>
      %swap3A_162 = arith.constant 0 : index
      %swap3A_163 = arith.constant 0 : index
      %swap3A_164 = vector.load %arg21[%swap3A_162, %swap3A_163] : memref<128x90xf32, #tpu.memory_space<vmem>>, vector<128x90xf32>
      tpu.vector_store %arg21[%swap3A_162, %swap3A_163], %get3A_161 {strides = array<i32>} : memref<128x90xf32, #tpu.memory_space<vmem>>, vector<128x90xf32>,
    } else {
    }
    %get3A = arith.constant 0 : index
    %get3A_2 = arith.constant 0 : index
    %get3A_3 = vector.load %arg1[%get3A, %get3A_2] : memref<2048x128xf32, #tpu.memory_space<vmem>>, vector<2048x128xf32>
    %get3A_4 = arith.constant 0 : index
    %get3A_5 = arith.constant 0 : index
    %get3A_6 = vector.load %arg18[%get3A_4, %get3A_5] : memref<128x768xf32, #tpu.memory_space<vmem>>, vector<128x768xf32>
    %dot_general3A = arith.constant dense<0.000000e+00> : vector<2048x768xf32>
    %dot_general3A_7 = tpu.matmul %get3A_3, %get3A_6, %dot_general3A {dimension_numbers = #tpu.dot_dimension_numbers<[1], [0], [0], [1], [0, 0, 1, 1], [], []>, transpose_lhs_hint = false} : vector<2048x128xf32>, vector<128x768xf32>, vector<2048x768xf32> -> vector<2048x768xf32>
    %get3A_8 = arith.constant 0 : index
    %get3A_9 = arith.constant 0 : index
    %get3A_10 = vector.load %arg19[%get3A_8, %get3A_9] : memref<1x768xf32, #tpu.memory_space<vmem>>, vector<1x768xf32>
    %add3A = vector.broadcast %get3A_10 : vector<1x768xf32> to vector<2048x768xf32>
    %add3A_11 = arith.addf %dot_general3A_7, %add3A : vector<2048x768xf32>
    %max3A = arith.constant 0.000000e+00 : f32
    %max3A_12 = vector.broadcast %max3A : f32 to vector<2048x768xf32>
    %max3A_13 = arith.maximumf %add3A_11, %max3A_12 : vector<2048x768xf32>
    %get3A_14 = arith.constant 0 : index
    %get3A_15 = arith.constant 0 : index
    %get3A_16 = vector.load %arg20[%get3A_14, %get3A_15] : memref<768x96xf32, #tpu.memory_space<vmem>>, vector<768x96xf32>
    %dot_general3A_17 = arith.constant dense<0.000000e+00> : vector<2048x96xf32>
    %dot_general3A_18 = tpu.matmul %max3A_13, %get3A_16, %dot_general3A_17 {dimension_numbers = #tpu.dot_dimension_numbers<[1], [0], [0], [1], [0, 0, 1, 1], [], []>, transpose_lhs_hint = false} : vector<2048x768xf32>, vector<768x96xf32>, vector<2048x96xf32> -> vector<2048x96xf32>
    %iota3A = tpu.iota {dimensions = array<i32: 1>} : vector<2048x48xi32>
    %eq3A_19 = arith.constant 45 : i32
    %eq3A_20 = vector.broadcast %eq3A_19 : i32 to vector<2048x48xi32>
    %eq3A_21 = arith.cmpi eq, %iota3A, %eq3A_20 : vector<2048x48xi32>
    %convert_element_type3A_22 = arith.extui %eq3A_21 : vector<2048x48xi1> to vector<2048x48xi32>
    %convert_element_type3A_23 = arith.sitofp %convert_element_type3A_22 : vector<2048x48xi32> to vector<2048x48xf32>
    %slice3A = vector.extract_strided_slice %dot_general3A_18 {offsets = [0, 0], sizes = [2048, 48], strides = [1, 1]} : vector<2048x96xf32> to vector<2048x48xf32>
    %add3A_24 = arith.addf %slice3A, %convert_element_type3A_23 : vector<2048x48xf32>
    %swap3A = arith.constant 0 : index
    %swap3A_25 = arith.constant 0 : index
    %swap3A_26 = vector.load %arg15[%swap3A, %swap3A_25] : memref<2048x48xf32, #tpu.memory_space<vmem>>, vector<2048x48xf32>
    tpu.vector_store %arg15[%swap3A, %swap3A_25], %add3A_24 {strides = array<i32>} : memref<2048x48xf32, #tpu.memory_space<vmem>>, vector<2048x48xf32>,
    %slice3A_27 = vector.extract_strided_slice %dot_general3A_18 {offsets = [0, 48], sizes = [2048, 48], strides = [1, 1]} : vector<2048x96xf32> to vector<2048x48xf32>
    %add3A_28 = arith.addf %slice3A_27, %convert_element_type3A_23 : vector<2048x48xf32>
    %swap3A_29 = arith.constant 0 : index
    %swap3A_30 = arith.constant 0 : index
    %swap3A_31 = vector.load %arg16[%swap3A_29, %swap3A_30] : memref<2048x48xf32, #tpu.memory_space<vmem>>, vector<2048x48xf32>
    tpu.vector_store %arg16[%swap3A_29, %swap3A_30], %add3A_28 {strides = array<i32>} : memref<2048x48xf32, #tpu.memory_space<vmem>>, vector<2048x48xf32>,
    %get3A_32 = arith.constant 0 : index
    %get3A_33 = arith.constant 0 : index
    %get3A_34 = vector.load %arg21[%get3A_32, %get3A_33] : memref<128x90xf32, #tpu.memory_space<vmem>>, vector<128x90xf32>
    %dot_general3A_35 = arith.constant dense<0.000000e+00> : vector<2048x90xf32>
    %dot_general3A_36 = tpu.matmul %get3A_3, %get3A_34, %dot_general3A_35 {dimension_numbers = #tpu.dot_dimension_numbers<[1], [0], [0], [1], [0, 0, 1, 1], [], []>, transpose_lhs_hint = false} : vector<2048x128xf32>, vector<128x90xf32>, vector<2048x90xf32> -> vector<2048x90xf32>
    %swap3A_37 = arith.constant 0 : index
    %swap3A_38 = arith.constant 0 : index
    %swap3A_39 = vector.load %arg17[%swap3A_37, %swap3A_38] : memref<2048x90xf32, #tpu.memory_space<vmem>>, vector<2048x90xf32>
    tpu.vector_store %arg17[%swap3A_37, %swap3A_38], %dot_general3A_36 {strides = array<i32>} : memref<2048x90xf32, #tpu.memory_space<vmem>>, vector<2048x90xf32>,
    return
  }
  func.func @transform_0(%arg0: i32) -> (i32, i32) {
    %c0_i32 = arith.constant 0 : i32
    %c0_i32_0 = arith.constant 0 : i32
    return %arg0, %c0_i32 : i32, i32
  }
  func.func @transform_1(%arg0: i32) -> (i32, i32) {
    %c0_i32 = arith.constant 0 : i32
    %c0_i32_0 = arith.constant 0 : i32
    %c0_i32_1 = arith.constant 0 : i32
    return %c0_i32, %c0_i32_0 : i32, i32
  }
  func.func @transform_2(%arg0: i32) -> (i32, i32) {
    %c0_i32 = arith.constant 0 : i32
    %c0_i32_0 = arith.constant 0 : i32
    %c0_i32_1 = arith.constant 0 : i32
    return %c0_i32, %c0_i32_0 : i32, i32
  }
  func.func @transform_3(%arg0: i32) -> (i32, i32) {
    %c0_i32 = arith.constant 0 : i32
    %c0_i32_0 = arith.constant 0 : i32
    %c0_i32_1 = arith.constant 0 : i32
    return %c0_i32, %c0_i32_0 : i32, i32
  }
  func.func @transform_4(%arg0: i32) -> (i32, i32) {
    %c0_i32 = arith.constant 0 : i32
    %c0_i32_0 = arith.constant 0 : i32
    %c0_i32_1 = arith.constant 0 : i32
    return %c0_i32, %c0_i32_0 : i32, i32
  }
  func.func @transform_5(%arg0: i32) -> (i32, i32) {
    %c0_i32 = arith.constant 0 : i32
    %c0_i32_0 = arith.constant 0 : i32
    %c0_i32_1 = arith.constant 0 : i32
    return %c0_i32, %c0_i32_0 : i32, i32
  }
  func.func @transform_6(%arg0: i32) -> (i32, i32) {
    %c0_i32 = arith.constant 0 : i32
    %c0_i32_0 = arith.constant 0 : i32
    %c0_i32_1 = arith.constant 0 : i32
    return %c0_i32, %c0_i32_0 : i32, i32
  }
  func.func @transform_7(%arg0: i32) -> (i32, i32) {
    %c0_i32 = arith.constant 0 : i32
    %c0_i32_0 = arith.constant 0 : i32
    %c0_i32_1 = arith.constant 0 : i32
    return %c0_i32, %c0_i32_0 : i32, i32
  }
  func.func @transform_8(%arg0: i32) -> (i32, i32) {
    %c0_i32 = arith.constant 0 : i32
    %c0_i32_0 = arith.constant 0 : i32
    %c0_i32_1 = arith.constant 0 : i32
    return %c0_i32, %c0_i32_0 : i32, i32
  }
  func.func @transform_9(%arg0: i32) -> (i32, i32) {
    %c0_i32 = arith.constant 0 : i32
    %c0_i32_0 = arith.constant 0 : i32
    %c0_i32_1 = arith.constant 0 : i32
    return %c0_i32, %c0_i32_0 : i32, i32
  }
  func.func @transform_10(%arg0: i32) -> (i32, i32) {
    %c0_i32 = arith.constant 0 : i32
    %c0_i32_0 = arith.constant 0 : i32
    %c0_i32_1 = arith.constant 0 : i32
    return %c0_i32, %c0_i32_0 : i32, i32
  }
  func.func @transform_11(%arg0: i32) -> (i32, i32) {
    %c0_i32 = arith.constant 0 : i32
    %c0_i32_0 = arith.constant 0 : i32
    %c0_i32_1 = arith.constant 0 : i32
    return %c0_i32, %c0_i32_0 : i32, i32
  }
  func.func @transform_12(%arg0: i32) -> (i32, i32) {
    %c0_i32 = arith.constant 0 : i32
    %c0_i32_0 = arith.constant 0 : i32
    %c0_i32_1 = arith.constant 0 : i32
    return %c0_i32, %c0_i32_0 : i32, i32
  }
  func.func @transform_13(%arg0: i32) -> (i32, i32) {
    %c0_i32 = arith.constant 0 : i32
    %c0_i32_0 = arith.constant 0 : i32
    %c0_i32_1 = arith.constant 0 : i32
    return %c0_i32, %c0_i32_0 : i32, i32
  }
  func.func @transform_14(%arg0: i32) -> (i32, i32) {
    %c0_i32 = arith.constant 0 : i32
    %c0_i32_0 = arith.constant 0 : i32
    return %arg0, %c0_i32 : i32, i32
  }
  func.func @transform_15(%arg0: i32) -> (i32, i32) {
    %c0_i32 = arith.constant 0 : i32
    %c0_i32_0 = arith.constant 0 : i32
    return %arg0, %c0_i32 : i32, i32
  }
  func.func @transform_16(%arg0: i32) -> (i32, i32) {
    %c0_i32 = arith.constant 0 : i32
    %c0_i32_0 = arith.constant 0 : i32
    return %arg0, %c0_i32 : i32, i32
  }
}

module attributes {stable_mosaic.version = 14 : i64} {
  func.func @_tcb_body(%arg0: i32, %arg1: memref<2x2048x48xf32, #tpu.memory_space<vmem>>, %arg2: memref<2048x90xf32, #tpu.memory_space<vmem>>, %arg3: memref<1x5xf32, #tpu.memory_space<vmem>>, %arg4: memref<1x2xf32, #tpu.memory_space<vmem>>, %arg5: memref<1x38xf32, #tpu.memory_space<vmem>>, %arg6: memref<1x5xf32, #tpu.memory_space<vmem>>, %arg7: memref<1x2xf32, #tpu.memory_space<vmem>>, %arg8: memref<1x38xf32, #tpu.memory_space<vmem>>, %arg9: memref<1x5xf32, #tpu.memory_space<vmem>>, %arg10: memref<1x2xf32, #tpu.memory_space<vmem>>, %arg11: memref<1x38xf32, #tpu.memory_space<vmem>>, %arg12: memref<1x5xf32, #tpu.memory_space<vmem>>, %arg13: memref<1x2xf32, #tpu.memory_space<vmem>>, %arg14: memref<1x38xf32, #tpu.memory_space<vmem>>, %arg15: memref<45x3xf32, #tpu.memory_space<vmem>>, %arg16: memref<3x45xf32, #tpu.memory_space<vmem>>, %arg17: memref<1x3xf32, #tpu.memory_space<vmem>>, %arg18: memref<2048x48xf32, #tpu.memory_space<vmem>>) attributes {dimension_semantics = [#tpu.dimension_semantics<arbitrary>], iteration_bounds = array<i64: 5>, scalar_prefetch = 0 : i64, scratch_operands = 0 : i64, tpu.core_type = #tpu.core_type<tc>, window_params = [{transform_indices = @transform_0, window_bounds = array<i64: 2, 2048, 48>}, {transform_indices = @transform_1, window_bounds = array<i64: 2048, 90>}, {pipeline_mode = #tpu.pipeline_mode<synchronous>, transform_indices = @transform_2, window_bounds = array<i64: 1, 5>}, {pipeline_mode = #tpu.pipeline_mode<synchronous>, transform_indices = @transform_3, window_bounds = array<i64: 1, 2>}, {pipeline_mode = #tpu.pipeline_mode<synchronous>, transform_indices = @transform_4, window_bounds = array<i64: 1, 38>}, {pipeline_mode = #tpu.pipeline_mode<synchronous>, transform_indices = @transform_5, window_bounds = array<i64: 1, 5>}, {pipeline_mode = #tpu.pipeline_mode<synchronous>, transform_indices = @transform_6, window_bounds = array<i64: 1, 2>}, {pipeline_mode = #tpu.pipeline_mode<synchronous>, transform_indices = @transform_7, window_bounds = array<i64: 1, 38>}, {pipeline_mode = #tpu.pipeline_mode<synchronous>, transform_indices = @transform_8, window_bounds = array<i64: 1, 5>}, {pipeline_mode = #tpu.pipeline_mode<synchronous>, transform_indices = @transform_9, window_bounds = array<i64: 1, 2>}, {pipeline_mode = #tpu.pipeline_mode<synchronous>, transform_indices = @transform_10, window_bounds = array<i64: 1, 38>}, {pipeline_mode = #tpu.pipeline_mode<synchronous>, transform_indices = @transform_11, window_bounds = array<i64: 1, 5>}, {pipeline_mode = #tpu.pipeline_mode<synchronous>, transform_indices = @transform_12, window_bounds = array<i64: 1, 2>}, {pipeline_mode = #tpu.pipeline_mode<synchronous>, transform_indices = @transform_13, window_bounds = array<i64: 1, 38>}, {pipeline_mode = #tpu.pipeline_mode<synchronous>, transform_indices = @transform_14, window_bounds = array<i64: 45, 3>}, {pipeline_mode = #tpu.pipeline_mode<synchronous>, transform_indices = @transform_15, window_bounds = array<i64: 3, 45>}, {pipeline_mode = #tpu.pipeline_mode<synchronous>, transform_indices = @transform_16, window_bounds = array<i64: 1, 3>}, {transform_indices = @transform_17, window_bounds = array<i64: 2048, 48>}]} {
    %get3A = arith.constant 0 : index
    %get3A_0 = arith.constant 0 : index
    %get3A_1 = vector.load %arg15[%get3A, %get3A_0] : memref<45x3xf32, #tpu.memory_space<vmem>>, vector<45x3xf32>
    %get3A_2 = arith.constant 0 : index
    %get3A_3 = arith.constant 0 : index
    %get3A_4 = vector.load %arg16[%get3A_2, %get3A_3] : memref<3x45xf32, #tpu.memory_space<vmem>>, vector<3x45xf32>
    %get3A_5 = arith.constant 0 : index
    %get3A_6 = arith.constant 0 : index
    %get3A_7 = vector.load %arg2[%get3A_5, %get3A_6] : memref<2048x90xf32, #tpu.memory_space<vmem>>, vector<2048x90xf32>
    %get3A_8 = arith.constant 0 : index
    %get3A_9 = arith.constant 0 : index
    %get3A_10 = vector.load %arg3[%get3A_8, %get3A_9] : memref<1x5xf32, #tpu.memory_space<vmem>>, vector<1x5xf32>
    %get3A_11 = arith.constant 0 : index
    %get3A_12 = arith.constant 0 : index
    %get3A_13 = vector.load %arg4[%get3A_11, %get3A_12] : memref<1x2xf32, #tpu.memory_space<vmem>>, vector<1x2xf32>
    %get3A_14 = arith.constant 0 : index
    %get3A_15 = arith.constant 0 : index
    %get3A_16 = vector.load %arg5[%get3A_14, %get3A_15] : memref<1x38xf32, #tpu.memory_space<vmem>>, vector<1x38xf32>
    %concatenate3A = tpu.concatenate %get3A_10, %get3A_13, %get3A_16 in 1 : vector<1x5xf32>, vector<1x2xf32>, vector<1x38xf32> -> vector<1x45xf32>
    %get3A_17 = arith.constant 0 : index
    %get3A_18 = arith.constant 0 : index
    %get3A_19 = vector.load %arg6[%get3A_17, %get3A_18] : memref<1x5xf32, #tpu.memory_space<vmem>>, vector<1x5xf32>
    %get3A_20 = arith.constant 0 : index
    %get3A_21 = arith.constant 0 : index
    %get3A_22 = vector.load %arg7[%get3A_20, %get3A_21] : memref<1x2xf32, #tpu.memory_space<vmem>>, vector<1x2xf32>
    %get3A_23 = arith.constant 0 : index
    %get3A_24 = arith.constant 0 : index
    %get3A_25 = vector.load %arg8[%get3A_23, %get3A_24] : memref<1x38xf32, #tpu.memory_space<vmem>>, vector<1x38xf32>
    %concatenate3A_26 = tpu.concatenate %get3A_19, %get3A_22, %get3A_25 in 1 : vector<1x5xf32>, vector<1x2xf32>, vector<1x38xf32> -> vector<1x45xf32>
    %get3A_27 = arith.constant 0 : index
    %get3A_28 = arith.constant 0 : index
    %get3A_29 = arith.constant 0 : index
    %get3A_30 = vector.load %arg1[%get3A_27, %get3A_28, %get3A_29] : memref<2x2048x48xf32, #tpu.memory_space<vmem>>, vector<1x2048x48xf32>
    %get3A_31 = vector.shape_cast %get3A_30 : vector<1x2048x48xf32> to vector<2048x48xf32>
    %slice3A = vector.extract_strided_slice %get3A_7 {offsets = [0, 0], sizes = [2048, 45], strides = [1, 1]} : vector<2048x90xf32> to vector<2048x45xf32>
    %slice3A_32 = vector.extract_strided_slice %get3A_31 {offsets = [0, 45], sizes = [2048, 1], strides = [1, 1]} : vector<2048x48xf32> to vector<2048x1xf32>
    %max3A = arith.constant 1.000000e+00 : f32
    %max3A_33 = vector.broadcast %max3A : f32 to vector<2048x1xf32>
    %max3A_34 = arith.maximumf %slice3A_32, %max3A_33 : vector<2048x1xf32>
    %slice3A_35 = vector.extract_strided_slice %get3A_31 {offsets = [0, 0], sizes = [2048, 45], strides = [1, 1]} : vector<2048x48xf32> to vector<2048x45xf32>
    %div3A = vector.broadcast %max3A_34 : vector<2048x1xf32> to vector<2048x45xf32>
    %div3A_36 = arith.divf %slice3A_35, %div3A : vector<2048x45xf32>
    %add3A = arith.addf %div3A_36, %slice3A : vector<2048x45xf32>
    %add3A_37 = vector.broadcast %concatenate3A : vector<1x45xf32> to vector<2048x45xf32>
    %add3A_38 = arith.addf %add3A, %add3A_37 : vector<2048x45xf32>
    %mul3A = arith.mulf %add3A_38, %add3A_38 : vector<2048x45xf32>
    %dot_general3A = arith.constant dense<0.000000e+00> : vector<2048x3xf32>
    %dot_general3A_39 = tpu.matmul %mul3A, %get3A_1, %dot_general3A {dimension_numbers = #tpu.dot_dimension_numbers<[1], [0], [0], [1], [0, 0, 1, 1], [], []>, transpose_lhs_hint = false} : vector<2048x45xf32>, vector<45x3xf32>, vector<2048x3xf32> -> vector<2048x3xf32>
    %sqrt3A = math.sqrt %dot_general3A_39 : vector<2048x3xf32>
    %max3A_40 = arith.constant 9.99999996E-13 : f32
    %max3A_41 = vector.broadcast %max3A_40 : f32 to vector<2048x3xf32>
    %max3A_42 = arith.maximumf %sqrt3A, %max3A_41 : vector<2048x3xf32>
    %dot_general3A_43 = arith.constant dense<0.000000e+00> : vector<2048x45xf32>
    %dot_general3A_44 = tpu.matmul %max3A_42, %get3A_4, %dot_general3A_43 {dimension_numbers = #tpu.dot_dimension_numbers<[1], [0], [0], [1], [0, 0, 1, 1], [], []>, transpose_lhs_hint = false} : vector<2048x3xf32>, vector<3x45xf32>, vector<2048x45xf32> -> vector<2048x45xf32>
    %div3A_45 = arith.divf %add3A_38, %dot_general3A_44 : vector<2048x45xf32>
    %get3A_46 = arith.constant 1 : index
    %get3A_47 = arith.constant 0 : index
    %get3A_48 = arith.constant 0 : index
    %get3A_49 = vector.load %arg1[%get3A_46, %get3A_47, %get3A_48] : memref<2x2048x48xf32, #tpu.memory_space<vmem>>, vector<1x2048x48xf32>
    %get3A_50 = vector.shape_cast %get3A_49 : vector<1x2048x48xf32> to vector<2048x48xf32>
    %slice3A_51 = vector.extract_strided_slice %get3A_7 {offsets = [0, 45], sizes = [2048, 45], strides = [1, 1]} : vector<2048x90xf32> to vector<2048x45xf32>
    %slice3A_52 = vector.extract_strided_slice %get3A_50 {offsets = [0, 45], sizes = [2048, 1], strides = [1, 1]} : vector<2048x48xf32> to vector<2048x1xf32>
    %max3A_53 = arith.constant 1.000000e+00 : f32
    %max3A_54 = vector.broadcast %max3A_53 : f32 to vector<2048x1xf32>
    %max3A_55 = arith.maximumf %slice3A_52, %max3A_54 : vector<2048x1xf32>
    %slice3A_56 = vector.extract_strided_slice %get3A_50 {offsets = [0, 0], sizes = [2048, 45], strides = [1, 1]} : vector<2048x48xf32> to vector<2048x45xf32>
    %div3A_57 = vector.broadcast %max3A_55 : vector<2048x1xf32> to vector<2048x45xf32>
    %div3A_58 = arith.divf %slice3A_56, %div3A_57 : vector<2048x45xf32>
    %add3A_59 = arith.addf %div3A_58, %slice3A_51 : vector<2048x45xf32>
    %add3A_60 = vector.broadcast %concatenate3A_26 : vector<1x45xf32> to vector<2048x45xf32>
    %add3A_61 = arith.addf %add3A_59, %add3A_60 : vector<2048x45xf32>
    %mul3A_62 = arith.mulf %add3A_61, %add3A_61 : vector<2048x45xf32>
    %dot_general3A_63 = arith.constant dense<0.000000e+00> : vector<2048x3xf32>
    %dot_general3A_64 = tpu.matmul %mul3A_62, %get3A_1, %dot_general3A_63 {dimension_numbers = #tpu.dot_dimension_numbers<[1], [0], [0], [1], [0, 0, 1, 1], [], []>, transpose_lhs_hint = false} : vector<2048x45xf32>, vector<45x3xf32>, vector<2048x3xf32> -> vector<2048x3xf32>
    %sqrt3A_65 = math.sqrt %dot_general3A_64 : vector<2048x3xf32>
    %max3A_66 = arith.constant 9.99999996E-13 : f32
    %max3A_67 = vector.broadcast %max3A_66 : f32 to vector<2048x3xf32>
    %max3A_68 = arith.maximumf %sqrt3A_65, %max3A_67 : vector<2048x3xf32>
    %dot_general3A_69 = arith.constant dense<0.000000e+00> : vector<2048x45xf32>
    %dot_general3A_70 = tpu.matmul %max3A_68, %get3A_4, %dot_general3A_69 {dimension_numbers = #tpu.dot_dimension_numbers<[1], [0], [0], [1], [0, 0, 1, 1], [], []>, transpose_lhs_hint = false} : vector<2048x3xf32>, vector<3x45xf32>, vector<2048x45xf32> -> vector<2048x45xf32>
    %div3A_71 = arith.divf %add3A_61, %dot_general3A_70 : vector<2048x45xf32>
    %add3A_72 = arith.addf %div3A_45, %div3A_71 : vector<2048x45xf32>
    %mul3A_73 = arith.constant 5.000000e-01 : f32
    %mul3A_74 = vector.broadcast %mul3A_73 : f32 to vector<2048x45xf32>
    %mul3A_75 = arith.mulf %add3A_72, %mul3A_74 : vector<2048x45xf32>
    %max3A_76 = arith.constant 0.000000e+00 : f32
    %max3A_77 = vector.broadcast %max3A_76 : f32 to vector<2048x45xf32>
    %max3A_78 = arith.maximumf %mul3A_75, %max3A_77 : vector<2048x45xf32>
    %get3A_79 = arith.constant 0 : index
    %get3A_80 = arith.constant 0 : index
    %get3A_81 = vector.load %arg17[%get3A_79, %get3A_80] : memref<1x3xf32, #tpu.memory_space<vmem>>, vector<1x3xf32>
    %dot_general3A_82 = arith.constant dense<0.000000e+00> : vector<2048x3xf32>
    %dot_general3A_83 = tpu.matmul %max3A_78, %get3A_1, %dot_general3A_82 {dimension_numbers = #tpu.dot_dimension_numbers<[1], [0], [0], [1], [0, 0, 1, 1], [], []>, transpose_lhs_hint = false} : vector<2048x45xf32>, vector<45x3xf32>, vector<2048x3xf32> -> vector<2048x3xf32>
    %mul3A_84 = vector.broadcast %get3A_81 : vector<1x3xf32> to vector<2048x3xf32>
    %mul3A_85 = arith.mulf %dot_general3A_83, %mul3A_84 : vector<2048x3xf32>
    %mul3A_86 = arith.mulf %max3A_78, %max3A_78 : vector<2048x45xf32>
    %dot_general3A_87 = arith.constant dense<0.000000e+00> : vector<2048x3xf32>
    %dot_general3A_88 = tpu.matmul %mul3A_86, %get3A_1, %dot_general3A_87 {dimension_numbers = #tpu.dot_dimension_numbers<[1], [0], [0], [1], [0, 0, 1, 1], [], []>, transpose_lhs_hint = false} : vector<2048x45xf32>, vector<45x3xf32>, vector<2048x3xf32> -> vector<2048x3xf32>
    %mul3A_89 = vector.broadcast %get3A_81 : vector<1x3xf32> to vector<2048x3xf32>
    %mul3A_90 = arith.mulf %dot_general3A_88, %mul3A_89 : vector<2048x3xf32>
    %mul3A_91 = arith.mulf %mul3A_85, %mul3A_85 : vector<2048x3xf32>
    %sub3A = arith.subf %mul3A_90, %mul3A_91 : vector<2048x3xf32>
    %get3A_92 = arith.constant 0 : index
    %get3A_93 = arith.constant 0 : index
    %get3A_94 = vector.load %arg9[%get3A_92, %get3A_93] : memref<1x5xf32, #tpu.memory_space<vmem>>, vector<1x5xf32>
    %get3A_95 = arith.constant 0 : index
    %get3A_96 = arith.constant 0 : index
    %get3A_97 = vector.load %arg10[%get3A_95, %get3A_96] : memref<1x2xf32, #tpu.memory_space<vmem>>, vector<1x2xf32>
    %get3A_98 = arith.constant 0 : index
    %get3A_99 = arith.constant 0 : index
    %get3A_100 = vector.load %arg11[%get3A_98, %get3A_99] : memref<1x38xf32, #tpu.memory_space<vmem>>, vector<1x38xf32>
    %concatenate3A_101 = tpu.concatenate %get3A_94, %get3A_97, %get3A_100 in 1 : vector<1x5xf32>, vector<1x2xf32>, vector<1x38xf32> -> vector<1x45xf32>
    %get3A_102 = arith.constant 0 : index
    %get3A_103 = arith.constant 0 : index
    %get3A_104 = vector.load %arg12[%get3A_102, %get3A_103] : memref<1x5xf32, #tpu.memory_space<vmem>>, vector<1x5xf32>
    %get3A_105 = arith.constant 0 : index
    %get3A_106 = arith.constant 0 : index
    %get3A_107 = vector.load %arg13[%get3A_105, %get3A_106] : memref<1x2xf32, #tpu.memory_space<vmem>>, vector<1x2xf32>
    %get3A_108 = arith.constant 0 : index
    %get3A_109 = arith.constant 0 : index
    %get3A_110 = vector.load %arg14[%get3A_108, %get3A_109] : memref<1x38xf32, #tpu.memory_space<vmem>>, vector<1x38xf32>
    %concatenate3A_111 = tpu.concatenate %get3A_104, %get3A_107, %get3A_110 in 1 : vector<1x5xf32>, vector<1x2xf32>, vector<1x38xf32> -> vector<1x45xf32>
    %dot_general3A_112 = arith.constant dense<0.000000e+00> : vector<2048x45xf32>
    %dot_general3A_113 = tpu.matmul %mul3A_85, %get3A_4, %dot_general3A_112 {dimension_numbers = #tpu.dot_dimension_numbers<[1], [0], [0], [1], [0, 0, 1, 1], [], []>, transpose_lhs_hint = false} : vector<2048x3xf32>, vector<3x45xf32>, vector<2048x45xf32> -> vector<2048x45xf32>
    %sub3A_114 = arith.subf %max3A_78, %dot_general3A_113 : vector<2048x45xf32>
    %dot_general3A_115 = arith.constant dense<0.000000e+00> : vector<2048x45xf32>
    %dot_general3A_116 = tpu.matmul %sub3A, %get3A_4, %dot_general3A_115 {dimension_numbers = #tpu.dot_dimension_numbers<[1], [0], [0], [1], [0, 0, 1, 1], [], []>, transpose_lhs_hint = false} : vector<2048x3xf32>, vector<3x45xf32>, vector<2048x45xf32> -> vector<2048x45xf32>
    %add3A_117 = arith.constant 9.99999974E-6 : f32
    %add3A_118 = vector.broadcast %add3A_117 : f32 to vector<2048x45xf32>
    %add3A_119 = arith.addf %dot_general3A_116, %add3A_118 : vector<2048x45xf32>
    %rsqrt3A = math.rsqrt %add3A_119 : vector<2048x45xf32>
    %mul3A_120 = arith.mulf %sub3A_114, %rsqrt3A : vector<2048x45xf32>
    %mul3A_121 = vector.broadcast %concatenate3A_101 : vector<1x45xf32> to vector<2048x45xf32>
    %mul3A_122 = arith.mulf %mul3A_120, %mul3A_121 : vector<2048x45xf32>
    %add3A_123 = vector.broadcast %concatenate3A_111 : vector<1x45xf32> to vector<2048x45xf32>
    %add3A_124 = arith.addf %mul3A_122, %add3A_123 : vector<2048x45xf32>
    %iota3A = tpu.iota {dimensions = array<i32: 1>} : vector<2048x3xi32>
    %eq3A = arith.constant 0 : i32
    %eq3A_125 = vector.broadcast %eq3A : i32 to vector<2048x3xi32>
    %eq3A_126 = arith.cmpi eq, %iota3A, %eq3A_125 : vector<2048x3xi32>
    %convert_element_type3A = arith.extui %eq3A_126 : vector<2048x3xi1> to vector<2048x3xi32>
    %convert_element_type3A_127 = arith.sitofp %convert_element_type3A : vector<2048x3xi32> to vector<2048x3xf32>
    %concatenate3A_128 = tpu.concatenate %add3A_124, %convert_element_type3A_127 in 1 : vector<2048x45xf32>, vector<2048x3xf32> -> vector<2048x48xf32>
    %swap3A = arith.constant 0 : index
    %swap3A_129 = arith.constant 0 : index
    %swap3A_130 = vector.load %arg18[%swap3A, %swap3A_129] : memref<2048x48xf32, #tpu.memory_space<vmem>>, vector<2048x48xf32>
    tpu.vector_store %arg18[%swap3A, %swap3A_129], %concatenate3A_128 {strides = array<i32>} : memref<2048x48xf32, #tpu.memory_space<vmem>>, vector<2048x48xf32>,
    return
  }
  func.func @transform_0(%arg0: i32) -> (i32, i32, i32) {
    %c0_i32 = arith.constant 0 : i32
    %c0_i32_0 = arith.constant 0 : i32
    %c0_i32_1 = arith.constant 0 : i32
    return %c0_i32, %arg0, %c0_i32_0 : i32, i32, i32
  }
  func.func @transform_1(%arg0: i32) -> (i32, i32) {
    %c0_i32 = arith.constant 0 : i32
    %c0_i32_0 = arith.constant 0 : i32
    return %arg0, %c0_i32 : i32, i32
  }
  func.func @transform_2(%arg0: i32) -> (i32, i32) {
    %c0_i32 = arith.constant 0 : i32
    %c0_i32_0 = arith.constant 0 : i32
    %c0_i32_1 = arith.constant 0 : i32
    return %c0_i32, %c0_i32_0 : i32, i32
  }
  func.func @transform_3(%arg0: i32) -> (i32, i32) {
    %c0_i32 = arith.constant 0 : i32
    %c0_i32_0 = arith.constant 0 : i32
    %c0_i32_1 = arith.constant 0 : i32
    return %c0_i32, %c0_i32_0 : i32, i32
  }
  func.func @transform_4(%arg0: i32) -> (i32, i32) {
    %c0_i32 = arith.constant 0 : i32
    %c0_i32_0 = arith.constant 0 : i32
    %c0_i32_1 = arith.constant 0 : i32
    return %c0_i32, %c0_i32_0 : i32, i32
  }
  func.func @transform_5(%arg0: i32) -> (i32, i32) {
    %c0_i32 = arith.constant 0 : i32
    %c0_i32_0 = arith.constant 0 : i32
    %c0_i32_1 = arith.constant 0 : i32
    return %c0_i32, %c0_i32_0 : i32, i32
  }
  func.func @transform_6(%arg0: i32) -> (i32, i32) {
    %c0_i32 = arith.constant 0 : i32
    %c0_i32_0 = arith.constant 0 : i32
    %c0_i32_1 = arith.constant 0 : i32
    return %c0_i32, %c0_i32_0 : i32, i32
  }
  func.func @transform_7(%arg0: i32) -> (i32, i32) {
    %c0_i32 = arith.constant 0 : i32
    %c0_i32_0 = arith.constant 0 : i32
    %c0_i32_1 = arith.constant 0 : i32
    return %c0_i32, %c0_i32_0 : i32, i32
  }
  func.func @transform_8(%arg0: i32) -> (i32, i32) {
    %c0_i32 = arith.constant 0 : i32
    %c0_i32_0 = arith.constant 0 : i32
    %c0_i32_1 = arith.constant 0 : i32
    return %c0_i32, %c0_i32_0 : i32, i32
  }
  func.func @transform_9(%arg0: i32) -> (i32, i32) {
    %c0_i32 = arith.constant 0 : i32
    %c0_i32_0 = arith.constant 0 : i32
    %c0_i32_1 = arith.constant 0 : i32
    return %c0_i32, %c0_i32_0 : i32, i32
  }
  func.func @transform_10(%arg0: i32) -> (i32, i32) {
    %c0_i32 = arith.constant 0 : i32
    %c0_i32_0 = arith.constant 0 : i32
    %c0_i32_1 = arith.constant 0 : i32
    return %c0_i32, %c0_i32_0 : i32, i32
  }
  func.func @transform_11(%arg0: i32) -> (i32, i32) {
    %c0_i32 = arith.constant 0 : i32
    %c0_i32_0 = arith.constant 0 : i32
    %c0_i32_1 = arith.constant 0 : i32
    return %c0_i32, %c0_i32_0 : i32, i32
  }
  func.func @transform_12(%arg0: i32) -> (i32, i32) {
    %c0_i32 = arith.constant 0 : i32
    %c0_i32_0 = arith.constant 0 : i32
    %c0_i32_1 = arith.constant 0 : i32
    return %c0_i32, %c0_i32_0 : i32, i32
  }
  func.func @transform_13(%arg0: i32) -> (i32, i32) {
    %c0_i32 = arith.constant 0 : i32
    %c0_i32_0 = arith.constant 0 : i32
    %c0_i32_1 = arith.constant 0 : i32
    return %c0_i32, %c0_i32_0 : i32, i32
  }
  func.func @transform_14(%arg0: i32) -> (i32, i32) {
    %c0_i32 = arith.constant 0 : i32
    %c0_i32_0 = arith.constant 0 : i32
    %c0_i32_1 = arith.constant 0 : i32
    return %c0_i32, %c0_i32_0 : i32, i32
  }
  func.func @transform_15(%arg0: i32) -> (i32, i32) {
    %c0_i32 = arith.constant 0 : i32
    %c0_i32_0 = arith.constant 0 : i32
    %c0_i32_1 = arith.constant 0 : i32
    return %c0_i32, %c0_i32_0 : i32, i32
  }
  func.func @transform_16(%arg0: i32) -> (i32, i32) {
    %c0_i32 = arith.constant 0 : i32
    %c0_i32_0 = arith.constant 0 : i32
    %c0_i32_1 = arith.constant 0 : i32
    return %c0_i32, %c0_i32_0 : i32, i32
  }
  func.func @transform_17(%arg0: i32) -> (i32, i32) {
    %c0_i32 = arith.constant 0 : i32
    %c0_i32_0 = arith.constant 0 : i32
    return %arg0, %c0_i32 : i32, i32
  }
}

module attributes {stable_mosaic.version = 14 : i64} {
  func.func @_tcc_body(%arg0: i32, %arg1: memref<2x2048x48xf32, #tpu.memory_space<vmem>>, %arg2: memref<2x2048x48xf32, #tpu.memory_space<vmem>>, %arg3: memref<2048x48xf32, #tpu.memory_space<vmem>>, %arg4: memref<5x5xf32, #tpu.memory_space<vmem>>, %arg5: memref<2x2xf32, #tpu.memory_space<vmem>>, %arg6: memref<38x38xf32, #tpu.memory_space<vmem>>, %arg7: memref<5x5xf32, #tpu.memory_space<vmem>>, %arg8: memref<2x2xf32, #tpu.memory_space<vmem>>, %arg9: memref<38x38xf32, #tpu.memory_space<vmem>>, %arg10: memref<5x5xf32, #tpu.memory_space<vmem>>, %arg11: memref<2x2xf32, #tpu.memory_space<vmem>>, %arg12: memref<38x38xf32, #tpu.memory_space<vmem>>, %arg13: memref<5x5xf32, #tpu.memory_space<vmem>>, %arg14: memref<2x2xf32, #tpu.memory_space<vmem>>, %arg15: memref<38x38xf32, #tpu.memory_space<vmem>>, %arg16: memref<1x5xf32, #tpu.memory_space<vmem>>, %arg17: memref<1x2xf32, #tpu.memory_space<vmem>>, %arg18: memref<1x38xf32, #tpu.memory_space<vmem>>, %arg19: memref<1x5xf32, #tpu.memory_space<vmem>>, %arg20: memref<1x2xf32, #tpu.memory_space<vmem>>, %arg21: memref<1x38xf32, #tpu.memory_space<vmem>>, %arg22: memref<2048x45xf32, #tpu.memory_space<vmem>>, %arg23: memref<45x45xf32, #tpu.memory_space<vmem>>, %arg24: memref<45x45xf32, #tpu.memory_space<vmem>>, %arg25: memref<45x45xf32, #tpu.memory_space<vmem>>) attributes {dimension_semantics = [#tpu.dimension_semantics<arbitrary>], iteration_bounds = array<i64: 5>, scalar_prefetch = 0 : i64, scratch_operands = 3 : i64, tpu.core_type = #tpu.core_type<tc>, window_params = [{transform_indices = @transform_0, window_bounds = array<i64: 2, 2048, 48>}, {transform_indices = @transform_1, window_bounds = array<i64: 2, 2048, 48>}, {transform_indices = @transform_2, window_bounds = array<i64: 2048, 48>}, {pipeline_mode = #tpu.pipeline_mode<synchronous>, transform_indices = @transform_3, window_bounds = array<i64: 5, 5>}, {pipeline_mode = #tpu.pipeline_mode<synchronous>, transform_indices = @transform_4, window_bounds = array<i64: 2, 2>}, {pipeline_mode = #tpu.pipeline_mode<synchronous>, transform_indices = @transform_5, window_bounds = array<i64: 38, 38>}, {pipeline_mode = #tpu.pipeline_mode<synchronous>, transform_indices = @transform_6, window_bounds = array<i64: 5, 5>}, {pipeline_mode = #tpu.pipeline_mode<synchronous>, transform_indices = @transform_7, window_bounds = array<i64: 2, 2>}, {pipeline_mode = #tpu.pipeline_mode<synchronous>, transform_indices = @transform_8, window_bounds = array<i64: 38, 38>}, {pipeline_mode = #tpu.pipeline_mode<synchronous>, transform_indices = @transform_9, window_bounds = array<i64: 5, 5>}, {pipeline_mode = #tpu.pipeline_mode<synchronous>, transform_indices = @transform_10, window_bounds = array<i64: 2, 2>}, {pipeline_mode = #tpu.pipeline_mode<synchronous>, transform_indices = @transform_11, window_bounds = array<i64: 38, 38>}, {pipeline_mode = #tpu.pipeline_mode<synchronous>, transform_indices = @transform_12, window_bounds = array<i64: 5, 5>}, {pipeline_mode = #tpu.pipeline_mode<synchronous>, transform_indices = @transform_13, window_bounds = array<i64: 2, 2>}, {pipeline_mode = #tpu.pipeline_mode<synchronous>, transform_indices = @transform_14, window_bounds = array<i64: 38, 38>}, {pipeline_mode = #tpu.pipeline_mode<synchronous>, transform_indices = @transform_15, window_bounds = array<i64: 1, 5>}, {pipeline_mode = #tpu.pipeline_mode<synchronous>, transform_indices = @transform_16, window_bounds = array<i64: 1, 2>}, {pipeline_mode = #tpu.pipeline_mode<synchronous>, transform_indices = @transform_17, window_bounds = array<i64: 1, 38>}, {pipeline_mode = #tpu.pipeline_mode<synchronous>, transform_indices = @transform_18, window_bounds = array<i64: 1, 5>}, {pipeline_mode = #tpu.pipeline_mode<synchronous>, transform_indices = @transform_19, window_bounds = array<i64: 1, 2>}, {pipeline_mode = #tpu.pipeline_mode<synchronous>, transform_indices = @transform_20, window_bounds = array<i64: 1, 38>}, {transform_indices = @transform_21, window_bounds = array<i64: 2048, 45>}]} {
    %eq3A = arith.constant 0 : i32
    %eq3A_0 = arith.cmpi eq, %arg0, %eq3A : i32
    %convert_element_type3A = arith.extui %eq3A_0 : i1 to i32
    %cond3A = arith.constant 0 : i32
    %cond3A_1 = arith.cmpi ne, %convert_element_type3A, %cond3A : i32
    scf.if %cond3A_1 {
      %get3A_86 = arith.constant 0 : index
      %get3A_87 = arith.constant 0 : index
      %get3A_88 = vector.load %arg4[%get3A_86, %get3A_87] : memref<5x5xf32, #tpu.memory_space<vmem>>, vector<5x5xf32>
      %pad3A = arith.constant 0.000000e+00 : f32
      %pad3A_89 = vector.broadcast %pad3A : f32 to vector<40x5xf32>
      %pad3A_90 = tpu.concatenate %get3A_88, %pad3A_89 in 0 : vector<5x5xf32>, vector<40x5xf32> -> vector<45x5xf32>
      %pad3A_91 = vector.broadcast %pad3A : f32 to vector<45x40xf32>
      %pad3A_92 = tpu.concatenate %pad3A_90, %pad3A_91 in 1 : vector<45x5xf32>, vector<45x40xf32> -> vector<45x45xf32>
      %add3A_93 = arith.constant 0.000000e+00 : f32
      %add3A_94 = vector.broadcast %add3A_93 : f32 to vector<45x45xf32>
      %add3A_95 = arith.addf %add3A_94, %pad3A_92 : vector<45x45xf32>
      %get3A_96 = arith.constant 0 : index
      %get3A_97 = arith.constant 0 : index
      %get3A_98 = vector.load %arg5[%get3A_96, %get3A_97] : memref<2x2xf32, #tpu.memory_space<vmem>>, vector<2x2xf32>
      %pad3A_99 = arith.constant 0.000000e+00 : f32
      %pad3A_100 = vector.broadcast %pad3A_99 : f32 to vector<5x2xf32>
      %pad3A_101 = tpu.concatenate %pad3A_100, %get3A_98 in 0 : vector<5x2xf32>, vector<2x2xf32> -> vector<7x2xf32>
      %pad3A_102 = vector.broadcast %pad3A_99 : f32 to vector<38x2xf32>
      %pad3A_103 = tpu.concatenate %pad3A_101, %pad3A_102 in 0 : vector<7x2xf32>, vector<38x2xf32> -> vector<45x2xf32>
      %pad3A_104 = vector.broadcast %pad3A_99 : f32 to vector<45x5xf32>
      %pad3A_105 = tpu.concatenate %pad3A_104, %pad3A_103 in 1 : vector<45x5xf32>, vector<45x2xf32> -> vector<45x7xf32>
      %pad3A_106 = vector.broadcast %pad3A_99 : f32 to vector<45x38xf32>
      %pad3A_107 = tpu.concatenate %pad3A_105, %pad3A_106 in 1 : vector<45x7xf32>, vector<45x38xf32> -> vector<45x45xf32>
      %add3A_108 = arith.addf %add3A_95, %pad3A_107 : vector<45x45xf32>
      %get3A_109 = arith.constant 0 : index
      %get3A_110 = arith.constant 0 : index
      %get3A_111 = vector.load %arg6[%get3A_109, %get3A_110] : memref<38x38xf32, #tpu.memory_space<vmem>>, vector<38x38xf32>
      %pad3A_112 = arith.constant 0.000000e+00 : f32
      %pad3A_113 = vector.broadcast %pad3A_112 : f32 to vector<7x38xf32>
      %pad3A_114 = tpu.concatenate %pad3A_113, %get3A_111 in 0 : vector<7x38xf32>, vector<38x38xf32> -> vector<45x38xf32>
      %pad3A_115 = vector.broadcast %pad3A_112 : f32 to vector<45x7xf32>
      %pad3A_116 = tpu.concatenate %pad3A_115, %pad3A_114 in 1 : vector<45x7xf32>, vector<45x38xf32> -> vector<45x45xf32>
      %add3A_117 = arith.addf %add3A_108, %pad3A_116 : vector<45x45xf32>
      %swap3A_118 = arith.constant 0 : index
      %swap3A_119 = arith.constant 0 : index
      %swap3A_120 = vector.load %arg23[%swap3A_118, %swap3A_119] : memref<45x45xf32, #tpu.memory_space<vmem>>, vector<45x45xf32>
      tpu.vector_store %arg23[%swap3A_118, %swap3A_119], %add3A_117 {strides = array<i32>} : memref<45x45xf32, #tpu.memory_space<vmem>>, vector<45x45xf32>,
      %get3A_121 = arith.constant 0 : index
      %get3A_122 = arith.constant 0 : index
      %get3A_123 = vector.load %arg7[%get3A_121, %get3A_122] : memref<5x5xf32, #tpu.memory_space<vmem>>, vector<5x5xf32>
      %pad3A_124 = arith.constant 0.000000e+00 : f32
      %pad3A_125 = vector.broadcast %pad3A_124 : f32 to vector<40x5xf32>
      %pad3A_126 = tpu.concatenate %get3A_123, %pad3A_125 in 0 : vector<5x5xf32>, vector<40x5xf32> -> vector<45x5xf32>
      %pad3A_127 = vector.broadcast %pad3A_124 : f32 to vector<45x40xf32>
      %pad3A_128 = tpu.concatenate %pad3A_126, %pad3A_127 in 1 : vector<45x5xf32>, vector<45x40xf32> -> vector<45x45xf32>
      %add3A_129 = arith.constant 0.000000e+00 : f32
      %add3A_130 = vector.broadcast %add3A_129 : f32 to vector<45x45xf32>
      %add3A_131 = arith.addf %add3A_130, %pad3A_128 : vector<45x45xf32>
      %get3A_132 = arith.constant 0 : index
      %get3A_133 = arith.constant 0 : index
      %get3A_134 = vector.load %arg8[%get3A_132, %get3A_133] : memref<2x2xf32, #tpu.memory_space<vmem>>, vector<2x2xf32>
      %pad3A_135 = arith.constant 0.000000e+00 : f32
      %pad3A_136 = vector.broadcast %pad3A_135 : f32 to vector<5x2xf32>
      %pad3A_137 = tpu.concatenate %pad3A_136, %get3A_134 in 0 : vector<5x2xf32>, vector<2x2xf32> -> vector<7x2xf32>
      %pad3A_138 = vector.broadcast %pad3A_135 : f32 to vector<38x2xf32>
      %pad3A_139 = tpu.concatenate %pad3A_137, %pad3A_138 in 0 : vector<7x2xf32>, vector<38x2xf32> -> vector<45x2xf32>
      %pad3A_140 = vector.broadcast %pad3A_135 : f32 to vector<45x5xf32>
      %pad3A_141 = tpu.concatenate %pad3A_140, %pad3A_139 in 1 : vector<45x5xf32>, vector<45x2xf32> -> vector<45x7xf32>
      %pad3A_142 = vector.broadcast %pad3A_135 : f32 to vector<45x38xf32>
      %pad3A_143 = tpu.concatenate %pad3A_141, %pad3A_142 in 1 : vector<45x7xf32>, vector<45x38xf32> -> vector<45x45xf32>
      %add3A_144 = arith.addf %add3A_131, %pad3A_143 : vector<45x45xf32>
      %get3A_145 = arith.constant 0 : index
      %get3A_146 = arith.constant 0 : index
      %get3A_147 = vector.load %arg9[%get3A_145, %get3A_146] : memref<38x38xf32, #tpu.memory_space<vmem>>, vector<38x38xf32>
      %pad3A_148 = arith.constant 0.000000e+00 : f32
      %pad3A_149 = vector.broadcast %pad3A_148 : f32 to vector<7x38xf32>
      %pad3A_150 = tpu.concatenate %pad3A_149, %get3A_147 in 0 : vector<7x38xf32>, vector<38x38xf32> -> vector<45x38xf32>
      %pad3A_151 = vector.broadcast %pad3A_148 : f32 to vector<45x7xf32>
      %pad3A_152 = tpu.concatenate %pad3A_151, %pad3A_150 in 1 : vector<45x7xf32>, vector<45x38xf32> -> vector<45x45xf32>
      %add3A_153 = arith.addf %add3A_144, %pad3A_152 : vector<45x45xf32>
      %swap3A_154 = arith.constant 0 : index
      %swap3A_155 = arith.constant 0 : index
      %swap3A_156 = vector.load %arg24[%swap3A_154, %swap3A_155] : memref<45x45xf32, #tpu.memory_space<vmem>>, vector<45x45xf32>
      tpu.vector_store %arg24[%swap3A_154, %swap3A_155], %add3A_153 {strides = array<i32>} : memref<45x45xf32, #tpu.memory_space<vmem>>, vector<45x45xf32>,
      %get3A_157 = arith.constant 0 : index
      %get3A_158 = arith.constant 0 : index
      %get3A_159 = vector.load %arg10[%get3A_157, %get3A_158] : memref<5x5xf32, #tpu.memory_space<vmem>>, vector<5x5xf32>
      %get3A_160 = arith.constant 0 : index
      %get3A_161 = arith.constant 0 : index
      %get3A_162 = vector.load %arg13[%get3A_160, %get3A_161] : memref<5x5xf32, #tpu.memory_space<vmem>>, vector<5x5xf32>
      %add3A_163 = arith.addf %get3A_159, %get3A_162 : vector<5x5xf32>
      %mul3A_164 = arith.constant 5.000000e-01 : f32
      %mul3A_165 = vector.broadcast %mul3A_164 : f32 to vector<5x5xf32>
      %mul3A_166 = arith.mulf %mul3A_165, %add3A_163 : vector<5x5xf32>
      %pad3A_167 = arith.constant 0.000000e+00 : f32
      %pad3A_168 = vector.broadcast %pad3A_167 : f32 to vector<40x5xf32>
      %pad3A_169 = tpu.concatenate %mul3A_166, %pad3A_168 in 0 : vector<5x5xf32>, vector<40x5xf32> -> vector<45x5xf32>
      %pad3A_170 = vector.broadcast %pad3A_167 : f32 to vector<45x40xf32>
      %pad3A_171 = tpu.concatenate %pad3A_169, %pad3A_170 in 1 : vector<45x5xf32>, vector<45x40xf32> -> vector<45x45xf32>
      %add3A_172 = arith.constant 0.000000e+00 : f32
      %add3A_173 = vector.broadcast %add3A_172 : f32 to vector<45x45xf32>
      %add3A_174 = arith.addf %add3A_173, %pad3A_171 : vector<45x45xf32>
      %get3A_175 = arith.constant 0 : index
      %get3A_176 = arith.constant 0 : index
      %get3A_177 = vector.load %arg11[%get3A_175, %get3A_176] : memref<2x2xf32, #tpu.memory_space<vmem>>, vector<2x2xf32>
      %get3A_178 = arith.constant 0 : index
      %get3A_179 = arith.constant 0 : index
      %get3A_180 = vector.load %arg14[%get3A_178, %get3A_179] : memref<2x2xf32, #tpu.memory_space<vmem>>, vector<2x2xf32>
      %add3A_181 = arith.addf %get3A_177, %get3A_180 : vector<2x2xf32>
      %mul3A_182 = arith.constant 5.000000e-01 : f32
      %mul3A_183 = vector.broadcast %mul3A_182 : f32 to vector<2x2xf32>
      %mul3A_184 = arith.mulf %mul3A_183, %add3A_181 : vector<2x2xf32>
      %pad3A_185 = arith.constant 0.000000e+00 : f32
      %pad3A_186 = vector.broadcast %pad3A_185 : f32 to vector<5x2xf32>
      %pad3A_187 = tpu.concatenate %pad3A_186, %mul3A_184 in 0 : vector<5x2xf32>, vector<2x2xf32> -> vector<7x2xf32>
      %pad3A_188 = vector.broadcast %pad3A_185 : f32 to vector<38x2xf32>
      %pad3A_189 = tpu.concatenate %pad3A_187, %pad3A_188 in 0 : vector<7x2xf32>, vector<38x2xf32> -> vector<45x2xf32>
      %pad3A_190 = vector.broadcast %pad3A_185 : f32 to vector<45x5xf32>
      %pad3A_191 = tpu.concatenate %pad3A_190, %pad3A_189 in 1 : vector<45x5xf32>, vector<45x2xf32> -> vector<45x7xf32>
      %pad3A_192 = vector.broadcast %pad3A_185 : f32 to vector<45x38xf32>
      %pad3A_193 = tpu.concatenate %pad3A_191, %pad3A_192 in 1 : vector<45x7xf32>, vector<45x38xf32> -> vector<45x45xf32>
      %add3A_194 = arith.addf %add3A_174, %pad3A_193 : vector<45x45xf32>
      %get3A_195 = arith.constant 0 : index
      %get3A_196 = arith.constant 0 : index
      %get3A_197 = vector.load %arg12[%get3A_195, %get3A_196] : memref<38x38xf32, #tpu.memory_space<vmem>>, vector<38x38xf32>
      %get3A_198 = arith.constant 0 : index
      %get3A_199 = arith.constant 0 : index
      %get3A_200 = vector.load %arg15[%get3A_198, %get3A_199] : memref<38x38xf32, #tpu.memory_space<vmem>>, vector<38x38xf32>
      %add3A_201 = arith.addf %get3A_197, %get3A_200 : vector<38x38xf32>
      %mul3A_202 = arith.constant 5.000000e-01 : f32
      %mul3A_203 = vector.broadcast %mul3A_202 : f32 to vector<38x38xf32>
      %mul3A_204 = arith.mulf %mul3A_203, %add3A_201 : vector<38x38xf32>
      %pad3A_205 = arith.constant 0.000000e+00 : f32
      %pad3A_206 = vector.broadcast %pad3A_205 : f32 to vector<7x38xf32>
      %pad3A_207 = tpu.concatenate %pad3A_206, %mul3A_204 in 0 : vector<7x38xf32>, vector<38x38xf32> -> vector<45x38xf32>
      %pad3A_208 = vector.broadcast %pad3A_205 : f32 to vector<45x7xf32>
      %pad3A_209 = tpu.concatenate %pad3A_208, %pad3A_207 in 1 : vector<45x7xf32>, vector<45x38xf32> -> vector<45x45xf32>
      %add3A_210 = arith.addf %add3A_194, %pad3A_209 : vector<45x45xf32>
      %swap3A_211 = arith.constant 0 : index
      %swap3A_212 = arith.constant 0 : index
      %swap3A_213 = vector.load %arg25[%swap3A_211, %swap3A_212] : memref<45x45xf32, #tpu.memory_space<vmem>>, vector<45x45xf32>
      tpu.vector_store %arg25[%swap3A_211, %swap3A_212], %add3A_210 {strides = array<i32>} : memref<45x45xf32, #tpu.memory_space<vmem>>, vector<45x45xf32>,
    } else {
    }
    %get3A = arith.constant 0 : index
    %get3A_2 = arith.constant 0 : index
    %get3A_3 = arith.constant 0 : index
    %get3A_4 = vector.load %arg2[%get3A, %get3A_2, %get3A_3] : memref<2x2048x48xf32, #tpu.memory_space<vmem>>, vector<1x2048x48xf32>
    %get3A_5 = vector.shape_cast %get3A_4 : vector<1x2048x48xf32> to vector<2048x48xf32>
    %get3A_6 = arith.constant 1 : index
    %get3A_7 = arith.constant 0 : index
    %get3A_8 = arith.constant 0 : index
    %get3A_9 = vector.load %arg2[%get3A_6, %get3A_7, %get3A_8] : memref<2x2048x48xf32, #tpu.memory_space<vmem>>, vector<1x2048x48xf32>
    %get3A_10 = vector.shape_cast %get3A_9 : vector<1x2048x48xf32> to vector<2048x48xf32>
    %slice3A = vector.extract_strided_slice %get3A_5 {offsets = [0, 45], sizes = [2048, 1], strides = [1, 1]} : vector<2048x48xf32> to vector<2048x1xf32>
    %max3A = arith.constant 1.000000e+00 : f32
    %max3A_11 = vector.broadcast %max3A : f32 to vector<2048x1xf32>
    %max3A_12 = arith.maximumf %slice3A, %max3A_11 : vector<2048x1xf32>
    %slice3A_13 = vector.extract_strided_slice %get3A_10 {offsets = [0, 45], sizes = [2048, 1], strides = [1, 1]} : vector<2048x48xf32> to vector<2048x1xf32>
    %max3A_14 = arith.constant 1.000000e+00 : f32
    %max3A_15 = vector.broadcast %max3A_14 : f32 to vector<2048x1xf32>
    %max3A_16 = arith.maximumf %slice3A_13, %max3A_15 : vector<2048x1xf32>
    %get3A_17 = arith.constant 0 : index
    %get3A_18 = arith.constant 0 : index
    %get3A_19 = arith.constant 0 : index
    %get3A_20 = vector.load %arg1[%get3A_17, %get3A_18, %get3A_19] : memref<2x2048x48xf32, #tpu.memory_space<vmem>>, vector<1x2048x48xf32>
    %get3A_21 = vector.shape_cast %get3A_20 : vector<1x2048x48xf32> to vector<2048x48xf32>
    %slice3A_22 = vector.extract_strided_slice %get3A_21 {offsets = [0, 0], sizes = [2048, 45], strides = [1, 1]} : vector<2048x48xf32> to vector<2048x45xf32>
    %div3A = vector.broadcast %max3A_12 : vector<2048x1xf32> to vector<2048x45xf32>
    %div3A_23 = arith.divf %slice3A_22, %div3A : vector<2048x45xf32>
    %get3A_24 = arith.constant 1 : index
    %get3A_25 = arith.constant 0 : index
    %get3A_26 = arith.constant 0 : index
    %get3A_27 = vector.load %arg1[%get3A_24, %get3A_25, %get3A_26] : memref<2x2048x48xf32, #tpu.memory_space<vmem>>, vector<1x2048x48xf32>
    %get3A_28 = vector.shape_cast %get3A_27 : vector<1x2048x48xf32> to vector<2048x48xf32>
    %slice3A_29 = vector.extract_strided_slice %get3A_28 {offsets = [0, 0], sizes = [2048, 45], strides = [1, 1]} : vector<2048x48xf32> to vector<2048x45xf32>
    %div3A_30 = vector.broadcast %max3A_16 : vector<2048x1xf32> to vector<2048x45xf32>
    %div3A_31 = arith.divf %slice3A_29, %div3A_30 : vector<2048x45xf32>
    %get3A_32 = arith.constant 0 : index
    %get3A_33 = arith.constant 0 : index
    %get3A_34 = vector.load %arg16[%get3A_32, %get3A_33] : memref<1x5xf32, #tpu.memory_space<vmem>>, vector<1x5xf32>
    %get3A_35 = arith.constant 0 : index
    %get3A_36 = arith.constant 0 : index
    %get3A_37 = vector.load %arg17[%get3A_35, %get3A_36] : memref<1x2xf32, #tpu.memory_space<vmem>>, vector<1x2xf32>
    %get3A_38 = arith.constant 0 : index
    %get3A_39 = arith.constant 0 : index
    %get3A_40 = vector.load %arg18[%get3A_38, %get3A_39] : memref<1x38xf32, #tpu.memory_space<vmem>>, vector<1x38xf32>
    %concatenate3A = tpu.concatenate %get3A_34, %get3A_37, %get3A_40 in 1 : vector<1x5xf32>, vector<1x2xf32>, vector<1x38xf32> -> vector<1x45xf32>
    %get3A_41 = arith.constant 0 : index
    %get3A_42 = arith.constant 0 : index
    %get3A_43 = vector.load %arg19[%get3A_41, %get3A_42] : memref<1x5xf32, #tpu.memory_space<vmem>>, vector<1x5xf32>
    %get3A_44 = arith.constant 0 : index
    %get3A_45 = arith.constant 0 : index
    %get3A_46 = vector.load %arg20[%get3A_44, %get3A_45] : memref<1x2xf32, #tpu.memory_space<vmem>>, vector<1x2xf32>
    %get3A_47 = arith.constant 0 : index
    %get3A_48 = arith.constant 0 : index
    %get3A_49 = vector.load %arg21[%get3A_47, %get3A_48] : memref<1x38xf32, #tpu.memory_space<vmem>>, vector<1x38xf32>
    %concatenate3A_50 = tpu.concatenate %get3A_43, %get3A_46, %get3A_49 in 1 : vector<1x5xf32>, vector<1x2xf32>, vector<1x38xf32> -> vector<1x45xf32>
    %add3A = arith.addf %concatenate3A, %concatenate3A_50 : vector<1x45xf32>
    %mul3A = arith.constant 5.000000e-01 : f32
    %mul3A_51 = vector.broadcast %mul3A : f32 to vector<1x45xf32>
    %mul3A_52 = arith.mulf %mul3A_51, %add3A : vector<1x45xf32>
    %get3A_53 = arith.constant 0 : index
    %get3A_54 = arith.constant 0 : index
    %get3A_55 = vector.load %arg23[%get3A_53, %get3A_54] : memref<45x45xf32, #tpu.memory_space<vmem>>, vector<45x45xf32>
    %dot_general3A = arith.constant dense<0.000000e+00> : vector<2048x45xf32>
    %dot_general3A_56 = tpu.matmul %div3A_23, %get3A_55, %dot_general3A {dimension_numbers = #tpu.dot_dimension_numbers<[1], [0], [0], [1], [0, 0, 1, 1], [], []>, transpose_lhs_hint = false} : vector<2048x45xf32>, vector<45x45xf32>, vector<2048x45xf32> -> vector<2048x45xf32>
    %get3A_57 = arith.constant 0 : index
    %get3A_58 = arith.constant 0 : index
    %get3A_59 = vector.load %arg24[%get3A_57, %get3A_58] : memref<45x45xf32, #tpu.memory_space<vmem>>, vector<45x45xf32>
    %dot_general3A_60 = arith.constant dense<0.000000e+00> : vector<2048x45xf32>
    %dot_general3A_61 = tpu.matmul %div3A_31, %get3A_59, %dot_general3A_60 {dimension_numbers = #tpu.dot_dimension_numbers<[1], [0], [0], [1], [0, 0, 1, 1], [], []>, transpose_lhs_hint = false} : vector<2048x45xf32>, vector<45x45xf32>, vector<2048x45xf32> -> vector<2048x45xf32>
    %add3A_62 = arith.addf %dot_general3A_56, %dot_general3A_61 : vector<2048x45xf32>
    %mul3A_63 = arith.constant 5.000000e-01 : f32
    %mul3A_64 = vector.broadcast %mul3A_63 : f32 to vector<2048x45xf32>
    %mul3A_65 = arith.mulf %mul3A_64, %add3A_62 : vector<2048x45xf32>
    %get3A_66 = arith.constant 0 : index
    %get3A_67 = arith.constant 0 : index
    %get3A_68 = vector.load %arg3[%get3A_66, %get3A_67] : memref<2048x48xf32, #tpu.memory_space<vmem>>, vector<2048x45xf32>
    %get3A_69 = arith.constant 0 : index
    %get3A_70 = arith.constant 0 : index
    %get3A_71 = vector.load %arg25[%get3A_69, %get3A_70] : memref<45x45xf32, #tpu.memory_space<vmem>>, vector<45x45xf32>
    %dot_general3A_72 = arith.constant dense<0.000000e+00> : vector<2048x45xf32>
    %dot_general3A_73 = tpu.matmul %get3A_68, %get3A_71, %dot_general3A_72 {dimension_numbers = #tpu.dot_dimension_numbers<[1], [0], [0], [1], [0, 0, 1, 1], [], []>, transpose_lhs_hint = false} : vector<2048x45xf32>, vector<45x45xf32>, vector<2048x45xf32> -> vector<2048x45xf32>
    %add3A_74 = arith.addf %mul3A_65, %dot_general3A_73 : vector<2048x45xf32>
    %add3A_75 = vector.broadcast %mul3A_52 : vector<1x45xf32> to vector<2048x45xf32>
    %add3A_76 = arith.addf %add3A_74, %add3A_75 : vector<2048x45xf32>
    %slice3A_77 = vector.extract_strided_slice %get3A_5 {offsets = [0, 46], sizes = [2048, 1], strides = [1, 1]} : vector<2048x48xf32> to vector<2048x1xf32>
    %slice3A_78 = vector.extract_strided_slice %get3A_10 {offsets = [0, 46], sizes = [2048, 1], strides = [1, 1]} : vector<2048x48xf32> to vector<2048x1xf32>
    %add3A_79 = arith.addf %slice3A_77, %slice3A_78 : vector<2048x1xf32>
    %gt3A = arith.constant 0.000000e+00 : f32
    %gt3A_80 = vector.broadcast %gt3A : f32 to vector<2048x1xf32>
    %gt3A_81 = arith.cmpf ogt, %add3A_79, %gt3A_80 : vector<2048x1xf32>
    %jit3A = arith.constant 0.000000e+00 : f32
    %broadcast_in_dim3A = vector.shape_cast %gt3A_81 : vector<2048x1xi1> to vector<2048x1xi1>
    %broadcast_in_dim3A_82 = vector.broadcast %broadcast_in_dim3A : vector<2048x1xi1> to vector<2048x45xi1>
    %broadcast_in_dim3A_83 = vector.broadcast %jit3A : f32 to vector<2048x45xf32>
    %select_n3A = arith.select %broadcast_in_dim3A_82, %add3A_76, %broadcast_in_dim3A_83 : vector<2048x45xi1>, vector<2048x45xf32>
    %swap3A = arith.constant 0 : index
    %swap3A_84 = arith.constant 0 : index
    %swap3A_85 = vector.load %arg22[%swap3A, %swap3A_84] : memref<2048x45xf32, #tpu.memory_space<vmem>>, vector<2048x45xf32>
    tpu.vector_store %arg22[%swap3A, %swap3A_84], %select_n3A {strides = array<i32>} : memref<2048x45xf32, #tpu.memory_space<vmem>>, vector<2048x45xf32>,
    return
  }
  func.func @transform_0(%arg0: i32) -> (i32, i32, i32) {
    %c0_i32 = arith.constant 0 : i32
    %c0_i32_0 = arith.constant 0 : i32
    %c0_i32_1 = arith.constant 0 : i32
    return %c0_i32, %arg0, %c0_i32_0 : i32, i32, i32
  }
  func.func @transform_1(%arg0: i32) -> (i32, i32, i32) {
    %c0_i32 = arith.constant 0 : i32
    %c0_i32_0 = arith.constant 0 : i32
    %c0_i32_1 = arith.constant 0 : i32
    return %c0_i32, %arg0, %c0_i32_0 : i32, i32, i32
  }
  func.func @transform_2(%arg0: i32) -> (i32, i32) {
    %c0_i32 = arith.constant 0 : i32
    %c0_i32_0 = arith.constant 0 : i32
    return %arg0, %c0_i32 : i32, i32
  }
  func.func @transform_3(%arg0: i32) -> (i32, i32) {
    %c0_i32 = arith.constant 0 : i32
    %c0_i32_0 = arith.constant 0 : i32
    %c0_i32_1 = arith.constant 0 : i32
    return %c0_i32, %c0_i32_0 : i32, i32
  }
  func.func @transform_4(%arg0: i32) -> (i32, i32) {
    %c0_i32 = arith.constant 0 : i32
    %c0_i32_0 = arith.constant 0 : i32
    %c0_i32_1 = arith.constant 0 : i32
    return %c0_i32, %c0_i32_0 : i32, i32
  }
  func.func @transform_5(%arg0: i32) -> (i32, i32) {
    %c0_i32 = arith.constant 0 : i32
    %c0_i32_0 = arith.constant 0 : i32
    %c0_i32_1 = arith.constant 0 : i32
    return %c0_i32, %c0_i32_0 : i32, i32
  }
  func.func @transform_6(%arg0: i32) -> (i32, i32) {
    %c0_i32 = arith.constant 0 : i32
    %c0_i32_0 = arith.constant 0 : i32
    %c0_i32_1 = arith.constant 0 : i32
    return %c0_i32, %c0_i32_0 : i32, i32
  }
  func.func @transform_7(%arg0: i32) -> (i32, i32) {
    %c0_i32 = arith.constant 0 : i32
    %c0_i32_0 = arith.constant 0 : i32
    %c0_i32_1 = arith.constant 0 : i32
    return %c0_i32, %c0_i32_0 : i32, i32
  }
  func.func @transform_8(%arg0: i32) -> (i32, i32) {
    %c0_i32 = arith.constant 0 : i32
    %c0_i32_0 = arith.constant 0 : i32
    %c0_i32_1 = arith.constant 0 : i32
    return %c0_i32, %c0_i32_0 : i32, i32
  }
  func.func @transform_9(%arg0: i32) -> (i32, i32) {
    %c0_i32 = arith.constant 0 : i32
    %c0_i32_0 = arith.constant 0 : i32
    %c0_i32_1 = arith.constant 0 : i32
    return %c0_i32, %c0_i32_0 : i32, i32
  }
  func.func @transform_10(%arg0: i32) -> (i32, i32) {
    %c0_i32 = arith.constant 0 : i32
    %c0_i32_0 = arith.constant 0 : i32
    %c0_i32_1 = arith.constant 0 : i32
    return %c0_i32, %c0_i32_0 : i32, i32
  }
  func.func @transform_11(%arg0: i32) -> (i32, i32) {
    %c0_i32 = arith.constant 0 : i32
    %c0_i32_0 = arith.constant 0 : i32
    %c0_i32_1 = arith.constant 0 : i32
    return %c0_i32, %c0_i32_0 : i32, i32
  }
  func.func @transform_12(%arg0: i32) -> (i32, i32) {
    %c0_i32 = arith.constant 0 : i32
    %c0_i32_0 = arith.constant 0 : i32
    %c0_i32_1 = arith.constant 0 : i32
    return %c0_i32, %c0_i32_0 : i32, i32
  }
  func.func @transform_13(%arg0: i32) -> (i32, i32) {
    %c0_i32 = arith.constant 0 : i32
    %c0_i32_0 = arith.constant 0 : i32
    %c0_i32_1 = arith.constant 0 : i32
    return %c0_i32, %c0_i32_0 : i32, i32
  }
  func.func @transform_14(%arg0: i32) -> (i32, i32) {
    %c0_i32 = arith.constant 0 : i32
    %c0_i32_0 = arith.constant 0 : i32
    %c0_i32_1 = arith.constant 0 : i32
    return %c0_i32, %c0_i32_0 : i32, i32
  }
  func.func @transform_15(%arg0: i32) -> (i32, i32) {
    %c0_i32 = arith.constant 0 : i32
    %c0_i32_0 = arith.constant 0 : i32
    %c0_i32_1 = arith.constant 0 : i32
    return %c0_i32, %c0_i32_0 : i32, i32
  }
  func.func @transform_16(%arg0: i32) -> (i32, i32) {
    %c0_i32 = arith.constant 0 : i32
    %c0_i32_0 = arith.constant 0 : i32
    %c0_i32_1 = arith.constant 0 : i32
    return %c0_i32, %c0_i32_0 : i32, i32
  }
  func.func @transform_17(%arg0: i32) -> (i32, i32) {
    %c0_i32 = arith.constant 0 : i32
    %c0_i32_0 = arith.constant 0 : i32
    %c0_i32_1 = arith.constant 0 : i32
    return %c0_i32, %c0_i32_0 : i32, i32
  }
  func.func @transform_18(%arg0: i32) -> (i32, i32) {
    %c0_i32 = arith.constant 0 : i32
    %c0_i32_0 = arith.constant 0 : i32
    %c0_i32_1 = arith.constant 0 : i32
    return %c0_i32, %c0_i32_0 : i32, i32
  }
  func.func @transform_19(%arg0: i32) -> (i32, i32) {
    %c0_i32 = arith.constant 0 : i32
    %c0_i32_0 = arith.constant 0 : i32
    %c0_i32_1 = arith.constant 0 : i32
    return %c0_i32, %c0_i32_0 : i32, i32
  }
  func.func @transform_20(%arg0: i32) -> (i32, i32) {
    %c0_i32 = arith.constant 0 : i32
    %c0_i32_0 = arith.constant 0 : i32
    %c0_i32_1 = arith.constant 0 : i32
    return %c0_i32, %c0_i32_0 : i32, i32
  }
  func.func @transform_21(%arg0: i32) -> (i32, i32) {
    %c0_i32 = arith.constant 0 : i32
    %c0_i32_0 = arith.constant 0 : i32
    return %arg0, %c0_i32 : i32, i32
  }
}

</mosaic_0001>

<sc_bundles>
// kernel: kernel.10.cloned.1.call-start
scs
__scs_entry_jumppad:
0x0: {  	(pc) =	sbr.rel $0x88, $3  }
0x1: {  	(tag) =	ssettag $0x0;
	lr =	simm.s32 $0x1  }
0x2: {  	[smem:$0x3F67] =	sst lr;
	_ =	strace $0xD0000000  }
0x3: {  	_ = 	snop  }
0x4: {  	_ = 	snop  }
0x5: {  	_ = 	snop  }
0x6: {  	_ = 	snop  }
0x7: {  	_ = 	snop  }
__scs_overlays_trampoline_lowered:
0x8: {  	[smem:$0x3F76] =	sst s0  }
0x9: {  	[smem:$0x3F77] =	sst s1  }
0xa: {  	[smem:$0x3F78] =	sst s2  }
0xb: {  	[smem:$0x3F79] =	sst s3  }
0xc: {  	[smem:$0x3F7A] =	sst s4  }
0xd: {  	[smem:$0x3F7B] =	sst s5  }
0xe: {  	[smem:$0x3F7C] =	sst s6  }
0xf: {  	[smem:$0x3F7D] =	sst s7  }
0x10: {  	[smem:$0x3F7E] =	sst s8  }
0x11: {  	[smem:$0x3F7F] =	sst s9;
	s0 =	simm.s32 @!p0 $0x0  }
0x12: {  	s1 =	sld [smem:$0x3F65];
	s0 =	simm.s32 @p0 $0x1  }
0x13: {  	[smem:$0x3F80] =	sst s0;
	s0 =	simm.s32 @!p1 $0x0  }
0x14: {  	s2 =	sld [smem:$0x3F64];
	s0 =	simm.s32 @p1 $0x1  }
0x15: {  	[smem:$0x3F81] =	sst s0;
	s0 =	simm.s32 @!p2 $0x0  }
0x16: {  	s3 =	sld [smem:$0x3FDB];
	s0 =	simm.s32 @p2 $0x1  }
0x17: {  	s4 =	simm.s32 $0x1BF5;
	[smem:$0x3F83] =	sst s0  }
0x18: {  	s0 =	sld [smem:$0x3F66];
	_ =	swait.ge [sflag:s4], $0x0  }
0x19: {  	s7 =	sld [smem:$0x3F67]  }
0x1a: {  	s8 =	sadd.s32 $0xFFFFE003, lr  }
0x1b: {  	s9 =	sadd.s32 $0xFFFFFEF7, lr;
	s5 =	simm.s32 $0xFFFFFFFF;
	p2 =	slt.u32 s8, $0xFFFFF086  }
0x1c: {  	p1 =	slt.u32 s9, $0xF7A;
	s5 =	simm.s32 @!p2 $0x0  }
0x1d: {  	s5 =	simm.s32 @p1 $0x1;
	p0 =	seq.s32 s7, s2  }
0x1e: {  	s7 =	smul.u32 @!p0 $0xF7A, s2;
	p2 =	seq.s32 @!p0 s5, $0x0  }
0x1f: {  	s9 =	smul.u32 $0xF7A, s1;
	s8 =	simm.s32 @!p0 $0x1BF5;
	p2 =	por !p2, p0  }
0x20: {  	[sflag:s8] =	ssyncset.s32 @!p0 $0xFFFFF086;
	s6 =	sadd.s32 @!p0 s3, s7;
	s7 =	simm.s32 @!p0 $0x108  }
0x21: {  	s3 =	sadd.s32 s3, s9;
	s6 =	sadd.s32 @!p0 $0x88, s6;
	s7 =	simm.s32 @p2 $0x1082  }
0x22: {  	[simem:s7], [sflag:s8] =	dma.local @!p0 [hbm:s6], $0xF7A  }
0x23: {  	s9 =	sor.u32 $0xD0000000, s2;
	s6 =	simm.s32 $0x108;
	_ =	swait.ge @!p0 [sflag:s8], $0x0  }
0x24: {  	s3 =	sadd.s32 $0x88, s3;
	s6 =	simm.s32 @!p1 $0x1082;
	[sflag:s4] =	ssyncset.s32 $0xFFFFF086  }
0x25: {  	[simem:s6], [sflag:s4] =	dma.local [hbm:s3], $0xF7A  }
0x26: {  	[smem:$0x3F67] =	sst s1;
	(tag) =	ssettag s2;
	_ =	strace s9  }
0x27: {  	s1 =	sld [smem:$0x3F77]  }
0x28: {  	s2 =	sld [smem:$0x3F78]  }
0x29: {  	s4 =	sld [smem:$0x3F7A]  }
0x2a: {  	p0 =	seq.s32 s5, $0x0;
	s5 =	sld [smem:$0x3F7B]  }
0x2b: {  	s6 =	sld [smem:$0x3F7C]  }
0x2c: {  	s7 =	sld [smem:$0x3F7D]  }
0x2d: {  	s3 =	simm.s32 $0x108;
	s8 =	sld [smem:$0x3F7E]  }
0x2e: {  	s3 =	simm.s32 @!p0 $0x1082;
	s9 =	sld [smem:$0x3F7F]  }
0x2f: {  	lr =	sadd.s32 s0, s3;
	s0 =	sld [smem:$0x3F76]  }
0x30: {  	s3 =	sld [smem:$0x3F79]  }
0x31: {  	[smem:$0x3F82] =	sst s10  }
0x32: {  	s10 =	sld [smem:$0x3F80];
	_ =	sdelay $0x3  }
0x33: {  	p0 =	seq.s32 s10, $0x1;
	s10 =	sld [smem:$0x3F82];
	_ =	sdelay $0x3  }
0x34: {  	[smem:$0x3F82] =	sst s10  }
0x35: {  	s10 =	sld [smem:$0x3F81];
	_ =	sdelay $0x3  }
0x36: {  	p1 =	seq.s32 s10, $0x1;
	s10 =	sld [smem:$0x3F82];
	_ =	sdelay $0x3  }
0x37: {  	[smem:$0x3F82] =	sst s10  }
0x38: {  	s10 =	sld [smem:$0x3F83]  }
0x39: {  	_ = 	snop;
	(pc) =	sbr.ind lr, $3  }
0x3a: {  	_ = 	snop  }
0x3b: {  	_ = 	snop  }
0x3c: {  	p2 =	seq.s32 s10, $0x1;
	s10 =	sld [smem:$0x3F82]  }
0x3d: {  	_ =	shalt  }
0x3e: {  	_ =	shalt  }
0x3f: {  	_ =	shalt  }
0x40: {  	_ =	shalt  }
0x41: {  	_ =	shalt  }
0x42: {  	_ =	shalt  }
0x43: {  	_ =	shalt  }
0x44: {  	_ =	shalt  }
0x45: {  	_ =	shalt  }
0x46: {  	_ =	shalt  }
0x47: {  	_ =	shalt  }
0x48: {  	_ =	shalt  }
0x49: {  	_ =	shalt  }
0x4a: {  	_ =	shalt  }
0x4b: {  	_ =	shalt  }
0x4c: {  	_ =	shalt  }
0x4d: {  	_ =	shalt  }
0x4e: {  	_ =	shalt  }
0x4f: {  	_ =	shalt  }
0x50: {  	_ =	shalt  }
0x51: {  	_ =	shalt  }
0x52: {  	_ =	shalt  }
0x53: {  	_ =	shalt  }
0x54: {  	_ =	shalt  }
0x55: {  	_ =	shalt  }
0x56: {  	_ =	shalt  }
0x57: {  	_ =	shalt  }
0x58: {  	_ =	shalt  }
0x59: {  	_ =	shalt  }
0x5a: {  	_ =	shalt  }
0x5b: {  	_ =	shalt  }
0x5c: {  	_ =	shalt  }
0x5d: {  	_ =	shalt  }
0x5e: {  	_ =	shalt  }
0x5f: {  	_ =	shalt  }
0x60: {  	_ =	shalt  }
0x61: {  	_ =	shalt  }
0x62: {  	_ =	shalt  }
0x63: {  	_ =	shalt  }
0x64: {  	_ =	shalt  }
0x65: {  	_ =	shalt  }
0x66: {  	_ =	shalt  }
0x67: {  	_ =	shalt  }
0x68: {  	_ =	shalt  }
0x69: {  	_ =	shalt  }
0x6a: {  	_ =	shalt  }
0x6b: {  	_ =	shalt  }
0x6c: {  	_ =	shalt  }
0x6d: {  	_ =	shalt  }
0x6e: {  	_ =	shalt  }
0x6f: {  	_ =	shalt  }
0x70: {  	_ =	shalt  }
0x71: {  	_ =	shalt  }
0x72: {  	_ =	shalt  }
0x73: {  	_ =	shalt  }
0x74: {  	_ =	shalt  }
0x75: {  	_ =	shalt  }
0x76: {  	_ =	shalt  }
0x77: {  	_ =	shalt  }
0x78: {  	_ =	shalt  }
0x79: {  	_ =	shalt  }
0x7a: {  	_ =	shalt  }
0x7b: {  	_ =	shalt  }
0x7c: {  	_ =	shalt  }
0x7d: {  	_ =	shalt  }
0x7e: {  	_ =	shalt  }
0x7f: {  	_ =	shalt  }
0x80: {  	_ =	shalt  }
0x81: {  	_ =	shalt  }
0x82: {  	_ =	shalt  }
0x83: {  	_ =	shalt  }
0x84: {  	_ =	shalt  }
0x85: {  	_ =	shalt  }
0x86: {  	_ =	shalt  }
0x87: {  	_ =	shalt  }
.Lfunc_end0:
.L_simem_size_0:
called_computation.1_lowered:
.L_overlay_start_0:
0x88: {  	s2 =	sld [smem:$0x3FD9]  }
0x89: {  	s3 =	sld [smem:$0x3FFE];
	_ =	sdelay $0x1  }
0x8a: {  	s1 =	srdreg.scid  }
0x8b: {  	s0 =	sand.u32 $0x1, s1  }
0x8c: {  	s17 =	sshll.u32 s0, $0xA;
	s2 =	sadd.s32 s3, s2  }
0x8d: {  	s2 =	sadd.s32 s2, s17  }
0x8e: {  	[smem:$0x3F8E] =	sst s2  }
0x8f: {  	_ = 	snop  }
0x90: {  	s2 =	sld [smem:$0x3FD0];
	(tm) =	ssettm $0x1  }
0x91: {  	s18 =	sld [smem:$0x3FFB];
	_ =	sdelay $0x3  }
0x92: {  	_ =	strace s18  }
0x93: {  	s3 =	sld [smem:$0x3FFC];
	_ =	sdelay $0x3  }
0x94: {  	_ =	strace s3  }
0x95: {  	s3 =	sld [smem:$0x3FFD];
	_ =	sdelay $0x3  }
0x96: {  	_ =	strace s3  }
0x97: {  	_ =	strace $0x8FFFFFFF  }
0x98: {  	s19 =	sld [smem:$0x3FDB];
	_ =	sdelay $0x1  }
0x99: {  	s4 =	simm.s32 $_scs_section_size  }
0x9a: {  	s5 =	simm.s32 $_size__tile_overlayer_lowered;
	s6 =	simm.s32 $_tile_overlayer_lowered  }
0x9b: {  	s22 =	simm.s32 $0x1BFF;
	s21 =	sshll.u32 s6, $0x1;
	s3 =	sadd.s32 s4, s19  }
0x9c: {  	s7 =	simm.s32 $0x0;
	s20 =	sshll.u32 s5, $0x1;
	s5 =	sadd.s32 s21, s3  }
0x9d: {  	[timem:s7], [sflag:s22] =	dma.local [hbm:s5], s20  }
0x9e: {  	_ =	swait.ge [sflag:s22], s20  }
0x9f: {  	s4 =	ssub.s32 $0x0, s20;
	[sflag:s22] =	ssyncset.done $0x0  }
0xa0: {  	[sflag:s22] =	ssyncadd.s32 s4;
	_ =	sdelay $0x1  }
0xa1: {  	s23 =	simm.s32 $0x1B8B  }
0xa2: {  	_ =	swait.ge [sflag:s23], $0x1  }
0xa3: {  	[sflag:s23] =	ssyncset.done $0x0  }
0xa4: {  	s25 =	simm.s32 $0x1B8E;
	s24 =	sld [smem:$0x3FFE];
	[sflag:s23] =	ssyncadd.s32 $0xFFFFFFFF  }
0xa5: {  	s26 =	simm.s32 $execute0_lowered;
	[smem:$0x3FD2] =	sst s25  }
0xa6: {  	s5 =	sshll.u32 s26, $0x1;
	_ =	strace $0x80000049;
	[dreg:$0x1] =	wrdreg $0xFFFFFFFF  }
0xa7: {  	s28 =	simm.s32 $_size_execute0_lowered;
	s3 =	sadd.s32 s3, s5;
	[dreg:$0x0] =	wrdreg $0x0  }
0xa8: {  	s5 =	sshll.u32 s28, $0x1;
	[dreg:$0x2] =	wrdreg s3  }
0xa9: {  	[dreg:$0x3] =	wrdreg s5  }
0xaa: {  	[dreg:$0x4] =	wrdreg $0xC0  }
0xab: {  	_ =	task [dreg:s7], $0x5FFFF  }
0xac: {  	[dreg:$0x1] =	wrdreg $0xFFFFFFFF  }
0xad: {  	[dreg:$0x0] =	wrdreg $0x60  }
0xae: {  	[dreg:$0x2] =	wrdreg s24  }
0xaf: {  	[dreg:$0x3] =	wrdreg s2  }
0xb0: {  	[dreg:$0x4] =	wrdreg $0x13C000  }
0xb1: {  	[dreg:$0x5] =	wrdreg $0x9  }
0xb2: {  	_ =	task.clear_ibuf [dreg:s7], $0x6FFFF;
	_ =	strace $0x90000049  }
0xb3: {  	s29 =	simm.s32 $0x9;
	_ =	strace $0x8000004B  }
0xb4: {  	_ =	swait.ge [sflag:s29], $0x1  }
0xb5: {  	[sflag:s29] =	ssyncadd.s32 $0xFFFFFFFF  }
0xb6: {  	_ =	strace $0x9000004B  }
0xb7: {  	_ =	sfence  }
0xb8: {  	s30 =	sld [smem:$0x0];
	_ =	sdelay $0x2  }
0xb9: {  	s31 =	sshll.u32 s1, $0xD;
	s1 =	sshrl.u32 s1, $0x2  }
0xba: {  	s3 =	sand.u32 $0x4000, s31;
	s1 =	sadd.s32 s1, s30  }
0xbb: {  	s0 =	sor.u32 s3, s0;
	s1 =	sshll.u32 s1, $0x11  }
0xbc: {  	s0 =	sor.u32 s1, s0  }
0xbd: {  	s0 =	sadd.s32 $0x8F2B, s0  }
0xbe: {  	[sflag:s0] =	ssyncadd.remote.s32 $0x1  }
0xbf: {  	_ =	sfence.sel $0xFFFF  }
0xc0: {  	[dreg:$0x0] =	wrdreg $0xFFFFFFFF;
	(pc) =	sbr.abs _section_cstart, $3  }
0xc1: {  	[dreg:$0x1] =	wrdreg $0xFFFFFFFF  }
0xc2: {  	_ =	task.clear_ibuf [dreg:s7], $0x2FFFF;
	_ =	strace $0x9FFFFFFF  }
0xc3: {  	(tm) =	ssettm $0x7FFFFFFF  }
tec
execute0_lowered:
.L_overlay_start_1:
0x0: {  	(tag) =	ssettag $0x1  }
0x1: {  	s0 =	rddreg [dreg:$0x0]  }
0x2: {  	s1 =	rddreg [dreg:$0x1]  }
0x3: {  	s2 =	rddreg [dreg:$0x2]  }
0x4: {  	s3 =	simm.s32 $0x0;
	s7 =	stileid.u32;
	s5 =	srdreg.scid  }
0x5: {  	s17 =	simm.s32 $0x9;
	s29 =	simm.s32 $0xB000;
	s18 =	simm.s32 $0xF800  }
0x6: {  	s28 =	simm.s32 $0x0;
	[smem:$0x7FF] =	sst s3;
	s19 =	smul.u32 $0x500, s7  }
0x7: {  	s4 =	sadd.s32 $0x30E00, s0;
	s5 =	sand.u32 $0x1, s5;
	s8 =	sadd.s32 $0x8600, s0  }
0x8: {  	s9 =	sadd.s32 $0x5DE00, s0;
	s10 =	smul.u32 $0x7800, s7;
	s11 =	sadd.s32 $0x8A00, s0  }
0x9: {  	s24 =	sshll.u32 s7, $0x6;
	_ =	strace $0x8000004A;
	[dreg:$0x4] =	wrdreg s8  }
0xa: {  	s20 =	smul.u32 $0xF000, s5;
	[dreg:$0x5] =	wrdreg s9;
	s21 =	ssub.s32 $0x2, s5  }
0xb: {  	[dreg:$0x6] =	wrdreg s11;
	s8 =	sor.u32 $0x1C09, s24;
	p0 =	seq.s32 s5, $0x1  }
0xc: {  	s5 =	sshll.u32 s5, $0x4;
	s11 =	simm.s32 $0x3;
	s6 =	sadd.s32 s19, s0  }
0xd: {  	s22 =	sshrl.u32 s21, $0x1;
	s23 =	sadd.s32 s10, s2;
	s5 =	sor.u32 s7, s5  }
0xe: {  	s1 =	sadd.s32 s1, s19;
	s31 =	sshrl.u32 s10, $0x3;
	s19 =	simm.s32 $0x80  }
0xf: {  	s10 =	simm.s32 $0x1;
	s0 =	sadd.s32 s20, s0;
	s9 =	ssub.s32 s21, s22  }
0x10: {  	s12 =	sadd.s32 $0x53E00, s6;
	s25 =	sadd.s32 $0x58E00, s6;
	s6 =	sadd.s32 $0x4EE00, s6  }
0x11: {  	[dreg:$0xa] =	wrdreg s1;
	s26 =	sshll.u32 s5, $0x7;
	s16 =	sshrl.u32 s23, $0x3  }
0x12: {  	s20 =	simm.s32 $0x5000;
	p1 =	sgt.u32 s5, $0x7;
	s23 =	simm.s32 $0x8000  }
.Ltmp0:
0x13: {  	s1 =	simm.s32 $0xE000;
	[dreg:$0x7] =	wrdreg s12;
	(pc) =	sbr.rel .LBB2_1-.Ltmp0, $4  }
0x14: {  	s21 =	simm.s32 $0x5;
	s22 =	simm.s32 $0x8;
	[dreg:$0x8] =	wrdreg s25  }
0x15: {  	[dreg:$0x9] =	wrdreg s6;
	s30 =	sor.u32 $0x11000, s26;
	s14 =	sor.u32 $0x12000, s26  }
0x16: {  	s0 =	sadd.s32 $0xAEE00, s0;
	s15 =	smax.u32 s9, $0x1;
	s12 =	simm.s32 $0x7  }
0x17: {  	s25 =	simm.s32 $0x12400;
	[dreg:$0xb] =	wrdreg s30;
	s24 =	sadd.s32 s31, s0  }
.LBB2_8:
0x18: {  	_ =	swait.ge [sflag:s22], $0x1800  }
0x19: {  	s0 =	sshra.s32 s30, $0x2;
	[sflag:s22] =	ssyncset.done $0x0  }
0x1a: {  	s0 =	sadd.s32 $0x2B80, s0;
	[sflag:s22] =	ssyncadd.s32 $0xFFFFE800  }
0x1b: {  	[spmem:s2] =	stream.indirect.scatter.add.f32 [tilespmem:s18], [sflag:$0x9], $0x30, s0, s19, $0xb8;
	[tilespmem:$0x1B400] =	vst v63  }
0x1c: {  	_ =	swait.ge [sflag:s17], $0x1800  }
0x1d: {  	[sflag:s17] =	ssyncset.done $0x0  }
0x1e: {  	s26 =	simm.s32 $0x0;
	s3 =	rddreg [dreg:$0x6];
	[sflag:s17] =	ssyncadd.s32 $0xFFFFE800  }
0x1f: {  	[tilespmem:s25], [sflag:$0x9] =	stream.linear.gather [hbm4b:s3+s26], $0x1800, $0x38;
	[tilespmem:$0x1B400] =	vst v63  }
0x20: {  	_ =	swait.ge [sflag:s17], $0x1800  }
0x21: {  	[sflag:s17] =	ssyncset.done $0x0  }
0x22: {  	s5 =	simm.s32 $0x11000;
	s30 =	rddreg [dreg:$0x4];
	[sflag:s17] =	ssyncadd.s32 $0xFFFFE800  }
0x23: {  	[tilespmem:s5], [sflag:$0x9] =	stream.linear.gather [hbm4b:s30+s26], $0x1400, $0x38;
	[tilespmem:$0x1B400] =	vst v63  }
0x24: {  	_ =	swait.ge [sflag:s17], $0x1400  }
0x25: {  	[sflag:s17] =	ssyncset.done $0x0  }
0x26: {  	s31 =	rddreg [dreg:$0xb];
	[sflag:s17] =	ssyncadd.s32 $0xFFFFEC00  }
0x27: {  	[spmem:s2] =	stream.indirect.scatter.add.f32 [tilespmem:s25], [sflag:$0x9], $0x30, s31, s19, $0xb8;
	[tilespmem:$0x1B400] =	vst v63  }
0x28: {  	_ =	swait.ge [sflag:s17], $0x1800  }
0x29: {  	[sflag:s17] =	ssyncset.done $0x0  }
0x2a: {  	s0 =	simm.s32 @!p1 $0x80;
	s3 =	simm.s32 @!p1 $0x12400;
	[sflag:s17] =	ssyncadd.s32 $0xFFFFE800  }
0x2b: {  	[spmem:s2] =	stream.indirect.scatter.add.f32 @!p1 [tilespmem:s3], [sflag:$0x9], $0x30, s14, s0, $0xb8;
	[tilespmem:$0x1B400] =	vst v63  }
0x2c: {  	s0 =	simm.s32 @!p1 $0x9  }
0x2d: {  	_ =	swait.ge @!p1 [sflag:s0], $0x1800  }
0x2e: {  	s28 =	sadd.s32 $0x1, s28;
	[sflag:s0] =	ssyncset.done @!p1 $0x0  }
0x2f: {  	p2 =	sne.s32 s28, s15;
	[sflag:s0] =	ssyncadd.s32 @!p1 $0xFFFFE800  }
.Ltmp1:
0x30: {  	[bflag:$0x0] =	sbarrier.arrive $0xFFFF;
	(pc) =	sbr.rel @!p2 .LBB2_9-.Ltmp1, $4  }
0x31: {  	[hbm:s24], [sflag:s8] =	dma.local [spmem:s16], $0xF00  }
0x32: {  	_ =	swait.ge [sflag:s17], $0xF00  }
0x33: {  	[sflag:s17] =	ssyncset.done $0x0  }
0x34: {  	[sflag:s17] =	ssyncadd.s32 $0xFFFFF100  }
.LBB2_1:
0x35: {  	s0 =	rddreg [dreg:$0x5]  }
0x36: {  	[spmem:s16], [sflag:s8] =	dma.local [hbm:s0], $0xF00  }
.Ltmp2:
0x37: {  	_ =	swait.ge [sflag:s17], $0xF00;
	(pc) =	sbr.rel @!p0 .LBB2_2-.Ltmp2, $4  }
0x38: {  	[sflag:s17] =	ssyncset.done $0x0  }
0x39: {  	[sflag:s17] =	ssyncadd.s32 $0xFFFFF100  }
0x3a: {  	[bflag:$0x0] =	sbarrier.arrive $0xFFFF  }
0x3b: {  	s30 =	simm.s32 $0x0  }
0x3c: {  	s0 =	rddreg [dreg:$0x9]  }
0x3d: {  	[tilespmem:s30], [sflag:$0x9] =	stream.linear.gather [hbm4b:s0+s30], $0x2800, $0x38;
	[tilespmem:$0x1B400] =	vst v63  }
0x3e: {  	_ =	swait.ge [sflag:s17], $0x2800  }
0x3f: {  	[sflag:s17] =	ssyncset.done $0x0  }
0x40: {  	s3 =	simm.s32 $0x2800;
	s26 =	rddreg [dreg:$0xa];
	[sflag:s17] =	ssyncadd.s32 $0xFFFFD800  }
0x41: {  	[tilespmem:s3], [sflag:$0x9] =	stream.linear.gather [hbm4b:s26+s30], $0x2800, $0x38;
	[tilespmem:$0x1B400] =	vst v63  }
0x42: {  	_ =	swait.ge [sflag:s17], $0x2800  }
0x43: {  	[sflag:s17] =	ssyncset.done $0x0  }
0x44: {  	[sflag:s17] =	ssyncadd.s32 $0xFFFFD800  }
0x45: {  	[tilespmem:s20], [sflag:$0x1] =	stream.indirect.gather [hbm4b:s4+s19], $0x30, s30, s19, $0xb8;
	[tilespmem:$0x1B400] =	vst v63  }
0x46: {  	s31 =	simm.s32 $0x6800  }
0x47: {  	[tilespmem:s31], [sflag:$0x2] =	stream.indirect.gather [hbm4b:s4+s19], $0x30, s19, s19, $0xb8;
	[tilespmem:$0x1B400] =	vst v63  }
0x48: {  	s3 =	simm.s32 $0x100  }
0x49: {  	[tilespmem:s23], [sflag:$0x3] =	stream.indirect.gather [hbm4b:s4+s19], $0x30, s3, s19, $0xb8;
	[tilespmem:$0x1B400] =	vst v63  }
0x4a: {  	s5 =	simm.s32 $0x180;
	s6 =	simm.s32 $0x9800  }
0x4b: {  	[tilespmem:s6], [sflag:$0x4] =	stream.indirect.gather [hbm4b:s4+s19], $0x30, s5, s19, $0xb8;
	[tilespmem:$0x1B400] =	vst v63  }
0x4c: {  	s7 =	simm.s32 $0x200  }
0x4d: {  	[tilespmem:s29], [sflag:$0x5] =	stream.indirect.gather [hbm4b:s4+s19], $0x30, s7, s19, $0xb8;
	[tilespmem:$0x1B400] =	vst v63  }
0x4e: {  	s9 =	simm.s32 $0x280;
	s13 =	simm.s32 $0xC800  }
0x4f: {  	[tilespmem:s13], [sflag:$0x6] =	stream.indirect.gather [hbm4b:s4+s19], $0x30, s9, s19, $0xb8;
	[tilespmem:$0x1B400] =	vst v63  }
0x50: {  	s26 =	simm.s32 $0x300  }
0x51: {  	[tilespmem:s1], [sflag:$0x7] =	stream.indirect.gather [hbm4b:s4+s19], $0x30, s26, s19, $0xb8;
	[tilespmem:$0x1B400] =	vst v63  }
0x52: {  	s31 =	simm.s32 $0x380  }
0x53: {  	[tilespmem:s18], [sflag:$0x8] =	stream.indirect.gather [hbm4b:s4+s19], $0x30, s31, s19, $0xb8;
	[tilespmem:$0x1B400] =	vst v63  }
.LBB2_6:
0x54: {  	_ =	swait.ge [sflag:s10], $0x1800  }
0x55: {  	s31 =	sshra.s32 s30, $0x2;
	[sflag:s10] =	ssyncset.done $0x0  }
0x56: {  	s0 =	sadd.s32 $0x2800, s31;
	[sflag:s10] =	ssyncadd.s32 $0xFFFFE800  }
0x57: {  	[spmem:s2] =	stream.indirect.scatter.add.f32 [tilespmem:s20], [sflag:$0x9], $0x30, s0, s19, $0xb8;
	[tilespmem:$0x1B400] =	vst v63  }
0x58: {  	_ =	swait.ge [sflag:s17], $0x1800  }
0x59: {  	p2 =	seq.s32 s30, $0x9000;
	[sflag:s17] =	ssyncset.done $0x0  }
0x5a: {  	s0 =	simm.s32 @p2 $0x2;
	[sflag:s17] =	ssyncadd.s32 $0xFFFFE800  }
0x5b: {  	s3 =	sshra.s32 @p2 s30, $0x2;
	_ =	swait.ge @p2 [sflag:s0], $0x1800  }
0x5c: {  	s5 =	simm.s32 @p2 $0x80;
	s6 =	simm.s32 @p2 $0x6800;
	[sflag:s0] =	ssyncset.done @p2 $0x0  }
0x5d: {  	s26 =	simm.s32 @p2 $0x9;
	[sflag:s0] =	ssyncadd.s32 @p2 $0xFFFFE800;
	s0 =	sadd.s32 @p2 $0x2880, s3  }
0x5e: {  	[spmem:s2] =	stream.indirect.scatter.add.f32 @p2 [tilespmem:s6], [sflag:$0x9], $0x30, s0, s5, $0xb8;
	[tilespmem:$0x1B400] =	vst v63  }
0x5f: {  	_ =	swait.ge @p2 [sflag:s26], $0x1800  }
0x60: {  	s9 =	simm.s32 @!p2 $0x80;
	s0 =	sshra.s32 @!p2 s30, $0x2;
	[sflag:s26] =	ssyncset.done @p2 $0x0  }
0x61: {  	s7 =	simm.s32 @!p2 $0x5000;
	s6 =	sadd.s32 @!p2 $0x400, s0;
	[sflag:s26] =	ssyncadd.s32 @p2 $0xFFFFE800  }
0x62: {  	[tilespmem:s7], [sflag:$0x1] =	stream.indirect.gather @!p2 [hbm4b:s4+s9], $0x30, s6, s9, $0xb8;
	[tilespmem:$0x1B400] =	vst v63  }
0x63: {  	s6 =	simm.s32 @!p2 $0x2  }
0x64: {  	_ =	swait.ge @!p2 [sflag:s6], $0x1800  }
0x65: {  	[sflag:s6] =	ssyncset.done @!p2 $0x0  }
0x66: {  	s7 =	simm.s32 @!p2 $0x6800;
	[sflag:s6] =	ssyncadd.s32 @!p2 $0xFFFFE800;
	s6 =	sadd.s32 @!p2 $0x2880, s0  }
0x67: {  	[spmem:s2] =	stream.indirect.scatter.add.f32 @!p2 [tilespmem:s7], [sflag:$0x9], $0x30, s6, s9, $0xb8;
	[tilespmem:$0x1B400] =	vst v63  }
0x68: {  	s6 =	simm.s32 @!p2 $0x9  }
0x69: {  	_ =	swait.ge @!p2 [sflag:s6], $0x1800  }
0x6a: {  	[sflag:s6] =	ssyncset.done @!p2 $0x0  }
0x6b: {  	s13 =	sadd.s32 @!p2 $0x480, s0;
	[sflag:s6] =	ssyncadd.s32 @!p2 $0xFFFFE800  }
0x6c: {  	[tilespmem:s7], [sflag:$0x2] =	stream.indirect.gather @!p2 [hbm4b:s4+s9], $0x30, s13, s9, $0xb8;
	[tilespmem:$0x1B400] =	vst v63  }
0x6d: {  	_ =	swait.ge [sflag:s11], $0x1800  }
0x6e: {  	[sflag:s11] =	ssyncset.done $0x0  }
0x6f: {  	s13 =	sadd.s32 $0x2900, s31;
	[sflag:s11] =	ssyncadd.s32 $0xFFFFE800  }
0x70: {  	[spmem:s2] =	stream.indirect.scatter.add.f32 [tilespmem:s23], [sflag:$0x9], $0x30, s13, s19, $0xb8;
	[tilespmem:$0x1B400] =	vst v63  }
0x71: {  	_ =	swait.ge [sflag:s17], $0x1800  }
0x72: {  	[sflag:s17] =	ssyncset.done $0x0  }
0x73: {  	s7 =	simm.s32 @p2 $0x4;
	[sflag:s17] =	ssyncadd.s32 $0xFFFFE800  }
0x74: {  	_ =	swait.ge @p2 [sflag:s7], $0x1800  }
0x75: {  	[sflag:s7] =	ssyncset.done @p2 $0x0  }
0x76: {  	s13 =	simm.s32 @p2 $0x9800;
	[sflag:s7] =	ssyncadd.s32 @p2 $0xFFFFE800;
	s7 =	sadd.s32 @p2 $0x2980, s3  }
0x77: {  	[spmem:s2] =	stream.indirect.scatter.add.f32 @p2 [tilespmem:s13], [sflag:$0x9], $0x30, s7, s5, $0xb8;
	[tilespmem:$0x1B400] =	vst v63  }
0x78: {  	_ =	swait.ge @p2 [sflag:s26], $0x1800  }
0x79: {  	[sflag:s26] =	ssyncset.done @p2 $0x0  }
0x7a: {  	s7 =	sadd.s32 @!p2 $0x500, s0;
	s13 =	simm.s32 @!p2 $0x8000;
	[sflag:s26] =	ssyncadd.s32 @p2 $0xFFFFE800  }
0x7b: {  	[tilespmem:s13], [sflag:$0x3] =	stream.indirect.gather @!p2 [hbm4b:s4+s9], $0x30, s7, s9, $0xb8;
	[tilespmem:$0x1B400] =	vst v63  }
0x7c: {  	s7 =	simm.s32 @!p2 $0x4  }
0x7d: {  	_ =	swait.ge @!p2 [sflag:s7], $0x1800  }
0x7e: {  	[sflag:s7] =	ssyncset.done @!p2 $0x0  }
0x7f: {  	s13 =	simm.s32 @!p2 $0x9800;
	[sflag:s7] =	ssyncadd.s32 @!p2 $0xFFFFE800;
	s7 =	sadd.s32 @!p2 $0x2980, s0  }
0x80: {  	[spmem:s2] =	stream.indirect.scatter.add.f32 @!p2 [tilespmem:s13], [sflag:$0x9], $0x30, s7, s9, $0xb8;
	[tilespmem:$0x1B400] =	vst v63  }
0x81: {  	_ =	swait.ge @!p2 [sflag:s6], $0x1800  }
0x82: {  	[sflag:s6] =	ssyncset.done @!p2 $0x0  }
0x83: {  	s7 =	sadd.s32 @!p2 $0x580, s0;
	[sflag:s6] =	ssyncadd.s32 @!p2 $0xFFFFE800  }
0x84: {  	[tilespmem:s13], [sflag:$0x4] =	stream.indirect.gather @!p2 [hbm4b:s4+s9], $0x30, s7, s9, $0xb8;
	[tilespmem:$0x1B400] =	vst v63  }
0x85: {  	_ =	swait.ge [sflag:s21], $0x1800  }
0x86: {  	[sflag:s21] =	ssyncset.done $0x0  }
0x87: {  	s13 =	sadd.s32 $0x2A00, s31;
	[sflag:s21] =	ssyncadd.s32 $0xFFFFE800  }
0x88: {  	[spmem:s2] =	stream.indirect.scatter.add.f32 [tilespmem:s29], [sflag:$0x9], $0x30, s13, s19, $0xb8;
	[tilespmem:$0x1B400] =	vst v63  }
0x89: {  	_ =	swait.ge [sflag:s17], $0x1800  }
0x8a: {  	[sflag:s17] =	ssyncset.done $0x0  }
0x8b: {  	s7 =	simm.s32 @p2 $0x6;
	[sflag:s17] =	ssyncadd.s32 $0xFFFFE800  }
0x8c: {  	_ =	swait.ge @p2 [sflag:s7], $0x1800  }
0x8d: {  	[sflag:s7] =	ssyncset.done @p2 $0x0  }
0x8e: {  	s3 =	sadd.s32 @p2 $0x2A80, s3;
	[sflag:s7] =	ssyncadd.s32 @p2 $0xFFFFE800;
	s7 =	simm.s32 @p2 $0xC800  }
0x8f: {  	[spmem:s2] =	stream.indirect.scatter.add.f32 @p2 [tilespmem:s7], [sflag:$0x9], $0x30, s3, s5, $0xb8;
	[tilespmem:$0x1B400] =	vst v63  }
0x90: {  	_ =	swait.ge @p2 [sflag:s26], $0x1800  }
0x91: {  	[sflag:s26] =	ssyncset.done @p2 $0x0  }
0x92: {  	s3 =	sadd.s32 @!p2 $0x600, s0;
	s5 =	simm.s32 @!p2 $0xB000;
	[sflag:s26] =	ssyncadd.s32 @p2 $0xFFFFE800  }
0x93: {  	[tilespmem:s5], [sflag:$0x5] =	stream.indirect.gather @!p2 [hbm4b:s4+s9], $0x30, s3, s9, $0xb8;
	[tilespmem:$0x1B400] =	vst v63  }
0x94: {  	s3 =	simm.s32 @!p2 $0x6  }
0x95: {  	_ =	swait.ge @!p2 [sflag:s3], $0x1800  }
0x96: {  	[sflag:s3] =	ssyncset.done @!p2 $0x0  }
0x97: {  	s5 =	simm.s32 @!p2 $0xC800;
	[sflag:s3] =	ssyncadd.s32 @!p2 $0xFFFFE800;
	s3 =	sadd.s32 @!p2 $0x2A80, s0  }
0x98: {  	[spmem:s2] =	stream.indirect.scatter.add.f32 @!p2 [tilespmem:s5], [sflag:$0x9], $0x30, s3, s9, $0xb8;
	[tilespmem:$0x1B400] =	vst v63  }
0x99: {  	_ =	swait.ge @!p2 [sflag:s6], $0x1800  }
0x9a: {  	[sflag:s6] =	ssyncset.done @!p2 $0x0  }
0x9b: {  	s0 =	sadd.s32 @!p2 $0x680, s0;
	[sflag:s6] =	ssyncadd.s32 @!p2 $0xFFFFE800  }
0x9c: {  	[tilespmem:s5], [sflag:$0x6] =	stream.indirect.gather @!p2 [hbm4b:s4+s9], $0x30, s0, s9, $0xb8;
	[tilespmem:$0x1B400] =	vst v63  }
0x9d: {  	_ =	swait.ge [sflag:s12], $0x1800  }
0x9e: {  	[sflag:s12] =	ssyncset.done $0x0  }
.Ltmp3:
0x9f: {  	s26 =	sadd.s32 $0x2B00, s31;
	[sflag:s12] =	ssyncadd.s32 $0xFFFFE800;
	(pc) =	sbr.rel @p2 .LBB2_8-.Ltmp3, $4  }
0xa0: {  	[spmem:s2] =	stream.indirect.scatter.add.f32 [tilespmem:s1], [sflag:$0x9], $0x30, s26, s19, $0xb8;
	[tilespmem:$0x1B400] =	vst v63  }
0xa1: {  	_ =	swait.ge [sflag:s17], $0x1800  }
0xa2: {  	[sflag:s17] =	ssyncset.done $0x0  }
0xa3: {  	[sflag:s17] =	ssyncadd.s32 $0xFFFFE800  }
0xa4: {  	s0 =	sadd.s32 $0x700, s31  }
0xa5: {  	[tilespmem:s1], [sflag:$0x7] =	stream.indirect.gather [hbm4b:s4+s19], $0x30, s0, s19, $0xb8;
	[tilespmem:$0x1B400] =	vst v63  }
0xa6: {  	_ =	swait.ge [sflag:s22], $0x1800  }
0xa7: {  	[sflag:s22] =	ssyncset.done $0x0  }
0xa8: {  	s26 =	sadd.s32 $0x2B80, s31;
	[sflag:s22] =	ssyncadd.s32 $0xFFFFE800  }
0xa9: {  	[spmem:s2] =	stream.indirect.scatter.add.f32 [tilespmem:s18], [sflag:$0x9], $0x30, s26, s19, $0xb8;
	[tilespmem:$0x1B400] =	vst v63  }
.Ltmp4:
0xaa: {  	_ = 	snop;
	(pc) =	sbr.rel .LBB2_6-.Ltmp4, $4  }
0xab: {  	_ =	swait.ge [sflag:s17], $0x1800  }
0xac: {  	[sflag:s17] =	ssyncset.done $0x0  }
0xad: {  	s31 =	sadd.s32 $0x780, s31;
	s30 =	sadd.s32 $0x1000, s30;
	[sflag:s17] =	ssyncadd.s32 $0xFFFFE800  }
0xae: {  	[tilespmem:s18], [sflag:$0x8] =	stream.indirect.gather [hbm4b:s4+s19], $0x30, s31, s19, $0xb8;
	[tilespmem:$0x1B400] =	vst v63  }
.LBB2_2:
0xaf: {  	s0 =	rddreg [dreg:$0x7]  }
0xb0: {  	[tilespmem:s30], [sflag:$0x9] =	stream.linear.gather [hbm4b:s0+s30], $0x2800, $0x38;
	[tilespmem:$0x1B400] =	vst v63  }
0xb1: {  	_ =	swait.ge [sflag:s17], $0x2800  }
0xb2: {  	[sflag:s17] =	ssyncset.done $0x0  }
0xb3: {  	s3 =	simm.s32 $0x2800;
	s26 =	rddreg [dreg:$0x8];
	[sflag:s17] =	ssyncadd.s32 $0xFFFFD800  }
0xb4: {  	[tilespmem:s3], [sflag:$0x9] =	stream.linear.gather [hbm4b:s26+s30], $0x2800, $0x38;
	[tilespmem:$0x1B400] =	vst v63  }
0xb5: {  	_ =	swait.ge [sflag:s17], $0x2800  }
0xb6: {  	[sflag:s17] =	ssyncset.done $0x0  }
0xb7: {  	[sflag:s17] =	ssyncadd.s32 $0xFFFFD800  }
0xb8: {  	[tilespmem:s20], [sflag:$0x1] =	stream.indirect.gather [hbm4b:s4+s19], $0x30, s30, s19, $0xb8;
	[tilespmem:$0x1B400] =	vst v63  }
0xb9: {  	s31 =	simm.s32 $0x6800  }
0xba: {  	[tilespmem:s31], [sflag:$0x2] =	stream.indirect.gather [hbm4b:s4+s19], $0x30, s19, s19, $0xb8;
	[tilespmem:$0x1B400] =	vst v63  }
0xbb: {  	s3 =	simm.s32 $0x100  }
0xbc: {  	[tilespmem:s23], [sflag:$0x3] =	stream.indirect.gather [hbm4b:s4+s19], $0x30, s3, s19, $0xb8;
	[tilespmem:$0x1B400] =	vst v63  }
0xbd: {  	s5 =	simm.s32 $0x180;
	s6 =	simm.s32 $0x9800  }
0xbe: {  	[tilespmem:s6], [sflag:$0x4] =	stream.indirect.gather [hbm4b:s4+s19], $0x30, s5, s19, $0xb8;
	[tilespmem:$0x1B400] =	vst v63  }
0xbf: {  	s7 =	simm.s32 $0x200  }
0xc0: {  	[tilespmem:s29], [sflag:$0x5] =	stream.indirect.gather [hbm4b:s4+s19], $0x30, s7, s19, $0xb8;
	[tilespmem:$0x1B400] =	vst v63  }
0xc1: {  	s9 =	simm.s32 $0x280;
	s13 =	simm.s32 $0xC800  }
0xc2: {  	[tilespmem:s13], [sflag:$0x6] =	stream.indirect.gather [hbm4b:s4+s19], $0x30, s9, s19, $0xb8;
	[tilespmem:$0x1B400] =	vst v63  }
0xc3: {  	s26 =	simm.s32 $0x300  }
0xc4: {  	[tilespmem:s1], [sflag:$0x7] =	stream.indirect.gather [hbm4b:s4+s19], $0x30, s26, s19, $0xb8;
	[tilespmem:$0x1B400] =	vst v63  }
0xc5: {  	s31 =	simm.s32 $0x380  }
0xc6: {  	[tilespmem:s18], [sflag:$0x8] =	stream.indirect.gather [hbm4b:s4+s19], $0x30, s31, s19, $0xb8;
	[tilespmem:$0x1B400] =	vst v63  }
.LBB2_3:
0xc7: {  	_ =	swait.ge [sflag:s10], $0x1800  }
0xc8: {  	s31 =	sshra.s32 s30, $0x2;
	[sflag:s10] =	ssyncset.done $0x0  }
0xc9: {  	s0 =	sadd.s32 $0x2800, s31;
	[sflag:s10] =	ssyncadd.s32 $0xFFFFE800  }
0xca: {  	[spmem:s2] =	stream.indirect.scatter.add.f32 [tilespmem:s20], [sflag:$0x9], $0x30, s0, s19, $0xb8;
	[tilespmem:$0x1B400] =	vst v63  }
0xcb: {  	_ =	swait.ge [sflag:s17], $0x1800  }
0xcc: {  	p2 =	seq.s32 s30, $0x9000;
	[sflag:s17] =	ssyncset.done $0x0  }
0xcd: {  	s0 =	simm.s32 @p2 $0x2;
	[sflag:s17] =	ssyncadd.s32 $0xFFFFE800  }
0xce: {  	_ =	swait.ge @p2 [sflag:s0], $0x1800  }
0xcf: {  	s26 =	sshra.s32 @p2 s30, $0x2;
	s3 =	simm.s32 @p2 $0x80;
	[sflag:s0] =	ssyncset.done @p2 $0x0  }
0xd0: {  	s5 =	simm.s32 @p2 $0x6800;
	[sflag:s0] =	ssyncadd.s32 @p2 $0xFFFFE800;
	s0 =	sadd.s32 @p2 $0x2880, s26  }
0xd1: {  	[spmem:s2] =	stream.indirect.scatter.add.f32 @p2 [tilespmem:s5], [sflag:$0x9], $0x30, s0, s3, $0xb8;
	[tilespmem:$0x1B400] =	vst v63  }
0xd2: {  	s5 =	simm.s32 @p2 $0x9  }
0xd3: {  	_ =	swait.ge @p2 [sflag:s5], $0x1800  }
0xd4: {  	s9 =	simm.s32 @!p2 $0x80;
	s0 =	sshra.s32 @!p2 s30, $0x2;
	[sflag:s5] =	ssyncset.done @p2 $0x0  }
0xd5: {  	s7 =	simm.s32 @!p2 $0x5000;
	s6 =	sadd.s32 @!p2 $0x400, s0;
	[sflag:s5] =	ssyncadd.s32 @p2 $0xFFFFE800  }
0xd6: {  	[tilespmem:s7], [sflag:$0x1] =	stream.indirect.gather @!p2 [hbm4b:s4+s9], $0x30, s6, s9, $0xb8;
	[tilespmem:$0x1B400] =	vst v63  }
0xd7: {  	s6 =	simm.s32 @!p2 $0x2  }
0xd8: {  	_ =	swait.ge @!p2 [sflag:s6], $0x1800  }
0xd9: {  	[sflag:s6] =	ssyncset.done @!p2 $0x0  }
0xda: {  	s7 =	simm.s32 @!p2 $0x6800;
	[sflag:s6] =	ssyncadd.s32 @!p2 $0xFFFFE800;
	s6 =	sadd.s32 @!p2 $0x2880, s0  }
0xdb: {  	[spmem:s2] =	stream.indirect.scatter.add.f32 @!p2 [tilespmem:s7], [sflag:$0x9], $0x30, s6, s9, $0xb8;
	[tilespmem:$0x1B400] =	vst v63  }
0xdc: {  	s6 =	simm.s32 @!p2 $0x9  }
0xdd: {  	_ =	swait.ge @!p2 [sflag:s6], $0x1800  }
0xde: {  	[sflag:s6] =	ssyncset.done @!p2 $0x0  }
0xdf: {  	s13 =	sadd.s32 @!p2 $0x480, s0;
	[sflag:s6] =	ssyncadd.s32 @!p2 $0xFFFFE800  }
0xe0: {  	[tilespmem:s7], [sflag:$0x2] =	stream.indirect.gather @!p2 [hbm4b:s4+s9], $0x30, s13, s9, $0xb8;
	[tilespmem:$0x1B400] =	vst v63  }
0xe1: {  	_ =	swait.ge [sflag:s11], $0x1800  }
0xe2: {  	[sflag:s11] =	ssyncset.done $0x0  }
0xe3: {  	s13 =	sadd.s32 $0x2900, s31;
	[sflag:s11] =	ssyncadd.s32 $0xFFFFE800  }
0xe4: {  	[spmem:s2] =	stream.indirect.scatter.add.f32 [tilespmem:s23], [sflag:$0x9], $0x30, s13, s19, $0xb8;
	[tilespmem:$0x1B400] =	vst v63  }
0xe5: {  	_ =	swait.ge [sflag:s17], $0x1800  }
0xe6: {  	[sflag:s17] =	ssyncset.done $0x0  }
0xe7: {  	s7 =	simm.s32 @p2 $0x4;
	[sflag:s17] =	ssyncadd.s32 $0xFFFFE800  }
0xe8: {  	_ =	swait.ge @p2 [sflag:s7], $0x1800  }
0xe9: {  	[sflag:s7] =	ssyncset.done @p2 $0x0  }
0xea: {  	s13 =	simm.s32 @p2 $0x9800;
	[sflag:s7] =	ssyncadd.s32 @p2 $0xFFFFE800;
	s7 =	sadd.s32 @p2 $0x2980, s26  }
0xeb: {  	[spmem:s2] =	stream.indirect.scatter.add.f32 @p2 [tilespmem:s13], [sflag:$0x9], $0x30, s7, s3, $0xb8;
	[tilespmem:$0x1B400] =	vst v63  }
0xec: {  	_ =	swait.ge @p2 [sflag:s5], $0x1800  }
0xed: {  	[sflag:s5] =	ssyncset.done @p2 $0x0  }
0xee: {  	s7 =	sadd.s32 @!p2 $0x500, s0;
	s13 =	simm.s32 @!p2 $0x8000;
	[sflag:s5] =	ssyncadd.s32 @p2 $0xFFFFE800  }
0xef: {  	[tilespmem:s13], [sflag:$0x3] =	stream.indirect.gather @!p2 [hbm4b:s4+s9], $0x30, s7, s9, $0xb8;
	[tilespmem:$0x1B400] =	vst v63  }
0xf0: {  	s7 =	simm.s32 @!p2 $0x4  }
0xf1: {  	_ =	swait.ge @!p2 [sflag:s7], $0x1800  }
0xf2: {  	[sflag:s7] =	ssyncset.done @!p2 $0x0  }
0xf3: {  	s13 =	simm.s32 @!p2 $0x9800;
	[sflag:s7] =	ssyncadd.s32 @!p2 $0xFFFFE800;
	s7 =	sadd.s32 @!p2 $0x2980, s0  }
0xf4: {  	[spmem:s2] =	stream.indirect.scatter.add.f32 @!p2 [tilespmem:s13], [sflag:$0x9], $0x30, s7, s9, $0xb8;
	[tilespmem:$0x1B400] =	vst v63  }
0xf5: {  	_ =	swait.ge @!p2 [sflag:s6], $0x1800  }
0xf6: {  	[sflag:s6] =	ssyncset.done @!p2 $0x0  }
0xf7: {  	s7 =	sadd.s32 @!p2 $0x580, s0;
	[sflag:s6] =	ssyncadd.s32 @!p2 $0xFFFFE800  }
0xf8: {  	[tilespmem:s13], [sflag:$0x4] =	stream.indirect.gather @!p2 [hbm4b:s4+s9], $0x30, s7, s9, $0xb8;
	[tilespmem:$0x1B400] =	vst v63  }
0xf9: {  	_ =	swait.ge [sflag:s21], $0x1800  }
0xfa: {  	[sflag:s21] =	ssyncset.done $0x0  }
0xfb: {  	s13 =	sadd.s32 $0x2A00, s31;
	[sflag:s21] =	ssyncadd.s32 $0xFFFFE800  }
0xfc: {  	[spmem:s2] =	stream.indirect.scatter.add.f32 [tilespmem:s29], [sflag:$0x9], $0x30, s13, s19, $0xb8;
	[tilespmem:$0x1B400] =	vst v63  }
0xfd: {  	_ =	swait.ge [sflag:s17], $0x1800  }
0xfe: {  	[sflag:s17] =	ssyncset.done $0x0  }
0xff: {  	s7 =	simm.s32 @p2 $0x6;
	[sflag:s17] =	ssyncadd.s32 $0xFFFFE800  }
0x100: {  	_ =	swait.ge @p2 [sflag:s7], $0x1800  }
0x101: {  	[sflag:s7] =	ssyncset.done @p2 $0x0  }
0x102: {  	s13 =	simm.s32 @p2 $0xC800;
	[sflag:s7] =	ssyncadd.s32 @p2 $0xFFFFE800;
	s7 =	sadd.s32 @p2 $0x2A80, s26  }
0x103: {  	[spmem:s2] =	stream.indirect.scatter.add.f32 @p2 [tilespmem:s13], [sflag:$0x9], $0x30, s7, s3, $0xb8;
	[tilespmem:$0x1B400] =	vst v63  }
0x104: {  	_ =	swait.ge @p2 [sflag:s5], $0x1800  }
0x105: {  	[sflag:s5] =	ssyncset.done @p2 $0x0  }
0x106: {  	s3 =	sadd.s32 @!p2 $0x600, s0;
	[sflag:s5] =	ssyncadd.s32 @p2 $0xFFFFE800;
	s5 =	simm.s32 @!p2 $0xB000  }
0x107: {  	[tilespmem:s5], [sflag:$0x5] =	stream.indirect.gather @!p2 [hbm4b:s4+s9], $0x30, s3, s9, $0xb8;
	[tilespmem:$0x1B400] =	vst v63  }
0x108: {  	s3 =	simm.s32 @!p2 $0x6  }
0x109: {  	_ =	swait.ge @!p2 [sflag:s3], $0x1800  }
0x10a: {  	[sflag:s3] =	ssyncset.done @!p2 $0x0  }
0x10b: {  	s5 =	simm.s32 @!p2 $0xC800;
	[sflag:s3] =	ssyncadd.s32 @!p2 $0xFFFFE800;
	s3 =	sadd.s32 @!p2 $0x2A80, s0  }
0x10c: {  	[spmem:s2] =	stream.indirect.scatter.add.f32 @!p2 [tilespmem:s5], [sflag:$0x9], $0x30, s3, s9, $0xb8;
	[tilespmem:$0x1B400] =	vst v63  }
0x10d: {  	_ =	swait.ge @!p2 [sflag:s6], $0x1800  }
0x10e: {  	[sflag:s6] =	ssyncset.done @!p2 $0x0  }
0x10f: {  	s0 =	sadd.s32 @!p2 $0x680, s0;
	[sflag:s6] =	ssyncadd.s32 @!p2 $0xFFFFE800  }
0x110: {  	[tilespmem:s5], [sflag:$0x6] =	stream.indirect.gather @!p2 [hbm4b:s4+s9], $0x30, s0, s9, $0xb8;
	[tilespmem:$0x1B400] =	vst v63  }
0x111: {  	_ =	swait.ge [sflag:s12], $0x1800  }
0x112: {  	[sflag:s12] =	ssyncset.done $0x0  }
.Ltmp5:
0x113: {  	s26 =	sadd.s32 $0x2B00, s31;
	[sflag:s12] =	ssyncadd.s32 $0xFFFFE800;
	(pc) =	sbr.rel @p2 .LBB2_8-.Ltmp5, $4  }
0x114: {  	[spmem:s2] =	stream.indirect.scatter.add.f32 [tilespmem:s1], [sflag:$0x9], $0x30, s26, s19, $0xb8;
	[tilespmem:$0x1B400] =	vst v63  }
0x115: {  	_ =	swait.ge [sflag:s17], $0x1800  }
0x116: {  	[sflag:s17] =	ssyncset.done $0x0  }
0x117: {  	[sflag:s17] =	ssyncadd.s32 $0xFFFFE800  }
0x118: {  	s0 =	sadd.s32 $0x700, s31  }
0x119: {  	[tilespmem:s1], [sflag:$0x7] =	stream.indirect.gather [hbm4b:s4+s19], $0x30, s0, s19, $0xb8;
	[tilespmem:$0x1B400] =	vst v63  }
0x11a: {  	_ =	swait.ge [sflag:s22], $0x1800  }
0x11b: {  	[sflag:s22] =	ssyncset.done $0x0  }
0x11c: {  	s26 =	sadd.s32 $0x2B80, s31;
	[sflag:s22] =	ssyncadd.s32 $0xFFFFE800  }
0x11d: {  	[spmem:s2] =	stream.indirect.scatter.add.f32 [tilespmem:s18], [sflag:$0x9], $0x30, s26, s19, $0xb8;
	[tilespmem:$0x1B400] =	vst v63  }
.Ltmp6:
0x11e: {  	_ = 	snop;
	(pc) =	sbr.rel .LBB2_3-.Ltmp6, $4  }
0x11f: {  	_ =	swait.ge [sflag:s17], $0x1800  }
0x120: {  	[sflag:s17] =	ssyncset.done $0x0  }
0x121: {  	s31 =	sadd.s32 $0x780, s31;
	s30 =	sadd.s32 $0x1000, s30;
	[sflag:s17] =	ssyncadd.s32 $0xFFFFE800  }
0x122: {  	[tilespmem:s18], [sflag:$0x8] =	stream.indirect.gather [hbm4b:s4+s19], $0x30, s31, s19, $0xb8;
	[tilespmem:$0x1B400] =	vst v63  }
.LBB2_9:
0x123: {  	_ =	sfence.sel $0x180000  }
0x124: {  	[bflag:$0x0] =	sbarrier.arrive $0xFFFF  }
0x125: {  	_ =	strace $0x9000004A  }
0x126: {  	s0 =	stileid.u32;
	[bflag:$0x2] =	sbarrier.arrive $0xFFFF  }
0x127: {  	p0 =	sne.s32 s0, $0x0;
	s0 =	rddreg [dreg:$0x3]  }
0x128: {  	s0 =	sadd.s32 @!p0 $0x100000, s0  }
0x129: {  	[sflag:s0] =	ssyncadd.tile.s32 @!p0 $0x1;
	_ =	shalt  }
.Lfunc_end2:
_tile_overlayer_lowered:
.L_overlay_start_2:
0x12a: {  	(tag) =	ssettag $0x2  }
0x12b: {  	s0 =	rddreg [dreg:$0x0];
	s2 =	stileid.u32  }
0x12c: {  	s1 =	rddreg [dreg:$0x1];
	p0 =	sne.s32 s2, $0x0  }
0x12d: {  	s3 =	rddreg [dreg:$0x2];
	[bflag:$0x3] =	sbarrier.arrive $0xFFFF;
	s2 =	simm.s32 @!p0 $0x1C09  }
0x12e: {  	[timem:s3], [sflag:s2] =	dma.local @!p0 [hbm:s0], s1  }
0x12f: {  	s0 =	simm.s32 @!p0 $0x9  }
0x130: {  	_ =	swait.ge @!p0 [sflag:s0], s1  }
0x131: {  	s1 =	ssub.s32 @!p0 $0x0, s1;
	[sflag:s0] =	ssyncset.done @!p0 $0x0  }
0x132: {  	[sflag:s0] =	ssyncadd.s32 @!p0 s1  }
0x133: {  	[bflag:$0x3] =	sbarrier.arrive $0xFFFF  }
0x134: {  	_ =	shalt  }

// kernel: kernel.7.cloned.1.call-start
scs
__scs_entry_jumppad:
0x0: {  	(pc) =	sbr.rel $0x88, $3  }
0x1: {  	(tag) =	ssettag $0x0;
	lr =	simm.s32 $0x1  }
0x2: {  	[smem:$0x3F67] =	sst lr;
	_ =	strace $0xD0000000  }
0x3: {  	_ = 	snop  }
0x4: {  	_ = 	snop  }
0x5: {  	_ = 	snop  }
0x6: {  	_ = 	snop  }
0x7: {  	_ = 	snop  }
__scs_overlays_trampoline_lowered:
0x8: {  	[smem:$0x3F76] =	sst s0  }
0x9: {  	[smem:$0x3F77] =	sst s1  }
0xa: {  	[smem:$0x3F78] =	sst s2  }
0xb: {  	[smem:$0x3F79] =	sst s3  }
0xc: {  	[smem:$0x3F7A] =	sst s4  }
0xd: {  	[smem:$0x3F7B] =	sst s5  }
0xe: {  	[smem:$0x3F7C] =	sst s6  }
0xf: {  	[smem:$0x3F7D] =	sst s7  }
0x10: {  	[smem:$0x3F7E] =	sst s8  }
0x11: {  	[smem:$0x3F7F] =	sst s9;
	s0 =	simm.s32 @!p0 $0x0  }
0x12: {  	s1 =	sld [smem:$0x3F65];
	s0 =	simm.s32 @p0 $0x1  }
0x13: {  	[smem:$0x3F80] =	sst s0;
	s0 =	simm.s32 @!p1 $0x0  }
0x14: {  	s2 =	sld [smem:$0x3F64];
	s0 =	simm.s32 @p1 $0x1  }
0x15: {  	[smem:$0x3F81] =	sst s0;
	s0 =	simm.s32 @!p2 $0x0  }
0x16: {  	s3 =	sld [smem:$0x3FDB];
	s0 =	simm.s32 @p2 $0x1  }
0x17: {  	s4 =	simm.s32 $0x1BF5;
	[smem:$0x3F83] =	sst s0  }
0x18: {  	s0 =	sld [smem:$0x3F66];
	_ =	swait.ge [sflag:s4], $0x0  }
0x19: {  	s7 =	sld [smem:$0x3F67]  }
0x1a: {  	s8 =	sadd.s32 $0xFFFFE003, lr  }
0x1b: {  	s9 =	sadd.s32 $0xFFFFFEF7, lr;
	s5 =	simm.s32 $0xFFFFFFFF;
	p2 =	slt.u32 s8, $0xFFFFF086  }
0x1c: {  	p1 =	slt.u32 s9, $0xF7A;
	s5 =	simm.s32 @!p2 $0x0  }
0x1d: {  	s5 =	simm.s32 @p1 $0x1;
	p0 =	seq.s32 s7, s2  }
0x1e: {  	s7 =	smul.u32 @!p0 $0xF7A, s2;
	p2 =	seq.s32 @!p0 s5, $0x0  }
0x1f: {  	s9 =	smul.u32 $0xF7A, s1;
	s8 =	simm.s32 @!p0 $0x1BF5;
	p2 =	por !p2, p0  }
0x20: {  	[sflag:s8] =	ssyncset.s32 @!p0 $0xFFFFF086;
	s6 =	sadd.s32 @!p0 s3, s7;
	s7 =	simm.s32 @!p0 $0x108  }
0x21: {  	s3 =	sadd.s32 s3, s9;
	s6 =	sadd.s32 @!p0 $0x88, s6;
	s7 =	simm.s32 @p2 $0x1082  }
0x22: {  	[simem:s7], [sflag:s8] =	dma.local @!p0 [hbm:s6], $0xF7A  }
0x23: {  	s9 =	sor.u32 $0xD0000000, s2;
	s6 =	simm.s32 $0x108;
	_ =	swait.ge @!p0 [sflag:s8], $0x0  }
0x24: {  	s3 =	sadd.s32 $0x88, s3;
	s6 =	simm.s32 @!p1 $0x1082;
	[sflag:s4] =	ssyncset.s32 $0xFFFFF086  }
0x25: {  	[simem:s6], [sflag:s4] =	dma.local [hbm:s3], $0xF7A  }
0x26: {  	[smem:$0x3F67] =	sst s1;
	(tag) =	ssettag s2;
	_ =	strace s9  }
0x27: {  	s1 =	sld [smem:$0x3F77]  }
0x28: {  	s2 =	sld [smem:$0x3F78]  }
0x29: {  	s4 =	sld [smem:$0x3F7A]  }
0x2a: {  	p0 =	seq.s32 s5, $0x0;
	s5 =	sld [smem:$0x3F7B]  }
0x2b: {  	s6 =	sld [smem:$0x3F7C]  }
0x2c: {  	s7 =	sld [smem:$0x3F7D]  }
0x2d: {  	s3 =	simm.s32 $0x108;
	s8 =	sld [smem:$0x3F7E]  }
0x2e: {  	s3 =	simm.s32 @!p0 $0x1082;
	s9 =	sld [smem:$0x3F7F]  }
0x2f: {  	lr =	sadd.s32 s0, s3;
	s0 =	sld [smem:$0x3F76]  }
0x30: {  	s3 =	sld [smem:$0x3F79]  }
0x31: {  	[smem:$0x3F82] =	sst s10  }
0x32: {  	s10 =	sld [smem:$0x3F80];
	_ =	sdelay $0x3  }
0x33: {  	p0 =	seq.s32 s10, $0x1;
	s10 =	sld [smem:$0x3F82];
	_ =	sdelay $0x3  }
0x34: {  	[smem:$0x3F82] =	sst s10  }
0x35: {  	s10 =	sld [smem:$0x3F81];
	_ =	sdelay $0x3  }
0x36: {  	p1 =	seq.s32 s10, $0x1;
	s10 =	sld [smem:$0x3F82];
	_ =	sdelay $0x3  }
0x37: {  	[smem:$0x3F82] =	sst s10  }
0x38: {  	s10 =	sld [smem:$0x3F83]  }
0x39: {  	_ = 	snop;
	(pc) =	sbr.ind lr, $3  }
0x3a: {  	_ = 	snop  }
0x3b: {  	_ = 	snop  }
0x3c: {  	p2 =	seq.s32 s10, $0x1;
	s10 =	sld [smem:$0x3F82]  }
0x3d: {  	_ =	shalt  }
0x3e: {  	_ =	shalt  }
0x3f: {  	_ =	shalt  }
0x40: {  	_ =	shalt  }
0x41: {  	_ =	shalt  }
0x42: {  	_ =	shalt  }
0x43: {  	_ =	shalt  }
0x44: {  	_ =	shalt  }
0x45: {  	_ =	shalt  }
0x46: {  	_ =	shalt  }
0x47: {  	_ =	shalt  }
0x48: {  	_ =	shalt  }
0x49: {  	_ =	shalt  }
0x4a: {  	_ =	shalt  }
0x4b: {  	_ =	shalt  }
0x4c: {  	_ =	shalt  }
0x4d: {  	_ =	shalt  }
0x4e: {  	_ =	shalt  }
0x4f: {  	_ =	shalt  }
0x50: {  	_ =	shalt  }
0x51: {  	_ =	shalt  }
0x52: {  	_ =	shalt  }
0x53: {  	_ =	shalt  }
0x54: {  	_ =	shalt  }
0x55: {  	_ =	shalt  }
0x56: {  	_ =	shalt  }
0x57: {  	_ =	shalt  }
0x58: {  	_ =	shalt  }
0x59: {  	_ =	shalt  }
0x5a: {  	_ =	shalt  }
0x5b: {  	_ =	shalt  }
0x5c: {  	_ =	shalt  }
0x5d: {  	_ =	shalt  }
0x5e: {  	_ =	shalt  }
0x5f: {  	_ =	shalt  }
0x60: {  	_ =	shalt  }
0x61: {  	_ =	shalt  }
0x62: {  	_ =	shalt  }
0x63: {  	_ =	shalt  }
0x64: {  	_ =	shalt  }
0x65: {  	_ =	shalt  }
0x66: {  	_ =	shalt  }
0x67: {  	_ =	shalt  }
0x68: {  	_ =	shalt  }
0x69: {  	_ =	shalt  }
0x6a: {  	_ =	shalt  }
0x6b: {  	_ =	shalt  }
0x6c: {  	_ =	shalt  }
0x6d: {  	_ =	shalt  }
0x6e: {  	_ =	shalt  }
0x6f: {  	_ =	shalt  }
0x70: {  	_ =	shalt  }
0x71: {  	_ =	shalt  }
0x72: {  	_ =	shalt  }
0x73: {  	_ =	shalt  }
0x74: {  	_ =	shalt  }
0x75: {  	_ =	shalt  }
0x76: {  	_ =	shalt  }
0x77: {  	_ =	shalt  }
0x78: {  	_ =	shalt  }
0x79: {  	_ =	shalt  }
0x7a: {  	_ =	shalt  }
0x7b: {  	_ =	shalt  }
0x7c: {  	_ =	shalt  }
0x7d: {  	_ =	shalt  }
0x7e: {  	_ =	shalt  }
0x7f: {  	_ =	shalt  }
0x80: {  	_ =	shalt  }
0x81: {  	_ =	shalt  }
0x82: {  	_ =	shalt  }
0x83: {  	_ =	shalt  }
0x84: {  	_ =	shalt  }
0x85: {  	_ =	shalt  }
0x86: {  	_ =	shalt  }
0x87: {  	_ =	shalt  }
.Lfunc_end0:
.L_simem_size_0:
called_computation_lowered:
.L_overlay_start_0:
0x88: {  	s2 =	sld [smem:$0x3FD9]  }
0x89: {  	s3 =	sld [smem:$0x3FFE];
	_ =	sdelay $0x1  }
0x8a: {  	s1 =	srdreg.scid  }
0x8b: {  	s0 =	sand.u32 $0x1, s1  }
0x8c: {  	s17 =	sshll.u32 s0, $0xA;
	s2 =	sadd.s32 s3, s2  }
0x8d: {  	s2 =	sadd.s32 s2, s17  }
0x8e: {  	[smem:$0x3F8E] =	sst s2  }
0x8f: {  	_ = 	snop  }
0x90: {  	s2 =	sld [smem:$0x3FD0];
	(tm) =	ssettm $0x1  }
0x91: {  	s18 =	sld [smem:$0x3FFB];
	_ =	sdelay $0x3  }
0x92: {  	_ =	strace s18  }
0x93: {  	s3 =	sld [smem:$0x3FFC];
	_ =	sdelay $0x3  }
0x94: {  	_ =	strace s3  }
0x95: {  	s3 =	sld [smem:$0x3FFD];
	_ =	sdelay $0x3  }
0x96: {  	_ =	strace s3  }
0x97: {  	_ =	strace $0x8FFFFFFF  }
0x98: {  	s19 =	sld [smem:$0x3FDB];
	_ =	sdelay $0x1  }
0x99: {  	s4 =	simm.s32 $_scs_section_size  }
0x9a: {  	s5 =	simm.s32 $_size__tile_overlayer_lowered;
	s6 =	simm.s32 $_tile_overlayer_lowered  }
0x9b: {  	s22 =	simm.s32 $0x1BFF;
	s21 =	sshll.u32 s6, $0x1;
	s3 =	sadd.s32 s4, s19  }
0x9c: {  	s7 =	simm.s32 $0x0;
	s20 =	sshll.u32 s5, $0x1;
	s5 =	sadd.s32 s21, s3  }
0x9d: {  	[timem:s7], [sflag:s22] =	dma.local [hbm:s5], s20  }
0x9e: {  	_ =	swait.ge [sflag:s22], s20  }
0x9f: {  	s4 =	ssub.s32 $0x0, s20;
	[sflag:s22] =	ssyncset.done $0x0  }
0xa0: {  	[sflag:s22] =	ssyncadd.s32 s4;
	_ =	sdelay $0x1  }
0xa1: {  	s23 =	simm.s32 $0x1B8B  }
0xa2: {  	_ =	swait.ge [sflag:s23], $0x1  }
0xa3: {  	[sflag:s23] =	ssyncset.done $0x0  }
0xa4: {  	s25 =	simm.s32 $0x1B8E;
	s24 =	sld [smem:$0x3FFE];
	[sflag:s23] =	ssyncadd.s32 $0xFFFFFFFF  }
0xa5: {  	s26 =	simm.s32 $execute0_lowered;
	[smem:$0x3FD2] =	sst s25  }
0xa6: {  	s5 =	sshll.u32 s26, $0x1;
	_ =	strace $0x80000046;
	[dreg:$0x1] =	wrdreg $0xFFFFFFFF  }
0xa7: {  	s28 =	simm.s32 $_size_execute0_lowered;
	s3 =	sadd.s32 s3, s5;
	[dreg:$0x0] =	wrdreg $0x0  }
0xa8: {  	s5 =	sshll.u32 s28, $0x1;
	[dreg:$0x2] =	wrdreg s3  }
0xa9: {  	[dreg:$0x3] =	wrdreg s5  }
0xaa: {  	[dreg:$0x4] =	wrdreg $0xC0  }
0xab: {  	_ =	task [dreg:s7], $0x5FFFF  }
0xac: {  	[dreg:$0x1] =	wrdreg $0xFFFFFFFF  }
0xad: {  	[dreg:$0x0] =	wrdreg $0x60  }
0xae: {  	[dreg:$0x2] =	wrdreg s24  }
0xaf: {  	[dreg:$0x3] =	wrdreg s2  }
0xb0: {  	[dreg:$0x4] =	wrdreg $0x13C000  }
0xb1: {  	[dreg:$0x5] =	wrdreg $0x9  }
0xb2: {  	_ =	task.clear_ibuf [dreg:s7], $0x6FFFF;
	_ =	strace $0x90000046  }
0xb3: {  	s29 =	simm.s32 $0x9;
	_ =	strace $0x80000048  }
0xb4: {  	_ =	swait.ge [sflag:s29], $0x1  }
0xb5: {  	[sflag:s29] =	ssyncadd.s32 $0xFFFFFFFF  }
0xb6: {  	_ =	strace $0x90000048  }
0xb7: {  	_ =	sfence  }
0xb8: {  	s30 =	sld [smem:$0x0];
	_ =	sdelay $0x2  }
0xb9: {  	s31 =	sshll.u32 s1, $0xD;
	s1 =	sshrl.u32 s1, $0x2  }
0xba: {  	s3 =	sand.u32 $0x4000, s31;
	s1 =	sadd.s32 s1, s30  }
0xbb: {  	s0 =	sor.u32 s3, s0;
	s1 =	sshll.u32 s1, $0x11  }
0xbc: {  	s0 =	sor.u32 s1, s0  }
0xbd: {  	s0 =	sadd.s32 $0x8F2B, s0  }
0xbe: {  	[sflag:s0] =	ssyncadd.remote.s32 $0x1  }
0xbf: {  	_ =	sfence.sel $0xFFFF  }
0xc0: {  	[dreg:$0x0] =	wrdreg $0xFFFFFFFF;
	(pc) =	sbr.abs _section_cstart, $3  }
0xc1: {  	[dreg:$0x1] =	wrdreg $0xFFFFFFFF  }
0xc2: {  	_ =	task.clear_ibuf [dreg:s7], $0x2FFFF;
	_ =	strace $0x9FFFFFFF  }
0xc3: {  	(tm) =	ssettm $0x7FFFFFFF  }
tec
execute0_lowered:
.L_overlay_start_1:
0x0: {  	(tag) =	ssettag $0x1  }
0x1: {  	s0 =	rddreg [dreg:$0x0]  }
0x2: {  	s1 =	rddreg [dreg:$0x1]  }
0x3: {  	s2 =	rddreg [dreg:$0x2];
	s3 =	simm.s32 $0x0;
	s12 =	stileid.u32  }
0x4: {  	s6 =	srdreg.scid;
	s30 =	simm.s32 $0xB000;
	s28 =	simm.s32 $0x12400  }
0x5: {  	s31 =	simm.s32 $0x0;
	[smem:$0x7FF] =	sst s3;
	s18 =	smul.u32 $0x500, s12  }
0x6: {  	s4 =	sadd.s32 $0x30E00, s0;
	s5 =	sadd.s32 $0x3FE00, s0;
	s6 =	sand.u32 $0x1, s6  }
0x7: {  	s8 =	sadd.s32 $0x8600, s0;
	s9 =	sadd.s32 $0x5DE00, s0;
	s10 =	smul.u32 $0x7800, s12  }
0x8: {  	s11 =	sadd.s32 $0x8A00, s0;
	_ =	strace $0x80000047;
	[dreg:$0x4] =	wrdreg s8  }
0x9: {  	s23 =	sshll.u32 s12, $0x6;
	s19 =	smul.u32 $0xF000, s6;
	[dreg:$0x5] =	wrdreg s9  }
0xa: {  	s20 =	ssub.s32 $0x2, s6;
	[dreg:$0x6] =	wrdreg s11;
	s9 =	sor.u32 $0x1C09, s23  }
0xb: {  	p0 =	seq.s32 s6, $0x1;
	s6 =	sshll.u32 s6, $0x4;
	s11 =	simm.s32 $0xF800  }
0xc: {  	s23 =	simm.s32 $0x7;
	s7 =	sadd.s32 s18, s0;
	s21 =	sshrl.u32 s20, $0x1  }
0xd: {  	s22 =	sadd.s32 s10, s2;
	s6 =	sor.u32 s12, s6;
	s1 =	sadd.s32 s1, s18  }
0xe: {  	s29 =	sshrl.u32 s10, $0x3;
	s18 =	simm.s32 $0x9;
	s10 =	simm.s32 $0xE000  }
0xf: {  	s12 =	simm.s32 $0x1;
	s0 =	sadd.s32 s19, s0;
	s8 =	ssub.s32 s20, s21  }
0x10: {  	s13 =	sadd.s32 $0x53E00, s7;
	s24 =	sadd.s32 $0x58E00, s7;
	s7 =	sadd.s32 $0x4EE00, s7  }
0x11: {  	[dreg:$0xa] =	wrdreg s1;
	s25 =	sshll.u32 s6, $0x7;
	s17 =	sshrl.u32 s22, $0x3  }
0x12: {  	s20 =	simm.s32 $0x80;
	s21 =	simm.s32 $0x5000;
	[dreg:$0x7] =	wrdreg s13  }
.Ltmp0:
0x13: {  	p1 =	sgt.u32 s6, $0x7;
	[dreg:$0x8] =	wrdreg s24;
	(pc) =	sbr.rel .LBB2_1-.Ltmp0, $4  }
0x14: {  	s22 =	simm.s32 $0x3;
	[dreg:$0x9] =	wrdreg s7;
	s26 =	sor.u32 $0x11000, s25  }
0x15: {  	s1 =	sor.u32 $0x12000, s25;
	s0 =	sadd.s32 $0x5EE00, s0;
	s16 =	smax.u32 s8, $0x1  }
0x16: {  	s25 =	simm.s32 $0x8000;
	s13 =	simm.s32 $0x5;
	[dreg:$0xb] =	wrdreg s26  }
0x17: {  	[dreg:$0xc] =	wrdreg s1;
	s24 =	sadd.s32 s29, s0;
	s26 =	simm.s32 $0x8  }
.LBB2_8:
0x18: {  	_ =	swait.ge [sflag:s26], $0x1800  }
0x19: {  	s0 =	sshra.s32 s0, $0x2;
	[sflag:s26] =	ssyncset.done $0x0  }
0x1a: {  	s0 =	sadd.s32 $0x2B80, s0;
	[sflag:s26] =	ssyncadd.s32 $0xFFFFE800  }
0x1b: {  	[spmem:s2] =	stream.indirect.scatter.add.f32 [tilespmem:s11], [sflag:$0x9], $0x30, s0, s20, $0xb8;
	[tilespmem:$0x1B400] =	vst v63  }
0x1c: {  	_ =	swait.ge [sflag:s18], $0x1800  }
0x1d: {  	[sflag:s18] =	ssyncset.done $0x0  }
0x1e: {  	s15 =	simm.s32 $0x0;
	s1 =	rddreg [dreg:$0x6];
	[sflag:s18] =	ssyncadd.s32 $0xFFFFE800  }
0x1f: {  	[tilespmem:s28], [sflag:$0x9] =	stream.linear.gather [hbm4b:s1+s15], $0x1800, $0x38;
	[tilespmem:$0x1B400] =	vst v63  }
0x20: {  	_ =	swait.ge [sflag:s18], $0x1800  }
0x21: {  	[sflag:s18] =	ssyncset.done $0x0  }
0x22: {  	s3 =	simm.s32 $0x11000;
	s19 =	rddreg [dreg:$0x4];
	[sflag:s18] =	ssyncadd.s32 $0xFFFFE800  }
0x23: {  	[tilespmem:s3], [sflag:$0x9] =	stream.linear.gather [hbm4b:s19+s15], $0x1400, $0x38;
	[tilespmem:$0x1B400] =	vst v63  }
0x24: {  	_ =	swait.ge [sflag:s18], $0x1400  }
0x25: {  	[sflag:s18] =	ssyncset.done $0x0  }
0x26: {  	s29 =	rddreg [dreg:$0xb];
	[sflag:s18] =	ssyncadd.s32 $0xFFFFEC00  }
0x27: {  	[spmem:s2] =	stream.indirect.scatter.add.f32 [tilespmem:s28], [sflag:$0x9], $0x30, s29, s20, $0xb8;
	[tilespmem:$0x1B400] =	vst v63  }
0x28: {  	_ =	swait.ge [sflag:s18], $0x1800  }
0x29: {  	s0 =	simm.s32 @!p1 $0x80;
	[sflag:s18] =	ssyncset.done $0x0  }
0x2a: {  	s1 =	simm.s32 @!p1 $0x12400;
	s3 =	rddreg [dreg:$0xc];
	[sflag:s18] =	ssyncadd.s32 $0xFFFFE800  }
0x2b: {  	[spmem:s2] =	stream.indirect.scatter.add.f32 @!p1 [tilespmem:s1], [sflag:$0x9], $0x30, s3, s0, $0xb8;
	[tilespmem:$0x1B400] =	vst v63  }
0x2c: {  	s0 =	simm.s32 @!p1 $0x9  }
0x2d: {  	_ =	swait.ge @!p1 [sflag:s0], $0x1800  }
0x2e: {  	s31 =	sadd.s32 $0x1, s31;
	[sflag:s0] =	ssyncset.done @!p1 $0x0  }
0x2f: {  	p2 =	sne.s32 s31, s16;
	[sflag:s0] =	ssyncadd.s32 @!p1 $0xFFFFE800  }
.Ltmp1:
0x30: {  	[bflag:$0x0] =	sbarrier.arrive $0xFFFF;
	(pc) =	sbr.rel @!p2 .LBB2_9-.Ltmp1, $4  }
0x31: {  	[hbm:s24], [sflag:s9] =	dma.local [spmem:s17], $0xF00  }
0x32: {  	_ =	swait.ge [sflag:s18], $0xF00  }
0x33: {  	[sflag:s18] =	ssyncset.done $0x0  }
0x34: {  	[sflag:s18] =	ssyncadd.s32 $0xFFFFF100  }
.LBB2_1:
0x35: {  	s0 =	rddreg [dreg:$0x5]  }
0x36: {  	[spmem:s17], [sflag:s9] =	dma.local [hbm:s0], $0xF00  }
.Ltmp2:
0x37: {  	_ =	swait.ge [sflag:s18], $0xF00;
	(pc) =	sbr.rel @!p0 .LBB2_2-.Ltmp2, $4  }
0x38: {  	[sflag:s18] =	ssyncset.done $0x0  }
0x39: {  	[sflag:s18] =	ssyncadd.s32 $0xFFFFF100  }
0x3a: {  	[bflag:$0x0] =	sbarrier.arrive $0xFFFF  }
0x3b: {  	s0 =	simm.s32 $0x0  }
0x3c: {  	s1 =	rddreg [dreg:$0x9]  }
0x3d: {  	[tilespmem:s0], [sflag:$0x9] =	stream.linear.gather [hbm4b:s1+s0], $0x2800, $0x38;
	[tilespmem:$0x1B400] =	vst v63  }
0x3e: {  	_ =	swait.ge [sflag:s18], $0x2800  }
0x3f: {  	[sflag:s18] =	ssyncset.done $0x0  }
0x40: {  	s3 =	simm.s32 $0x2800;
	s19 =	rddreg [dreg:$0xa];
	[sflag:s18] =	ssyncadd.s32 $0xFFFFD800  }
0x41: {  	[tilespmem:s3], [sflag:$0x9] =	stream.linear.gather [hbm4b:s19+s0], $0x2800, $0x38;
	[tilespmem:$0x1B400] =	vst v63  }
0x42: {  	_ =	swait.ge [sflag:s18], $0x2800  }
0x43: {  	[sflag:s18] =	ssyncset.done $0x0  }
0x44: {  	[sflag:s18] =	ssyncadd.s32 $0xFFFFD800  }
0x45: {  	[tilespmem:s21], [sflag:$0x1] =	stream.indirect.gather [hbm4b:s5+s20], $0x30, s0, s20, $0xb8;
	[tilespmem:$0x1B400] =	vst v63  }
0x46: {  	s29 =	simm.s32 $0x6800  }
0x47: {  	[tilespmem:s29], [sflag:$0x2] =	stream.indirect.gather [hbm4b:s5+s20], $0x30, s20, s20, $0xb8;
	[tilespmem:$0x1B400] =	vst v63  }
0x48: {  	s3 =	simm.s32 $0x100  }
0x49: {  	[tilespmem:s25], [sflag:$0x3] =	stream.indirect.gather [hbm4b:s5+s20], $0x30, s3, s20, $0xb8;
	[tilespmem:$0x1B400] =	vst v63  }
0x4a: {  	s6 =	simm.s32 $0x180;
	s7 =	simm.s32 $0x9800  }
0x4b: {  	[tilespmem:s7], [sflag:$0x4] =	stream.indirect.gather [hbm4b:s5+s20], $0x30, s6, s20, $0xb8;
	[tilespmem:$0x1B400] =	vst v63  }
0x4c: {  	s8 =	simm.s32 $0x200  }
0x4d: {  	[tilespmem:s30], [sflag:$0x5] =	stream.indirect.gather [hbm4b:s5+s20], $0x30, s8, s20, $0xb8;
	[tilespmem:$0x1B400] =	vst v63  }
0x4e: {  	s14 =	simm.s32 $0x280;
	s15 =	simm.s32 $0xC800  }
0x4f: {  	[tilespmem:s15], [sflag:$0x6] =	stream.indirect.gather [hbm4b:s5+s20], $0x30, s14, s20, $0xb8;
	[tilespmem:$0x1B400] =	vst v63  }
0x50: {  	s19 =	simm.s32 $0x300  }
0x51: {  	[tilespmem:s10], [sflag:$0x7] =	stream.indirect.gather [hbm4b:s5+s20], $0x30, s19, s20, $0xb8;
	[tilespmem:$0x1B400] =	vst v63  }
0x52: {  	s29 =	simm.s32 $0x380  }
0x53: {  	[tilespmem:s11], [sflag:$0x8] =	stream.indirect.gather [hbm4b:s5+s20], $0x30, s29, s20, $0xb8;
	[tilespmem:$0x1B400] =	vst v63  }
.LBB2_6:
0x54: {  	_ =	swait.ge [sflag:s12], $0x1800  }
0x55: {  	s1 =	sshra.s32 s0, $0x2;
	[sflag:s12] =	ssyncset.done $0x0  }
0x56: {  	s3 =	sadd.s32 $0x2800, s1;
	[sflag:s12] =	ssyncadd.s32 $0xFFFFE800  }
0x57: {  	[spmem:s2] =	stream.indirect.scatter.add.f32 [tilespmem:s21], [sflag:$0x9], $0x30, s3, s20, $0xb8;
	[tilespmem:$0x1B400] =	vst v63  }
0x58: {  	_ =	swait.ge [sflag:s18], $0x1800  }
0x59: {  	p2 =	seq.s32 s0, $0x9000;
	[sflag:s18] =	ssyncset.done $0x0  }
0x5a: {  	s3 =	simm.s32 @p2 $0x2;
	[sflag:s18] =	ssyncadd.s32 $0xFFFFE800  }
0x5b: {  	_ =	swait.ge @p2 [sflag:s3], $0x1800  }
0x5c: {  	[sflag:s3] =	ssyncset.done @p2 $0x0  }
0x5d: {  	[sflag:s3] =	ssyncadd.s32 @p2 $0xFFFFE800;
	s3 =	sshra.s32 @p2 s0, $0x2  }
0x5e: {  	s6 =	simm.s32 @p2 $0x80;
	s8 =	simm.s32 @p2 $0x6800;
	s7 =	sadd.s32 @p2 $0x2880, s3  }
0x5f: {  	[spmem:s2] =	stream.indirect.scatter.add.f32 @p2 [tilespmem:s8], [sflag:$0x9], $0x30, s7, s6, $0xb8;
	[tilespmem:$0x1B400] =	vst v63  }
0x60: {  	s7 =	simm.s32 @p2 $0x9  }
0x61: {  	_ =	swait.ge @p2 [sflag:s7], $0x1800  }
0x62: {  	s19 =	sshra.s32 @!p2 s0, $0x2;
	s29 =	simm.s32 @!p2 $0x80;
	[sflag:s7] =	ssyncset.done @p2 $0x0  }
0x63: {  	s14 =	simm.s32 @!p2 $0x5000;
	s8 =	sadd.s32 @!p2 $0x400, s19;
	[sflag:s7] =	ssyncadd.s32 @p2 $0xFFFFE800  }
0x64: {  	[tilespmem:s14], [sflag:$0x1] =	stream.indirect.gather @!p2 [hbm4b:s5+s29], $0x30, s8, s29, $0xb8;
	[tilespmem:$0x1B400] =	vst v63  }
0x65: {  	s8 =	simm.s32 @!p2 $0x2  }
0x66: {  	_ =	swait.ge @!p2 [sflag:s8], $0x1800  }
0x67: {  	[sflag:s8] =	ssyncset.done @!p2 $0x0  }
0x68: {  	s14 =	simm.s32 @!p2 $0x6800;
	[sflag:s8] =	ssyncadd.s32 @!p2 $0xFFFFE800;
	s8 =	sadd.s32 @!p2 $0x2880, s19  }
0x69: {  	[spmem:s2] =	stream.indirect.scatter.add.f32 @!p2 [tilespmem:s14], [sflag:$0x9], $0x30, s8, s29, $0xb8;
	[tilespmem:$0x1B400] =	vst v63  }
0x6a: {  	s8 =	simm.s32 @!p2 $0x9  }
0x6b: {  	_ =	swait.ge @!p2 [sflag:s8], $0x1800  }
0x6c: {  	[sflag:s8] =	ssyncset.done @!p2 $0x0  }
0x6d: {  	s15 =	sadd.s32 @!p2 $0x480, s19;
	[sflag:s8] =	ssyncadd.s32 @!p2 $0xFFFFE800  }
0x6e: {  	[tilespmem:s14], [sflag:$0x2] =	stream.indirect.gather @!p2 [hbm4b:s5+s29], $0x30, s15, s29, $0xb8;
	[tilespmem:$0x1B400] =	vst v63  }
0x6f: {  	_ =	swait.ge [sflag:s22], $0x1800  }
0x70: {  	[sflag:s22] =	ssyncset.done $0x0  }
0x71: {  	s15 =	sadd.s32 $0x2900, s1;
	[sflag:s22] =	ssyncadd.s32 $0xFFFFE800  }
0x72: {  	[spmem:s2] =	stream.indirect.scatter.add.f32 [tilespmem:s25], [sflag:$0x9], $0x30, s15, s20, $0xb8;
	[tilespmem:$0x1B400] =	vst v63  }
0x73: {  	_ =	swait.ge [sflag:s18], $0x1800  }
0x74: {  	[sflag:s18] =	ssyncset.done $0x0  }
0x75: {  	s14 =	simm.s32 @p2 $0x4;
	[sflag:s18] =	ssyncadd.s32 $0xFFFFE800  }
0x76: {  	_ =	swait.ge @p2 [sflag:s14], $0x1800  }
0x77: {  	[sflag:s14] =	ssyncset.done @p2 $0x0  }
0x78: {  	s15 =	simm.s32 @p2 $0x9800;
	[sflag:s14] =	ssyncadd.s32 @p2 $0xFFFFE800;
	s14 =	sadd.s32 @p2 $0x2980, s3  }
0x79: {  	[spmem:s2] =	stream.indirect.scatter.add.f32 @p2 [tilespmem:s15], [sflag:$0x9], $0x30, s14, s6, $0xb8;
	[tilespmem:$0x1B400] =	vst v63  }
0x7a: {  	_ =	swait.ge @p2 [sflag:s7], $0x1800  }
0x7b: {  	[sflag:s7] =	ssyncset.done @p2 $0x0  }
0x7c: {  	s14 =	sadd.s32 @!p2 $0x500, s19;
	s15 =	simm.s32 @!p2 $0x8000;
	[sflag:s7] =	ssyncadd.s32 @p2 $0xFFFFE800  }
0x7d: {  	[tilespmem:s15], [sflag:$0x3] =	stream.indirect.gather @!p2 [hbm4b:s5+s29], $0x30, s14, s29, $0xb8;
	[tilespmem:$0x1B400] =	vst v63  }
0x7e: {  	s14 =	simm.s32 @!p2 $0x4  }
0x7f: {  	_ =	swait.ge @!p2 [sflag:s14], $0x1800  }
0x80: {  	[sflag:s14] =	ssyncset.done @!p2 $0x0  }
0x81: {  	s15 =	simm.s32 @!p2 $0x9800;
	[sflag:s14] =	ssyncadd.s32 @!p2 $0xFFFFE800;
	s14 =	sadd.s32 @!p2 $0x2980, s19  }
0x82: {  	[spmem:s2] =	stream.indirect.scatter.add.f32 @!p2 [tilespmem:s15], [sflag:$0x9], $0x30, s14, s29, $0xb8;
	[tilespmem:$0x1B400] =	vst v63  }
0x83: {  	_ =	swait.ge @!p2 [sflag:s8], $0x1800  }
0x84: {  	[sflag:s8] =	ssyncset.done @!p2 $0x0  }
0x85: {  	s14 =	sadd.s32 @!p2 $0x580, s19;
	[sflag:s8] =	ssyncadd.s32 @!p2 $0xFFFFE800  }
0x86: {  	[tilespmem:s15], [sflag:$0x4] =	stream.indirect.gather @!p2 [hbm4b:s5+s29], $0x30, s14, s29, $0xb8;
	[tilespmem:$0x1B400] =	vst v63  }
0x87: {  	_ =	swait.ge [sflag:s13], $0x1800  }
0x88: {  	[sflag:s13] =	ssyncset.done $0x0  }
0x89: {  	s15 =	sadd.s32 $0x2A00, s1;
	[sflag:s13] =	ssyncadd.s32 $0xFFFFE800  }
0x8a: {  	[spmem:s2] =	stream.indirect.scatter.add.f32 [tilespmem:s30], [sflag:$0x9], $0x30, s15, s20, $0xb8;
	[tilespmem:$0x1B400] =	vst v63  }
0x8b: {  	_ =	swait.ge [sflag:s18], $0x1800  }
0x8c: {  	[sflag:s18] =	ssyncset.done $0x0  }
0x8d: {  	s14 =	simm.s32 @p2 $0x6;
	[sflag:s18] =	ssyncadd.s32 $0xFFFFE800  }
0x8e: {  	_ =	swait.ge @p2 [sflag:s14], $0x1800  }
0x8f: {  	[sflag:s14] =	ssyncset.done @p2 $0x0  }
0x90: {  	s3 =	sadd.s32 @p2 $0x2A80, s3;
	[sflag:s14] =	ssyncadd.s32 @p2 $0xFFFFE800;
	s14 =	simm.s32 @p2 $0xC800  }
0x91: {  	[spmem:s2] =	stream.indirect.scatter.add.f32 @p2 [tilespmem:s14], [sflag:$0x9], $0x30, s3, s6, $0xb8;
	[tilespmem:$0x1B400] =	vst v63  }
0x92: {  	_ =	swait.ge @p2 [sflag:s7], $0x1800  }
0x93: {  	[sflag:s7] =	ssyncset.done @p2 $0x0  }
0x94: {  	s3 =	sadd.s32 @!p2 $0x600, s19;
	s6 =	simm.s32 @!p2 $0xB000;
	[sflag:s7] =	ssyncadd.s32 @p2 $0xFFFFE800  }
0x95: {  	[tilespmem:s6], [sflag:$0x5] =	stream.indirect.gather @!p2 [hbm4b:s5+s29], $0x30, s3, s29, $0xb8;
	[tilespmem:$0x1B400] =	vst v63  }
0x96: {  	s3 =	simm.s32 @!p2 $0x6  }
0x97: {  	_ =	swait.ge @!p2 [sflag:s3], $0x1800  }
0x98: {  	[sflag:s3] =	ssyncset.done @!p2 $0x0  }
0x99: {  	s6 =	simm.s32 @!p2 $0xC800;
	[sflag:s3] =	ssyncadd.s32 @!p2 $0xFFFFE800;
	s3 =	sadd.s32 @!p2 $0x2A80, s19  }
0x9a: {  	[spmem:s2] =	stream.indirect.scatter.add.f32 @!p2 [tilespmem:s6], [sflag:$0x9], $0x30, s3, s29, $0xb8;
	[tilespmem:$0x1B400] =	vst v63  }
0x9b: {  	_ =	swait.ge @!p2 [sflag:s8], $0x1800  }
0x9c: {  	[sflag:s8] =	ssyncset.done @!p2 $0x0  }
0x9d: {  	s3 =	sadd.s32 @!p2 $0x680, s19;
	[sflag:s8] =	ssyncadd.s32 @!p2 $0xFFFFE800  }
0x9e: {  	[tilespmem:s6], [sflag:$0x6] =	stream.indirect.gather @!p2 [hbm4b:s5+s29], $0x30, s3, s29, $0xb8;
	[tilespmem:$0x1B400] =	vst v63  }
0x9f: {  	_ =	swait.ge [sflag:s23], $0x1800  }
0xa0: {  	[sflag:s23] =	ssyncset.done $0x0  }
.Ltmp3:
0xa1: {  	s29 =	sadd.s32 $0x2B00, s1;
	[sflag:s23] =	ssyncadd.s32 $0xFFFFE800;
	(pc) =	sbr.rel @p2 .LBB2_8-.Ltmp3, $4  }
0xa2: {  	[spmem:s2] =	stream.indirect.scatter.add.f32 [tilespmem:s10], [sflag:$0x9], $0x30, s29, s20, $0xb8;
	[tilespmem:$0x1B400] =	vst v63  }
0xa3: {  	_ =	swait.ge [sflag:s18], $0x1800  }
0xa4: {  	[sflag:s18] =	ssyncset.done $0x0  }
0xa5: {  	[sflag:s18] =	ssyncadd.s32 $0xFFFFE800  }
0xa6: {  	s3 =	sadd.s32 $0x700, s1  }
0xa7: {  	[tilespmem:s10], [sflag:$0x7] =	stream.indirect.gather [hbm4b:s5+s20], $0x30, s3, s20, $0xb8;
	[tilespmem:$0x1B400] =	vst v63  }
0xa8: {  	_ =	swait.ge [sflag:s26], $0x1800  }
0xa9: {  	[sflag:s26] =	ssyncset.done $0x0  }
0xaa: {  	s19 =	sadd.s32 $0x2B80, s1;
	[sflag:s26] =	ssyncadd.s32 $0xFFFFE800  }
0xab: {  	[spmem:s2] =	stream.indirect.scatter.add.f32 [tilespmem:s11], [sflag:$0x9], $0x30, s19, s20, $0xb8;
	[tilespmem:$0x1B400] =	vst v63  }
.Ltmp4:
0xac: {  	_ = 	snop;
	(pc) =	sbr.rel .LBB2_6-.Ltmp4, $4  }
0xad: {  	_ =	swait.ge [sflag:s18], $0x1800  }
0xae: {  	[sflag:s18] =	ssyncset.done $0x0  }
0xaf: {  	s29 =	sadd.s32 $0x780, s1;
	s0 =	sadd.s32 $0x1000, s0;
	[sflag:s18] =	ssyncadd.s32 $0xFFFFE800  }
0xb0: {  	[tilespmem:s11], [sflag:$0x8] =	stream.indirect.gather [hbm4b:s5+s20], $0x30, s29, s20, $0xb8;
	[tilespmem:$0x1B400] =	vst v63  }
.LBB2_2:
0xb1: {  	s1 =	rddreg [dreg:$0x7]  }
0xb2: {  	[tilespmem:s0], [sflag:$0x9] =	stream.linear.gather [hbm4b:s1+s0], $0x2800, $0x38;
	[tilespmem:$0x1B400] =	vst v63  }
0xb3: {  	_ =	swait.ge [sflag:s18], $0x2800  }
0xb4: {  	[sflag:s18] =	ssyncset.done $0x0  }
0xb5: {  	s3 =	simm.s32 $0x2800;
	s19 =	rddreg [dreg:$0x8];
	[sflag:s18] =	ssyncadd.s32 $0xFFFFD800  }
0xb6: {  	[tilespmem:s3], [sflag:$0x9] =	stream.linear.gather [hbm4b:s19+s0], $0x2800, $0x38;
	[tilespmem:$0x1B400] =	vst v63  }
0xb7: {  	_ =	swait.ge [sflag:s18], $0x2800  }
0xb8: {  	[sflag:s18] =	ssyncset.done $0x0  }
0xb9: {  	[sflag:s18] =	ssyncadd.s32 $0xFFFFD800  }
0xba: {  	[tilespmem:s21], [sflag:$0x1] =	stream.indirect.gather [hbm4b:s4+s20], $0x30, s0, s20, $0xb8;
	[tilespmem:$0x1B400] =	vst v63  }
0xbb: {  	s29 =	simm.s32 $0x6800  }
0xbc: {  	[tilespmem:s29], [sflag:$0x2] =	stream.indirect.gather [hbm4b:s4+s20], $0x30, s20, s20, $0xb8;
	[tilespmem:$0x1B400] =	vst v63  }
0xbd: {  	s3 =	simm.s32 $0x100  }
0xbe: {  	[tilespmem:s25], [sflag:$0x3] =	stream.indirect.gather [hbm4b:s4+s20], $0x30, s3, s20, $0xb8;
	[tilespmem:$0x1B400] =	vst v63  }
0xbf: {  	s6 =	simm.s32 $0x180;
	s7 =	simm.s32 $0x9800  }
0xc0: {  	[tilespmem:s7], [sflag:$0x4] =	stream.indirect.gather [hbm4b:s4+s20], $0x30, s6, s20, $0xb8;
	[tilespmem:$0x1B400] =	vst v63  }
0xc1: {  	s8 =	simm.s32 $0x200  }
0xc2: {  	[tilespmem:s30], [sflag:$0x5] =	stream.indirect.gather [hbm4b:s4+s20], $0x30, s8, s20, $0xb8;
	[tilespmem:$0x1B400] =	vst v63  }
0xc3: {  	s14 =	simm.s32 $0x280;
	s15 =	simm.s32 $0xC800  }
0xc4: {  	[tilespmem:s15], [sflag:$0x6] =	stream.indirect.gather [hbm4b:s4+s20], $0x30, s14, s20, $0xb8;
	[tilespmem:$0x1B400] =	vst v63  }
0xc5: {  	s19 =	simm.s32 $0x300  }
0xc6: {  	[tilespmem:s10], [sflag:$0x7] =	stream.indirect.gather [hbm4b:s4+s20], $0x30, s19, s20, $0xb8;
	[tilespmem:$0x1B400] =	vst v63  }
0xc7: {  	s29 =	simm.s32 $0x380  }
0xc8: {  	[tilespmem:s11], [sflag:$0x8] =	stream.indirect.gather [hbm4b:s4+s20], $0x30, s29, s20, $0xb8;
	[tilespmem:$0x1B400] =	vst v63  }
.LBB2_3:
0xc9: {  	_ =	swait.ge [sflag:s12], $0x1800  }
0xca: {  	s1 =	sshra.s32 s0, $0x2;
	[sflag:s12] =	ssyncset.done $0x0  }
0xcb: {  	s3 =	sadd.s32 $0x2800, s1;
	[sflag:s12] =	ssyncadd.s32 $0xFFFFE800  }
0xcc: {  	[spmem:s2] =	stream.indirect.scatter.add.f32 [tilespmem:s21], [sflag:$0x9], $0x30, s3, s20, $0xb8;
	[tilespmem:$0x1B400] =	vst v63  }
0xcd: {  	_ =	swait.ge [sflag:s18], $0x1800  }
0xce: {  	p2 =	seq.s32 s0, $0x9000;
	[sflag:s18] =	ssyncset.done $0x0  }
0xcf: {  	s3 =	simm.s32 @p2 $0x2;
	[sflag:s18] =	ssyncadd.s32 $0xFFFFE800  }
0xd0: {  	_ =	swait.ge @p2 [sflag:s3], $0x1800  }
0xd1: {  	[sflag:s3] =	ssyncset.done @p2 $0x0  }
0xd2: {  	[sflag:s3] =	ssyncadd.s32 @p2 $0xFFFFE800;
	s3 =	sshra.s32 @p2 s0, $0x2  }
0xd3: {  	s6 =	simm.s32 @p2 $0x80;
	s8 =	simm.s32 @p2 $0x6800;
	s7 =	sadd.s32 @p2 $0x2880, s3  }
0xd4: {  	[spmem:s2] =	stream.indirect.scatter.add.f32 @p2 [tilespmem:s8], [sflag:$0x9], $0x30, s7, s6, $0xb8;
	[tilespmem:$0x1B400] =	vst v63  }
0xd5: {  	s7 =	simm.s32 @p2 $0x9  }
0xd6: {  	_ =	swait.ge @p2 [sflag:s7], $0x1800  }
0xd7: {  	s19 =	sshra.s32 @!p2 s0, $0x2;
	s29 =	simm.s32 @!p2 $0x80;
	[sflag:s7] =	ssyncset.done @p2 $0x0  }
0xd8: {  	s14 =	simm.s32 @!p2 $0x5000;
	s8 =	sadd.s32 @!p2 $0x400, s19;
	[sflag:s7] =	ssyncadd.s32 @p2 $0xFFFFE800  }
0xd9: {  	[tilespmem:s14], [sflag:$0x1] =	stream.indirect.gather @!p2 [hbm4b:s4+s29], $0x30, s8, s29, $0xb8;
	[tilespmem:$0x1B400] =	vst v63  }
0xda: {  	s8 =	simm.s32 @!p2 $0x2  }
0xdb: {  	_ =	swait.ge @!p2 [sflag:s8], $0x1800  }
0xdc: {  	[sflag:s8] =	ssyncset.done @!p2 $0x0  }
0xdd: {  	s14 =	simm.s32 @!p2 $0x6800;
	[sflag:s8] =	ssyncadd.s32 @!p2 $0xFFFFE800;
	s8 =	sadd.s32 @!p2 $0x2880, s19  }
0xde: {  	[spmem:s2] =	stream.indirect.scatter.add.f32 @!p2 [tilespmem:s14], [sflag:$0x9], $0x30, s8, s29, $0xb8;
	[tilespmem:$0x1B400] =	vst v63  }
0xdf: {  	s8 =	simm.s32 @!p2 $0x9  }
0xe0: {  	_ =	swait.ge @!p2 [sflag:s8], $0x1800  }
0xe1: {  	[sflag:s8] =	ssyncset.done @!p2 $0x0  }
0xe2: {  	s15 =	sadd.s32 @!p2 $0x480, s19;
	[sflag:s8] =	ssyncadd.s32 @!p2 $0xFFFFE800  }
0xe3: {  	[tilespmem:s14], [sflag:$0x2] =	stream.indirect.gather @!p2 [hbm4b:s4+s29], $0x30, s15, s29, $0xb8;
	[tilespmem:$0x1B400] =	vst v63  }
0xe4: {  	_ =	swait.ge [sflag:s22], $0x1800  }
0xe5: {  	[sflag:s22] =	ssyncset.done $0x0  }
0xe6: {  	s15 =	sadd.s32 $0x2900, s1;
	[sflag:s22] =	ssyncadd.s32 $0xFFFFE800  }
0xe7: {  	[spmem:s2] =	stream.indirect.scatter.add.f32 [tilespmem:s25], [sflag:$0x9], $0x30, s15, s20, $0xb8;
	[tilespmem:$0x1B400] =	vst v63  }
0xe8: {  	_ =	swait.ge [sflag:s18], $0x1800  }
0xe9: {  	[sflag:s18] =	ssyncset.done $0x0  }
0xea: {  	s14 =	simm.s32 @p2 $0x4;
	[sflag:s18] =	ssyncadd.s32 $0xFFFFE800  }
0xeb: {  	_ =	swait.ge @p2 [sflag:s14], $0x1800  }
0xec: {  	[sflag:s14] =	ssyncset.done @p2 $0x0  }
0xed: {  	s15 =	simm.s32 @p2 $0x9800;
	[sflag:s14] =	ssyncadd.s32 @p2 $0xFFFFE800;
	s14 =	sadd.s32 @p2 $0x2980, s3  }
0xee: {  	[spmem:s2] =	stream.indirect.scatter.add.f32 @p2 [tilespmem:s15], [sflag:$0x9], $0x30, s14, s6, $0xb8;
	[tilespmem:$0x1B400] =	vst v63  }
0xef: {  	_ =	swait.ge @p2 [sflag:s7], $0x1800  }
0xf0: {  	[sflag:s7] =	ssyncset.done @p2 $0x0  }
0xf1: {  	s14 =	sadd.s32 @!p2 $0x500, s19;
	s15 =	simm.s32 @!p2 $0x8000;
	[sflag:s7] =	ssyncadd.s32 @p2 $0xFFFFE800  }
0xf2: {  	[tilespmem:s15], [sflag:$0x3] =	stream.indirect.gather @!p2 [hbm4b:s4+s29], $0x30, s14, s29, $0xb8;
	[tilespmem:$0x1B400] =	vst v63  }
0xf3: {  	s14 =	simm.s32 @!p2 $0x4  }
0xf4: {  	_ =	swait.ge @!p2 [sflag:s14], $0x1800  }
0xf5: {  	[sflag:s14] =	ssyncset.done @!p2 $0x0  }
0xf6: {  	s15 =	simm.s32 @!p2 $0x9800;
	[sflag:s14] =	ssyncadd.s32 @!p2 $0xFFFFE800;
	s14 =	sadd.s32 @!p2 $0x2980, s19  }
0xf7: {  	[spmem:s2] =	stream.indirect.scatter.add.f32 @!p2 [tilespmem:s15], [sflag:$0x9], $0x30, s14, s29, $0xb8;
	[tilespmem:$0x1B400] =	vst v63  }
0xf8: {  	_ =	swait.ge @!p2 [sflag:s8], $0x1800  }
0xf9: {  	[sflag:s8] =	ssyncset.done @!p2 $0x0  }
0xfa: {  	s14 =	sadd.s32 @!p2 $0x580, s19;
	[sflag:s8] =	ssyncadd.s32 @!p2 $0xFFFFE800  }
0xfb: {  	[tilespmem:s15], [sflag:$0x4] =	stream.indirect.gather @!p2 [hbm4b:s4+s29], $0x30, s14, s29, $0xb8;
	[tilespmem:$0x1B400] =	vst v63  }
0xfc: {  	_ =	swait.ge [sflag:s13], $0x1800  }
0xfd: {  	[sflag:s13] =	ssyncset.done $0x0  }
0xfe: {  	s15 =	sadd.s32 $0x2A00, s1;
	[sflag:s13] =	ssyncadd.s32 $0xFFFFE800  }
0xff: {  	[spmem:s2] =	stream.indirect.scatter.add.f32 [tilespmem:s30], [sflag:$0x9], $0x30, s15, s20, $0xb8;
	[tilespmem:$0x1B400] =	vst v63  }
0x100: {  	_ =	swait.ge [sflag:s18], $0x1800  }
0x101: {  	[sflag:s18] =	ssyncset.done $0x0  }
0x102: {  	s14 =	simm.s32 @p2 $0x6;
	[sflag:s18] =	ssyncadd.s32 $0xFFFFE800  }
0x103: {  	_ =	swait.ge @p2 [sflag:s14], $0x1800  }
0x104: {  	[sflag:s14] =	ssyncset.done @p2 $0x0  }
0x105: {  	s3 =	sadd.s32 @p2 $0x2A80, s3;
	[sflag:s14] =	ssyncadd.s32 @p2 $0xFFFFE800;
	s14 =	simm.s32 @p2 $0xC800  }
0x106: {  	[spmem:s2] =	stream.indirect.scatter.add.f32 @p2 [tilespmem:s14], [sflag:$0x9], $0x30, s3, s6, $0xb8;
	[tilespmem:$0x1B400] =	vst v63  }
0x107: {  	_ =	swait.ge @p2 [sflag:s7], $0x1800  }
0x108: {  	[sflag:s7] =	ssyncset.done @p2 $0x0  }
0x109: {  	s3 =	sadd.s32 @!p2 $0x600, s19;
	s6 =	simm.s32 @!p2 $0xB000;
	[sflag:s7] =	ssyncadd.s32 @p2 $0xFFFFE800  }
0x10a: {  	[tilespmem:s6], [sflag:$0x5] =	stream.indirect.gather @!p2 [hbm4b:s4+s29], $0x30, s3, s29, $0xb8;
	[tilespmem:$0x1B400] =	vst v63  }
0x10b: {  	s3 =	simm.s32 @!p2 $0x6  }
0x10c: {  	_ =	swait.ge @!p2 [sflag:s3], $0x1800  }
0x10d: {  	[sflag:s3] =	ssyncset.done @!p2 $0x0  }
0x10e: {  	s6 =	simm.s32 @!p2 $0xC800;
	[sflag:s3] =	ssyncadd.s32 @!p2 $0xFFFFE800;
	s3 =	sadd.s32 @!p2 $0x2A80, s19  }
0x10f: {  	[spmem:s2] =	stream.indirect.scatter.add.f32 @!p2 [tilespmem:s6], [sflag:$0x9], $0x30, s3, s29, $0xb8;
	[tilespmem:$0x1B400] =	vst v63  }
0x110: {  	_ =	swait.ge @!p2 [sflag:s8], $0x1800  }
0x111: {  	[sflag:s8] =	ssyncset.done @!p2 $0x0  }
0x112: {  	s3 =	sadd.s32 @!p2 $0x680, s19;
	[sflag:s8] =	ssyncadd.s32 @!p2 $0xFFFFE800  }
0x113: {  	[tilespmem:s6], [sflag:$0x6] =	stream.indirect.gather @!p2 [hbm4b:s4+s29], $0x30, s3, s29, $0xb8;
	[tilespmem:$0x1B400] =	vst v63  }
0x114: {  	_ =	swait.ge [sflag:s23], $0x1800  }
0x115: {  	[sflag:s23] =	ssyncset.done $0x0  }
.Ltmp5:
0x116: {  	s29 =	sadd.s32 $0x2B00, s1;
	[sflag:s23] =	ssyncadd.s32 $0xFFFFE800;
	(pc) =	sbr.rel @p2 .LBB2_8-.Ltmp5, $4  }
0x117: {  	[spmem:s2] =	stream.indirect.scatter.add.f32 [tilespmem:s10], [sflag:$0x9], $0x30, s29, s20, $0xb8;
	[tilespmem:$0x1B400] =	vst v63  }
0x118: {  	_ =	swait.ge [sflag:s18], $0x1800  }
0x119: {  	[sflag:s18] =	ssyncset.done $0x0  }
0x11a: {  	[sflag:s18] =	ssyncadd.s32 $0xFFFFE800  }
0x11b: {  	s3 =	sadd.s32 $0x700, s1  }
0x11c: {  	[tilespmem:s10], [sflag:$0x7] =	stream.indirect.gather [hbm4b:s4+s20], $0x30, s3, s20, $0xb8;
	[tilespmem:$0x1B400] =	vst v63  }
0x11d: {  	_ =	swait.ge [sflag:s26], $0x1800  }
0x11e: {  	[sflag:s26] =	ssyncset.done $0x0  }
0x11f: {  	s19 =	sadd.s32 $0x2B80, s1;
	[sflag:s26] =	ssyncadd.s32 $0xFFFFE800  }
0x120: {  	[spmem:s2] =	stream.indirect.scatter.add.f32 [tilespmem:s11], [sflag:$0x9], $0x30, s19, s20, $0xb8;
	[tilespmem:$0x1B400] =	vst v63  }
.Ltmp6:
0x121: {  	_ = 	snop;
	(pc) =	sbr.rel .LBB2_3-.Ltmp6, $4  }
0x122: {  	_ =	swait.ge [sflag:s18], $0x1800  }
0x123: {  	[sflag:s18] =	ssyncset.done $0x0  }
0x124: {  	s29 =	sadd.s32 $0x780, s1;
	s0 =	sadd.s32 $0x1000, s0;
	[sflag:s18] =	ssyncadd.s32 $0xFFFFE800  }
0x125: {  	[tilespmem:s11], [sflag:$0x8] =	stream.indirect.gather [hbm4b:s4+s20], $0x30, s29, s20, $0xb8;
	[tilespmem:$0x1B400] =	vst v63  }
.LBB2_9:
0x126: {  	_ =	sfence.sel $0x180000  }
0x127: {  	[bflag:$0x0] =	sbarrier.arrive $0xFFFF  }
0x128: {  	_ =	strace $0x90000047  }
0x129: {  	s0 =	stileid.u32;
	[bflag:$0x2] =	sbarrier.arrive $0xFFFF  }
0x12a: {  	p0 =	sne.s32 s0, $0x0;
	s0 =	rddreg [dreg:$0x3]  }
0x12b: {  	s0 =	sadd.s32 @!p0 $0x100000, s0  }
0x12c: {  	[sflag:s0] =	ssyncadd.tile.s32 @!p0 $0x1;
	_ =	shalt  }
.Lfunc_end2:
_tile_overlayer_lowered:
.L_overlay_start_2:
0x12d: {  	(tag) =	ssettag $0x2  }
0x12e: {  	s0 =	rddreg [dreg:$0x0];
	s2 =	stileid.u32  }
0x12f: {  	s1 =	rddreg [dreg:$0x1];
	p0 =	sne.s32 s2, $0x0  }
0x130: {  	s3 =	rddreg [dreg:$0x2];
	[bflag:$0x3] =	sbarrier.arrive $0xFFFF;
	s2 =	simm.s32 @!p0 $0x1C09  }
0x131: {  	[timem:s3], [sflag:s2] =	dma.local @!p0 [hbm:s0], s1  }
0x132: {  	s0 =	simm.s32 @!p0 $0x9  }
0x133: {  	_ =	swait.ge @!p0 [sflag:s0], s1  }
0x134: {  	s1 =	ssub.s32 @!p0 $0x0, s1;
	[sflag:s0] =	ssyncset.done @!p0 $0x0  }
0x135: {  	[sflag:s0] =	ssyncadd.s32 @!p0 s1  }
0x136: {  	[bflag:$0x3] =	sbarrier.arrive $0xFFFF  }
0x137: {  	_ =	shalt  }

</sc_bundles>
